<compile_context>
chip_gen: v7x
topology: tpu7x:2x2x1
jax: 0.10.2.dev20260603
libtpu: 0.0.44.dev20260713+nightly
codegen_flags: <defaults>
</compile_context>

<pallas_src>
import functools

import jax
import jax.numpy as jnp
from jax import lax
from jax.experimental import pallas as pl
from jax.experimental.pallas import tpu as pltpu
from jax.experimental.pallas import tpu_sc as plsc

_EPS = 1e-8
_ROI_LAMBDA = 10.0
_NEG_LAMBDA = 1000.0
_CONS_LAMBDA = 1000.0

_B, _N, _T = 8, 50000, 52
_NC, _NS, _L = 2, 16, 16
_NW = _NC * _NS
_W = 512

_BRAND_G, _BRAND_S = 500, 100
_PACK_G, _PACK_S = 1000, 50
_PS_G = 10
_PS_CHUNKS, _PS_CHUNK = 50, 100
_PS_UNITS = _PS_G * 4

_BRAND_SP = 104
_PACK_SP = 56
_PS_CHUNKP = 104

_BRAND_WIN = 24
_PACK_WIN = 40
_PS_IDXWIN = 56
_BRAND_GPAD = 512
_PACK_GPAD = 1024
_PS_IDXPAD = 512


def _chunk_starts(s):
    starts = list(range(0, s - 15, 16))
    if s % 16:
        starts.append(s - 16)
    return starts


def _sc_body(tab, bgi, pgi, psi, bc, pc, psc, out,
             brow_v, krow_v, prow_v, bidx_v, kidx_v, pidx_v,
             bidx1_v, kidx1_v, pidx1_v,
             bc_v, pc_v, psc_v, part_v, sem):
    cid = lax.axis_index("c")
    sid = lax.axis_index("s")
    wid = sid * _NC + cid

    lane = lax.iota(jnp.int32, _L)
    head4 = lane < 4
    zero16 = jnp.zeros((_L,), jnp.float32)

    part_v[...] = jnp.zeros((8, _L), jnp.float32)

    def srow(nch, buf):
        def body(s, accs):
            return tuple(accs[j] + buf[s, pl.ds(16 * j, 16)]
                         for j in range(nch))
        return body

    def stage_idx(window, row, buf1d, s_cnt, s_pad):
        buf1d[pl.ds(s_pad - 16, 16)] = jnp.zeros((_L,), jnp.int32)
        for c0 in _chunk_starts(s_cnt):
            buf1d[pl.ds(c0, 16)] = window[row, pl.ds(c0, 16)]

    def block_relu(a0, a1, a2, a3, c0, c1, c2, c3):
        r0 = jnp.maximum(a0 - c0, 0.0)
        r1 = jnp.maximum(a1 - c1, 0.0)
        r2 = jnp.maximum(a2 - c2, 0.0)
        r3 = jnp.maximum(jnp.where(head4, a3 - c3, -1.0), 0.0)
        return r0 + r1 + r2 + r3

    def do_table(idx_hbm, g_total, s_cnt, s_pad, idxbuf, idx1, cbuf, rowbuf):
        g_lo = (wid * g_total) // _NW
        g_hi = ((wid + 1) * g_total) // _NW
        g0 = 8 * (g_lo // 8)

        def body_g(g, carry):
            gl = g - g0
            stage_idx(idxbuf, gl, idx1, s_cnt, s_pad)
            pltpu.async_copy(tab.at[idx1], rowbuf, sem).wait()
            accs = lax.fori_loop(0, s_cnt, srow(32, rowbuf),
                                 (zero16,) * 32)
            c0 = cbuf[gl, pl.ds(0, 16)]
            c1 = cbuf[gl, pl.ds(16, 16)]
            c2 = cbuf[gl, pl.ds(32, 16)]
            c3 = cbuf[gl, pl.ds(48, 16)]
            tot = zero16
            for b in range(_B):
                tot = tot + block_relu(accs[4 * b], accs[4 * b + 1],
                                       accs[4 * b + 2], accs[4 * b + 3],
                                       c0, c1, c2, c3)
            part_v[0, :] = part_v[0, :] + tot
            return carry

        lax.fori_loop(g_lo, g_hi, body_g, 0)
        return g0

    bg0 = 8 * (((wid * _BRAND_G) // _NW) // 8)
    pltpu.sync_copy(bgi.at[pl.ds(bg0, _BRAND_WIN)], bidx_v)
    pltpu.sync_copy(bc.at[pl.ds(bg0, _BRAND_WIN)], bc_v)
    do_table(bgi, _BRAND_G, _BRAND_S, _BRAND_SP, bidx_v, bidx1_v, bc_v, brow_v)

    kg0 = 8 * (((wid * _PACK_G) // _NW) // 8)
    pltpu.sync_copy(pgi.at[pl.ds(kg0, _PACK_WIN)], kidx_v)
    pltpu.sync_copy(pc.at[pl.ds(kg0, _PACK_WIN)], pc_v)
    do_table(pgi, _PACK_G, _PACK_S, _PACK_SP, kidx_v, kidx1_v, pc_v, krow_v)

    pltpu.sync_copy(psc.at[pl.ds(0, 16)], psc_v)
    u_lo = (wid * _PS_UNITS) // _NW
    u_hi = ((wid + 1) * _PS_UNITS) // _NW

    def body_u(u, carry):
        g = u // 4
        cb = u - g * 4
        r0 = g * _PS_CHUNKS
        ra = 8 * (r0 // 8)
        pltpu.sync_copy(psi.at[pl.ds(ra, _PS_IDXWIN)], pidx_v)
        roff = r0 - ra

        def body_k(k, accs):
            stage_idx(pidx_v, roff + k, pidx1_v, _PS_CHUNK, _PS_CHUNKP)
            pltpu.async_copy(tab.at[pidx1_v, pl.ds(cb * 128, 128)],
                             prow_v, sem).wait()
            return lax.fori_loop(0, _PS_CHUNK, srow(8, prow_v), accs)

        accs = lax.fori_loop(0, _PS_CHUNKS, body_k, (zero16,) * 8)
        c0 = psc_v[g, pl.ds(0, 16)]
        c1 = psc_v[g, pl.ds(16, 16)]
        c2 = psc_v[g, pl.ds(32, 16)]
        c3 = psc_v[g, pl.ds(48, 16)]
        tot = block_relu(accs[0], accs[1], accs[2], accs[3], c0, c1, c2, c3)
        tot = tot + block_relu(accs[4], accs[5], accs[6], accs[7],
                               c0, c1, c2, c3)
        part_v[0, :] = part_v[0, :] + tot
        return carry

    lax.fori_loop(u_lo, u_hi, body_u, 0)

    pltpu.sync_copy(part_v, out.at[pl.ds(wid * 8, 8)])


@functools.lru_cache(maxsize=None)
def _get_sc_call():
    return pl.kernel(
        _sc_body,
        out_type=jax.ShapeDtypeStruct((_NW * 8, _L), jnp.float32),
        mesh=plsc.VectorSubcoreMesh(core_axis_name="c", subcore_axis_name="s",
                                    num_cores=_NC, num_subcores=_NS),
        scratch_types=[
            pltpu.VMEM((_BRAND_SP, _W), jnp.float32),
            pltpu.VMEM((_PACK_SP, _W), jnp.float32),
            pltpu.VMEM((_PS_CHUNKP, 128), jnp.float32),
            pltpu.VMEM((_BRAND_WIN, _BRAND_S), jnp.int32),
            pltpu.VMEM((_PACK_WIN, _PACK_S), jnp.int32),
            pltpu.VMEM((_PS_IDXWIN, _PS_CHUNK), jnp.int32),
            pltpu.VMEM((_BRAND_SP,), jnp.int32),
            pltpu.VMEM((_PACK_SP,), jnp.int32),
            pltpu.VMEM((_PS_CHUNKP,), jnp.int32),
            pltpu.VMEM((_BRAND_WIN, 64), jnp.float32),
            pltpu.VMEM((_PACK_WIN, 64), jnp.float32),
            pltpu.VMEM((16, 64), jnp.float32),
            pltpu.VMEM((8, _L), jnp.float32),
            pltpu.SemaphoreType.DMA,
        ],
    )


_TC_BT = 2


def _tc_sums_body(vvc_ref, ds_ref, os_ref, is_ref, ov_ref, out_ref):
    @pl.when(pl.program_id(0) == 0)
    def _init():
        out_ref[...] = jnp.zeros_like(out_ref)

    ds = ds_ref[...]
    s_ds = jnp.sum(ds)
    s_neg = jnp.sum(jnp.maximum(-ds, 0.0))
    s_os = jnp.sum(os_ref[...])
    s_is = jnp.sum(is_ref[...])
    ov = ov_ref[...]
    lo = vvc_ref[0]
    up = vvc_ref[1]
    s_vol = jnp.sum(jnp.maximum(ov - ov * up, 0.0)
                    + jnp.maximum(ov * lo - ov, 0.0))
    out_ref[0, :] += s_ds
    out_ref[1, :] += s_neg
    out_ref[2, :] += s_os
    out_ref[3, :] += s_is
    out_ref[4, :] += s_vol


def _tc_sums_call(vvc, ds_t, os_t, is_t, ov_t):
    grid = (_T // _TC_BT,)
    blk = pl.BlockSpec((_TC_BT, _B, _N), lambda i: (i, 0, 0))
    return pl.pallas_call(
        _tc_sums_body,
        grid=grid,
        in_specs=[pl.BlockSpec(memory_space=pltpu.SMEM), blk, blk, blk, blk],
        out_specs=pl.BlockSpec((8, 128), lambda i: (0, 0)),
        out_shape=jax.ShapeDtypeStruct((8, 128), jnp.float32),
    )(vvc, ds_t, os_t, is_t, ov_t)


def _pad_rows_cols(x, rows, cols):
    return jnp.pad(x, ((0, rows - x.shape[0]), (0, cols - x.shape[1])))


def kernel(discount_spend, opt_sales, init_sales, opt_vol, brand_constraint,
           pack_constraint, price_segment_constraint,
           volume_variation_constraint, brand_gather_indices,
           pack_gather_indices, price_segment_gather_indices):
    psi2 = price_segment_gather_indices.reshape(_PS_G * _PS_CHUNKS, _PS_CHUNK)
    psi2 = jnp.pad(psi2, ((0, _PS_IDXPAD - psi2.shape[0]), (0, 0)))
    bgi = jnp.pad(brand_gather_indices, ((0, _BRAND_GPAD - _BRAND_G), (0, 0)))
    pgi = jnp.pad(pack_gather_indices, ((0, _PACK_GPAD - _PACK_G), (0, 0)))
    bc64 = _pad_rows_cols(brand_constraint, _BRAND_GPAD, 64)
    pc64 = _pad_rows_cols(pack_constraint, _PACK_GPAD, 64)
    psc64 = _pad_rows_cols(price_segment_constraint, 16, 64)

    tab = jnp.transpose(jnp.pad(discount_spend,
                                ((0, 0), (0, 0), (0, 64 - _T))),
                        (1, 0, 2)).reshape(_N, _W)

    sc_out = _get_sc_call()(tab, bgi, pgi, psi2, bc64, pc64, psc64)

    sums = _tc_sums_call(volume_variation_constraint,
                         jnp.transpose(discount_spend, (2, 0, 1)),
                         jnp.transpose(opt_sales, (2, 0, 1)),
                         jnp.transpose(init_sales, (2, 0, 1)),
                         jnp.transpose(opt_vol, (2, 0, 1)))

    s_ds = sums[0, 0]
    s_neg = sums[1, 0]
    s_os = sums[2, 0]
    s_is = sums[3, 0]
    s_vol = sums[4, 0]
    cons = sc_out.sum()

    nr = s_os - s_is
    roi = nr / (s_ds + _EPS)
    return (-nr - _ROI_LAMBDA * roi + _NEG_LAMBDA * s_neg
            + _CONS_LAMBDA * cons + _CONS_LAMBDA * s_vol)

# --- scband reference (transcript-rebuilt; emitter-appended) ---
"""Pipeline reference for scband-roiloss-70755291234961 (READ-ONLY COPY).

The authoritative reference and input builder live on the scoring server;
editing this copy changes nothing except your own understanding.
"""

import jax, jax.numpy as jnp
import numpy as np

EPS = 1e-8
ROI_LAMBDA = 10.0
NEGATIVE_DISCOUNT_LAMBDA = 1000.0
BRAND_CONSTRAINT_LAMBDA = 1000.0
PACK_CONSTRAINT_LAMBDA = 1000.0
PRICE_SEGMENT_CONSTRAINT_LAMBDA = 1000.0
VOLUME_VARIATION_CONSTRAINT_LAMBDA = 1000.0

B, N, T = 8, 50000, 52


def setup_inputs(seed: int = 0) -> dict:
    key = jax.random.key(seed)
    ks = jax.random.split(key, 11)
    inp = {
        "discount_spend": jax.random.normal(ks[0], (B, N, T), dtype=jnp.float32),
        "opt_sales": jax.random.uniform(ks[1], (B, N, T), dtype=jnp.float32) * 100.0,
        "init_sales": jax.random.uniform(ks[2], (B, N, T), dtype=jnp.float32) * 100.0,
        "opt_vol": jax.random.uniform(ks[3], (B, N, T), dtype=jnp.float32) * 10.0,
        "brand_constraint": jax.random.uniform(ks[4], (500, T), dtype=jnp.float32) * 50.0,
        "pack_constraint": jax.random.uniform(ks[5], (1000, T), dtype=jnp.float32) * 50.0,
        "price_segment_constraint": jax.random.uniform(ks[6], (10, T), dtype=jnp.float32) * 500.0,
        "volume_variation_constraint": jnp.array([0.8, 1.2], dtype=jnp.float32),
        "brand_gather_indices": jax.random.randint(ks[7], (500, 100), 0, N, dtype=jnp.int32),
        "pack_gather_indices": jax.random.randint(ks[8], (1000, 50), 0, N, dtype=jnp.int32),
        "price_segment_gather_indices": jax.random.randint(ks[9], (10, 5000), 0, N, dtype=jnp.int32),
    }
    return inp


def tensor_gather(x, indices, dim=1):
    # gathers groups of rows along `dim`; indices has shape [G, S] ->
    # output [B, G, S, T] when dim=1
    return jnp.take(x, indices, axis=dim)


def reference(discount_spend, opt_sales, init_sales, opt_vol,
              brand_constraint, pack_constraint, price_segment_constraint,
              volume_variation_constraint,
              brand_gather_indices, pack_gather_indices,
              price_segment_gather_indices):
    relu = jax.nn.relu
    roi = (opt_sales.sum() - init_sales.sum()) / (discount_spend.sum() + EPS)
    nr_increase = opt_sales.sum() - init_sales.sum()
    negative_discount_loss = relu(-discount_spend).sum()

    discount_brand = tensor_gather(discount_spend, brand_gather_indices, dim=1).sum(2)
    discount_pack = tensor_gather(discount_spend, pack_gather_indices, dim=1).sum(2)
    discount_price_segment = tensor_gather(discount_spend, price_segment_gather_indices, dim=1).sum(2)

    brand_constraint_loss = relu(discount_brand - brand_constraint).sum()
    pack_constraint_loss = relu(discount_pack - pack_constraint).sum()
    price_segment_constraint_loss = relu(discount_price_segment - price_segment_constraint).sum()

    lower_constraint = volume_variation_constraint[0:1]
    upper_constraint = volume_variation_constraint[1:2]
    volume_variation_loss = relu(opt_vol - opt_vol * upper_constraint).sum()
    volume_variation_loss = volume_variation_loss + relu(opt_vol * lower_constraint - opt_vol).sum()

    loss = (-nr_increase
            - ROI_LAMBDA * roi
            + NEGATIVE_DISCOUNT_LAMBDA * negative_discount_loss
            + BRAND_CONSTRAINT_LAMBDA * brand_constraint_loss
            + PACK_CONSTRAINT_LAMBDA * pack_constraint_loss
            + PRICE_SEGMENT_CONSTRAINT_LAMBDA * price_segment_constraint_loss
            + VOLUME_VARIATION_CONSTRAINT_LAMBDA * volume_variation_loss)
    return loss

if __name__ == "__main__":
    import jax
    _d = setup_inputs()
    print(jax.jit(kernel)(*tuple(_d.values())))

</pallas_src>

<mosaic_0001>
#map = affine_map<(d0, d1) -> (0, 0)>
module attributes {stable_mosaic.version = 14 : i64} {
  func.func @_sc_body(%arg0: i32, %arg1: i32, %arg2: memref<50000x512xf32, #tpu.memory_space<hbm>>, %arg3: memref<512x100xi32, #tpu.memory_space<hbm>>, %arg4: memref<1024x50xi32, #tpu.memory_space<hbm>>, %arg5: memref<512x100xi32, #tpu.memory_space<hbm>>, %arg6: memref<512x64xf32, #tpu.memory_space<hbm>>, %arg7: memref<1024x64xf32, #tpu.memory_space<hbm>>, %arg8: memref<16x64xf32, #tpu.memory_space<hbm>>, %arg9: memref<256x16xf32, #tpu.memory_space<hbm>>, %arg10: memref<104x512xf32, #tpu.memory_space<vmem>>, %arg11: memref<56x512xf32, #tpu.memory_space<vmem>>, %arg12: memref<104x128xf32, #tpu.memory_space<vmem>>, %arg13: memref<24x100xi32, #tpu.memory_space<vmem>>, %arg14: memref<40x50xi32, #tpu.memory_space<vmem>>, %arg15: memref<56x100xi32, #tpu.memory_space<vmem>>, %arg16: memref<104xi32, #tpu.memory_space<vmem>>, %arg17: memref<56xi32, #tpu.memory_space<vmem>>, %arg18: memref<104xi32, #tpu.memory_space<vmem>>, %arg19: memref<24x64xf32, #tpu.memory_space<vmem>>, %arg20: memref<40x64xf32, #tpu.memory_space<vmem>>, %arg21: memref<16x64xf32, #tpu.memory_space<vmem>>, %arg22: memref<8x16xf32, #tpu.memory_space<vmem>>, %arg23: memref<!tpu.dma_semaphore, #tpu.memory_space<semaphore_mem>>) attributes {dimension_semantics = [#tpu.dimension_semantics<core_parallel>, #tpu.dimension_semantics<subcore_parallel>], iteration_bounds = array<i64: 2, 16>, scalar_prefetch = 0 : i64, scratch_operands = 14 : i64, tpu.core_type = #tpu.core_type<sc_vector_subcore>, window_params = [{transform_indices = #map}, {transform_indices = #map}, {transform_indices = #map}, {transform_indices = #map}, {transform_indices = #map}, {transform_indices = #map}, {transform_indices = #map}, {transform_indices = #map}]} {
    %mul3A = arith.constant 2 : i32
    %mul3A_0 = arith.muli %arg1, %mul3A : i32
    %add3A = arith.addi %mul3A_0, %arg0 : i32
    %iota3A = tpu.iota {dimensions = array<i32: 0>} : vector<16xi32>
    %lt3A = arith.constant 4 : i32
    %lt3A_1 = vector.broadcast %lt3A : i32 to vector<16xi32>
    %lt3A_2 = arith.cmpi slt, %iota3A, %lt3A_1 : vector<16xi32>
    %broadcast_in_dim3A = arith.constant 0.000000e+00 : f32
    %broadcast_in_dim3A_3 = vector.broadcast %broadcast_in_dim3A : f32 to vector<16xf32>
    %broadcast_in_dim3A_4 = arith.constant 0.000000e+00 : f32
    %broadcast_in_dim3A_5 = vector.broadcast %broadcast_in_dim3A_4 : f32 to vector<8x16xf32>
    %swap3A = arith.constant 0 : index
    %swap3A_6 = arith.constant 0 : index
    %swap3A_7 = tpu.vector_load %arg22[%swap3A, %swap3A_6] {strides = array<i32>} : memref<8x16xf32, #tpu.memory_space<vmem>>, vector<8x16xf32>,
    %swap3A_8 = vector.shape_cast %swap3A_7 : vector<8x16xf32> to vector<8x16xf32>
    %swap3A_9 = vector.shape_cast %broadcast_in_dim3A_5 : vector<8x16xf32> to vector<8x16xf32>
    tpu.vector_store %arg22[%swap3A, %swap3A_6], %swap3A_9 {strides = array<i32>} : memref<8x16xf32, #tpu.memory_space<vmem>>, vector<8x16xf32>,
    %mul3A_10 = arith.constant 500 : i32
    %mul3A_11 = arith.muli %add3A, %mul3A_10 : i32
    %jit3A = arith.constant 32 : i32
    %div3A = arith.divsi %mul3A_11, %jit3A : i32
    %sign3A = arith.constant 0 : i32
    %sign3A_12 = arith.cmpi sgt, %mul3A_11, %sign3A : i32
    %sign3A_13 = arith.extui %sign3A_12 : i1 to i32
    %sign3A_14 = arith.constant 0 : i32
    %sign3A_15 = arith.cmpi slt, %mul3A_11, %sign3A_14 : i32
    %sign3A_16 = arith.extui %sign3A_15 : i1 to i32
    %sign3A_17 = arith.subi %sign3A_13, %sign3A_16 : i32
    %sign3A_18 = arith.constant 0 : i32
    %sign3A_19 = arith.cmpi sgt, %jit3A, %sign3A_18 : i32
    %sign3A_20 = arith.extui %sign3A_19 : i1 to i32
    %sign3A_21 = arith.constant 0 : i32
    %sign3A_22 = arith.cmpi slt, %jit3A, %sign3A_21 : i32
    %sign3A_23 = arith.extui %sign3A_22 : i1 to i32
    %sign3A_24 = arith.subi %sign3A_20, %sign3A_23 : i32
    %ne3A = arith.cmpi ne, %sign3A_17, %sign3A_24 : i32
    %rem3A = arith.remsi %mul3A_11, %jit3A : i32
    %ne3A_25 = arith.constant 0 : i32
    %ne3A_26 = arith.cmpi ne, %rem3A, %ne3A_25 : i32
    %and3A = arith.andi %ne3A, %ne3A_26 : i1
    %sub3A = arith.constant 1 : i32
    %sub3A_27 = arith.subi %div3A, %sub3A : i32
    %select_n3A = arith.select %and3A, %sub3A_27, %div3A : i32
    %jit3A_28 = arith.constant 8 : i32
    %div3A_29 = arith.divsi %select_n3A, %jit3A_28 : i32
    %sign3A_30 = arith.constant 0 : i32
    %sign3A_31 = arith.cmpi sgt, %select_n3A, %sign3A_30 : i32
    %sign3A_32 = arith.extui %sign3A_31 : i1 to i32
    %sign3A_33 = arith.constant 0 : i32
    %sign3A_34 = arith.cmpi slt, %select_n3A, %sign3A_33 : i32
    %sign3A_35 = arith.extui %sign3A_34 : i1 to i32
    %sign3A_36 = arith.subi %sign3A_32, %sign3A_35 : i32
    %sign3A_37 = arith.constant 0 : i32
    %sign3A_38 = arith.cmpi sgt, %jit3A_28, %sign3A_37 : i32
    %sign3A_39 = arith.extui %sign3A_38 : i1 to i32
    %sign3A_40 = arith.constant 0 : i32
    %sign3A_41 = arith.cmpi slt, %jit3A_28, %sign3A_40 : i32
    %sign3A_42 = arith.extui %sign3A_41 : i1 to i32
    %sign3A_43 = arith.subi %sign3A_39, %sign3A_42 : i32
    %ne3A_44 = arith.cmpi ne, %sign3A_36, %sign3A_43 : i32
    %rem3A_45 = arith.remsi %select_n3A, %jit3A_28 : i32
    %ne3A_46 = arith.constant 0 : i32
    %ne3A_47 = arith.cmpi ne, %rem3A_45, %ne3A_46 : i32
    %and3A_48 = arith.andi %ne3A_44, %ne3A_47 : i1
    %sub3A_49 = arith.constant 1 : i32
    %sub3A_50 = arith.subi %div3A_29, %sub3A_49 : i32
    %select_n3A_51 = arith.select %and3A_48, %sub3A_50, %div3A_29 : i32
    %mul3A_52 = arith.constant 8 : i32
    %mul3A_53 = arith.muli %mul3A_52, %select_n3A_51 : i32
    "tpu.region"() ({
      %run_scoped3A = tpu.sem_alloc : memref<!tpu.dma_semaphore, #tpu.memory_space<semaphore_mem>>
      %dma_start3A = arith.constant 0 : i32
      %dma_start3A_348 = tpu.memref_slice %arg3[%mul3A_53, %dma_start3A] : memref<512x100xi32, #tpu.memory_space<hbm>> -> memref<24x100xi32, #tpu.memory_space<hbm>>
      %dma_start3A_349 = arith.constant 0 : i32
      %dma_start3A_350 = tpu.memref_slice %arg3[%mul3A_53, %dma_start3A_349] : memref<512x100xi32, #tpu.memory_space<hbm>> -> memref<24x100xi32, #tpu.memory_space<hbm>>
      tpu.enqueue_dma source(%dma_start3A_350 : memref<24x100xi32, #tpu.memory_space<hbm>>) target(%arg13 : memref<24x100xi32, #tpu.memory_space<vmem>>) target_semaphore(%run_scoped3A : memref<!tpu.dma_semaphore, #tpu.memory_space<semaphore_mem>>)
      %dma_wait3A = arith.constant 0 : i32
      %dma_wait3A_351 = tpu.memref_slice %arg3[%mul3A_53, %dma_wait3A] : memref<512x100xi32, #tpu.memory_space<hbm>> -> memref<24x100xi32, #tpu.memory_space<hbm>>
      %dma_wait3A_352 = arith.constant 0 : i32
      %dma_wait3A_353 = tpu.memref_slice %arg3[%mul3A_53, %dma_wait3A_352] : memref<512x100xi32, #tpu.memory_space<hbm>> -> memref<24x100xi32, #tpu.memory_space<hbm>>
      tpu.wait_dma2 semaphore(%run_scoped3A : memref<!tpu.dma_semaphore, #tpu.memory_space<semaphore_mem>>) src(%dma_wait3A_353 : memref<24x100xi32, #tpu.memory_space<hbm>>) dst(%arg13 : memref<24x100xi32, #tpu.memory_space<vmem>>)
      tpu.yield
    }) : () -> ()
    "tpu.region"() ({
      %run_scoped3A = tpu.sem_alloc : memref<!tpu.dma_semaphore, #tpu.memory_space<semaphore_mem>>
      %dma_start3A = arith.constant 0 : i32
      %dma_start3A_348 = tpu.memref_slice %arg6[%mul3A_53, %dma_start3A] : memref<512x64xf32, #tpu.memory_space<hbm>> -> memref<24x64xf32, #tpu.memory_space<hbm>>
      %dma_start3A_349 = arith.constant 0 : i32
      %dma_start3A_350 = tpu.memref_slice %arg6[%mul3A_53, %dma_start3A_349] : memref<512x64xf32, #tpu.memory_space<hbm>> -> memref<24x64xf32, #tpu.memory_space<hbm>>
      tpu.enqueue_dma source(%dma_start3A_350 : memref<24x64xf32, #tpu.memory_space<hbm>>) target(%arg19 : memref<24x64xf32, #tpu.memory_space<vmem>>) target_semaphore(%run_scoped3A : memref<!tpu.dma_semaphore, #tpu.memory_space<semaphore_mem>>)
      %dma_wait3A = arith.constant 0 : i32
      %dma_wait3A_351 = tpu.memref_slice %arg6[%mul3A_53, %dma_wait3A] : memref<512x64xf32, #tpu.memory_space<hbm>> -> memref<24x64xf32, #tpu.memory_space<hbm>>
      %dma_wait3A_352 = arith.constant 0 : i32
      %dma_wait3A_353 = tpu.memref_slice %arg6[%mul3A_53, %dma_wait3A_352] : memref<512x64xf32, #tpu.memory_space<hbm>> -> memref<24x64xf32, #tpu.memory_space<hbm>>
      tpu.wait_dma2 semaphore(%run_scoped3A : memref<!tpu.dma_semaphore, #tpu.memory_space<semaphore_mem>>) src(%dma_wait3A_353 : memref<24x64xf32, #tpu.memory_space<hbm>>) dst(%arg19 : memref<24x64xf32, #tpu.memory_space<vmem>>)
      tpu.yield
    }) : () -> ()
    %mul3A_54 = arith.constant 500 : i32
    %mul3A_55 = arith.muli %add3A, %mul3A_54 : i32
    %jit3A_56 = arith.constant 32 : i32
    %div3A_57 = arith.divsi %mul3A_55, %jit3A_56 : i32
    %sign3A_58 = arith.constant 0 : i32
    %sign3A_59 = arith.cmpi sgt, %mul3A_55, %sign3A_58 : i32
    %sign3A_60 = arith.extui %sign3A_59 : i1 to i32
    %sign3A_61 = arith.constant 0 : i32
    %sign3A_62 = arith.cmpi slt, %mul3A_55, %sign3A_61 : i32
    %sign3A_63 = arith.extui %sign3A_62 : i1 to i32
    %sign3A_64 = arith.subi %sign3A_60, %sign3A_63 : i32
    %sign3A_65 = arith.constant 0 : i32
    %sign3A_66 = arith.cmpi sgt, %jit3A_56, %sign3A_65 : i32
    %sign3A_67 = arith.extui %sign3A_66 : i1 to i32
    %sign3A_68 = arith.constant 0 : i32
    %sign3A_69 = arith.cmpi slt, %jit3A_56, %sign3A_68 : i32
    %sign3A_70 = arith.extui %sign3A_69 : i1 to i32
    %sign3A_71 = arith.subi %sign3A_67, %sign3A_70 : i32
    %ne3A_72 = arith.cmpi ne, %sign3A_64, %sign3A_71 : i32
    %rem3A_73 = arith.remsi %mul3A_55, %jit3A_56 : i32
    %ne3A_74 = arith.constant 0 : i32
    %ne3A_75 = arith.cmpi ne, %rem3A_73, %ne3A_74 : i32
    %and3A_76 = arith.andi %ne3A_72, %ne3A_75 : i1
    %sub3A_77 = arith.constant 1 : i32
    %sub3A_78 = arith.subi %div3A_57, %sub3A_77 : i32
    %select_n3A_79 = arith.select %and3A_76, %sub3A_78, %div3A_57 : i32
    %add3A_80 = arith.constant 1 : i32
    %add3A_81 = arith.addi %add3A, %add3A_80 : i32
    %mul3A_82 = arith.constant 500 : i32
    %mul3A_83 = arith.muli %add3A_81, %mul3A_82 : i32
    %jit3A_84 = arith.constant 32 : i32
    %div3A_85 = arith.divsi %mul3A_83, %jit3A_84 : i32
    %sign3A_86 = arith.constant 0 : i32
    %sign3A_87 = arith.cmpi sgt, %mul3A_83, %sign3A_86 : i32
    %sign3A_88 = arith.extui %sign3A_87 : i1 to i32
    %sign3A_89 = arith.constant 0 : i32
    %sign3A_90 = arith.cmpi slt, %mul3A_83, %sign3A_89 : i32
    %sign3A_91 = arith.extui %sign3A_90 : i1 to i32
    %sign3A_92 = arith.subi %sign3A_88, %sign3A_91 : i32
    %sign3A_93 = arith.constant 0 : i32
    %sign3A_94 = arith.cmpi sgt, %jit3A_84, %sign3A_93 : i32
    %sign3A_95 = arith.extui %sign3A_94 : i1 to i32
    %sign3A_96 = arith.constant 0 : i32
    %sign3A_97 = arith.cmpi slt, %jit3A_84, %sign3A_96 : i32
    %sign3A_98 = arith.extui %sign3A_97 : i1 to i32
    %sign3A_99 = arith.subi %sign3A_95, %sign3A_98 : i32
    %ne3A_100 = arith.cmpi ne, %sign3A_92, %sign3A_99 : i32
    %rem3A_101 = arith.remsi %mul3A_83, %jit3A_84 : i32
    %ne3A_102 = arith.constant 0 : i32
    %ne3A_103 = arith.cmpi ne, %rem3A_101, %ne3A_102 : i32
    %and3A_104 = arith.andi %ne3A_100, %ne3A_103 : i1
    %sub3A_105 = arith.constant 1 : i32
    %sub3A_106 = arith.subi %div3A_85, %sub3A_105 : i32
    %select_n3A_107 = arith.select %and3A_104, %sub3A_106, %div3A_85 : i32
    %jit3A_108 = arith.constant 8 : i32
    %div3A_109 = arith.divsi %select_n3A_79, %jit3A_108 : i32
    %sign3A_110 = arith.constant 0 : i32
    %sign3A_111 = arith.cmpi sgt, %select_n3A_79, %sign3A_110 : i32
    %sign3A_112 = arith.extui %sign3A_111 : i1 to i32
    %sign3A_113 = arith.constant 0 : i32
    %sign3A_114 = arith.cmpi slt, %select_n3A_79, %sign3A_113 : i32
    %sign3A_115 = arith.extui %sign3A_114 : i1 to i32
    %sign3A_116 = arith.subi %sign3A_112, %sign3A_115 : i32
    %sign3A_117 = arith.constant 0 : i32
    %sign3A_118 = arith.cmpi sgt, %jit3A_108, %sign3A_117 : i32
    %sign3A_119 = arith.extui %sign3A_118 : i1 to i32
    %sign3A_120 = arith.constant 0 : i32
    %sign3A_121 = arith.cmpi slt, %jit3A_108, %sign3A_120 : i32
    %sign3A_122 = arith.extui %sign3A_121 : i1 to i32
    %sign3A_123 = arith.subi %sign3A_119, %sign3A_122 : i32
    %ne3A_124 = arith.cmpi ne, %sign3A_116, %sign3A_123 : i32
    %rem3A_125 = arith.remsi %select_n3A_79, %jit3A_108 : i32
    %ne3A_126 = arith.constant 0 : i32
    %ne3A_127 = arith.cmpi ne, %rem3A_125, %ne3A_126 : i32
    %and3A_128 = arith.andi %ne3A_124, %ne3A_127 : i1
    %sub3A_129 = arith.constant 1 : i32
    %sub3A_130 = arith.subi %div3A_109, %sub3A_129 : i32
    %select_n3A_131 = arith.select %and3A_128, %sub3A_130, %div3A_109 : i32
    %mul3A_132 = arith.constant 8 : i32
    %mul3A_133 = arith.muli %mul3A_132, %select_n3A_131 : i32
    %while3A = arith.constant 0 : i32
    %while3A_134 = arith.subi %select_n3A_107, %select_n3A_79 : i32
    %while3A_135 = arith.addi %select_n3A_79, %while3A_134 : i32
    %while3A_136 = arith.constant 1 : i32
    %while3A_137 = arith.divsi %while3A_134, %while3A_136 : i32
    %while3A_138 = arith.muli %while3A_137, %while3A_136 : i32
    %while3A_139 = arith.addi %select_n3A_79, %while3A_138 : i32
    %while3A_140 = arith.constant 1 : i32
    scf.for %while3A_348 = %select_n3A_79 to %while3A_139 step %while3A_140  : i32 {
      %sub3A_349 = arith.subi %while3A_348, %mul3A_133 : i32
      %broadcast_in_dim3A_350 = arith.constant 0 : i32
      %broadcast_in_dim3A_351 = vector.broadcast %broadcast_in_dim3A_350 : i32 to vector<16xi32>
      %swap3A_352 = arith.constant 88 : index
      %swap3A_353 = tpu.vector_load %arg16[%swap3A_352] {strides = array<i32>} : memref<104xi32, #tpu.memory_space<vmem>>, vector<16xi32>,
      %swap3A_354 = vector.shape_cast %swap3A_353 : vector<16xi32> to vector<16xi32>
      %swap3A_355 = vector.shape_cast %broadcast_in_dim3A_351 : vector<16xi32> to vector<16xi32>
      tpu.vector_store %arg16[%swap3A_352], %swap3A_355 {strides = array<i32>} : memref<104xi32, #tpu.memory_space<vmem>>, vector<16xi32>,
      %get3A = arith.index_cast %sub3A_349 : i32 to index
      %get3A_356 = arith.constant 0 : index
      %get3A_357 = tpu.vector_load %arg13[%get3A, %get3A_356] {strides = array<i32>} : memref<24x100xi32, #tpu.memory_space<vmem>>, vector<1x16xi32>,
      %get3A_358 = vector.shape_cast %get3A_357 : vector<1x16xi32> to vector<16xi32>
      %swap3A_359 = arith.constant 0 : index
      %swap3A_360 = tpu.vector_load %arg16[%swap3A_359] {strides = array<i32>} : memref<104xi32, #tpu.memory_space<vmem>>, vector<16xi32>,
      %swap3A_361 = vector.shape_cast %swap3A_360 : vector<16xi32> to vector<16xi32>
      %swap3A_362 = vector.shape_cast %get3A_358 : vector<16xi32> to vector<16xi32>
      tpu.vector_store %arg16[%swap3A_359], %swap3A_362 {strides = array<i32>} : memref<104xi32, #tpu.memory_space<vmem>>, vector<16xi32>,
      %get3A_363 = arith.index_cast %sub3A_349 : i32 to index
      %get3A_364 = arith.constant 16 : index
      %get3A_365 = tpu.vector_load %arg13[%get3A_363, %get3A_364] {strides = array<i32>} : memref<24x100xi32, #tpu.memory_space<vmem>>, vector<1x16xi32>,
      %get3A_366 = vector.shape_cast %get3A_365 : vector<1x16xi32> to vector<16xi32>
      %swap3A_367 = arith.constant 16 : index
      %swap3A_368 = tpu.vector_load %arg16[%swap3A_367] {strides = array<i32>} : memref<104xi32, #tpu.memory_space<vmem>>, vector<16xi32>,
      %swap3A_369 = vector.shape_cast %swap3A_368 : vector<16xi32> to vector<16xi32>
      %swap3A_370 = vector.shape_cast %get3A_366 : vector<16xi32> to vector<16xi32>
      tpu.vector_store %arg16[%swap3A_367], %swap3A_370 {strides = array<i32>} : memref<104xi32, #tpu.memory_space<vmem>>, vector<16xi32>,
      %get3A_371 = arith.index_cast %sub3A_349 : i32 to index
      %get3A_372 = arith.constant 32 : index
      %get3A_373 = tpu.vector_load %arg13[%get3A_371, %get3A_372] {strides = array<i32>} : memref<24x100xi32, #tpu.memory_space<vmem>>, vector<1x16xi32>,
      %get3A_374 = vector.shape_cast %get3A_373 : vector<1x16xi32> to vector<16xi32>
      %swap3A_375 = arith.constant 32 : index
      %swap3A_376 = tpu.vector_load %arg16[%swap3A_375] {strides = array<i32>} : memref<104xi32, #tpu.memory_space<vmem>>, vector<16xi32>,
      %swap3A_377 = vector.shape_cast %swap3A_376 : vector<16xi32> to vector<16xi32>
      %swap3A_378 = vector.shape_cast %get3A_374 : vector<16xi32> to vector<16xi32>
      tpu.vector_store %arg16[%swap3A_375], %swap3A_378 {strides = array<i32>} : memref<104xi32, #tpu.memory_space<vmem>>, vector<16xi32>,
      %get3A_379 = arith.index_cast %sub3A_349 : i32 to index
      %get3A_380 = arith.constant 48 : index
      %get3A_381 = tpu.vector_load %arg13[%get3A_379, %get3A_380] {strides = array<i32>} : memref<24x100xi32, #tpu.memory_space<vmem>>, vector<1x16xi32>,
      %get3A_382 = vector.shape_cast %get3A_381 : vector<1x16xi32> to vector<16xi32>
      %swap3A_383 = arith.constant 48 : index
      %swap3A_384 = tpu.vector_load %arg16[%swap3A_383] {strides = array<i32>} : memref<104xi32, #tpu.memory_space<vmem>>, vector<16xi32>,
      %swap3A_385 = vector.shape_cast %swap3A_384 : vector<16xi32> to vector<16xi32>
      %swap3A_386 = vector.shape_cast %get3A_382 : vector<16xi32> to vector<16xi32>
      tpu.vector_store %arg16[%swap3A_383], %swap3A_386 {strides = array<i32>} : memref<104xi32, #tpu.memory_space<vmem>>, vector<16xi32>,
      %get3A_387 = arith.index_cast %sub3A_349 : i32 to index
      %get3A_388 = arith.constant 64 : index
      %get3A_389 = tpu.vector_load %arg13[%get3A_387, %get3A_388] {strides = array<i32>} : memref<24x100xi32, #tpu.memory_space<vmem>>, vector<1x16xi32>,
      %get3A_390 = vector.shape_cast %get3A_389 : vector<1x16xi32> to vector<16xi32>
      %swap3A_391 = arith.constant 64 : index
      %swap3A_392 = tpu.vector_load %arg16[%swap3A_391] {strides = array<i32>} : memref<104xi32, #tpu.memory_space<vmem>>, vector<16xi32>,
      %swap3A_393 = vector.shape_cast %swap3A_392 : vector<16xi32> to vector<16xi32>
      %swap3A_394 = vector.shape_cast %get3A_390 : vector<16xi32> to vector<16xi32>
      tpu.vector_store %arg16[%swap3A_391], %swap3A_394 {strides = array<i32>} : memref<104xi32, #tpu.memory_space<vmem>>, vector<16xi32>,
      %get3A_395 = arith.index_cast %sub3A_349 : i32 to index
      %get3A_396 = arith.constant 80 : index
      %get3A_397 = tpu.vector_load %arg13[%get3A_395, %get3A_396] {strides = array<i32>} : memref<24x100xi32, #tpu.memory_space<vmem>>, vector<1x16xi32>,
      %get3A_398 = vector.shape_cast %get3A_397 : vector<1x16xi32> to vector<16xi32>
      %swap3A_399 = arith.constant 80 : index
      %swap3A_400 = tpu.vector_load %arg16[%swap3A_399] {strides = array<i32>} : memref<104xi32, #tpu.memory_space<vmem>>, vector<16xi32>,
      %swap3A_401 = vector.shape_cast %swap3A_400 : vector<16xi32> to vector<16xi32>
      %swap3A_402 = vector.shape_cast %get3A_398 : vector<16xi32> to vector<16xi32>
      tpu.vector_store %arg16[%swap3A_399], %swap3A_402 {strides = array<i32>} : memref<104xi32, #tpu.memory_space<vmem>>, vector<16xi32>,
      %get3A_403 = arith.index_cast %sub3A_349 : i32 to index
      %get3A_404 = arith.constant 84 : index
      %get3A_405 = tpu.vector_load %arg13[%get3A_403, %get3A_404] {strides = array<i32>} : memref<24x100xi32, #tpu.memory_space<vmem>>, vector<1x16xi32>,
      %get3A_406 = vector.shape_cast %get3A_405 : vector<1x16xi32> to vector<16xi32>
      %swap3A_407 = arith.constant 84 : index
      %swap3A_408 = tpu.vector_load %arg16[%swap3A_407] {strides = array<i32>} : memref<104xi32, #tpu.memory_space<vmem>>, vector<16xi32>,
      %swap3A_409 = vector.shape_cast %swap3A_408 : vector<16xi32> to vector<16xi32>
      %swap3A_410 = vector.shape_cast %get3A_406 : vector<16xi32> to vector<16xi32>
      tpu.vector_store %arg16[%swap3A_407], %swap3A_410 {strides = array<i32>} : memref<104xi32, #tpu.memory_space<vmem>>, vector<16xi32>,
      %dma_start3A = arith.constant 0 : i32
      %dma_start3A_411 = arith.constant 0 : i32
      %dma_start3A_412 = tpu.memref_slice %arg2[%dma_start3A, %dma_start3A_411] : memref<50000x512xf32, #tpu.memory_space<hbm>> -> memref<50000x512xf32, #tpu.memory_space<hbm>>
      tpu.enqueue_indirect_dma source(%dma_start3A_412 : memref<50000x512xf32, #tpu.memory_space<hbm>>) target(%arg10 : memref<104x512xf32, #tpu.memory_space<vmem>>) offsets(%arg16 : memref<104xi32, #tpu.memory_space<vmem>>) semaphore(%arg23 : memref<!tpu.dma_semaphore, #tpu.memory_space<semaphore_mem>>)
      %dma_wait3A = arith.constant 0 : i32
      %dma_wait3A_413 = arith.constant 0 : i32
      %dma_wait3A_414 = tpu.memref_slice %arg2[%dma_wait3A, %dma_wait3A_413] : memref<50000x512xf32, #tpu.memory_space<hbm>> -> memref<50000x512xf32, #tpu.memory_space<hbm>>
      tpu.wait_indirect_dma semaphore(%arg23 : memref<!tpu.dma_semaphore, #tpu.memory_space<semaphore_mem>>) src(%dma_wait3A_414 : memref<50000x512xf32, #tpu.memory_space<hbm>>) dst(%arg10 : memref<104x512xf32, #tpu.memory_space<vmem>>)
      %scan3A = arith.constant 0 : i32
      %scan3A_415 = arith.constant 100 : i32
      %scan3A_416 = arith.addi %scan3A, %scan3A_415 : i32
      %scan3A_417 = arith.constant 1 : i32
      %scan3A_418:32 = scf.for %scan3A_631 = %scan3A to %scan3A_416 step %scan3A_417 iter_args(%scan3A_632 = %broadcast_in_dim3A_3, %scan3A_633 = %broadcast_in_dim3A_3, %scan3A_634 = %broadcast_in_dim3A_3, %scan3A_635 = %broadcast_in_dim3A_3, %scan3A_636 = %broadcast_in_dim3A_3, %scan3A_637 = %broadcast_in_dim3A_3, %scan3A_638 = %broadcast_in_dim3A_3, %scan3A_639 = %broadcast_in_dim3A_3, %scan3A_640 = %broadcast_in_dim3A_3, %scan3A_641 = %broadcast_in_dim3A_3, %scan3A_642 = %broadcast_in_dim3A_3, %scan3A_643 = %broadcast_in_dim3A_3, %scan3A_644 = %broadcast_in_dim3A_3, %scan3A_645 = %broadcast_in_dim3A_3, %scan3A_646 = %broadcast_in_dim3A_3, %scan3A_647 = %broadcast_in_dim3A_3, %scan3A_648 = %broadcast_in_dim3A_3, %scan3A_649 = %broadcast_in_dim3A_3, %scan3A_650 = %broadcast_in_dim3A_3, %scan3A_651 = %broadcast_in_dim3A_3, %scan3A_652 = %broadcast_in_dim3A_3, %scan3A_653 = %broadcast_in_dim3A_3, %scan3A_654 = %broadcast_in_dim3A_3, %scan3A_655 = %broadcast_in_dim3A_3, %scan3A_656 = %broadcast_in_dim3A_3, %scan3A_657 = %broadcast_in_dim3A_3, %scan3A_658 = %broadcast_in_dim3A_3, %scan3A_659 = %broadcast_in_dim3A_3, %scan3A_660 = %broadcast_in_dim3A_3, %scan3A_661 = %broadcast_in_dim3A_3, %scan3A_662 = %broadcast_in_dim3A_3, %scan3A_663 = %broadcast_in_dim3A_3) -> (vector<16xf32>, vector<16xf32>, vector<16xf32>, vector<16xf32>, vector<16xf32>, vector<16xf32>, vector<16xf32>, vector<16xf32>, vector<16xf32>, vector<16xf32>, vector<16xf32>, vector<16xf32>, vector<16xf32>, vector<16xf32>, vector<16xf32>, vector<16xf32>, vector<16xf32>, vector<16xf32>, vector<16xf32>, vector<16xf32>, vector<16xf32>, vector<16xf32>, vector<16xf32>, vector<16xf32>, vector<16xf32>, vector<16xf32>, vector<16xf32>, vector<16xf32>, vector<16xf32>, vector<16xf32>, vector<16xf32>, vector<16xf32>)  : i32 {
        %get3A_664 = arith.index_cast %scan3A_631 : i32 to index
        %get3A_665 = arith.constant 0 : index
        %get3A_666 = tpu.vector_load %arg10[%get3A_664, %get3A_665] {strides = array<i32>} : memref<104x512xf32, #tpu.memory_space<vmem>>, vector<1x16xf32>,
        %get3A_667 = vector.shape_cast %get3A_666 : vector<1x16xf32> to vector<16xf32>
        %add3A_668 = arith.addf %scan3A_632, %get3A_667 : vector<16xf32>
        %get3A_669 = arith.index_cast %scan3A_631 : i32 to index
        %get3A_670 = arith.constant 16 : index
        %get3A_671 = tpu.vector_load %arg10[%get3A_669, %get3A_670] {strides = array<i32>} : memref<104x512xf32, #tpu.memory_space<vmem>>, vector<1x16xf32>,
        %get3A_672 = vector.shape_cast %get3A_671 : vector<1x16xf32> to vector<16xf32>
        %add3A_673 = arith.addf %scan3A_633, %get3A_672 : vector<16xf32>
        %get3A_674 = arith.index_cast %scan3A_631 : i32 to index
        %get3A_675 = arith.constant 32 : index
        %get3A_676 = tpu.vector_load %arg10[%get3A_674, %get3A_675] {strides = array<i32>} : memref<104x512xf32, #tpu.memory_space<vmem>>, vector<1x16xf32>,
        %get3A_677 = vector.shape_cast %get3A_676 : vector<1x16xf32> to vector<16xf32>
        %add3A_678 = arith.addf %scan3A_634, %get3A_677 : vector<16xf32>
        %get3A_679 = arith.index_cast %scan3A_631 : i32 to index
        %get3A_680 = arith.constant 48 : index
        %get3A_681 = tpu.vector_load %arg10[%get3A_679, %get3A_680] {strides = array<i32>} : memref<104x512xf32, #tpu.memory_space<vmem>>, vector<1x16xf32>,
        %get3A_682 = vector.shape_cast %get3A_681 : vector<1x16xf32> to vector<16xf32>
        %add3A_683 = arith.addf %scan3A_635, %get3A_682 : vector<16xf32>
        %get3A_684 = arith.index_cast %scan3A_631 : i32 to index
        %get3A_685 = arith.constant 64 : index
        %get3A_686 = tpu.vector_load %arg10[%get3A_684, %get3A_685] {strides = array<i32>} : memref<104x512xf32, #tpu.memory_space<vmem>>, vector<1x16xf32>,
        %get3A_687 = vector.shape_cast %get3A_686 : vector<1x16xf32> to vector<16xf32>
        %add3A_688 = arith.addf %scan3A_636, %get3A_687 : vector<16xf32>
        %get3A_689 = arith.index_cast %scan3A_631 : i32 to index
        %get3A_690 = arith.constant 80 : index
        %get3A_691 = tpu.vector_load %arg10[%get3A_689, %get3A_690] {strides = array<i32>} : memref<104x512xf32, #tpu.memory_space<vmem>>, vector<1x16xf32>,
        %get3A_692 = vector.shape_cast %get3A_691 : vector<1x16xf32> to vector<16xf32>
        %add3A_693 = arith.addf %scan3A_637, %get3A_692 : vector<16xf32>
        %get3A_694 = arith.index_cast %scan3A_631 : i32 to index
        %get3A_695 = arith.constant 96 : index
        %get3A_696 = tpu.vector_load %arg10[%get3A_694, %get3A_695] {strides = array<i32>} : memref<104x512xf32, #tpu.memory_space<vmem>>, vector<1x16xf32>,
        %get3A_697 = vector.shape_cast %get3A_696 : vector<1x16xf32> to vector<16xf32>
        %add3A_698 = arith.addf %scan3A_638, %get3A_697 : vector<16xf32>
        %get3A_699 = arith.index_cast %scan3A_631 : i32 to index
        %get3A_700 = arith.constant 112 : index
        %get3A_701 = tpu.vector_load %arg10[%get3A_699, %get3A_700] {strides = array<i32>} : memref<104x512xf32, #tpu.memory_space<vmem>>, vector<1x16xf32>,
        %get3A_702 = vector.shape_cast %get3A_701 : vector<1x16xf32> to vector<16xf32>
        %add3A_703 = arith.addf %scan3A_639, %get3A_702 : vector<16xf32>
        %get3A_704 = arith.index_cast %scan3A_631 : i32 to index
        %get3A_705 = arith.constant 128 : index
        %get3A_706 = tpu.vector_load %arg10[%get3A_704, %get3A_705] {strides = array<i32>} : memref<104x512xf32, #tpu.memory_space<vmem>>, vector<1x16xf32>,
        %get3A_707 = vector.shape_cast %get3A_706 : vector<1x16xf32> to vector<16xf32>
        %add3A_708 = arith.addf %scan3A_640, %get3A_707 : vector<16xf32>
        %get3A_709 = arith.index_cast %scan3A_631 : i32 to index
        %get3A_710 = arith.constant 144 : index
        %get3A_711 = tpu.vector_load %arg10[%get3A_709, %get3A_710] {strides = array<i32>} : memref<104x512xf32, #tpu.memory_space<vmem>>, vector<1x16xf32>,
        %get3A_712 = vector.shape_cast %get3A_711 : vector<1x16xf32> to vector<16xf32>
        %add3A_713 = arith.addf %scan3A_641, %get3A_712 : vector<16xf32>
        %get3A_714 = arith.index_cast %scan3A_631 : i32 to index
        %get3A_715 = arith.constant 160 : index
        %get3A_716 = tpu.vector_load %arg10[%get3A_714, %get3A_715] {strides = array<i32>} : memref<104x512xf32, #tpu.memory_space<vmem>>, vector<1x16xf32>,
        %get3A_717 = vector.shape_cast %get3A_716 : vector<1x16xf32> to vector<16xf32>
        %add3A_718 = arith.addf %scan3A_642, %get3A_717 : vector<16xf32>
        %get3A_719 = arith.index_cast %scan3A_631 : i32 to index
        %get3A_720 = arith.constant 176 : index
        %get3A_721 = tpu.vector_load %arg10[%get3A_719, %get3A_720] {strides = array<i32>} : memref<104x512xf32, #tpu.memory_space<vmem>>, vector<1x16xf32>,
        %get3A_722 = vector.shape_cast %get3A_721 : vector<1x16xf32> to vector<16xf32>
        %add3A_723 = arith.addf %scan3A_643, %get3A_722 : vector<16xf32>
        %get3A_724 = arith.index_cast %scan3A_631 : i32 to index
        %get3A_725 = arith.constant 192 : index
        %get3A_726 = tpu.vector_load %arg10[%get3A_724, %get3A_725] {strides = array<i32>} : memref<104x512xf32, #tpu.memory_space<vmem>>, vector<1x16xf32>,
        %get3A_727 = vector.shape_cast %get3A_726 : vector<1x16xf32> to vector<16xf32>
        %add3A_728 = arith.addf %scan3A_644, %get3A_727 : vector<16xf32>
        %get3A_729 = arith.index_cast %scan3A_631 : i32 to index
        %get3A_730 = arith.constant 208 : index
        %get3A_731 = tpu.vector_load %arg10[%get3A_729, %get3A_730] {strides = array<i32>} : memref<104x512xf32, #tpu.memory_space<vmem>>, vector<1x16xf32>,
        %get3A_732 = vector.shape_cast %get3A_731 : vector<1x16xf32> to vector<16xf32>
        %add3A_733 = arith.addf %scan3A_645, %get3A_732 : vector<16xf32>
        %get3A_734 = arith.index_cast %scan3A_631 : i32 to index
        %get3A_735 = arith.constant 224 : index
        %get3A_736 = tpu.vector_load %arg10[%get3A_734, %get3A_735] {strides = array<i32>} : memref<104x512xf32, #tpu.memory_space<vmem>>, vector<1x16xf32>,
        %get3A_737 = vector.shape_cast %get3A_736 : vector<1x16xf32> to vector<16xf32>
        %add3A_738 = arith.addf %scan3A_646, %get3A_737 : vector<16xf32>
        %get3A_739 = arith.index_cast %scan3A_631 : i32 to index
        %get3A_740 = arith.constant 240 : index
        %get3A_741 = tpu.vector_load %arg10[%get3A_739, %get3A_740] {strides = array<i32>} : memref<104x512xf32, #tpu.memory_space<vmem>>, vector<1x16xf32>,
        %get3A_742 = vector.shape_cast %get3A_741 : vector<1x16xf32> to vector<16xf32>
        %add3A_743 = arith.addf %scan3A_647, %get3A_742 : vector<16xf32>
        %get3A_744 = arith.index_cast %scan3A_631 : i32 to index
        %get3A_745 = arith.constant 256 : index
        %get3A_746 = tpu.vector_load %arg10[%get3A_744, %get3A_745] {strides = array<i32>} : memref<104x512xf32, #tpu.memory_space<vmem>>, vector<1x16xf32>,
        %get3A_747 = vector.shape_cast %get3A_746 : vector<1x16xf32> to vector<16xf32>
        %add3A_748 = arith.addf %scan3A_648, %get3A_747 : vector<16xf32>
        %get3A_749 = arith.index_cast %scan3A_631 : i32 to index
        %get3A_750 = arith.constant 272 : index
        %get3A_751 = tpu.vector_load %arg10[%get3A_749, %get3A_750] {strides = array<i32>} : memref<104x512xf32, #tpu.memory_space<vmem>>, vector<1x16xf32>,
        %get3A_752 = vector.shape_cast %get3A_751 : vector<1x16xf32> to vector<16xf32>
        %add3A_753 = arith.addf %scan3A_649, %get3A_752 : vector<16xf32>
        %get3A_754 = arith.index_cast %scan3A_631 : i32 to index
        %get3A_755 = arith.constant 288 : index
        %get3A_756 = tpu.vector_load %arg10[%get3A_754, %get3A_755] {strides = array<i32>} : memref<104x512xf32, #tpu.memory_space<vmem>>, vector<1x16xf32>,
        %get3A_757 = vector.shape_cast %get3A_756 : vector<1x16xf32> to vector<16xf32>
        %add3A_758 = arith.addf %scan3A_650, %get3A_757 : vector<16xf32>
        %get3A_759 = arith.index_cast %scan3A_631 : i32 to index
        %get3A_760 = arith.constant 304 : index
        %get3A_761 = tpu.vector_load %arg10[%get3A_759, %get3A_760] {strides = array<i32>} : memref<104x512xf32, #tpu.memory_space<vmem>>, vector<1x16xf32>,
        %get3A_762 = vector.shape_cast %get3A_761 : vector<1x16xf32> to vector<16xf32>
        %add3A_763 = arith.addf %scan3A_651, %get3A_762 : vector<16xf32>
        %get3A_764 = arith.index_cast %scan3A_631 : i32 to index
        %get3A_765 = arith.constant 320 : index
        %get3A_766 = tpu.vector_load %arg10[%get3A_764, %get3A_765] {strides = array<i32>} : memref<104x512xf32, #tpu.memory_space<vmem>>, vector<1x16xf32>,
        %get3A_767 = vector.shape_cast %get3A_766 : vector<1x16xf32> to vector<16xf32>
        %add3A_768 = arith.addf %scan3A_652, %get3A_767 : vector<16xf32>
        %get3A_769 = arith.index_cast %scan3A_631 : i32 to index
        %get3A_770 = arith.constant 336 : index
        %get3A_771 = tpu.vector_load %arg10[%get3A_769, %get3A_770] {strides = array<i32>} : memref<104x512xf32, #tpu.memory_space<vmem>>, vector<1x16xf32>,
        %get3A_772 = vector.shape_cast %get3A_771 : vector<1x16xf32> to vector<16xf32>
        %add3A_773 = arith.addf %scan3A_653, %get3A_772 : vector<16xf32>
        %get3A_774 = arith.index_cast %scan3A_631 : i32 to index
        %get3A_775 = arith.constant 352 : index
        %get3A_776 = tpu.vector_load %arg10[%get3A_774, %get3A_775] {strides = array<i32>} : memref<104x512xf32, #tpu.memory_space<vmem>>, vector<1x16xf32>,
        %get3A_777 = vector.shape_cast %get3A_776 : vector<1x16xf32> to vector<16xf32>
        %add3A_778 = arith.addf %scan3A_654, %get3A_777 : vector<16xf32>
        %get3A_779 = arith.index_cast %scan3A_631 : i32 to index
        %get3A_780 = arith.constant 368 : index
        %get3A_781 = tpu.vector_load %arg10[%get3A_779, %get3A_780] {strides = array<i32>} : memref<104x512xf32, #tpu.memory_space<vmem>>, vector<1x16xf32>,
        %get3A_782 = vector.shape_cast %get3A_781 : vector<1x16xf32> to vector<16xf32>
        %add3A_783 = arith.addf %scan3A_655, %get3A_782 : vector<16xf32>
        %get3A_784 = arith.index_cast %scan3A_631 : i32 to index
        %get3A_785 = arith.constant 384 : index
        %get3A_786 = tpu.vector_load %arg10[%get3A_784, %get3A_785] {strides = array<i32>} : memref<104x512xf32, #tpu.memory_space<vmem>>, vector<1x16xf32>,
        %get3A_787 = vector.shape_cast %get3A_786 : vector<1x16xf32> to vector<16xf32>
        %add3A_788 = arith.addf %scan3A_656, %get3A_787 : vector<16xf32>
        %get3A_789 = arith.index_cast %scan3A_631 : i32 to index
        %get3A_790 = arith.constant 400 : index
        %get3A_791 = tpu.vector_load %arg10[%get3A_789, %get3A_790] {strides = array<i32>} : memref<104x512xf32, #tpu.memory_space<vmem>>, vector<1x16xf32>,
        %get3A_792 = vector.shape_cast %get3A_791 : vector<1x16xf32> to vector<16xf32>
        %add3A_793 = arith.addf %scan3A_657, %get3A_792 : vector<16xf32>
        %get3A_794 = arith.index_cast %scan3A_631 : i32 to index
        %get3A_795 = arith.constant 416 : index
        %get3A_796 = tpu.vector_load %arg10[%get3A_794, %get3A_795] {strides = array<i32>} : memref<104x512xf32, #tpu.memory_space<vmem>>, vector<1x16xf32>,
        %get3A_797 = vector.shape_cast %get3A_796 : vector<1x16xf32> to vector<16xf32>
        %add3A_798 = arith.addf %scan3A_658, %get3A_797 : vector<16xf32>
        %get3A_799 = arith.index_cast %scan3A_631 : i32 to index
        %get3A_800 = arith.constant 432 : index
        %get3A_801 = tpu.vector_load %arg10[%get3A_799, %get3A_800] {strides = array<i32>} : memref<104x512xf32, #tpu.memory_space<vmem>>, vector<1x16xf32>,
        %get3A_802 = vector.shape_cast %get3A_801 : vector<1x16xf32> to vector<16xf32>
        %add3A_803 = arith.addf %scan3A_659, %get3A_802 : vector<16xf32>
        %get3A_804 = arith.index_cast %scan3A_631 : i32 to index
        %get3A_805 = arith.constant 448 : index
        %get3A_806 = tpu.vector_load %arg10[%get3A_804, %get3A_805] {strides = array<i32>} : memref<104x512xf32, #tpu.memory_space<vmem>>, vector<1x16xf32>,
        %get3A_807 = vector.shape_cast %get3A_806 : vector<1x16xf32> to vector<16xf32>
        %add3A_808 = arith.addf %scan3A_660, %get3A_807 : vector<16xf32>
        %get3A_809 = arith.index_cast %scan3A_631 : i32 to index
        %get3A_810 = arith.constant 464 : index
        %get3A_811 = tpu.vector_load %arg10[%get3A_809, %get3A_810] {strides = array<i32>} : memref<104x512xf32, #tpu.memory_space<vmem>>, vector<1x16xf32>,
        %get3A_812 = vector.shape_cast %get3A_811 : vector<1x16xf32> to vector<16xf32>
        %add3A_813 = arith.addf %scan3A_661, %get3A_812 : vector<16xf32>
        %get3A_814 = arith.index_cast %scan3A_631 : i32 to index
        %get3A_815 = arith.constant 480 : index
        %get3A_816 = tpu.vector_load %arg10[%get3A_814, %get3A_815] {strides = array<i32>} : memref<104x512xf32, #tpu.memory_space<vmem>>, vector<1x16xf32>,
        %get3A_817 = vector.shape_cast %get3A_816 : vector<1x16xf32> to vector<16xf32>
        %add3A_818 = arith.addf %scan3A_662, %get3A_817 : vector<16xf32>
        %get3A_819 = arith.index_cast %scan3A_631 : i32 to index
        %get3A_820 = arith.constant 496 : index
        %get3A_821 = tpu.vector_load %arg10[%get3A_819, %get3A_820] {strides = array<i32>} : memref<104x512xf32, #tpu.memory_space<vmem>>, vector<1x16xf32>,
        %get3A_822 = vector.shape_cast %get3A_821 : vector<1x16xf32> to vector<16xf32>
        %add3A_823 = arith.addf %scan3A_663, %get3A_822 : vector<16xf32>
        scf.yield %add3A_668, %add3A_673, %add3A_678, %add3A_683, %add3A_688, %add3A_693, %add3A_698, %add3A_703, %add3A_708, %add3A_713, %add3A_718, %add3A_723, %add3A_728, %add3A_733, %add3A_738, %add3A_743, %add3A_748, %add3A_753, %add3A_758, %add3A_763, %add3A_768, %add3A_773, %add3A_778, %add3A_783, %add3A_788, %add3A_793, %add3A_798, %add3A_803, %add3A_808, %add3A_813, %add3A_818, %add3A_823 : vector<16xf32>, vector<16xf32>, vector<16xf32>, vector<16xf32>, vector<16xf32>, vector<16xf32>, vector<16xf32>, vector<16xf32>, vector<16xf32>, vector<16xf32>, vector<16xf32>, vector<16xf32>, vector<16xf32>, vector<16xf32>, vector<16xf32>, vector<16xf32>, vector<16xf32>, vector<16xf32>, vector<16xf32>, vector<16xf32>, vector<16xf32>, vector<16xf32>, vector<16xf32>, vector<16xf32>, vector<16xf32>, vector<16xf32>, vector<16xf32>, vector<16xf32>, vector<16xf32>, vector<16xf32>, vector<16xf32>, vector<16xf32>
      }
      %scan3A_419 = arith.constant 100 : i32
      %get3A_420 = arith.index_cast %sub3A_349 : i32 to index
      %get3A_421 = arith.constant 0 : index
      %get3A_422 = tpu.vector_load %arg19[%get3A_420, %get3A_421] {strides = array<i32>} : memref<24x64xf32, #tpu.memory_space<vmem>>, vector<1x16xf32>,
      %get3A_423 = vector.shape_cast %get3A_422 : vector<1x16xf32> to vector<16xf32>
      %get3A_424 = arith.index_cast %sub3A_349 : i32 to index
      %get3A_425 = arith.constant 16 : index
      %get3A_426 = tpu.vector_load %arg19[%get3A_424, %get3A_425] {strides = array<i32>} : memref<24x64xf32, #tpu.memory_space<vmem>>, vector<1x16xf32>,
      %get3A_427 = vector.shape_cast %get3A_426 : vector<1x16xf32> to vector<16xf32>
      %get3A_428 = arith.index_cast %sub3A_349 : i32 to index
      %get3A_429 = arith.constant 32 : index
      %get3A_430 = tpu.vector_load %arg19[%get3A_428, %get3A_429] {strides = array<i32>} : memref<24x64xf32, #tpu.memory_space<vmem>>, vector<1x16xf32>,
      %get3A_431 = vector.shape_cast %get3A_430 : vector<1x16xf32> to vector<16xf32>
      %get3A_432 = arith.index_cast %sub3A_349 : i32 to index
      %get3A_433 = arith.constant 48 : index
      %get3A_434 = tpu.vector_load %arg19[%get3A_432, %get3A_433] {strides = array<i32>} : memref<24x64xf32, #tpu.memory_space<vmem>>, vector<1x16xf32>,
      %get3A_435 = vector.shape_cast %get3A_434 : vector<1x16xf32> to vector<16xf32>
      %sub3A_436 = arith.subf %scan3A_418#0, %get3A_423 : vector<16xf32>
      %max3A = arith.constant 0.000000e+00 : f32
      %max3A_437 = vector.broadcast %max3A : f32 to vector<16xf32>
      %max3A_438 = arith.maximumf %sub3A_436, %max3A_437 : vector<16xf32>
      %sub3A_439 = arith.subf %scan3A_418#1, %get3A_427 : vector<16xf32>
      %max3A_440 = arith.constant 0.000000e+00 : f32
      %max3A_441 = vector.broadcast %max3A_440 : f32 to vector<16xf32>
      %max3A_442 = arith.maximumf %sub3A_439, %max3A_441 : vector<16xf32>
      %sub3A_443 = arith.subf %scan3A_418#2, %get3A_431 : vector<16xf32>
      %max3A_444 = arith.constant 0.000000e+00 : f32
      %max3A_445 = vector.broadcast %max3A_444 : f32 to vector<16xf32>
      %max3A_446 = arith.maximumf %sub3A_443, %max3A_445 : vector<16xf32>
      %sub3A_447 = arith.subf %scan3A_418#3, %get3A_435 : vector<16xf32>
      %jit3A_448 = arith.constant -1.000000e+00 : f32
      %broadcast_in_dim3A_449 = vector.broadcast %jit3A_448 : f32 to vector<16xf32>
      %select_n3A_450 = arith.select %lt3A_2, %sub3A_447, %broadcast_in_dim3A_449 : vector<16xi1>, vector<16xf32>
      %max3A_451 = arith.constant 0.000000e+00 : f32
      %max3A_452 = vector.broadcast %max3A_451 : f32 to vector<16xf32>
      %max3A_453 = arith.maximumf %select_n3A_450, %max3A_452 : vector<16xf32>
      %add3A_454 = arith.addf %max3A_438, %max3A_442 : vector<16xf32>
      %add3A_455 = arith.addf %add3A_454, %max3A_446 : vector<16xf32>
      %add3A_456 = arith.addf %add3A_455, %max3A_453 : vector<16xf32>
      %add3A_457 = arith.addf %broadcast_in_dim3A_3, %add3A_456 : vector<16xf32>
      %sub3A_458 = arith.subf %scan3A_418#4, %get3A_423 : vector<16xf32>
      %max3A_459 = arith.constant 0.000000e+00 : f32
      %max3A_460 = vector.broadcast %max3A_459 : f32 to vector<16xf32>
      %max3A_461 = arith.maximumf %sub3A_458, %max3A_460 : vector<16xf32>
      %sub3A_462 = arith.subf %scan3A_418#5, %get3A_427 : vector<16xf32>
      %max3A_463 = arith.constant 0.000000e+00 : f32
      %max3A_464 = vector.broadcast %max3A_463 : f32 to vector<16xf32>
      %max3A_465 = arith.maximumf %sub3A_462, %max3A_464 : vector<16xf32>
      %sub3A_466 = arith.subf %scan3A_418#6, %get3A_431 : vector<16xf32>
      %max3A_467 = arith.constant 0.000000e+00 : f32
      %max3A_468 = vector.broadcast %max3A_467 : f32 to vector<16xf32>
      %max3A_469 = arith.maximumf %sub3A_466, %max3A_468 : vector<16xf32>
      %sub3A_470 = arith.subf %scan3A_418#7, %get3A_435 : vector<16xf32>
      %jit3A_471 = arith.constant -1.000000e+00 : f32
      %broadcast_in_dim3A_472 = vector.broadcast %jit3A_471 : f32 to vector<16xf32>
      %select_n3A_473 = arith.select %lt3A_2, %sub3A_470, %broadcast_in_dim3A_472 : vector<16xi1>, vector<16xf32>
      %max3A_474 = arith.constant 0.000000e+00 : f32
      %max3A_475 = vector.broadcast %max3A_474 : f32 to vector<16xf32>
      %max3A_476 = arith.maximumf %select_n3A_473, %max3A_475 : vector<16xf32>
      %add3A_477 = arith.addf %max3A_461, %max3A_465 : vector<16xf32>
      %add3A_478 = arith.addf %add3A_477, %max3A_469 : vector<16xf32>
      %add3A_479 = arith.addf %add3A_478, %max3A_476 : vector<16xf32>
      %add3A_480 = arith.addf %add3A_457, %add3A_479 : vector<16xf32>
      %sub3A_481 = arith.subf %scan3A_418#8, %get3A_423 : vector<16xf32>
      %max3A_482 = arith.constant 0.000000e+00 : f32
      %max3A_483 = vector.broadcast %max3A_482 : f32 to vector<16xf32>
      %max3A_484 = arith.maximumf %sub3A_481, %max3A_483 : vector<16xf32>
      %sub3A_485 = arith.subf %scan3A_418#9, %get3A_427 : vector<16xf32>
      %max3A_486 = arith.constant 0.000000e+00 : f32
      %max3A_487 = vector.broadcast %max3A_486 : f32 to vector<16xf32>
      %max3A_488 = arith.maximumf %sub3A_485, %max3A_487 : vector<16xf32>
      %sub3A_489 = arith.subf %scan3A_418#10, %get3A_431 : vector<16xf32>
      %max3A_490 = arith.constant 0.000000e+00 : f32
      %max3A_491 = vector.broadcast %max3A_490 : f32 to vector<16xf32>
      %max3A_492 = arith.maximumf %sub3A_489, %max3A_491 : vector<16xf32>
      %sub3A_493 = arith.subf %scan3A_418#11, %get3A_435 : vector<16xf32>
      %jit3A_494 = arith.constant -1.000000e+00 : f32
      %broadcast_in_dim3A_495 = vector.broadcast %jit3A_494 : f32 to vector<16xf32>
      %select_n3A_496 = arith.select %lt3A_2, %sub3A_493, %broadcast_in_dim3A_495 : vector<16xi1>, vector<16xf32>
      %max3A_497 = arith.constant 0.000000e+00 : f32
      %max3A_498 = vector.broadcast %max3A_497 : f32 to vector<16xf32>
      %max3A_499 = arith.maximumf %select_n3A_496, %max3A_498 : vector<16xf32>
      %add3A_500 = arith.addf %max3A_484, %max3A_488 : vector<16xf32>
      %add3A_501 = arith.addf %add3A_500, %max3A_492 : vector<16xf32>
      %add3A_502 = arith.addf %add3A_501, %max3A_499 : vector<16xf32>
      %add3A_503 = arith.addf %add3A_480, %add3A_502 : vector<16xf32>
      %sub3A_504 = arith.subf %scan3A_418#12, %get3A_423 : vector<16xf32>
      %max3A_505 = arith.constant 0.000000e+00 : f32
      %max3A_506 = vector.broadcast %max3A_505 : f32 to vector<16xf32>
      %max3A_507 = arith.maximumf %sub3A_504, %max3A_506 : vector<16xf32>
      %sub3A_508 = arith.subf %scan3A_418#13, %get3A_427 : vector<16xf32>
      %max3A_509 = arith.constant 0.000000e+00 : f32
      %max3A_510 = vector.broadcast %max3A_509 : f32 to vector<16xf32>
      %max3A_511 = arith.maximumf %sub3A_508, %max3A_510 : vector<16xf32>
      %sub3A_512 = arith.subf %scan3A_418#14, %get3A_431 : vector<16xf32>
      %max3A_513 = arith.constant 0.000000e+00 : f32
      %max3A_514 = vector.broadcast %max3A_513 : f32 to vector<16xf32>
      %max3A_515 = arith.maximumf %sub3A_512, %max3A_514 : vector<16xf32>
      %sub3A_516 = arith.subf %scan3A_418#15, %get3A_435 : vector<16xf32>
      %jit3A_517 = arith.constant -1.000000e+00 : f32
      %broadcast_in_dim3A_518 = vector.broadcast %jit3A_517 : f32 to vector<16xf32>
      %select_n3A_519 = arith.select %lt3A_2, %sub3A_516, %broadcast_in_dim3A_518 : vector<16xi1>, vector<16xf32>
      %max3A_520 = arith.constant 0.000000e+00 : f32
      %max3A_521 = vector.broadcast %max3A_520 : f32 to vector<16xf32>
      %max3A_522 = arith.maximumf %select_n3A_519, %max3A_521 : vector<16xf32>
      %add3A_523 = arith.addf %max3A_507, %max3A_511 : vector<16xf32>
      %add3A_524 = arith.addf %add3A_523, %max3A_515 : vector<16xf32>
      %add3A_525 = arith.addf %add3A_524, %max3A_522 : vector<16xf32>
      %add3A_526 = arith.addf %add3A_503, %add3A_525 : vector<16xf32>
      %sub3A_527 = arith.subf %scan3A_418#16, %get3A_423 : vector<16xf32>
      %max3A_528 = arith.constant 0.000000e+00 : f32
      %max3A_529 = vector.broadcast %max3A_528 : f32 to vector<16xf32>
      %max3A_530 = arith.maximumf %sub3A_527, %max3A_529 : vector<16xf32>
      %sub3A_531 = arith.subf %scan3A_418#17, %get3A_427 : vector<16xf32>
      %max3A_532 = arith.constant 0.000000e+00 : f32
      %max3A_533 = vector.broadcast %max3A_532 : f32 to vector<16xf32>
      %max3A_534 = arith.maximumf %sub3A_531, %max3A_533 : vector<16xf32>
      %sub3A_535 = arith.subf %scan3A_418#18, %get3A_431 : vector<16xf32>
      %max3A_536 = arith.constant 0.000000e+00 : f32
      %max3A_537 = vector.broadcast %max3A_536 : f32 to vector<16xf32>
      %max3A_538 = arith.maximumf %sub3A_535, %max3A_537 : vector<16xf32>
      %sub3A_539 = arith.subf %scan3A_418#19, %get3A_435 : vector<16xf32>
      %jit3A_540 = arith.constant -1.000000e+00 : f32
      %broadcast_in_dim3A_541 = vector.broadcast %jit3A_540 : f32 to vector<16xf32>
      %select_n3A_542 = arith.select %lt3A_2, %sub3A_539, %broadcast_in_dim3A_541 : vector<16xi1>, vector<16xf32>
      %max3A_543 = arith.constant 0.000000e+00 : f32
      %max3A_544 = vector.broadcast %max3A_543 : f32 to vector<16xf32>
      %max3A_545 = arith.maximumf %select_n3A_542, %max3A_544 : vector<16xf32>
      %add3A_546 = arith.addf %max3A_530, %max3A_534 : vector<16xf32>
      %add3A_547 = arith.addf %add3A_546, %max3A_538 : vector<16xf32>
      %add3A_548 = arith.addf %add3A_547, %max3A_545 : vector<16xf32>
      %add3A_549 = arith.addf %add3A_526, %add3A_548 : vector<16xf32>
      %sub3A_550 = arith.subf %scan3A_418#20, %get3A_423 : vector<16xf32>
      %max3A_551 = arith.constant 0.000000e+00 : f32
      %max3A_552 = vector.broadcast %max3A_551 : f32 to vector<16xf32>
      %max3A_553 = arith.maximumf %sub3A_550, %max3A_552 : vector<16xf32>
      %sub3A_554 = arith.subf %scan3A_418#21, %get3A_427 : vector<16xf32>
      %max3A_555 = arith.constant 0.000000e+00 : f32
      %max3A_556 = vector.broadcast %max3A_555 : f32 to vector<16xf32>
      %max3A_557 = arith.maximumf %sub3A_554, %max3A_556 : vector<16xf32>
      %sub3A_558 = arith.subf %scan3A_418#22, %get3A_431 : vector<16xf32>
      %max3A_559 = arith.constant 0.000000e+00 : f32
      %max3A_560 = vector.broadcast %max3A_559 : f32 to vector<16xf32>
      %max3A_561 = arith.maximumf %sub3A_558, %max3A_560 : vector<16xf32>
      %sub3A_562 = arith.subf %scan3A_418#23, %get3A_435 : vector<16xf32>
      %jit3A_563 = arith.constant -1.000000e+00 : f32
      %broadcast_in_dim3A_564 = vector.broadcast %jit3A_563 : f32 to vector<16xf32>
      %select_n3A_565 = arith.select %lt3A_2, %sub3A_562, %broadcast_in_dim3A_564 : vector<16xi1>, vector<16xf32>
      %max3A_566 = arith.constant 0.000000e+00 : f32
      %max3A_567 = vector.broadcast %max3A_566 : f32 to vector<16xf32>
      %max3A_568 = arith.maximumf %select_n3A_565, %max3A_567 : vector<16xf32>
      %add3A_569 = arith.addf %max3A_553, %max3A_557 : vector<16xf32>
      %add3A_570 = arith.addf %add3A_569, %max3A_561 : vector<16xf32>
      %add3A_571 = arith.addf %add3A_570, %max3A_568 : vector<16xf32>
      %add3A_572 = arith.addf %add3A_549, %add3A_571 : vector<16xf32>
      %sub3A_573 = arith.subf %scan3A_418#24, %get3A_423 : vector<16xf32>
      %max3A_574 = arith.constant 0.000000e+00 : f32
      %max3A_575 = vector.broadcast %max3A_574 : f32 to vector<16xf32>
      %max3A_576 = arith.maximumf %sub3A_573, %max3A_575 : vector<16xf32>
      %sub3A_577 = arith.subf %scan3A_418#25, %get3A_427 : vector<16xf32>
      %max3A_578 = arith.constant 0.000000e+00 : f32
      %max3A_579 = vector.broadcast %max3A_578 : f32 to vector<16xf32>
      %max3A_580 = arith.maximumf %sub3A_577, %max3A_579 : vector<16xf32>
      %sub3A_581 = arith.subf %scan3A_418#26, %get3A_431 : vector<16xf32>
      %max3A_582 = arith.constant 0.000000e+00 : f32
      %max3A_583 = vector.broadcast %max3A_582 : f32 to vector<16xf32>
      %max3A_584 = arith.maximumf %sub3A_581, %max3A_583 : vector<16xf32>
      %sub3A_585 = arith.subf %scan3A_418#27, %get3A_435 : vector<16xf32>
      %jit3A_586 = arith.constant -1.000000e+00 : f32
      %broadcast_in_dim3A_587 = vector.broadcast %jit3A_586 : f32 to vector<16xf32>
      %select_n3A_588 = arith.select %lt3A_2, %sub3A_585, %broadcast_in_dim3A_587 : vector<16xi1>, vector<16xf32>
      %max3A_589 = arith.constant 0.000000e+00 : f32
      %max3A_590 = vector.broadcast %max3A_589 : f32 to vector<16xf32>
      %max3A_591 = arith.maximumf %select_n3A_588, %max3A_590 : vector<16xf32>
      %add3A_592 = arith.addf %max3A_576, %max3A_580 : vector<16xf32>
      %add3A_593 = arith.addf %add3A_592, %max3A_584 : vector<16xf32>
      %add3A_594 = arith.addf %add3A_593, %max3A_591 : vector<16xf32>
      %add3A_595 = arith.addf %add3A_572, %add3A_594 : vector<16xf32>
      %sub3A_596 = arith.subf %scan3A_418#28, %get3A_423 : vector<16xf32>
      %max3A_597 = arith.constant 0.000000e+00 : f32
      %max3A_598 = vector.broadcast %max3A_597 : f32 to vector<16xf32>
      %max3A_599 = arith.maximumf %sub3A_596, %max3A_598 : vector<16xf32>
      %sub3A_600 = arith.subf %scan3A_418#29, %get3A_427 : vector<16xf32>
      %max3A_601 = arith.constant 0.000000e+00 : f32
      %max3A_602 = vector.broadcast %max3A_601 : f32 to vector<16xf32>
      %max3A_603 = arith.maximumf %sub3A_600, %max3A_602 : vector<16xf32>
      %sub3A_604 = arith.subf %scan3A_418#30, %get3A_431 : vector<16xf32>
      %max3A_605 = arith.constant 0.000000e+00 : f32
      %max3A_606 = vector.broadcast %max3A_605 : f32 to vector<16xf32>
      %max3A_607 = arith.maximumf %sub3A_604, %max3A_606 : vector<16xf32>
      %sub3A_608 = arith.subf %scan3A_418#31, %get3A_435 : vector<16xf32>
      %jit3A_609 = arith.constant -1.000000e+00 : f32
      %broadcast_in_dim3A_610 = vector.broadcast %jit3A_609 : f32 to vector<16xf32>
      %select_n3A_611 = arith.select %lt3A_2, %sub3A_608, %broadcast_in_dim3A_610 : vector<16xi1>, vector<16xf32>
      %max3A_612 = arith.constant 0.000000e+00 : f32
      %max3A_613 = vector.broadcast %max3A_612 : f32 to vector<16xf32>
      %max3A_614 = arith.maximumf %select_n3A_611, %max3A_613 : vector<16xf32>
      %add3A_615 = arith.addf %max3A_599, %max3A_603 : vector<16xf32>
      %add3A_616 = arith.addf %add3A_615, %max3A_607 : vector<16xf32>
      %add3A_617 = arith.addf %add3A_616, %max3A_614 : vector<16xf32>
      %add3A_618 = arith.addf %add3A_595, %add3A_617 : vector<16xf32>
      %get3A_619 = arith.constant 0 : i32
      %get3A_620 = arith.index_cast %get3A_619 : i32 to index
      %get3A_621 = arith.constant 0 : index
      %get3A_622 = tpu.vector_load %arg22[%get3A_620, %get3A_621] {strides = array<i32>} : memref<8x16xf32, #tpu.memory_space<vmem>>, vector<1x16xf32>,
      %get3A_623 = vector.shape_cast %get3A_622 : vector<1x16xf32> to vector<16xf32>
      %add3A_624 = arith.addf %get3A_623, %add3A_618 : vector<16xf32>
      %swap3A_625 = arith.constant 0 : i32
      %swap3A_626 = arith.index_cast %swap3A_625 : i32 to index
      %swap3A_627 = arith.constant 0 : index
      %swap3A_628 = tpu.vector_load %arg22[%swap3A_626, %swap3A_627] {strides = array<i32>} : memref<8x16xf32, #tpu.memory_space<vmem>>, vector<1x16xf32>,
      %swap3A_629 = vector.shape_cast %swap3A_628 : vector<1x16xf32> to vector<16xf32>
      %swap3A_630 = vector.shape_cast %add3A_624 : vector<16xf32> to vector<1x16xf32>
      tpu.vector_store %arg22[%swap3A_626, %swap3A_627], %swap3A_630 {strides = array<i32>} : memref<8x16xf32, #tpu.memory_space<vmem>>, vector<1x16xf32>,
    }
    %while3A_141 = arith.constant 1 : i32
    scf.for %while3A_348 = %while3A_139 to %while3A_135 step %while3A_141  : i32 {
      %sub3A_349 = arith.subi %while3A_348, %mul3A_133 : i32
      %broadcast_in_dim3A_350 = arith.constant 0 : i32
      %broadcast_in_dim3A_351 = vector.broadcast %broadcast_in_dim3A_350 : i32 to vector<16xi32>
      %swap3A_352 = arith.constant 88 : index
      %swap3A_353 = tpu.vector_load %arg16[%swap3A_352] {strides = array<i32>} : memref<104xi32, #tpu.memory_space<vmem>>, vector<16xi32>,
      %swap3A_354 = vector.shape_cast %swap3A_353 : vector<16xi32> to vector<16xi32>
      %swap3A_355 = vector.shape_cast %broadcast_in_dim3A_351 : vector<16xi32> to vector<16xi32>
      tpu.vector_store %arg16[%swap3A_352], %swap3A_355 {strides = array<i32>} : memref<104xi32, #tpu.memory_space<vmem>>, vector<16xi32>,
      %get3A = arith.index_cast %sub3A_349 : i32 to index
      %get3A_356 = arith.constant 0 : index
      %get3A_357 = tpu.vector_load %arg13[%get3A, %get3A_356] {strides = array<i32>} : memref<24x100xi32, #tpu.memory_space<vmem>>, vector<1x16xi32>,
      %get3A_358 = vector.shape_cast %get3A_357 : vector<1x16xi32> to vector<16xi32>
      %swap3A_359 = arith.constant 0 : index
      %swap3A_360 = tpu.vector_load %arg16[%swap3A_359] {strides = array<i32>} : memref<104xi32, #tpu.memory_space<vmem>>, vector<16xi32>,
      %swap3A_361 = vector.shape_cast %swap3A_360 : vector<16xi32> to vector<16xi32>
      %swap3A_362 = vector.shape_cast %get3A_358 : vector<16xi32> to vector<16xi32>
      tpu.vector_store %arg16[%swap3A_359], %swap3A_362 {strides = array<i32>} : memref<104xi32, #tpu.memory_space<vmem>>, vector<16xi32>,
      %get3A_363 = arith.index_cast %sub3A_349 : i32 to index
      %get3A_364 = arith.constant 16 : index
      %get3A_365 = tpu.vector_load %arg13[%get3A_363, %get3A_364] {strides = array<i32>} : memref<24x100xi32, #tpu.memory_space<vmem>>, vector<1x16xi32>,
      %get3A_366 = vector.shape_cast %get3A_365 : vector<1x16xi32> to vector<16xi32>
      %swap3A_367 = arith.constant 16 : index
      %swap3A_368 = tpu.vector_load %arg16[%swap3A_367] {strides = array<i32>} : memref<104xi32, #tpu.memory_space<vmem>>, vector<16xi32>,
      %swap3A_369 = vector.shape_cast %swap3A_368 : vector<16xi32> to vector<16xi32>
      %swap3A_370 = vector.shape_cast %get3A_366 : vector<16xi32> to vector<16xi32>
      tpu.vector_store %arg16[%swap3A_367], %swap3A_370 {strides = array<i32>} : memref<104xi32, #tpu.memory_space<vmem>>, vector<16xi32>,
      %get3A_371 = arith.index_cast %sub3A_349 : i32 to index
      %get3A_372 = arith.constant 32 : index
      %get3A_373 = tpu.vector_load %arg13[%get3A_371, %get3A_372] {strides = array<i32>} : memref<24x100xi32, #tpu.memory_space<vmem>>, vector<1x16xi32>,
      %get3A_374 = vector.shape_cast %get3A_373 : vector<1x16xi32> to vector<16xi32>
      %swap3A_375 = arith.constant 32 : index
      %swap3A_376 = tpu.vector_load %arg16[%swap3A_375] {strides = array<i32>} : memref<104xi32, #tpu.memory_space<vmem>>, vector<16xi32>,
      %swap3A_377 = vector.shape_cast %swap3A_376 : vector<16xi32> to vector<16xi32>
      %swap3A_378 = vector.shape_cast %get3A_374 : vector<16xi32> to vector<16xi32>
      tpu.vector_store %arg16[%swap3A_375], %swap3A_378 {strides = array<i32>} : memref<104xi32, #tpu.memory_space<vmem>>, vector<16xi32>,
      %get3A_379 = arith.index_cast %sub3A_349 : i32 to index
      %get3A_380 = arith.constant 48 : index
      %get3A_381 = tpu.vector_load %arg13[%get3A_379, %get3A_380] {strides = array<i32>} : memref<24x100xi32, #tpu.memory_space<vmem>>, vector<1x16xi32>,
      %get3A_382 = vector.shape_cast %get3A_381 : vector<1x16xi32> to vector<16xi32>
      %swap3A_383 = arith.constant 48 : index
      %swap3A_384 = tpu.vector_load %arg16[%swap3A_383] {strides = array<i32>} : memref<104xi32, #tpu.memory_space<vmem>>, vector<16xi32>,
      %swap3A_385 = vector.shape_cast %swap3A_384 : vector<16xi32> to vector<16xi32>
      %swap3A_386 = vector.shape_cast %get3A_382 : vector<16xi32> to vector<16xi32>
      tpu.vector_store %arg16[%swap3A_383], %swap3A_386 {strides = array<i32>} : memref<104xi32, #tpu.memory_space<vmem>>, vector<16xi32>,
      %get3A_387 = arith.index_cast %sub3A_349 : i32 to index
      %get3A_388 = arith.constant 64 : index
      %get3A_389 = tpu.vector_load %arg13[%get3A_387, %get3A_388] {strides = array<i32>} : memref<24x100xi32, #tpu.memory_space<vmem>>, vector<1x16xi32>,
      %get3A_390 = vector.shape_cast %get3A_389 : vector<1x16xi32> to vector<16xi32>
      %swap3A_391 = arith.constant 64 : index
      %swap3A_392 = tpu.vector_load %arg16[%swap3A_391] {strides = array<i32>} : memref<104xi32, #tpu.memory_space<vmem>>, vector<16xi32>,
      %swap3A_393 = vector.shape_cast %swap3A_392 : vector<16xi32> to vector<16xi32>
      %swap3A_394 = vector.shape_cast %get3A_390 : vector<16xi32> to vector<16xi32>
      tpu.vector_store %arg16[%swap3A_391], %swap3A_394 {strides = array<i32>} : memref<104xi32, #tpu.memory_space<vmem>>, vector<16xi32>,
      %get3A_395 = arith.index_cast %sub3A_349 : i32 to index
      %get3A_396 = arith.constant 80 : index
      %get3A_397 = tpu.vector_load %arg13[%get3A_395, %get3A_396] {strides = array<i32>} : memref<24x100xi32, #tpu.memory_space<vmem>>, vector<1x16xi32>,
      %get3A_398 = vector.shape_cast %get3A_397 : vector<1x16xi32> to vector<16xi32>
      %swap3A_399 = arith.constant 80 : index
      %swap3A_400 = tpu.vector_load %arg16[%swap3A_399] {strides = array<i32>} : memref<104xi32, #tpu.memory_space<vmem>>, vector<16xi32>,
      %swap3A_401 = vector.shape_cast %swap3A_400 : vector<16xi32> to vector<16xi32>
      %swap3A_402 = vector.shape_cast %get3A_398 : vector<16xi32> to vector<16xi32>
      tpu.vector_store %arg16[%swap3A_399], %swap3A_402 {strides = array<i32>} : memref<104xi32, #tpu.memory_space<vmem>>, vector<16xi32>,
      %get3A_403 = arith.index_cast %sub3A_349 : i32 to index
      %get3A_404 = arith.constant 84 : index
      %get3A_405 = tpu.vector_load %arg13[%get3A_403, %get3A_404] {strides = array<i32>} : memref<24x100xi32, #tpu.memory_space<vmem>>, vector<1x16xi32>,
      %get3A_406 = vector.shape_cast %get3A_405 : vector<1x16xi32> to vector<16xi32>
      %swap3A_407 = arith.constant 84 : index
      %swap3A_408 = tpu.vector_load %arg16[%swap3A_407] {strides = array<i32>} : memref<104xi32, #tpu.memory_space<vmem>>, vector<16xi32>,
      %swap3A_409 = vector.shape_cast %swap3A_408 : vector<16xi32> to vector<16xi32>
      %swap3A_410 = vector.shape_cast %get3A_406 : vector<16xi32> to vector<16xi32>
      tpu.vector_store %arg16[%swap3A_407], %swap3A_410 {strides = array<i32>} : memref<104xi32, #tpu.memory_space<vmem>>, vector<16xi32>,
      %dma_start3A = arith.constant 0 : i32
      %dma_start3A_411 = arith.constant 0 : i32
      %dma_start3A_412 = tpu.memref_slice %arg2[%dma_start3A, %dma_start3A_411] : memref<50000x512xf32, #tpu.memory_space<hbm>> -> memref<50000x512xf32, #tpu.memory_space<hbm>>
      tpu.enqueue_indirect_dma source(%dma_start3A_412 : memref<50000x512xf32, #tpu.memory_space<hbm>>) target(%arg10 : memref<104x512xf32, #tpu.memory_space<vmem>>) offsets(%arg16 : memref<104xi32, #tpu.memory_space<vmem>>) semaphore(%arg23 : memref<!tpu.dma_semaphore, #tpu.memory_space<semaphore_mem>>)
      %dma_wait3A = arith.constant 0 : i32
      %dma_wait3A_413 = arith.constant 0 : i32
      %dma_wait3A_414 = tpu.memref_slice %arg2[%dma_wait3A, %dma_wait3A_413] : memref<50000x512xf32, #tpu.memory_space<hbm>> -> memref<50000x512xf32, #tpu.memory_space<hbm>>
      tpu.wait_indirect_dma semaphore(%arg23 : memref<!tpu.dma_semaphore, #tpu.memory_space<semaphore_mem>>) src(%dma_wait3A_414 : memref<50000x512xf32, #tpu.memory_space<hbm>>) dst(%arg10 : memref<104x512xf32, #tpu.memory_space<vmem>>)
      %scan3A = arith.constant 0 : i32
      %scan3A_415 = arith.constant 100 : i32
      %scan3A_416 = arith.addi %scan3A, %scan3A_415 : i32
      %scan3A_417 = arith.constant 1 : i32
      %scan3A_418:32 = scf.for %scan3A_631 = %scan3A to %scan3A_416 step %scan3A_417 iter_args(%scan3A_632 = %broadcast_in_dim3A_3, %scan3A_633 = %broadcast_in_dim3A_3, %scan3A_634 = %broadcast_in_dim3A_3, %scan3A_635 = %broadcast_in_dim3A_3, %scan3A_636 = %broadcast_in_dim3A_3, %scan3A_637 = %broadcast_in_dim3A_3, %scan3A_638 = %broadcast_in_dim3A_3, %scan3A_639 = %broadcast_in_dim3A_3, %scan3A_640 = %broadcast_in_dim3A_3, %scan3A_641 = %broadcast_in_dim3A_3, %scan3A_642 = %broadcast_in_dim3A_3, %scan3A_643 = %broadcast_in_dim3A_3, %scan3A_644 = %broadcast_in_dim3A_3, %scan3A_645 = %broadcast_in_dim3A_3, %scan3A_646 = %broadcast_in_dim3A_3, %scan3A_647 = %broadcast_in_dim3A_3, %scan3A_648 = %broadcast_in_dim3A_3, %scan3A_649 = %broadcast_in_dim3A_3, %scan3A_650 = %broadcast_in_dim3A_3, %scan3A_651 = %broadcast_in_dim3A_3, %scan3A_652 = %broadcast_in_dim3A_3, %scan3A_653 = %broadcast_in_dim3A_3, %scan3A_654 = %broadcast_in_dim3A_3, %scan3A_655 = %broadcast_in_dim3A_3, %scan3A_656 = %broadcast_in_dim3A_3, %scan3A_657 = %broadcast_in_dim3A_3, %scan3A_658 = %broadcast_in_dim3A_3, %scan3A_659 = %broadcast_in_dim3A_3, %scan3A_660 = %broadcast_in_dim3A_3, %scan3A_661 = %broadcast_in_dim3A_3, %scan3A_662 = %broadcast_in_dim3A_3, %scan3A_663 = %broadcast_in_dim3A_3) -> (vector<16xf32>, vector<16xf32>, vector<16xf32>, vector<16xf32>, vector<16xf32>, vector<16xf32>, vector<16xf32>, vector<16xf32>, vector<16xf32>, vector<16xf32>, vector<16xf32>, vector<16xf32>, vector<16xf32>, vector<16xf32>, vector<16xf32>, vector<16xf32>, vector<16xf32>, vector<16xf32>, vector<16xf32>, vector<16xf32>, vector<16xf32>, vector<16xf32>, vector<16xf32>, vector<16xf32>, vector<16xf32>, vector<16xf32>, vector<16xf32>, vector<16xf32>, vector<16xf32>, vector<16xf32>, vector<16xf32>, vector<16xf32>)  : i32 {
        %get3A_664 = arith.index_cast %scan3A_631 : i32 to index
        %get3A_665 = arith.constant 0 : index
        %get3A_666 = tpu.vector_load %arg10[%get3A_664, %get3A_665] {strides = array<i32>} : memref<104x512xf32, #tpu.memory_space<vmem>>, vector<1x16xf32>,
        %get3A_667 = vector.shape_cast %get3A_666 : vector<1x16xf32> to vector<16xf32>
        %add3A_668 = arith.addf %scan3A_632, %get3A_667 : vector<16xf32>
        %get3A_669 = arith.index_cast %scan3A_631 : i32 to index
        %get3A_670 = arith.constant 16 : index
        %get3A_671 = tpu.vector_load %arg10[%get3A_669, %get3A_670] {strides = array<i32>} : memref<104x512xf32, #tpu.memory_space<vmem>>, vector<1x16xf32>,
        %get3A_672 = vector.shape_cast %get3A_671 : vector<1x16xf32> to vector<16xf32>
        %add3A_673 = arith.addf %scan3A_633, %get3A_672 : vector<16xf32>
        %get3A_674 = arith.index_cast %scan3A_631 : i32 to index
        %get3A_675 = arith.constant 32 : index
        %get3A_676 = tpu.vector_load %arg10[%get3A_674, %get3A_675] {strides = array<i32>} : memref<104x512xf32, #tpu.memory_space<vmem>>, vector<1x16xf32>,
        %get3A_677 = vector.shape_cast %get3A_676 : vector<1x16xf32> to vector<16xf32>
        %add3A_678 = arith.addf %scan3A_634, %get3A_677 : vector<16xf32>
        %get3A_679 = arith.index_cast %scan3A_631 : i32 to index
        %get3A_680 = arith.constant 48 : index
        %get3A_681 = tpu.vector_load %arg10[%get3A_679, %get3A_680] {strides = array<i32>} : memref<104x512xf32, #tpu.memory_space<vmem>>, vector<1x16xf32>,
        %get3A_682 = vector.shape_cast %get3A_681 : vector<1x16xf32> to vector<16xf32>
        %add3A_683 = arith.addf %scan3A_635, %get3A_682 : vector<16xf32>
        %get3A_684 = arith.index_cast %scan3A_631 : i32 to index
        %get3A_685 = arith.constant 64 : index
        %get3A_686 = tpu.vector_load %arg10[%get3A_684, %get3A_685] {strides = array<i32>} : memref<104x512xf32, #tpu.memory_space<vmem>>, vector<1x16xf32>,
        %get3A_687 = vector.shape_cast %get3A_686 : vector<1x16xf32> to vector<16xf32>
        %add3A_688 = arith.addf %scan3A_636, %get3A_687 : vector<16xf32>
        %get3A_689 = arith.index_cast %scan3A_631 : i32 to index
        %get3A_690 = arith.constant 80 : index
        %get3A_691 = tpu.vector_load %arg10[%get3A_689, %get3A_690] {strides = array<i32>} : memref<104x512xf32, #tpu.memory_space<vmem>>, vector<1x16xf32>,
        %get3A_692 = vector.shape_cast %get3A_691 : vector<1x16xf32> to vector<16xf32>
        %add3A_693 = arith.addf %scan3A_637, %get3A_692 : vector<16xf32>
        %get3A_694 = arith.index_cast %scan3A_631 : i32 to index
        %get3A_695 = arith.constant 96 : index
        %get3A_696 = tpu.vector_load %arg10[%get3A_694, %get3A_695] {strides = array<i32>} : memref<104x512xf32, #tpu.memory_space<vmem>>, vector<1x16xf32>,
        %get3A_697 = vector.shape_cast %get3A_696 : vector<1x16xf32> to vector<16xf32>
        %add3A_698 = arith.addf %scan3A_638, %get3A_697 : vector<16xf32>
        %get3A_699 = arith.index_cast %scan3A_631 : i32 to index
        %get3A_700 = arith.constant 112 : index
        %get3A_701 = tpu.vector_load %arg10[%get3A_699, %get3A_700] {strides = array<i32>} : memref<104x512xf32, #tpu.memory_space<vmem>>, vector<1x16xf32>,
        %get3A_702 = vector.shape_cast %get3A_701 : vector<1x16xf32> to vector<16xf32>
        %add3A_703 = arith.addf %scan3A_639, %get3A_702 : vector<16xf32>
        %get3A_704 = arith.index_cast %scan3A_631 : i32 to index
        %get3A_705 = arith.constant 128 : index
        %get3A_706 = tpu.vector_load %arg10[%get3A_704, %get3A_705] {strides = array<i32>} : memref<104x512xf32, #tpu.memory_space<vmem>>, vector<1x16xf32>,
        %get3A_707 = vector.shape_cast %get3A_706 : vector<1x16xf32> to vector<16xf32>
        %add3A_708 = arith.addf %scan3A_640, %get3A_707 : vector<16xf32>
        %get3A_709 = arith.index_cast %scan3A_631 : i32 to index
        %get3A_710 = arith.constant 144 : index
        %get3A_711 = tpu.vector_load %arg10[%get3A_709, %get3A_710] {strides = array<i32>} : memref<104x512xf32, #tpu.memory_space<vmem>>, vector<1x16xf32>,
        %get3A_712 = vector.shape_cast %get3A_711 : vector<1x16xf32> to vector<16xf32>
        %add3A_713 = arith.addf %scan3A_641, %get3A_712 : vector<16xf32>
        %get3A_714 = arith.index_cast %scan3A_631 : i32 to index
        %get3A_715 = arith.constant 160 : index
        %get3A_716 = tpu.vector_load %arg10[%get3A_714, %get3A_715] {strides = array<i32>} : memref<104x512xf32, #tpu.memory_space<vmem>>, vector<1x16xf32>,
        %get3A_717 = vector.shape_cast %get3A_716 : vector<1x16xf32> to vector<16xf32>
        %add3A_718 = arith.addf %scan3A_642, %get3A_717 : vector<16xf32>
        %get3A_719 = arith.index_cast %scan3A_631 : i32 to index
        %get3A_720 = arith.constant 176 : index
        %get3A_721 = tpu.vector_load %arg10[%get3A_719, %get3A_720] {strides = array<i32>} : memref<104x512xf32, #tpu.memory_space<vmem>>, vector<1x16xf32>,
        %get3A_722 = vector.shape_cast %get3A_721 : vector<1x16xf32> to vector<16xf32>
        %add3A_723 = arith.addf %scan3A_643, %get3A_722 : vector<16xf32>
        %get3A_724 = arith.index_cast %scan3A_631 : i32 to index
        %get3A_725 = arith.constant 192 : index
        %get3A_726 = tpu.vector_load %arg10[%get3A_724, %get3A_725] {strides = array<i32>} : memref<104x512xf32, #tpu.memory_space<vmem>>, vector<1x16xf32>,
        %get3A_727 = vector.shape_cast %get3A_726 : vector<1x16xf32> to vector<16xf32>
        %add3A_728 = arith.addf %scan3A_644, %get3A_727 : vector<16xf32>
        %get3A_729 = arith.index_cast %scan3A_631 : i32 to index
        %get3A_730 = arith.constant 208 : index
        %get3A_731 = tpu.vector_load %arg10[%get3A_729, %get3A_730] {strides = array<i32>} : memref<104x512xf32, #tpu.memory_space<vmem>>, vector<1x16xf32>,
        %get3A_732 = vector.shape_cast %get3A_731 : vector<1x16xf32> to vector<16xf32>
        %add3A_733 = arith.addf %scan3A_645, %get3A_732 : vector<16xf32>
        %get3A_734 = arith.index_cast %scan3A_631 : i32 to index
        %get3A_735 = arith.constant 224 : index
        %get3A_736 = tpu.vector_load %arg10[%get3A_734, %get3A_735] {strides = array<i32>} : memref<104x512xf32, #tpu.memory_space<vmem>>, vector<1x16xf32>,
        %get3A_737 = vector.shape_cast %get3A_736 : vector<1x16xf32> to vector<16xf32>
        %add3A_738 = arith.addf %scan3A_646, %get3A_737 : vector<16xf32>
        %get3A_739 = arith.index_cast %scan3A_631 : i32 to index
        %get3A_740 = arith.constant 240 : index
        %get3A_741 = tpu.vector_load %arg10[%get3A_739, %get3A_740] {strides = array<i32>} : memref<104x512xf32, #tpu.memory_space<vmem>>, vector<1x16xf32>,
        %get3A_742 = vector.shape_cast %get3A_741 : vector<1x16xf32> to vector<16xf32>
        %add3A_743 = arith.addf %scan3A_647, %get3A_742 : vector<16xf32>
        %get3A_744 = arith.index_cast %scan3A_631 : i32 to index
        %get3A_745 = arith.constant 256 : index
        %get3A_746 = tpu.vector_load %arg10[%get3A_744, %get3A_745] {strides = array<i32>} : memref<104x512xf32, #tpu.memory_space<vmem>>, vector<1x16xf32>,
        %get3A_747 = vector.shape_cast %get3A_746 : vector<1x16xf32> to vector<16xf32>
        %add3A_748 = arith.addf %scan3A_648, %get3A_747 : vector<16xf32>
        %get3A_749 = arith.index_cast %scan3A_631 : i32 to index
        %get3A_750 = arith.constant 272 : index
        %get3A_751 = tpu.vector_load %arg10[%get3A_749, %get3A_750] {strides = array<i32>} : memref<104x512xf32, #tpu.memory_space<vmem>>, vector<1x16xf32>,
        %get3A_752 = vector.shape_cast %get3A_751 : vector<1x16xf32> to vector<16xf32>
        %add3A_753 = arith.addf %scan3A_649, %get3A_752 : vector<16xf32>
        %get3A_754 = arith.index_cast %scan3A_631 : i32 to index
        %get3A_755 = arith.constant 288 : index
        %get3A_756 = tpu.vector_load %arg10[%get3A_754, %get3A_755] {strides = array<i32>} : memref<104x512xf32, #tpu.memory_space<vmem>>, vector<1x16xf32>,
        %get3A_757 = vector.shape_cast %get3A_756 : vector<1x16xf32> to vector<16xf32>
        %add3A_758 = arith.addf %scan3A_650, %get3A_757 : vector<16xf32>
        %get3A_759 = arith.index_cast %scan3A_631 : i32 to index
        %get3A_760 = arith.constant 304 : index
        %get3A_761 = tpu.vector_load %arg10[%get3A_759, %get3A_760] {strides = array<i32>} : memref<104x512xf32, #tpu.memory_space<vmem>>, vector<1x16xf32>,
        %get3A_762 = vector.shape_cast %get3A_761 : vector<1x16xf32> to vector<16xf32>
        %add3A_763 = arith.addf %scan3A_651, %get3A_762 : vector<16xf32>
        %get3A_764 = arith.index_cast %scan3A_631 : i32 to index
        %get3A_765 = arith.constant 320 : index
        %get3A_766 = tpu.vector_load %arg10[%get3A_764, %get3A_765] {strides = array<i32>} : memref<104x512xf32, #tpu.memory_space<vmem>>, vector<1x16xf32>,
        %get3A_767 = vector.shape_cast %get3A_766 : vector<1x16xf32> to vector<16xf32>
        %add3A_768 = arith.addf %scan3A_652, %get3A_767 : vector<16xf32>
        %get3A_769 = arith.index_cast %scan3A_631 : i32 to index
        %get3A_770 = arith.constant 336 : index
        %get3A_771 = tpu.vector_load %arg10[%get3A_769, %get3A_770] {strides = array<i32>} : memref<104x512xf32, #tpu.memory_space<vmem>>, vector<1x16xf32>,
        %get3A_772 = vector.shape_cast %get3A_771 : vector<1x16xf32> to vector<16xf32>
        %add3A_773 = arith.addf %scan3A_653, %get3A_772 : vector<16xf32>
        %get3A_774 = arith.index_cast %scan3A_631 : i32 to index
        %get3A_775 = arith.constant 352 : index
        %get3A_776 = tpu.vector_load %arg10[%get3A_774, %get3A_775] {strides = array<i32>} : memref<104x512xf32, #tpu.memory_space<vmem>>, vector<1x16xf32>,
        %get3A_777 = vector.shape_cast %get3A_776 : vector<1x16xf32> to vector<16xf32>
        %add3A_778 = arith.addf %scan3A_654, %get3A_777 : vector<16xf32>
        %get3A_779 = arith.index_cast %scan3A_631 : i32 to index
        %get3A_780 = arith.constant 368 : index
        %get3A_781 = tpu.vector_load %arg10[%get3A_779, %get3A_780] {strides = array<i32>} : memref<104x512xf32, #tpu.memory_space<vmem>>, vector<1x16xf32>,
        %get3A_782 = vector.shape_cast %get3A_781 : vector<1x16xf32> to vector<16xf32>
        %add3A_783 = arith.addf %scan3A_655, %get3A_782 : vector<16xf32>
        %get3A_784 = arith.index_cast %scan3A_631 : i32 to index
        %get3A_785 = arith.constant 384 : index
        %get3A_786 = tpu.vector_load %arg10[%get3A_784, %get3A_785] {strides = array<i32>} : memref<104x512xf32, #tpu.memory_space<vmem>>, vector<1x16xf32>,
        %get3A_787 = vector.shape_cast %get3A_786 : vector<1x16xf32> to vector<16xf32>
        %add3A_788 = arith.addf %scan3A_656, %get3A_787 : vector<16xf32>
        %get3A_789 = arith.index_cast %scan3A_631 : i32 to index
        %get3A_790 = arith.constant 400 : index
        %get3A_791 = tpu.vector_load %arg10[%get3A_789, %get3A_790] {strides = array<i32>} : memref<104x512xf32, #tpu.memory_space<vmem>>, vector<1x16xf32>,
        %get3A_792 = vector.shape_cast %get3A_791 : vector<1x16xf32> to vector<16xf32>
        %add3A_793 = arith.addf %scan3A_657, %get3A_792 : vector<16xf32>
        %get3A_794 = arith.index_cast %scan3A_631 : i32 to index
        %get3A_795 = arith.constant 416 : index
        %get3A_796 = tpu.vector_load %arg10[%get3A_794, %get3A_795] {strides = array<i32>} : memref<104x512xf32, #tpu.memory_space<vmem>>, vector<1x16xf32>,
        %get3A_797 = vector.shape_cast %get3A_796 : vector<1x16xf32> to vector<16xf32>
        %add3A_798 = arith.addf %scan3A_658, %get3A_797 : vector<16xf32>
        %get3A_799 = arith.index_cast %scan3A_631 : i32 to index
        %get3A_800 = arith.constant 432 : index
        %get3A_801 = tpu.vector_load %arg10[%get3A_799, %get3A_800] {strides = array<i32>} : memref<104x512xf32, #tpu.memory_space<vmem>>, vector<1x16xf32>,
        %get3A_802 = vector.shape_cast %get3A_801 : vector<1x16xf32> to vector<16xf32>
        %add3A_803 = arith.addf %scan3A_659, %get3A_802 : vector<16xf32>
        %get3A_804 = arith.index_cast %scan3A_631 : i32 to index
        %get3A_805 = arith.constant 448 : index
        %get3A_806 = tpu.vector_load %arg10[%get3A_804, %get3A_805] {strides = array<i32>} : memref<104x512xf32, #tpu.memory_space<vmem>>, vector<1x16xf32>,
        %get3A_807 = vector.shape_cast %get3A_806 : vector<1x16xf32> to vector<16xf32>
        %add3A_808 = arith.addf %scan3A_660, %get3A_807 : vector<16xf32>
        %get3A_809 = arith.index_cast %scan3A_631 : i32 to index
        %get3A_810 = arith.constant 464 : index
        %get3A_811 = tpu.vector_load %arg10[%get3A_809, %get3A_810] {strides = array<i32>} : memref<104x512xf32, #tpu.memory_space<vmem>>, vector<1x16xf32>,
        %get3A_812 = vector.shape_cast %get3A_811 : vector<1x16xf32> to vector<16xf32>
        %add3A_813 = arith.addf %scan3A_661, %get3A_812 : vector<16xf32>
        %get3A_814 = arith.index_cast %scan3A_631 : i32 to index
        %get3A_815 = arith.constant 480 : index
        %get3A_816 = tpu.vector_load %arg10[%get3A_814, %get3A_815] {strides = array<i32>} : memref<104x512xf32, #tpu.memory_space<vmem>>, vector<1x16xf32>,
        %get3A_817 = vector.shape_cast %get3A_816 : vector<1x16xf32> to vector<16xf32>
        %add3A_818 = arith.addf %scan3A_662, %get3A_817 : vector<16xf32>
        %get3A_819 = arith.index_cast %scan3A_631 : i32 to index
        %get3A_820 = arith.constant 496 : index
        %get3A_821 = tpu.vector_load %arg10[%get3A_819, %get3A_820] {strides = array<i32>} : memref<104x512xf32, #tpu.memory_space<vmem>>, vector<1x16xf32>,
        %get3A_822 = vector.shape_cast %get3A_821 : vector<1x16xf32> to vector<16xf32>
        %add3A_823 = arith.addf %scan3A_663, %get3A_822 : vector<16xf32>
        scf.yield %add3A_668, %add3A_673, %add3A_678, %add3A_683, %add3A_688, %add3A_693, %add3A_698, %add3A_703, %add3A_708, %add3A_713, %add3A_718, %add3A_723, %add3A_728, %add3A_733, %add3A_738, %add3A_743, %add3A_748, %add3A_753, %add3A_758, %add3A_763, %add3A_768, %add3A_773, %add3A_778, %add3A_783, %add3A_788, %add3A_793, %add3A_798, %add3A_803, %add3A_808, %add3A_813, %add3A_818, %add3A_823 : vector<16xf32>, vector<16xf32>, vector<16xf32>, vector<16xf32>, vector<16xf32>, vector<16xf32>, vector<16xf32>, vector<16xf32>, vector<16xf32>, vector<16xf32>, vector<16xf32>, vector<16xf32>, vector<16xf32>, vector<16xf32>, vector<16xf32>, vector<16xf32>, vector<16xf32>, vector<16xf32>, vector<16xf32>, vector<16xf32>, vector<16xf32>, vector<16xf32>, vector<16xf32>, vector<16xf32>, vector<16xf32>, vector<16xf32>, vector<16xf32>, vector<16xf32>, vector<16xf32>, vector<16xf32>, vector<16xf32>, vector<16xf32>
      }
      %scan3A_419 = arith.constant 100 : i32
      %get3A_420 = arith.index_cast %sub3A_349 : i32 to index
      %get3A_421 = arith.constant 0 : index
      %get3A_422 = tpu.vector_load %arg19[%get3A_420, %get3A_421] {strides = array<i32>} : memref<24x64xf32, #tpu.memory_space<vmem>>, vector<1x16xf32>,
      %get3A_423 = vector.shape_cast %get3A_422 : vector<1x16xf32> to vector<16xf32>
      %get3A_424 = arith.index_cast %sub3A_349 : i32 to index
      %get3A_425 = arith.constant 16 : index
      %get3A_426 = tpu.vector_load %arg19[%get3A_424, %get3A_425] {strides = array<i32>} : memref<24x64xf32, #tpu.memory_space<vmem>>, vector<1x16xf32>,
      %get3A_427 = vector.shape_cast %get3A_426 : vector<1x16xf32> to vector<16xf32>
      %get3A_428 = arith.index_cast %sub3A_349 : i32 to index
      %get3A_429 = arith.constant 32 : index
      %get3A_430 = tpu.vector_load %arg19[%get3A_428, %get3A_429] {strides = array<i32>} : memref<24x64xf32, #tpu.memory_space<vmem>>, vector<1x16xf32>,
      %get3A_431 = vector.shape_cast %get3A_430 : vector<1x16xf32> to vector<16xf32>
      %get3A_432 = arith.index_cast %sub3A_349 : i32 to index
      %get3A_433 = arith.constant 48 : index
      %get3A_434 = tpu.vector_load %arg19[%get3A_432, %get3A_433] {strides = array<i32>} : memref<24x64xf32, #tpu.memory_space<vmem>>, vector<1x16xf32>,
      %get3A_435 = vector.shape_cast %get3A_434 : vector<1x16xf32> to vector<16xf32>
      %sub3A_436 = arith.subf %scan3A_418#0, %get3A_423 : vector<16xf32>
      %max3A = arith.constant 0.000000e+00 : f32
      %max3A_437 = vector.broadcast %max3A : f32 to vector<16xf32>
      %max3A_438 = arith.maximumf %sub3A_436, %max3A_437 : vector<16xf32>
      %sub3A_439 = arith.subf %scan3A_418#1, %get3A_427 : vector<16xf32>
      %max3A_440 = arith.constant 0.000000e+00 : f32
      %max3A_441 = vector.broadcast %max3A_440 : f32 to vector<16xf32>
      %max3A_442 = arith.maximumf %sub3A_439, %max3A_441 : vector<16xf32>
      %sub3A_443 = arith.subf %scan3A_418#2, %get3A_431 : vector<16xf32>
      %max3A_444 = arith.constant 0.000000e+00 : f32
      %max3A_445 = vector.broadcast %max3A_444 : f32 to vector<16xf32>
      %max3A_446 = arith.maximumf %sub3A_443, %max3A_445 : vector<16xf32>
      %sub3A_447 = arith.subf %scan3A_418#3, %get3A_435 : vector<16xf32>
      %jit3A_448 = arith.constant -1.000000e+00 : f32
      %broadcast_in_dim3A_449 = vector.broadcast %jit3A_448 : f32 to vector<16xf32>
      %select_n3A_450 = arith.select %lt3A_2, %sub3A_447, %broadcast_in_dim3A_449 : vector<16xi1>, vector<16xf32>
      %max3A_451 = arith.constant 0.000000e+00 : f32
      %max3A_452 = vector.broadcast %max3A_451 : f32 to vector<16xf32>
      %max3A_453 = arith.maximumf %select_n3A_450, %max3A_452 : vector<16xf32>
      %add3A_454 = arith.addf %max3A_438, %max3A_442 : vector<16xf32>
      %add3A_455 = arith.addf %add3A_454, %max3A_446 : vector<16xf32>
      %add3A_456 = arith.addf %add3A_455, %max3A_453 : vector<16xf32>
      %add3A_457 = arith.addf %broadcast_in_dim3A_3, %add3A_456 : vector<16xf32>
      %sub3A_458 = arith.subf %scan3A_418#4, %get3A_423 : vector<16xf32>
      %max3A_459 = arith.constant 0.000000e+00 : f32
      %max3A_460 = vector.broadcast %max3A_459 : f32 to vector<16xf32>
      %max3A_461 = arith.maximumf %sub3A_458, %max3A_460 : vector<16xf32>
      %sub3A_462 = arith.subf %scan3A_418#5, %get3A_427 : vector<16xf32>
      %max3A_463 = arith.constant 0.000000e+00 : f32
      %max3A_464 = vector.broadcast %max3A_463 : f32 to vector<16xf32>
      %max3A_465 = arith.maximumf %sub3A_462, %max3A_464 : vector<16xf32>
      %sub3A_466 = arith.subf %scan3A_418#6, %get3A_431 : vector<16xf32>
      %max3A_467 = arith.constant 0.000000e+00 : f32
      %max3A_468 = vector.broadcast %max3A_467 : f32 to vector<16xf32>
      %max3A_469 = arith.maximumf %sub3A_466, %max3A_468 : vector<16xf32>
      %sub3A_470 = arith.subf %scan3A_418#7, %get3A_435 : vector<16xf32>
      %jit3A_471 = arith.constant -1.000000e+00 : f32
      %broadcast_in_dim3A_472 = vector.broadcast %jit3A_471 : f32 to vector<16xf32>
      %select_n3A_473 = arith.select %lt3A_2, %sub3A_470, %broadcast_in_dim3A_472 : vector<16xi1>, vector<16xf32>
      %max3A_474 = arith.constant 0.000000e+00 : f32
      %max3A_475 = vector.broadcast %max3A_474 : f32 to vector<16xf32>
      %max3A_476 = arith.maximumf %select_n3A_473, %max3A_475 : vector<16xf32>
      %add3A_477 = arith.addf %max3A_461, %max3A_465 : vector<16xf32>
      %add3A_478 = arith.addf %add3A_477, %max3A_469 : vector<16xf32>
      %add3A_479 = arith.addf %add3A_478, %max3A_476 : vector<16xf32>
      %add3A_480 = arith.addf %add3A_457, %add3A_479 : vector<16xf32>
      %sub3A_481 = arith.subf %scan3A_418#8, %get3A_423 : vector<16xf32>
      %max3A_482 = arith.constant 0.000000e+00 : f32
      %max3A_483 = vector.broadcast %max3A_482 : f32 to vector<16xf32>
      %max3A_484 = arith.maximumf %sub3A_481, %max3A_483 : vector<16xf32>
      %sub3A_485 = arith.subf %scan3A_418#9, %get3A_427 : vector<16xf32>
      %max3A_486 = arith.constant 0.000000e+00 : f32
      %max3A_487 = vector.broadcast %max3A_486 : f32 to vector<16xf32>
      %max3A_488 = arith.maximumf %sub3A_485, %max3A_487 : vector<16xf32>
      %sub3A_489 = arith.subf %scan3A_418#10, %get3A_431 : vector<16xf32>
      %max3A_490 = arith.constant 0.000000e+00 : f32
      %max3A_491 = vector.broadcast %max3A_490 : f32 to vector<16xf32>
      %max3A_492 = arith.maximumf %sub3A_489, %max3A_491 : vector<16xf32>
      %sub3A_493 = arith.subf %scan3A_418#11, %get3A_435 : vector<16xf32>
      %jit3A_494 = arith.constant -1.000000e+00 : f32
      %broadcast_in_dim3A_495 = vector.broadcast %jit3A_494 : f32 to vector<16xf32>
      %select_n3A_496 = arith.select %lt3A_2, %sub3A_493, %broadcast_in_dim3A_495 : vector<16xi1>, vector<16xf32>
      %max3A_497 = arith.constant 0.000000e+00 : f32
      %max3A_498 = vector.broadcast %max3A_497 : f32 to vector<16xf32>
      %max3A_499 = arith.maximumf %select_n3A_496, %max3A_498 : vector<16xf32>
      %add3A_500 = arith.addf %max3A_484, %max3A_488 : vector<16xf32>
      %add3A_501 = arith.addf %add3A_500, %max3A_492 : vector<16xf32>
      %add3A_502 = arith.addf %add3A_501, %max3A_499 : vector<16xf32>
      %add3A_503 = arith.addf %add3A_480, %add3A_502 : vector<16xf32>
      %sub3A_504 = arith.subf %scan3A_418#12, %get3A_423 : vector<16xf32>
      %max3A_505 = arith.constant 0.000000e+00 : f32
      %max3A_506 = vector.broadcast %max3A_505 : f32 to vector<16xf32>
      %max3A_507 = arith.maximumf %sub3A_504, %max3A_506 : vector<16xf32>
      %sub3A_508 = arith.subf %scan3A_418#13, %get3A_427 : vector<16xf32>
      %max3A_509 = arith.constant 0.000000e+00 : f32
      %max3A_510 = vector.broadcast %max3A_509 : f32 to vector<16xf32>
      %max3A_511 = arith.maximumf %sub3A_508, %max3A_510 : vector<16xf32>
      %sub3A_512 = arith.subf %scan3A_418#14, %get3A_431 : vector<16xf32>
      %max3A_513 = arith.constant 0.000000e+00 : f32
      %max3A_514 = vector.broadcast %max3A_513 : f32 to vector<16xf32>
      %max3A_515 = arith.maximumf %sub3A_512, %max3A_514 : vector<16xf32>
      %sub3A_516 = arith.subf %scan3A_418#15, %get3A_435 : vector<16xf32>
      %jit3A_517 = arith.constant -1.000000e+00 : f32
      %broadcast_in_dim3A_518 = vector.broadcast %jit3A_517 : f32 to vector<16xf32>
      %select_n3A_519 = arith.select %lt3A_2, %sub3A_516, %broadcast_in_dim3A_518 : vector<16xi1>, vector<16xf32>
      %max3A_520 = arith.constant 0.000000e+00 : f32
      %max3A_521 = vector.broadcast %max3A_520 : f32 to vector<16xf32>
      %max3A_522 = arith.maximumf %select_n3A_519, %max3A_521 : vector<16xf32>
      %add3A_523 = arith.addf %max3A_507, %max3A_511 : vector<16xf32>
      %add3A_524 = arith.addf %add3A_523, %max3A_515 : vector<16xf32>
      %add3A_525 = arith.addf %add3A_524, %max3A_522 : vector<16xf32>
      %add3A_526 = arith.addf %add3A_503, %add3A_525 : vector<16xf32>
      %sub3A_527 = arith.subf %scan3A_418#16, %get3A_423 : vector<16xf32>
      %max3A_528 = arith.constant 0.000000e+00 : f32
      %max3A_529 = vector.broadcast %max3A_528 : f32 to vector<16xf32>
      %max3A_530 = arith.maximumf %sub3A_527, %max3A_529 : vector<16xf32>
      %sub3A_531 = arith.subf %scan3A_418#17, %get3A_427 : vector<16xf32>
      %max3A_532 = arith.constant 0.000000e+00 : f32
      %max3A_533 = vector.broadcast %max3A_532 : f32 to vector<16xf32>
      %max3A_534 = arith.maximumf %sub3A_531, %max3A_533 : vector<16xf32>
      %sub3A_535 = arith.subf %scan3A_418#18, %get3A_431 : vector<16xf32>
      %max3A_536 = arith.constant 0.000000e+00 : f32
      %max3A_537 = vector.broadcast %max3A_536 : f32 to vector<16xf32>
      %max3A_538 = arith.maximumf %sub3A_535, %max3A_537 : vector<16xf32>
      %sub3A_539 = arith.subf %scan3A_418#19, %get3A_435 : vector<16xf32>
      %jit3A_540 = arith.constant -1.000000e+00 : f32
      %broadcast_in_dim3A_541 = vector.broadcast %jit3A_540 : f32 to vector<16xf32>
      %select_n3A_542 = arith.select %lt3A_2, %sub3A_539, %broadcast_in_dim3A_541 : vector<16xi1>, vector<16xf32>
      %max3A_543 = arith.constant 0.000000e+00 : f32
      %max3A_544 = vector.broadcast %max3A_543 : f32 to vector<16xf32>
      %max3A_545 = arith.maximumf %select_n3A_542, %max3A_544 : vector<16xf32>
      %add3A_546 = arith.addf %max3A_530, %max3A_534 : vector<16xf32>
      %add3A_547 = arith.addf %add3A_546, %max3A_538 : vector<16xf32>
      %add3A_548 = arith.addf %add3A_547, %max3A_545 : vector<16xf32>
      %add3A_549 = arith.addf %add3A_526, %add3A_548 : vector<16xf32>
      %sub3A_550 = arith.subf %scan3A_418#20, %get3A_423 : vector<16xf32>
      %max3A_551 = arith.constant 0.000000e+00 : f32
      %max3A_552 = vector.broadcast %max3A_551 : f32 to vector<16xf32>
      %max3A_553 = arith.maximumf %sub3A_550, %max3A_552 : vector<16xf32>
      %sub3A_554 = arith.subf %scan3A_418#21, %get3A_427 : vector<16xf32>
      %max3A_555 = arith.constant 0.000000e+00 : f32
      %max3A_556 = vector.broadcast %max3A_555 : f32 to vector<16xf32>
      %max3A_557 = arith.maximumf %sub3A_554, %max3A_556 : vector<16xf32>
      %sub3A_558 = arith.subf %scan3A_418#22, %get3A_431 : vector<16xf32>
      %max3A_559 = arith.constant 0.000000e+00 : f32
      %max3A_560 = vector.broadcast %max3A_559 : f32 to vector<16xf32>
      %max3A_561 = arith.maximumf %sub3A_558, %max3A_560 : vector<16xf32>
      %sub3A_562 = arith.subf %scan3A_418#23, %get3A_435 : vector<16xf32>
      %jit3A_563 = arith.constant -1.000000e+00 : f32
      %broadcast_in_dim3A_564 = vector.broadcast %jit3A_563 : f32 to vector<16xf32>
      %select_n3A_565 = arith.select %lt3A_2, %sub3A_562, %broadcast_in_dim3A_564 : vector<16xi1>, vector<16xf32>
      %max3A_566 = arith.constant 0.000000e+00 : f32
      %max3A_567 = vector.broadcast %max3A_566 : f32 to vector<16xf32>
      %max3A_568 = arith.maximumf %select_n3A_565, %max3A_567 : vector<16xf32>
      %add3A_569 = arith.addf %max3A_553, %max3A_557 : vector<16xf32>
      %add3A_570 = arith.addf %add3A_569, %max3A_561 : vector<16xf32>
      %add3A_571 = arith.addf %add3A_570, %max3A_568 : vector<16xf32>
      %add3A_572 = arith.addf %add3A_549, %add3A_571 : vector<16xf32>
      %sub3A_573 = arith.subf %scan3A_418#24, %get3A_423 : vector<16xf32>
      %max3A_574 = arith.constant 0.000000e+00 : f32
      %max3A_575 = vector.broadcast %max3A_574 : f32 to vector<16xf32>
      %max3A_576 = arith.maximumf %sub3A_573, %max3A_575 : vector<16xf32>
      %sub3A_577 = arith.subf %scan3A_418#25, %get3A_427 : vector<16xf32>
      %max3A_578 = arith.constant 0.000000e+00 : f32
      %max3A_579 = vector.broadcast %max3A_578 : f32 to vector<16xf32>
      %max3A_580 = arith.maximumf %sub3A_577, %max3A_579 : vector<16xf32>
      %sub3A_581 = arith.subf %scan3A_418#26, %get3A_431 : vector<16xf32>
      %max3A_582 = arith.constant 0.000000e+00 : f32
      %max3A_583 = vector.broadcast %max3A_582 : f32 to vector<16xf32>
      %max3A_584 = arith.maximumf %sub3A_581, %max3A_583 : vector<16xf32>
      %sub3A_585 = arith.subf %scan3A_418#27, %get3A_435 : vector<16xf32>
      %jit3A_586 = arith.constant -1.000000e+00 : f32
      %broadcast_in_dim3A_587 = vector.broadcast %jit3A_586 : f32 to vector<16xf32>
      %select_n3A_588 = arith.select %lt3A_2, %sub3A_585, %broadcast_in_dim3A_587 : vector<16xi1>, vector<16xf32>
      %max3A_589 = arith.constant 0.000000e+00 : f32
      %max3A_590 = vector.broadcast %max3A_589 : f32 to vector<16xf32>
      %max3A_591 = arith.maximumf %select_n3A_588, %max3A_590 : vector<16xf32>
      %add3A_592 = arith.addf %max3A_576, %max3A_580 : vector<16xf32>
      %add3A_593 = arith.addf %add3A_592, %max3A_584 : vector<16xf32>
      %add3A_594 = arith.addf %add3A_593, %max3A_591 : vector<16xf32>
      %add3A_595 = arith.addf %add3A_572, %add3A_594 : vector<16xf32>
      %sub3A_596 = arith.subf %scan3A_418#28, %get3A_423 : vector<16xf32>
      %max3A_597 = arith.constant 0.000000e+00 : f32
      %max3A_598 = vector.broadcast %max3A_597 : f32 to vector<16xf32>
      %max3A_599 = arith.maximumf %sub3A_596, %max3A_598 : vector<16xf32>
      %sub3A_600 = arith.subf %scan3A_418#29, %get3A_427 : vector<16xf32>
      %max3A_601 = arith.constant 0.000000e+00 : f32
      %max3A_602 = vector.broadcast %max3A_601 : f32 to vector<16xf32>
      %max3A_603 = arith.maximumf %sub3A_600, %max3A_602 : vector<16xf32>
      %sub3A_604 = arith.subf %scan3A_418#30, %get3A_431 : vector<16xf32>
      %max3A_605 = arith.constant 0.000000e+00 : f32
      %max3A_606 = vector.broadcast %max3A_605 : f32 to vector<16xf32>
      %max3A_607 = arith.maximumf %sub3A_604, %max3A_606 : vector<16xf32>
      %sub3A_608 = arith.subf %scan3A_418#31, %get3A_435 : vector<16xf32>
      %jit3A_609 = arith.constant -1.000000e+00 : f32
      %broadcast_in_dim3A_610 = vector.broadcast %jit3A_609 : f32 to vector<16xf32>
      %select_n3A_611 = arith.select %lt3A_2, %sub3A_608, %broadcast_in_dim3A_610 : vector<16xi1>, vector<16xf32>
      %max3A_612 = arith.constant 0.000000e+00 : f32
      %max3A_613 = vector.broadcast %max3A_612 : f32 to vector<16xf32>
      %max3A_614 = arith.maximumf %select_n3A_611, %max3A_613 : vector<16xf32>
      %add3A_615 = arith.addf %max3A_599, %max3A_603 : vector<16xf32>
      %add3A_616 = arith.addf %add3A_615, %max3A_607 : vector<16xf32>
      %add3A_617 = arith.addf %add3A_616, %max3A_614 : vector<16xf32>
      %add3A_618 = arith.addf %add3A_595, %add3A_617 : vector<16xf32>
      %get3A_619 = arith.constant 0 : i32
      %get3A_620 = arith.index_cast %get3A_619 : i32 to index
      %get3A_621 = arith.constant 0 : index
      %get3A_622 = tpu.vector_load %arg22[%get3A_620, %get3A_621] {strides = array<i32>} : memref<8x16xf32, #tpu.memory_space<vmem>>, vector<1x16xf32>,
      %get3A_623 = vector.shape_cast %get3A_622 : vector<1x16xf32> to vector<16xf32>
      %add3A_624 = arith.addf %get3A_623, %add3A_618 : vector<16xf32>
      %swap3A_625 = arith.constant 0 : i32
      %swap3A_626 = arith.index_cast %swap3A_625 : i32 to index
      %swap3A_627 = arith.constant 0 : index
      %swap3A_628 = tpu.vector_load %arg22[%swap3A_626, %swap3A_627] {strides = array<i32>} : memref<8x16xf32, #tpu.memory_space<vmem>>, vector<1x16xf32>,
      %swap3A_629 = vector.shape_cast %swap3A_628 : vector<1x16xf32> to vector<16xf32>
      %swap3A_630 = vector.shape_cast %add3A_624 : vector<16xf32> to vector<1x16xf32>
      tpu.vector_store %arg22[%swap3A_626, %swap3A_627], %swap3A_630 {strides = array<i32>} : memref<8x16xf32, #tpu.memory_space<vmem>>, vector<1x16xf32>,
    }
    %mul3A_142 = arith.constant 1000 : i32
    %mul3A_143 = arith.muli %add3A, %mul3A_142 : i32
    %jit3A_144 = arith.constant 32 : i32
    %div3A_145 = arith.divsi %mul3A_143, %jit3A_144 : i32
    %sign3A_146 = arith.constant 0 : i32
    %sign3A_147 = arith.cmpi sgt, %mul3A_143, %sign3A_146 : i32
    %sign3A_148 = arith.extui %sign3A_147 : i1 to i32
    %sign3A_149 = arith.constant 0 : i32
    %sign3A_150 = arith.cmpi slt, %mul3A_143, %sign3A_149 : i32
    %sign3A_151 = arith.extui %sign3A_150 : i1 to i32
    %sign3A_152 = arith.subi %sign3A_148, %sign3A_151 : i32
    %sign3A_153 = arith.constant 0 : i32
    %sign3A_154 = arith.cmpi sgt, %jit3A_144, %sign3A_153 : i32
    %sign3A_155 = arith.extui %sign3A_154 : i1 to i32
    %sign3A_156 = arith.constant 0 : i32
    %sign3A_157 = arith.cmpi slt, %jit3A_144, %sign3A_156 : i32
    %sign3A_158 = arith.extui %sign3A_157 : i1 to i32
    %sign3A_159 = arith.subi %sign3A_155, %sign3A_158 : i32
    %ne3A_160 = arith.cmpi ne, %sign3A_152, %sign3A_159 : i32
    %rem3A_161 = arith.remsi %mul3A_143, %jit3A_144 : i32
    %ne3A_162 = arith.constant 0 : i32
    %ne3A_163 = arith.cmpi ne, %rem3A_161, %ne3A_162 : i32
    %and3A_164 = arith.andi %ne3A_160, %ne3A_163 : i1
    %sub3A_165 = arith.constant 1 : i32
    %sub3A_166 = arith.subi %div3A_145, %sub3A_165 : i32
    %select_n3A_167 = arith.select %and3A_164, %sub3A_166, %div3A_145 : i32
    %jit3A_168 = arith.constant 8 : i32
    %div3A_169 = arith.divsi %select_n3A_167, %jit3A_168 : i32
    %sign3A_170 = arith.constant 0 : i32
    %sign3A_171 = arith.cmpi sgt, %select_n3A_167, %sign3A_170 : i32
    %sign3A_172 = arith.extui %sign3A_171 : i1 to i32
    %sign3A_173 = arith.constant 0 : i32
    %sign3A_174 = arith.cmpi slt, %select_n3A_167, %sign3A_173 : i32
    %sign3A_175 = arith.extui %sign3A_174 : i1 to i32
    %sign3A_176 = arith.subi %sign3A_172, %sign3A_175 : i32
    %sign3A_177 = arith.constant 0 : i32
    %sign3A_178 = arith.cmpi sgt, %jit3A_168, %sign3A_177 : i32
    %sign3A_179 = arith.extui %sign3A_178 : i1 to i32
    %sign3A_180 = arith.constant 0 : i32
    %sign3A_181 = arith.cmpi slt, %jit3A_168, %sign3A_180 : i32
    %sign3A_182 = arith.extui %sign3A_181 : i1 to i32
    %sign3A_183 = arith.subi %sign3A_179, %sign3A_182 : i32
    %ne3A_184 = arith.cmpi ne, %sign3A_176, %sign3A_183 : i32
    %rem3A_185 = arith.remsi %select_n3A_167, %jit3A_168 : i32
    %ne3A_186 = arith.constant 0 : i32
    %ne3A_187 = arith.cmpi ne, %rem3A_185, %ne3A_186 : i32
    %and3A_188 = arith.andi %ne3A_184, %ne3A_187 : i1
    %sub3A_189 = arith.constant 1 : i32
    %sub3A_190 = arith.subi %div3A_169, %sub3A_189 : i32
    %select_n3A_191 = arith.select %and3A_188, %sub3A_190, %div3A_169 : i32
    %mul3A_192 = arith.constant 8 : i32
    %mul3A_193 = arith.muli %mul3A_192, %select_n3A_191 : i32
    "tpu.region"() ({
      %run_scoped3A = tpu.sem_alloc : memref<!tpu.dma_semaphore, #tpu.memory_space<semaphore_mem>>
      %dma_start3A = arith.constant 0 : i32
      %dma_start3A_348 = tpu.memref_slice %arg4[%mul3A_193, %dma_start3A] : memref<1024x50xi32, #tpu.memory_space<hbm>> -> memref<40x50xi32, #tpu.memory_space<hbm>>
      %dma_start3A_349 = arith.constant 0 : i32
      %dma_start3A_350 = tpu.memref_slice %arg4[%mul3A_193, %dma_start3A_349] : memref<1024x50xi32, #tpu.memory_space<hbm>> -> memref<40x50xi32, #tpu.memory_space<hbm>>
      tpu.enqueue_dma source(%dma_start3A_350 : memref<40x50xi32, #tpu.memory_space<hbm>>) target(%arg14 : memref<40x50xi32, #tpu.memory_space<vmem>>) target_semaphore(%run_scoped3A : memref<!tpu.dma_semaphore, #tpu.memory_space<semaphore_mem>>)
      %dma_wait3A = arith.constant 0 : i32
      %dma_wait3A_351 = tpu.memref_slice %arg4[%mul3A_193, %dma_wait3A] : memref<1024x50xi32, #tpu.memory_space<hbm>> -> memref<40x50xi32, #tpu.memory_space<hbm>>
      %dma_wait3A_352 = arith.constant 0 : i32
      %dma_wait3A_353 = tpu.memref_slice %arg4[%mul3A_193, %dma_wait3A_352] : memref<1024x50xi32, #tpu.memory_space<hbm>> -> memref<40x50xi32, #tpu.memory_space<hbm>>
      tpu.wait_dma2 semaphore(%run_scoped3A : memref<!tpu.dma_semaphore, #tpu.memory_space<semaphore_mem>>) src(%dma_wait3A_353 : memref<40x50xi32, #tpu.memory_space<hbm>>) dst(%arg14 : memref<40x50xi32, #tpu.memory_space<vmem>>)
      tpu.yield
    }) : () -> ()
    "tpu.region"() ({
      %run_scoped3A = tpu.sem_alloc : memref<!tpu.dma_semaphore, #tpu.memory_space<semaphore_mem>>
      %dma_start3A = arith.constant 0 : i32
      %dma_start3A_348 = tpu.memref_slice %arg7[%mul3A_193, %dma_start3A] : memref<1024x64xf32, #tpu.memory_space<hbm>> -> memref<40x64xf32, #tpu.memory_space<hbm>>
      %dma_start3A_349 = arith.constant 0 : i32
      %dma_start3A_350 = tpu.memref_slice %arg7[%mul3A_193, %dma_start3A_349] : memref<1024x64xf32, #tpu.memory_space<hbm>> -> memref<40x64xf32, #tpu.memory_space<hbm>>
      tpu.enqueue_dma source(%dma_start3A_350 : memref<40x64xf32, #tpu.memory_space<hbm>>) target(%arg20 : memref<40x64xf32, #tpu.memory_space<vmem>>) target_semaphore(%run_scoped3A : memref<!tpu.dma_semaphore, #tpu.memory_space<semaphore_mem>>)
      %dma_wait3A = arith.constant 0 : i32
      %dma_wait3A_351 = tpu.memref_slice %arg7[%mul3A_193, %dma_wait3A] : memref<1024x64xf32, #tpu.memory_space<hbm>> -> memref<40x64xf32, #tpu.memory_space<hbm>>
      %dma_wait3A_352 = arith.constant 0 : i32
      %dma_wait3A_353 = tpu.memref_slice %arg7[%mul3A_193, %dma_wait3A_352] : memref<1024x64xf32, #tpu.memory_space<hbm>> -> memref<40x64xf32, #tpu.memory_space<hbm>>
      tpu.wait_dma2 semaphore(%run_scoped3A : memref<!tpu.dma_semaphore, #tpu.memory_space<semaphore_mem>>) src(%dma_wait3A_353 : memref<40x64xf32, #tpu.memory_space<hbm>>) dst(%arg20 : memref<40x64xf32, #tpu.memory_space<vmem>>)
      tpu.yield
    }) : () -> ()
    %mul3A_194 = arith.constant 1000 : i32
    %mul3A_195 = arith.muli %add3A, %mul3A_194 : i32
    %jit3A_196 = arith.constant 32 : i32
    %div3A_197 = arith.divsi %mul3A_195, %jit3A_196 : i32
    %sign3A_198 = arith.constant 0 : i32
    %sign3A_199 = arith.cmpi sgt, %mul3A_195, %sign3A_198 : i32
    %sign3A_200 = arith.extui %sign3A_199 : i1 to i32
    %sign3A_201 = arith.constant 0 : i32
    %sign3A_202 = arith.cmpi slt, %mul3A_195, %sign3A_201 : i32
    %sign3A_203 = arith.extui %sign3A_202 : i1 to i32
    %sign3A_204 = arith.subi %sign3A_200, %sign3A_203 : i32
    %sign3A_205 = arith.constant 0 : i32
    %sign3A_206 = arith.cmpi sgt, %jit3A_196, %sign3A_205 : i32
    %sign3A_207 = arith.extui %sign3A_206 : i1 to i32
    %sign3A_208 = arith.constant 0 : i32
    %sign3A_209 = arith.cmpi slt, %jit3A_196, %sign3A_208 : i32
    %sign3A_210 = arith.extui %sign3A_209 : i1 to i32
    %sign3A_211 = arith.subi %sign3A_207, %sign3A_210 : i32
    %ne3A_212 = arith.cmpi ne, %sign3A_204, %sign3A_211 : i32
    %rem3A_213 = arith.remsi %mul3A_195, %jit3A_196 : i32
    %ne3A_214 = arith.constant 0 : i32
    %ne3A_215 = arith.cmpi ne, %rem3A_213, %ne3A_214 : i32
    %and3A_216 = arith.andi %ne3A_212, %ne3A_215 : i1
    %sub3A_217 = arith.constant 1 : i32
    %sub3A_218 = arith.subi %div3A_197, %sub3A_217 : i32
    %select_n3A_219 = arith.select %and3A_216, %sub3A_218, %div3A_197 : i32
    %add3A_220 = arith.constant 1 : i32
    %add3A_221 = arith.addi %add3A, %add3A_220 : i32
    %mul3A_222 = arith.constant 1000 : i32
    %mul3A_223 = arith.muli %add3A_221, %mul3A_222 : i32
    %jit3A_224 = arith.constant 32 : i32
    %div3A_225 = arith.divsi %mul3A_223, %jit3A_224 : i32
    %sign3A_226 = arith.constant 0 : i32
    %sign3A_227 = arith.cmpi sgt, %mul3A_223, %sign3A_226 : i32
    %sign3A_228 = arith.extui %sign3A_227 : i1 to i32
    %sign3A_229 = arith.constant 0 : i32
    %sign3A_230 = arith.cmpi slt, %mul3A_223, %sign3A_229 : i32
    %sign3A_231 = arith.extui %sign3A_230 : i1 to i32
    %sign3A_232 = arith.subi %sign3A_228, %sign3A_231 : i32
    %sign3A_233 = arith.constant 0 : i32
    %sign3A_234 = arith.cmpi sgt, %jit3A_224, %sign3A_233 : i32
    %sign3A_235 = arith.extui %sign3A_234 : i1 to i32
    %sign3A_236 = arith.constant 0 : i32
    %sign3A_237 = arith.cmpi slt, %jit3A_224, %sign3A_236 : i32
    %sign3A_238 = arith.extui %sign3A_237 : i1 to i32
    %sign3A_239 = arith.subi %sign3A_235, %sign3A_238 : i32
    %ne3A_240 = arith.cmpi ne, %sign3A_232, %sign3A_239 : i32
    %rem3A_241 = arith.remsi %mul3A_223, %jit3A_224 : i32
    %ne3A_242 = arith.constant 0 : i32
    %ne3A_243 = arith.cmpi ne, %rem3A_241, %ne3A_242 : i32
    %and3A_244 = arith.andi %ne3A_240, %ne3A_243 : i1
    %sub3A_245 = arith.constant 1 : i32
    %sub3A_246 = arith.subi %div3A_225, %sub3A_245 : i32
    %select_n3A_247 = arith.select %and3A_244, %sub3A_246, %div3A_225 : i32
    %jit3A_248 = arith.constant 8 : i32
    %div3A_249 = arith.divsi %select_n3A_219, %jit3A_248 : i32
    %sign3A_250 = arith.constant 0 : i32
    %sign3A_251 = arith.cmpi sgt, %select_n3A_219, %sign3A_250 : i32
    %sign3A_252 = arith.extui %sign3A_251 : i1 to i32
    %sign3A_253 = arith.constant 0 : i32
    %sign3A_254 = arith.cmpi slt, %select_n3A_219, %sign3A_253 : i32
    %sign3A_255 = arith.extui %sign3A_254 : i1 to i32
    %sign3A_256 = arith.subi %sign3A_252, %sign3A_255 : i32
    %sign3A_257 = arith.constant 0 : i32
    %sign3A_258 = arith.cmpi sgt, %jit3A_248, %sign3A_257 : i32
    %sign3A_259 = arith.extui %sign3A_258 : i1 to i32
    %sign3A_260 = arith.constant 0 : i32
    %sign3A_261 = arith.cmpi slt, %jit3A_248, %sign3A_260 : i32
    %sign3A_262 = arith.extui %sign3A_261 : i1 to i32
    %sign3A_263 = arith.subi %sign3A_259, %sign3A_262 : i32
    %ne3A_264 = arith.cmpi ne, %sign3A_256, %sign3A_263 : i32
    %rem3A_265 = arith.remsi %select_n3A_219, %jit3A_248 : i32
    %ne3A_266 = arith.constant 0 : i32
    %ne3A_267 = arith.cmpi ne, %rem3A_265, %ne3A_266 : i32
    %and3A_268 = arith.andi %ne3A_264, %ne3A_267 : i1
    %sub3A_269 = arith.constant 1 : i32
    %sub3A_270 = arith.subi %div3A_249, %sub3A_269 : i32
    %select_n3A_271 = arith.select %and3A_268, %sub3A_270, %div3A_249 : i32
    %mul3A_272 = arith.constant 8 : i32
    %mul3A_273 = arith.muli %mul3A_272, %select_n3A_271 : i32
    %while3A_274 = arith.constant 0 : i32
    %while3A_275 = arith.subi %select_n3A_247, %select_n3A_219 : i32
    %while3A_276 = arith.addi %select_n3A_219, %while3A_275 : i32
    %while3A_277 = arith.constant 1 : i32
    %while3A_278 = arith.divsi %while3A_275, %while3A_277 : i32
    %while3A_279 = arith.muli %while3A_278, %while3A_277 : i32
    %while3A_280 = arith.addi %select_n3A_219, %while3A_279 : i32
    %while3A_281 = arith.constant 1 : i32
    scf.for %while3A_348 = %select_n3A_219 to %while3A_280 step %while3A_281  : i32 {
      %sub3A_349 = arith.subi %while3A_348, %mul3A_273 : i32
      %broadcast_in_dim3A_350 = arith.constant 0 : i32
      %broadcast_in_dim3A_351 = vector.broadcast %broadcast_in_dim3A_350 : i32 to vector<16xi32>
      %swap3A_352 = arith.constant 40 : index
      %swap3A_353 = tpu.vector_load %arg17[%swap3A_352] {strides = array<i32>} : memref<56xi32, #tpu.memory_space<vmem>>, vector<16xi32>,
      %swap3A_354 = vector.shape_cast %swap3A_353 : vector<16xi32> to vector<16xi32>
      %swap3A_355 = vector.shape_cast %broadcast_in_dim3A_351 : vector<16xi32> to vector<16xi32>
      tpu.vector_store %arg17[%swap3A_352], %swap3A_355 {strides = array<i32>} : memref<56xi32, #tpu.memory_space<vmem>>, vector<16xi32>,
      %get3A = arith.index_cast %sub3A_349 : i32 to index
      %get3A_356 = arith.constant 0 : index
      %get3A_357 = tpu.vector_load %arg14[%get3A, %get3A_356] {strides = array<i32>} : memref<40x50xi32, #tpu.memory_space<vmem>>, vector<1x16xi32>,
      %get3A_358 = vector.shape_cast %get3A_357 : vector<1x16xi32> to vector<16xi32>
      %swap3A_359 = arith.constant 0 : index
      %swap3A_360 = tpu.vector_load %arg17[%swap3A_359] {strides = array<i32>} : memref<56xi32, #tpu.memory_space<vmem>>, vector<16xi32>,
      %swap3A_361 = vector.shape_cast %swap3A_360 : vector<16xi32> to vector<16xi32>
      %swap3A_362 = vector.shape_cast %get3A_358 : vector<16xi32> to vector<16xi32>
      tpu.vector_store %arg17[%swap3A_359], %swap3A_362 {strides = array<i32>} : memref<56xi32, #tpu.memory_space<vmem>>, vector<16xi32>,
      %get3A_363 = arith.index_cast %sub3A_349 : i32 to index
      %get3A_364 = arith.constant 16 : index
      %get3A_365 = tpu.vector_load %arg14[%get3A_363, %get3A_364] {strides = array<i32>} : memref<40x50xi32, #tpu.memory_space<vmem>>, vector<1x16xi32>,
      %get3A_366 = vector.shape_cast %get3A_365 : vector<1x16xi32> to vector<16xi32>
      %swap3A_367 = arith.constant 16 : index
      %swap3A_368 = tpu.vector_load %arg17[%swap3A_367] {strides = array<i32>} : memref<56xi32, #tpu.memory_space<vmem>>, vector<16xi32>,
      %swap3A_369 = vector.shape_cast %swap3A_368 : vector<16xi32> to vector<16xi32>
      %swap3A_370 = vector.shape_cast %get3A_366 : vector<16xi32> to vector<16xi32>
      tpu.vector_store %arg17[%swap3A_367], %swap3A_370 {strides = array<i32>} : memref<56xi32, #tpu.memory_space<vmem>>, vector<16xi32>,
      %get3A_371 = arith.index_cast %sub3A_349 : i32 to index
      %get3A_372 = arith.constant 32 : index
      %get3A_373 = tpu.vector_load %arg14[%get3A_371, %get3A_372] {strides = array<i32>} : memref<40x50xi32, #tpu.memory_space<vmem>>, vector<1x16xi32>,
      %get3A_374 = vector.shape_cast %get3A_373 : vector<1x16xi32> to vector<16xi32>
      %swap3A_375 = arith.constant 32 : index
      %swap3A_376 = tpu.vector_load %arg17[%swap3A_375] {strides = array<i32>} : memref<56xi32, #tpu.memory_space<vmem>>, vector<16xi32>,
      %swap3A_377 = vector.shape_cast %swap3A_376 : vector<16xi32> to vector<16xi32>
      %swap3A_378 = vector.shape_cast %get3A_374 : vector<16xi32> to vector<16xi32>
      tpu.vector_store %arg17[%swap3A_375], %swap3A_378 {strides = array<i32>} : memref<56xi32, #tpu.memory_space<vmem>>, vector<16xi32>,
      %get3A_379 = arith.index_cast %sub3A_349 : i32 to index
      %get3A_380 = arith.constant 34 : index
      %get3A_381 = tpu.vector_load %arg14[%get3A_379, %get3A_380] {strides = array<i32>} : memref<40x50xi32, #tpu.memory_space<vmem>>, vector<1x16xi32>,
      %get3A_382 = vector.shape_cast %get3A_381 : vector<1x16xi32> to vector<16xi32>
      %swap3A_383 = arith.constant 34 : index
      %swap3A_384 = tpu.vector_load %arg17[%swap3A_383] {strides = array<i32>} : memref<56xi32, #tpu.memory_space<vmem>>, vector<16xi32>,
      %swap3A_385 = vector.shape_cast %swap3A_384 : vector<16xi32> to vector<16xi32>
      %swap3A_386 = vector.shape_cast %get3A_382 : vector<16xi32> to vector<16xi32>
      tpu.vector_store %arg17[%swap3A_383], %swap3A_386 {strides = array<i32>} : memref<56xi32, #tpu.memory_space<vmem>>, vector<16xi32>,
      %dma_start3A = arith.constant 0 : i32
      %dma_start3A_387 = arith.constant 0 : i32
      %dma_start3A_388 = tpu.memref_slice %arg2[%dma_start3A, %dma_start3A_387] : memref<50000x512xf32, #tpu.memory_space<hbm>> -> memref<50000x512xf32, #tpu.memory_space<hbm>>
      tpu.enqueue_indirect_dma source(%dma_start3A_388 : memref<50000x512xf32, #tpu.memory_space<hbm>>) target(%arg11 : memref<56x512xf32, #tpu.memory_space<vmem>>) offsets(%arg17 : memref<56xi32, #tpu.memory_space<vmem>>) semaphore(%arg23 : memref<!tpu.dma_semaphore, #tpu.memory_space<semaphore_mem>>)
      %dma_wait3A = arith.constant 0 : i32
      %dma_wait3A_389 = arith.constant 0 : i32
      %dma_wait3A_390 = tpu.memref_slice %arg2[%dma_wait3A, %dma_wait3A_389] : memref<50000x512xf32, #tpu.memory_space<hbm>> -> memref<50000x512xf32, #tpu.memory_space<hbm>>
      tpu.wait_indirect_dma semaphore(%arg23 : memref<!tpu.dma_semaphore, #tpu.memory_space<semaphore_mem>>) src(%dma_wait3A_390 : memref<50000x512xf32, #tpu.memory_space<hbm>>) dst(%arg11 : memref<56x512xf32, #tpu.memory_space<vmem>>)
      %scan3A = arith.constant 0 : i32
      %scan3A_391 = arith.constant 50 : i32
      %scan3A_392 = arith.addi %scan3A, %scan3A_391 : i32
      %scan3A_393 = arith.constant 1 : i32
      %scan3A_394:32 = scf.for %scan3A_607 = %scan3A to %scan3A_392 step %scan3A_393 iter_args(%scan3A_608 = %broadcast_in_dim3A_3, %scan3A_609 = %broadcast_in_dim3A_3, %scan3A_610 = %broadcast_in_dim3A_3, %scan3A_611 = %broadcast_in_dim3A_3, %scan3A_612 = %broadcast_in_dim3A_3, %scan3A_613 = %broadcast_in_dim3A_3, %scan3A_614 = %broadcast_in_dim3A_3, %scan3A_615 = %broadcast_in_dim3A_3, %scan3A_616 = %broadcast_in_dim3A_3, %scan3A_617 = %broadcast_in_dim3A_3, %scan3A_618 = %broadcast_in_dim3A_3, %scan3A_619 = %broadcast_in_dim3A_3, %scan3A_620 = %broadcast_in_dim3A_3, %scan3A_621 = %broadcast_in_dim3A_3, %scan3A_622 = %broadcast_in_dim3A_3, %scan3A_623 = %broadcast_in_dim3A_3, %scan3A_624 = %broadcast_in_dim3A_3, %scan3A_625 = %broadcast_in_dim3A_3, %scan3A_626 = %broadcast_in_dim3A_3, %scan3A_627 = %broadcast_in_dim3A_3, %scan3A_628 = %broadcast_in_dim3A_3, %scan3A_629 = %broadcast_in_dim3A_3, %scan3A_630 = %broadcast_in_dim3A_3, %scan3A_631 = %broadcast_in_dim3A_3, %scan3A_632 = %broadcast_in_dim3A_3, %scan3A_633 = %broadcast_in_dim3A_3, %scan3A_634 = %broadcast_in_dim3A_3, %scan3A_635 = %broadcast_in_dim3A_3, %scan3A_636 = %broadcast_in_dim3A_3, %scan3A_637 = %broadcast_in_dim3A_3, %scan3A_638 = %broadcast_in_dim3A_3, %scan3A_639 = %broadcast_in_dim3A_3) -> (vector<16xf32>, vector<16xf32>, vector<16xf32>, vector<16xf32>, vector<16xf32>, vector<16xf32>, vector<16xf32>, vector<16xf32>, vector<16xf32>, vector<16xf32>, vector<16xf32>, vector<16xf32>, vector<16xf32>, vector<16xf32>, vector<16xf32>, vector<16xf32>, vector<16xf32>, vector<16xf32>, vector<16xf32>, vector<16xf32>, vector<16xf32>, vector<16xf32>, vector<16xf32>, vector<16xf32>, vector<16xf32>, vector<16xf32>, vector<16xf32>, vector<16xf32>, vector<16xf32>, vector<16xf32>, vector<16xf32>, vector<16xf32>)  : i32 {
        %get3A_640 = arith.index_cast %scan3A_607 : i32 to index
        %get3A_641 = arith.constant 0 : index
        %get3A_642 = tpu.vector_load %arg11[%get3A_640, %get3A_641] {strides = array<i32>} : memref<56x512xf32, #tpu.memory_space<vmem>>, vector<1x16xf32>,
        %get3A_643 = vector.shape_cast %get3A_642 : vector<1x16xf32> to vector<16xf32>
        %add3A_644 = arith.addf %scan3A_608, %get3A_643 : vector<16xf32>
        %get3A_645 = arith.index_cast %scan3A_607 : i32 to index
        %get3A_646 = arith.constant 16 : index
        %get3A_647 = tpu.vector_load %arg11[%get3A_645, %get3A_646] {strides = array<i32>} : memref<56x512xf32, #tpu.memory_space<vmem>>, vector<1x16xf32>,
        %get3A_648 = vector.shape_cast %get3A_647 : vector<1x16xf32> to vector<16xf32>
        %add3A_649 = arith.addf %scan3A_609, %get3A_648 : vector<16xf32>
        %get3A_650 = arith.index_cast %scan3A_607 : i32 to index
        %get3A_651 = arith.constant 32 : index
        %get3A_652 = tpu.vector_load %arg11[%get3A_650, %get3A_651] {strides = array<i32>} : memref<56x512xf32, #tpu.memory_space<vmem>>, vector<1x16xf32>,
        %get3A_653 = vector.shape_cast %get3A_652 : vector<1x16xf32> to vector<16xf32>
        %add3A_654 = arith.addf %scan3A_610, %get3A_653 : vector<16xf32>
        %get3A_655 = arith.index_cast %scan3A_607 : i32 to index
        %get3A_656 = arith.constant 48 : index
        %get3A_657 = tpu.vector_load %arg11[%get3A_655, %get3A_656] {strides = array<i32>} : memref<56x512xf32, #tpu.memory_space<vmem>>, vector<1x16xf32>,
        %get3A_658 = vector.shape_cast %get3A_657 : vector<1x16xf32> to vector<16xf32>
        %add3A_659 = arith.addf %scan3A_611, %get3A_658 : vector<16xf32>
        %get3A_660 = arith.index_cast %scan3A_607 : i32 to index
        %get3A_661 = arith.constant 64 : index
        %get3A_662 = tpu.vector_load %arg11[%get3A_660, %get3A_661] {strides = array<i32>} : memref<56x512xf32, #tpu.memory_space<vmem>>, vector<1x16xf32>,
        %get3A_663 = vector.shape_cast %get3A_662 : vector<1x16xf32> to vector<16xf32>
        %add3A_664 = arith.addf %scan3A_612, %get3A_663 : vector<16xf32>
        %get3A_665 = arith.index_cast %scan3A_607 : i32 to index
        %get3A_666 = arith.constant 80 : index
        %get3A_667 = tpu.vector_load %arg11[%get3A_665, %get3A_666] {strides = array<i32>} : memref<56x512xf32, #tpu.memory_space<vmem>>, vector<1x16xf32>,
        %get3A_668 = vector.shape_cast %get3A_667 : vector<1x16xf32> to vector<16xf32>
        %add3A_669 = arith.addf %scan3A_613, %get3A_668 : vector<16xf32>
        %get3A_670 = arith.index_cast %scan3A_607 : i32 to index
        %get3A_671 = arith.constant 96 : index
        %get3A_672 = tpu.vector_load %arg11[%get3A_670, %get3A_671] {strides = array<i32>} : memref<56x512xf32, #tpu.memory_space<vmem>>, vector<1x16xf32>,
        %get3A_673 = vector.shape_cast %get3A_672 : vector<1x16xf32> to vector<16xf32>
        %add3A_674 = arith.addf %scan3A_614, %get3A_673 : vector<16xf32>
        %get3A_675 = arith.index_cast %scan3A_607 : i32 to index
        %get3A_676 = arith.constant 112 : index
        %get3A_677 = tpu.vector_load %arg11[%get3A_675, %get3A_676] {strides = array<i32>} : memref<56x512xf32, #tpu.memory_space<vmem>>, vector<1x16xf32>,
        %get3A_678 = vector.shape_cast %get3A_677 : vector<1x16xf32> to vector<16xf32>
        %add3A_679 = arith.addf %scan3A_615, %get3A_678 : vector<16xf32>
        %get3A_680 = arith.index_cast %scan3A_607 : i32 to index
        %get3A_681 = arith.constant 128 : index
        %get3A_682 = tpu.vector_load %arg11[%get3A_680, %get3A_681] {strides = array<i32>} : memref<56x512xf32, #tpu.memory_space<vmem>>, vector<1x16xf32>,
        %get3A_683 = vector.shape_cast %get3A_682 : vector<1x16xf32> to vector<16xf32>
        %add3A_684 = arith.addf %scan3A_616, %get3A_683 : vector<16xf32>
        %get3A_685 = arith.index_cast %scan3A_607 : i32 to index
        %get3A_686 = arith.constant 144 : index
        %get3A_687 = tpu.vector_load %arg11[%get3A_685, %get3A_686] {strides = array<i32>} : memref<56x512xf32, #tpu.memory_space<vmem>>, vector<1x16xf32>,
        %get3A_688 = vector.shape_cast %get3A_687 : vector<1x16xf32> to vector<16xf32>
        %add3A_689 = arith.addf %scan3A_617, %get3A_688 : vector<16xf32>
        %get3A_690 = arith.index_cast %scan3A_607 : i32 to index
        %get3A_691 = arith.constant 160 : index
        %get3A_692 = tpu.vector_load %arg11[%get3A_690, %get3A_691] {strides = array<i32>} : memref<56x512xf32, #tpu.memory_space<vmem>>, vector<1x16xf32>,
        %get3A_693 = vector.shape_cast %get3A_692 : vector<1x16xf32> to vector<16xf32>
        %add3A_694 = arith.addf %scan3A_618, %get3A_693 : vector<16xf32>
        %get3A_695 = arith.index_cast %scan3A_607 : i32 to index
        %get3A_696 = arith.constant 176 : index
        %get3A_697 = tpu.vector_load %arg11[%get3A_695, %get3A_696] {strides = array<i32>} : memref<56x512xf32, #tpu.memory_space<vmem>>, vector<1x16xf32>,
        %get3A_698 = vector.shape_cast %get3A_697 : vector<1x16xf32> to vector<16xf32>
        %add3A_699 = arith.addf %scan3A_619, %get3A_698 : vector<16xf32>
        %get3A_700 = arith.index_cast %scan3A_607 : i32 to index
        %get3A_701 = arith.constant 192 : index
        %get3A_702 = tpu.vector_load %arg11[%get3A_700, %get3A_701] {strides = array<i32>} : memref<56x512xf32, #tpu.memory_space<vmem>>, vector<1x16xf32>,
        %get3A_703 = vector.shape_cast %get3A_702 : vector<1x16xf32> to vector<16xf32>
        %add3A_704 = arith.addf %scan3A_620, %get3A_703 : vector<16xf32>
        %get3A_705 = arith.index_cast %scan3A_607 : i32 to index
        %get3A_706 = arith.constant 208 : index
        %get3A_707 = tpu.vector_load %arg11[%get3A_705, %get3A_706] {strides = array<i32>} : memref<56x512xf32, #tpu.memory_space<vmem>>, vector<1x16xf32>,
        %get3A_708 = vector.shape_cast %get3A_707 : vector<1x16xf32> to vector<16xf32>
        %add3A_709 = arith.addf %scan3A_621, %get3A_708 : vector<16xf32>
        %get3A_710 = arith.index_cast %scan3A_607 : i32 to index
        %get3A_711 = arith.constant 224 : index
        %get3A_712 = tpu.vector_load %arg11[%get3A_710, %get3A_711] {strides = array<i32>} : memref<56x512xf32, #tpu.memory_space<vmem>>, vector<1x16xf32>,
        %get3A_713 = vector.shape_cast %get3A_712 : vector<1x16xf32> to vector<16xf32>
        %add3A_714 = arith.addf %scan3A_622, %get3A_713 : vector<16xf32>
        %get3A_715 = arith.index_cast %scan3A_607 : i32 to index
        %get3A_716 = arith.constant 240 : index
        %get3A_717 = tpu.vector_load %arg11[%get3A_715, %get3A_716] {strides = array<i32>} : memref<56x512xf32, #tpu.memory_space<vmem>>, vector<1x16xf32>,
        %get3A_718 = vector.shape_cast %get3A_717 : vector<1x16xf32> to vector<16xf32>
        %add3A_719 = arith.addf %scan3A_623, %get3A_718 : vector<16xf32>
        %get3A_720 = arith.index_cast %scan3A_607 : i32 to index
        %get3A_721 = arith.constant 256 : index
        %get3A_722 = tpu.vector_load %arg11[%get3A_720, %get3A_721] {strides = array<i32>} : memref<56x512xf32, #tpu.memory_space<vmem>>, vector<1x16xf32>,
        %get3A_723 = vector.shape_cast %get3A_722 : vector<1x16xf32> to vector<16xf32>
        %add3A_724 = arith.addf %scan3A_624, %get3A_723 : vector<16xf32>
        %get3A_725 = arith.index_cast %scan3A_607 : i32 to index
        %get3A_726 = arith.constant 272 : index
        %get3A_727 = tpu.vector_load %arg11[%get3A_725, %get3A_726] {strides = array<i32>} : memref<56x512xf32, #tpu.memory_space<vmem>>, vector<1x16xf32>,
        %get3A_728 = vector.shape_cast %get3A_727 : vector<1x16xf32> to vector<16xf32>
        %add3A_729 = arith.addf %scan3A_625, %get3A_728 : vector<16xf32>
        %get3A_730 = arith.index_cast %scan3A_607 : i32 to index
        %get3A_731 = arith.constant 288 : index
        %get3A_732 = tpu.vector_load %arg11[%get3A_730, %get3A_731] {strides = array<i32>} : memref<56x512xf32, #tpu.memory_space<vmem>>, vector<1x16xf32>,
        %get3A_733 = vector.shape_cast %get3A_732 : vector<1x16xf32> to vector<16xf32>
        %add3A_734 = arith.addf %scan3A_626, %get3A_733 : vector<16xf32>
        %get3A_735 = arith.index_cast %scan3A_607 : i32 to index
        %get3A_736 = arith.constant 304 : index
        %get3A_737 = tpu.vector_load %arg11[%get3A_735, %get3A_736] {strides = array<i32>} : memref<56x512xf32, #tpu.memory_space<vmem>>, vector<1x16xf32>,
        %get3A_738 = vector.shape_cast %get3A_737 : vector<1x16xf32> to vector<16xf32>
        %add3A_739 = arith.addf %scan3A_627, %get3A_738 : vector<16xf32>
        %get3A_740 = arith.index_cast %scan3A_607 : i32 to index
        %get3A_741 = arith.constant 320 : index
        %get3A_742 = tpu.vector_load %arg11[%get3A_740, %get3A_741] {strides = array<i32>} : memref<56x512xf32, #tpu.memory_space<vmem>>, vector<1x16xf32>,
        %get3A_743 = vector.shape_cast %get3A_742 : vector<1x16xf32> to vector<16xf32>
        %add3A_744 = arith.addf %scan3A_628, %get3A_743 : vector<16xf32>
        %get3A_745 = arith.index_cast %scan3A_607 : i32 to index
        %get3A_746 = arith.constant 336 : index
        %get3A_747 = tpu.vector_load %arg11[%get3A_745, %get3A_746] {strides = array<i32>} : memref<56x512xf32, #tpu.memory_space<vmem>>, vector<1x16xf32>,
        %get3A_748 = vector.shape_cast %get3A_747 : vector<1x16xf32> to vector<16xf32>
        %add3A_749 = arith.addf %scan3A_629, %get3A_748 : vector<16xf32>
        %get3A_750 = arith.index_cast %scan3A_607 : i32 to index
        %get3A_751 = arith.constant 352 : index
        %get3A_752 = tpu.vector_load %arg11[%get3A_750, %get3A_751] {strides = array<i32>} : memref<56x512xf32, #tpu.memory_space<vmem>>, vector<1x16xf32>,
        %get3A_753 = vector.shape_cast %get3A_752 : vector<1x16xf32> to vector<16xf32>
        %add3A_754 = arith.addf %scan3A_630, %get3A_753 : vector<16xf32>
        %get3A_755 = arith.index_cast %scan3A_607 : i32 to index
        %get3A_756 = arith.constant 368 : index
        %get3A_757 = tpu.vector_load %arg11[%get3A_755, %get3A_756] {strides = array<i32>} : memref<56x512xf32, #tpu.memory_space<vmem>>, vector<1x16xf32>,
        %get3A_758 = vector.shape_cast %get3A_757 : vector<1x16xf32> to vector<16xf32>
        %add3A_759 = arith.addf %scan3A_631, %get3A_758 : vector<16xf32>
        %get3A_760 = arith.index_cast %scan3A_607 : i32 to index
        %get3A_761 = arith.constant 384 : index
        %get3A_762 = tpu.vector_load %arg11[%get3A_760, %get3A_761] {strides = array<i32>} : memref<56x512xf32, #tpu.memory_space<vmem>>, vector<1x16xf32>,
        %get3A_763 = vector.shape_cast %get3A_762 : vector<1x16xf32> to vector<16xf32>
        %add3A_764 = arith.addf %scan3A_632, %get3A_763 : vector<16xf32>
        %get3A_765 = arith.index_cast %scan3A_607 : i32 to index
        %get3A_766 = arith.constant 400 : index
        %get3A_767 = tpu.vector_load %arg11[%get3A_765, %get3A_766] {strides = array<i32>} : memref<56x512xf32, #tpu.memory_space<vmem>>, vector<1x16xf32>,
        %get3A_768 = vector.shape_cast %get3A_767 : vector<1x16xf32> to vector<16xf32>
        %add3A_769 = arith.addf %scan3A_633, %get3A_768 : vector<16xf32>
        %get3A_770 = arith.index_cast %scan3A_607 : i32 to index
        %get3A_771 = arith.constant 416 : index
        %get3A_772 = tpu.vector_load %arg11[%get3A_770, %get3A_771] {strides = array<i32>} : memref<56x512xf32, #tpu.memory_space<vmem>>, vector<1x16xf32>,
        %get3A_773 = vector.shape_cast %get3A_772 : vector<1x16xf32> to vector<16xf32>
        %add3A_774 = arith.addf %scan3A_634, %get3A_773 : vector<16xf32>
        %get3A_775 = arith.index_cast %scan3A_607 : i32 to index
        %get3A_776 = arith.constant 432 : index
        %get3A_777 = tpu.vector_load %arg11[%get3A_775, %get3A_776] {strides = array<i32>} : memref<56x512xf32, #tpu.memory_space<vmem>>, vector<1x16xf32>,
        %get3A_778 = vector.shape_cast %get3A_777 : vector<1x16xf32> to vector<16xf32>
        %add3A_779 = arith.addf %scan3A_635, %get3A_778 : vector<16xf32>
        %get3A_780 = arith.index_cast %scan3A_607 : i32 to index
        %get3A_781 = arith.constant 448 : index
        %get3A_782 = tpu.vector_load %arg11[%get3A_780, %get3A_781] {strides = array<i32>} : memref<56x512xf32, #tpu.memory_space<vmem>>, vector<1x16xf32>,
        %get3A_783 = vector.shape_cast %get3A_782 : vector<1x16xf32> to vector<16xf32>
        %add3A_784 = arith.addf %scan3A_636, %get3A_783 : vector<16xf32>
        %get3A_785 = arith.index_cast %scan3A_607 : i32 to index
        %get3A_786 = arith.constant 464 : index
        %get3A_787 = tpu.vector_load %arg11[%get3A_785, %get3A_786] {strides = array<i32>} : memref<56x512xf32, #tpu.memory_space<vmem>>, vector<1x16xf32>,
        %get3A_788 = vector.shape_cast %get3A_787 : vector<1x16xf32> to vector<16xf32>
        %add3A_789 = arith.addf %scan3A_637, %get3A_788 : vector<16xf32>
        %get3A_790 = arith.index_cast %scan3A_607 : i32 to index
        %get3A_791 = arith.constant 480 : index
        %get3A_792 = tpu.vector_load %arg11[%get3A_790, %get3A_791] {strides = array<i32>} : memref<56x512xf32, #tpu.memory_space<vmem>>, vector<1x16xf32>,
        %get3A_793 = vector.shape_cast %get3A_792 : vector<1x16xf32> to vector<16xf32>
        %add3A_794 = arith.addf %scan3A_638, %get3A_793 : vector<16xf32>
        %get3A_795 = arith.index_cast %scan3A_607 : i32 to index
        %get3A_796 = arith.constant 496 : index
        %get3A_797 = tpu.vector_load %arg11[%get3A_795, %get3A_796] {strides = array<i32>} : memref<56x512xf32, #tpu.memory_space<vmem>>, vector<1x16xf32>,
        %get3A_798 = vector.shape_cast %get3A_797 : vector<1x16xf32> to vector<16xf32>
        %add3A_799 = arith.addf %scan3A_639, %get3A_798 : vector<16xf32>
        scf.yield %add3A_644, %add3A_649, %add3A_654, %add3A_659, %add3A_664, %add3A_669, %add3A_674, %add3A_679, %add3A_684, %add3A_689, %add3A_694, %add3A_699, %add3A_704, %add3A_709, %add3A_714, %add3A_719, %add3A_724, %add3A_729, %add3A_734, %add3A_739, %add3A_744, %add3A_749, %add3A_754, %add3A_759, %add3A_764, %add3A_769, %add3A_774, %add3A_779, %add3A_784, %add3A_789, %add3A_794, %add3A_799 : vector<16xf32>, vector<16xf32>, vector<16xf32>, vector<16xf32>, vector<16xf32>, vector<16xf32>, vector<16xf32>, vector<16xf32>, vector<16xf32>, vector<16xf32>, vector<16xf32>, vector<16xf32>, vector<16xf32>, vector<16xf32>, vector<16xf32>, vector<16xf32>, vector<16xf32>, vector<16xf32>, vector<16xf32>, vector<16xf32>, vector<16xf32>, vector<16xf32>, vector<16xf32>, vector<16xf32>, vector<16xf32>, vector<16xf32>, vector<16xf32>, vector<16xf32>, vector<16xf32>, vector<16xf32>, vector<16xf32>, vector<16xf32>
      }
      %scan3A_395 = arith.constant 50 : i32
      %get3A_396 = arith.index_cast %sub3A_349 : i32 to index
      %get3A_397 = arith.constant 0 : index
      %get3A_398 = tpu.vector_load %arg20[%get3A_396, %get3A_397] {strides = array<i32>} : memref<40x64xf32, #tpu.memory_space<vmem>>, vector<1x16xf32>,
      %get3A_399 = vector.shape_cast %get3A_398 : vector<1x16xf32> to vector<16xf32>
      %get3A_400 = arith.index_cast %sub3A_349 : i32 to index
      %get3A_401 = arith.constant 16 : index
      %get3A_402 = tpu.vector_load %arg20[%get3A_400, %get3A_401] {strides = array<i32>} : memref<40x64xf32, #tpu.memory_space<vmem>>, vector<1x16xf32>,
      %get3A_403 = vector.shape_cast %get3A_402 : vector<1x16xf32> to vector<16xf32>
      %get3A_404 = arith.index_cast %sub3A_349 : i32 to index
      %get3A_405 = arith.constant 32 : index
      %get3A_406 = tpu.vector_load %arg20[%get3A_404, %get3A_405] {strides = array<i32>} : memref<40x64xf32, #tpu.memory_space<vmem>>, vector<1x16xf32>,
      %get3A_407 = vector.shape_cast %get3A_406 : vector<1x16xf32> to vector<16xf32>
      %get3A_408 = arith.index_cast %sub3A_349 : i32 to index
      %get3A_409 = arith.constant 48 : index
      %get3A_410 = tpu.vector_load %arg20[%get3A_408, %get3A_409] {strides = array<i32>} : memref<40x64xf32, #tpu.memory_space<vmem>>, vector<1x16xf32>,
      %get3A_411 = vector.shape_cast %get3A_410 : vector<1x16xf32> to vector<16xf32>
      %sub3A_412 = arith.subf %scan3A_394#0, %get3A_399 : vector<16xf32>
      %max3A = arith.constant 0.000000e+00 : f32
      %max3A_413 = vector.broadcast %max3A : f32 to vector<16xf32>
      %max3A_414 = arith.maximumf %sub3A_412, %max3A_413 : vector<16xf32>
      %sub3A_415 = arith.subf %scan3A_394#1, %get3A_403 : vector<16xf32>
      %max3A_416 = arith.constant 0.000000e+00 : f32
      %max3A_417 = vector.broadcast %max3A_416 : f32 to vector<16xf32>
      %max3A_418 = arith.maximumf %sub3A_415, %max3A_417 : vector<16xf32>
      %sub3A_419 = arith.subf %scan3A_394#2, %get3A_407 : vector<16xf32>
      %max3A_420 = arith.constant 0.000000e+00 : f32
      %max3A_421 = vector.broadcast %max3A_420 : f32 to vector<16xf32>
      %max3A_422 = arith.maximumf %sub3A_419, %max3A_421 : vector<16xf32>
      %sub3A_423 = arith.subf %scan3A_394#3, %get3A_411 : vector<16xf32>
      %jit3A_424 = arith.constant -1.000000e+00 : f32
      %broadcast_in_dim3A_425 = vector.broadcast %jit3A_424 : f32 to vector<16xf32>
      %select_n3A_426 = arith.select %lt3A_2, %sub3A_423, %broadcast_in_dim3A_425 : vector<16xi1>, vector<16xf32>
      %max3A_427 = arith.constant 0.000000e+00 : f32
      %max3A_428 = vector.broadcast %max3A_427 : f32 to vector<16xf32>
      %max3A_429 = arith.maximumf %select_n3A_426, %max3A_428 : vector<16xf32>
      %add3A_430 = arith.addf %max3A_414, %max3A_418 : vector<16xf32>
      %add3A_431 = arith.addf %add3A_430, %max3A_422 : vector<16xf32>
      %add3A_432 = arith.addf %add3A_431, %max3A_429 : vector<16xf32>
      %add3A_433 = arith.addf %broadcast_in_dim3A_3, %add3A_432 : vector<16xf32>
      %sub3A_434 = arith.subf %scan3A_394#4, %get3A_399 : vector<16xf32>
      %max3A_435 = arith.constant 0.000000e+00 : f32
      %max3A_436 = vector.broadcast %max3A_435 : f32 to vector<16xf32>
      %max3A_437 = arith.maximumf %sub3A_434, %max3A_436 : vector<16xf32>
      %sub3A_438 = arith.subf %scan3A_394#5, %get3A_403 : vector<16xf32>
      %max3A_439 = arith.constant 0.000000e+00 : f32
      %max3A_440 = vector.broadcast %max3A_439 : f32 to vector<16xf32>
      %max3A_441 = arith.maximumf %sub3A_438, %max3A_440 : vector<16xf32>
      %sub3A_442 = arith.subf %scan3A_394#6, %get3A_407 : vector<16xf32>
      %max3A_443 = arith.constant 0.000000e+00 : f32
      %max3A_444 = vector.broadcast %max3A_443 : f32 to vector<16xf32>
      %max3A_445 = arith.maximumf %sub3A_442, %max3A_444 : vector<16xf32>
      %sub3A_446 = arith.subf %scan3A_394#7, %get3A_411 : vector<16xf32>
      %jit3A_447 = arith.constant -1.000000e+00 : f32
      %broadcast_in_dim3A_448 = vector.broadcast %jit3A_447 : f32 to vector<16xf32>
      %select_n3A_449 = arith.select %lt3A_2, %sub3A_446, %broadcast_in_dim3A_448 : vector<16xi1>, vector<16xf32>
      %max3A_450 = arith.constant 0.000000e+00 : f32
      %max3A_451 = vector.broadcast %max3A_450 : f32 to vector<16xf32>
      %max3A_452 = arith.maximumf %select_n3A_449, %max3A_451 : vector<16xf32>
      %add3A_453 = arith.addf %max3A_437, %max3A_441 : vector<16xf32>
      %add3A_454 = arith.addf %add3A_453, %max3A_445 : vector<16xf32>
      %add3A_455 = arith.addf %add3A_454, %max3A_452 : vector<16xf32>
      %add3A_456 = arith.addf %add3A_433, %add3A_455 : vector<16xf32>
      %sub3A_457 = arith.subf %scan3A_394#8, %get3A_399 : vector<16xf32>
      %max3A_458 = arith.constant 0.000000e+00 : f32
      %max3A_459 = vector.broadcast %max3A_458 : f32 to vector<16xf32>
      %max3A_460 = arith.maximumf %sub3A_457, %max3A_459 : vector<16xf32>
      %sub3A_461 = arith.subf %scan3A_394#9, %get3A_403 : vector<16xf32>
      %max3A_462 = arith.constant 0.000000e+00 : f32
      %max3A_463 = vector.broadcast %max3A_462 : f32 to vector<16xf32>
      %max3A_464 = arith.maximumf %sub3A_461, %max3A_463 : vector<16xf32>
      %sub3A_465 = arith.subf %scan3A_394#10, %get3A_407 : vector<16xf32>
      %max3A_466 = arith.constant 0.000000e+00 : f32
      %max3A_467 = vector.broadcast %max3A_466 : f32 to vector<16xf32>
      %max3A_468 = arith.maximumf %sub3A_465, %max3A_467 : vector<16xf32>
      %sub3A_469 = arith.subf %scan3A_394#11, %get3A_411 : vector<16xf32>
      %jit3A_470 = arith.constant -1.000000e+00 : f32
      %broadcast_in_dim3A_471 = vector.broadcast %jit3A_470 : f32 to vector<16xf32>
      %select_n3A_472 = arith.select %lt3A_2, %sub3A_469, %broadcast_in_dim3A_471 : vector<16xi1>, vector<16xf32>
      %max3A_473 = arith.constant 0.000000e+00 : f32
      %max3A_474 = vector.broadcast %max3A_473 : f32 to vector<16xf32>
      %max3A_475 = arith.maximumf %select_n3A_472, %max3A_474 : vector<16xf32>
      %add3A_476 = arith.addf %max3A_460, %max3A_464 : vector<16xf32>
      %add3A_477 = arith.addf %add3A_476, %max3A_468 : vector<16xf32>
      %add3A_478 = arith.addf %add3A_477, %max3A_475 : vector<16xf32>
      %add3A_479 = arith.addf %add3A_456, %add3A_478 : vector<16xf32>
      %sub3A_480 = arith.subf %scan3A_394#12, %get3A_399 : vector<16xf32>
      %max3A_481 = arith.constant 0.000000e+00 : f32
      %max3A_482 = vector.broadcast %max3A_481 : f32 to vector<16xf32>
      %max3A_483 = arith.maximumf %sub3A_480, %max3A_482 : vector<16xf32>
      %sub3A_484 = arith.subf %scan3A_394#13, %get3A_403 : vector<16xf32>
      %max3A_485 = arith.constant 0.000000e+00 : f32
      %max3A_486 = vector.broadcast %max3A_485 : f32 to vector<16xf32>
      %max3A_487 = arith.maximumf %sub3A_484, %max3A_486 : vector<16xf32>
      %sub3A_488 = arith.subf %scan3A_394#14, %get3A_407 : vector<16xf32>
      %max3A_489 = arith.constant 0.000000e+00 : f32
      %max3A_490 = vector.broadcast %max3A_489 : f32 to vector<16xf32>
      %max3A_491 = arith.maximumf %sub3A_488, %max3A_490 : vector<16xf32>
      %sub3A_492 = arith.subf %scan3A_394#15, %get3A_411 : vector<16xf32>
      %jit3A_493 = arith.constant -1.000000e+00 : f32
      %broadcast_in_dim3A_494 = vector.broadcast %jit3A_493 : f32 to vector<16xf32>
      %select_n3A_495 = arith.select %lt3A_2, %sub3A_492, %broadcast_in_dim3A_494 : vector<16xi1>, vector<16xf32>
      %max3A_496 = arith.constant 0.000000e+00 : f32
      %max3A_497 = vector.broadcast %max3A_496 : f32 to vector<16xf32>
      %max3A_498 = arith.maximumf %select_n3A_495, %max3A_497 : vector<16xf32>
      %add3A_499 = arith.addf %max3A_483, %max3A_487 : vector<16xf32>
      %add3A_500 = arith.addf %add3A_499, %max3A_491 : vector<16xf32>
      %add3A_501 = arith.addf %add3A_500, %max3A_498 : vector<16xf32>
      %add3A_502 = arith.addf %add3A_479, %add3A_501 : vector<16xf32>
      %sub3A_503 = arith.subf %scan3A_394#16, %get3A_399 : vector<16xf32>
      %max3A_504 = arith.constant 0.000000e+00 : f32
      %max3A_505 = vector.broadcast %max3A_504 : f32 to vector<16xf32>
      %max3A_506 = arith.maximumf %sub3A_503, %max3A_505 : vector<16xf32>
      %sub3A_507 = arith.subf %scan3A_394#17, %get3A_403 : vector<16xf32>
      %max3A_508 = arith.constant 0.000000e+00 : f32
      %max3A_509 = vector.broadcast %max3A_508 : f32 to vector<16xf32>
      %max3A_510 = arith.maximumf %sub3A_507, %max3A_509 : vector<16xf32>
      %sub3A_511 = arith.subf %scan3A_394#18, %get3A_407 : vector<16xf32>
      %max3A_512 = arith.constant 0.000000e+00 : f32
      %max3A_513 = vector.broadcast %max3A_512 : f32 to vector<16xf32>
      %max3A_514 = arith.maximumf %sub3A_511, %max3A_513 : vector<16xf32>
      %sub3A_515 = arith.subf %scan3A_394#19, %get3A_411 : vector<16xf32>
      %jit3A_516 = arith.constant -1.000000e+00 : f32
      %broadcast_in_dim3A_517 = vector.broadcast %jit3A_516 : f32 to vector<16xf32>
      %select_n3A_518 = arith.select %lt3A_2, %sub3A_515, %broadcast_in_dim3A_517 : vector<16xi1>, vector<16xf32>
      %max3A_519 = arith.constant 0.000000e+00 : f32
      %max3A_520 = vector.broadcast %max3A_519 : f32 to vector<16xf32>
      %max3A_521 = arith.maximumf %select_n3A_518, %max3A_520 : vector<16xf32>
      %add3A_522 = arith.addf %max3A_506, %max3A_510 : vector<16xf32>
      %add3A_523 = arith.addf %add3A_522, %max3A_514 : vector<16xf32>
      %add3A_524 = arith.addf %add3A_523, %max3A_521 : vector<16xf32>
      %add3A_525 = arith.addf %add3A_502, %add3A_524 : vector<16xf32>
      %sub3A_526 = arith.subf %scan3A_394#20, %get3A_399 : vector<16xf32>
      %max3A_527 = arith.constant 0.000000e+00 : f32
      %max3A_528 = vector.broadcast %max3A_527 : f32 to vector<16xf32>
      %max3A_529 = arith.maximumf %sub3A_526, %max3A_528 : vector<16xf32>
      %sub3A_530 = arith.subf %scan3A_394#21, %get3A_403 : vector<16xf32>
      %max3A_531 = arith.constant 0.000000e+00 : f32
      %max3A_532 = vector.broadcast %max3A_531 : f32 to vector<16xf32>
      %max3A_533 = arith.maximumf %sub3A_530, %max3A_532 : vector<16xf32>
      %sub3A_534 = arith.subf %scan3A_394#22, %get3A_407 : vector<16xf32>
      %max3A_535 = arith.constant 0.000000e+00 : f32
      %max3A_536 = vector.broadcast %max3A_535 : f32 to vector<16xf32>
      %max3A_537 = arith.maximumf %sub3A_534, %max3A_536 : vector<16xf32>
      %sub3A_538 = arith.subf %scan3A_394#23, %get3A_411 : vector<16xf32>
      %jit3A_539 = arith.constant -1.000000e+00 : f32
      %broadcast_in_dim3A_540 = vector.broadcast %jit3A_539 : f32 to vector<16xf32>
      %select_n3A_541 = arith.select %lt3A_2, %sub3A_538, %broadcast_in_dim3A_540 : vector<16xi1>, vector<16xf32>
      %max3A_542 = arith.constant 0.000000e+00 : f32
      %max3A_543 = vector.broadcast %max3A_542 : f32 to vector<16xf32>
      %max3A_544 = arith.maximumf %select_n3A_541, %max3A_543 : vector<16xf32>
      %add3A_545 = arith.addf %max3A_529, %max3A_533 : vector<16xf32>
      %add3A_546 = arith.addf %add3A_545, %max3A_537 : vector<16xf32>
      %add3A_547 = arith.addf %add3A_546, %max3A_544 : vector<16xf32>
      %add3A_548 = arith.addf %add3A_525, %add3A_547 : vector<16xf32>
      %sub3A_549 = arith.subf %scan3A_394#24, %get3A_399 : vector<16xf32>
      %max3A_550 = arith.constant 0.000000e+00 : f32
      %max3A_551 = vector.broadcast %max3A_550 : f32 to vector<16xf32>
      %max3A_552 = arith.maximumf %sub3A_549, %max3A_551 : vector<16xf32>
      %sub3A_553 = arith.subf %scan3A_394#25, %get3A_403 : vector<16xf32>
      %max3A_554 = arith.constant 0.000000e+00 : f32
      %max3A_555 = vector.broadcast %max3A_554 : f32 to vector<16xf32>
      %max3A_556 = arith.maximumf %sub3A_553, %max3A_555 : vector<16xf32>
      %sub3A_557 = arith.subf %scan3A_394#26, %get3A_407 : vector<16xf32>
      %max3A_558 = arith.constant 0.000000e+00 : f32
      %max3A_559 = vector.broadcast %max3A_558 : f32 to vector<16xf32>
      %max3A_560 = arith.maximumf %sub3A_557, %max3A_559 : vector<16xf32>
      %sub3A_561 = arith.subf %scan3A_394#27, %get3A_411 : vector<16xf32>
      %jit3A_562 = arith.constant -1.000000e+00 : f32
      %broadcast_in_dim3A_563 = vector.broadcast %jit3A_562 : f32 to vector<16xf32>
      %select_n3A_564 = arith.select %lt3A_2, %sub3A_561, %broadcast_in_dim3A_563 : vector<16xi1>, vector<16xf32>
      %max3A_565 = arith.constant 0.000000e+00 : f32
      %max3A_566 = vector.broadcast %max3A_565 : f32 to vector<16xf32>
      %max3A_567 = arith.maximumf %select_n3A_564, %max3A_566 : vector<16xf32>
      %add3A_568 = arith.addf %max3A_552, %max3A_556 : vector<16xf32>
      %add3A_569 = arith.addf %add3A_568, %max3A_560 : vector<16xf32>
      %add3A_570 = arith.addf %add3A_569, %max3A_567 : vector<16xf32>
      %add3A_571 = arith.addf %add3A_548, %add3A_570 : vector<16xf32>
      %sub3A_572 = arith.subf %scan3A_394#28, %get3A_399 : vector<16xf32>
      %max3A_573 = arith.constant 0.000000e+00 : f32
      %max3A_574 = vector.broadcast %max3A_573 : f32 to vector<16xf32>
      %max3A_575 = arith.maximumf %sub3A_572, %max3A_574 : vector<16xf32>
      %sub3A_576 = arith.subf %scan3A_394#29, %get3A_403 : vector<16xf32>
      %max3A_577 = arith.constant 0.000000e+00 : f32
      %max3A_578 = vector.broadcast %max3A_577 : f32 to vector<16xf32>
      %max3A_579 = arith.maximumf %sub3A_576, %max3A_578 : vector<16xf32>
      %sub3A_580 = arith.subf %scan3A_394#30, %get3A_407 : vector<16xf32>
      %max3A_581 = arith.constant 0.000000e+00 : f32
      %max3A_582 = vector.broadcast %max3A_581 : f32 to vector<16xf32>
      %max3A_583 = arith.maximumf %sub3A_580, %max3A_582 : vector<16xf32>
      %sub3A_584 = arith.subf %scan3A_394#31, %get3A_411 : vector<16xf32>
      %jit3A_585 = arith.constant -1.000000e+00 : f32
      %broadcast_in_dim3A_586 = vector.broadcast %jit3A_585 : f32 to vector<16xf32>
      %select_n3A_587 = arith.select %lt3A_2, %sub3A_584, %broadcast_in_dim3A_586 : vector<16xi1>, vector<16xf32>
      %max3A_588 = arith.constant 0.000000e+00 : f32
      %max3A_589 = vector.broadcast %max3A_588 : f32 to vector<16xf32>
      %max3A_590 = arith.maximumf %select_n3A_587, %max3A_589 : vector<16xf32>
      %add3A_591 = arith.addf %max3A_575, %max3A_579 : vector<16xf32>
      %add3A_592 = arith.addf %add3A_591, %max3A_583 : vector<16xf32>
      %add3A_593 = arith.addf %add3A_592, %max3A_590 : vector<16xf32>
      %add3A_594 = arith.addf %add3A_571, %add3A_593 : vector<16xf32>
      %get3A_595 = arith.constant 0 : i32
      %get3A_596 = arith.index_cast %get3A_595 : i32 to index
      %get3A_597 = arith.constant 0 : index
      %get3A_598 = tpu.vector_load %arg22[%get3A_596, %get3A_597] {strides = array<i32>} : memref<8x16xf32, #tpu.memory_space<vmem>>, vector<1x16xf32>,
      %get3A_599 = vector.shape_cast %get3A_598 : vector<1x16xf32> to vector<16xf32>
      %add3A_600 = arith.addf %get3A_599, %add3A_594 : vector<16xf32>
      %swap3A_601 = arith.constant 0 : i32
      %swap3A_602 = arith.index_cast %swap3A_601 : i32 to index
      %swap3A_603 = arith.constant 0 : index
      %swap3A_604 = tpu.vector_load %arg22[%swap3A_602, %swap3A_603] {strides = array<i32>} : memref<8x16xf32, #tpu.memory_space<vmem>>, vector<1x16xf32>,
      %swap3A_605 = vector.shape_cast %swap3A_604 : vector<1x16xf32> to vector<16xf32>
      %swap3A_606 = vector.shape_cast %add3A_600 : vector<16xf32> to vector<1x16xf32>
      tpu.vector_store %arg22[%swap3A_602, %swap3A_603], %swap3A_606 {strides = array<i32>} : memref<8x16xf32, #tpu.memory_space<vmem>>, vector<1x16xf32>,
    }
    %while3A_282 = arith.constant 1 : i32
    scf.for %while3A_348 = %while3A_280 to %while3A_276 step %while3A_282  : i32 {
      %sub3A_349 = arith.subi %while3A_348, %mul3A_273 : i32
      %broadcast_in_dim3A_350 = arith.constant 0 : i32
      %broadcast_in_dim3A_351 = vector.broadcast %broadcast_in_dim3A_350 : i32 to vector<16xi32>
      %swap3A_352 = arith.constant 40 : index
      %swap3A_353 = tpu.vector_load %arg17[%swap3A_352] {strides = array<i32>} : memref<56xi32, #tpu.memory_space<vmem>>, vector<16xi32>,
      %swap3A_354 = vector.shape_cast %swap3A_353 : vector<16xi32> to vector<16xi32>
      %swap3A_355 = vector.shape_cast %broadcast_in_dim3A_351 : vector<16xi32> to vector<16xi32>
      tpu.vector_store %arg17[%swap3A_352], %swap3A_355 {strides = array<i32>} : memref<56xi32, #tpu.memory_space<vmem>>, vector<16xi32>,
      %get3A = arith.index_cast %sub3A_349 : i32 to index
      %get3A_356 = arith.constant 0 : index
      %get3A_357 = tpu.vector_load %arg14[%get3A, %get3A_356] {strides = array<i32>} : memref<40x50xi32, #tpu.memory_space<vmem>>, vector<1x16xi32>,
      %get3A_358 = vector.shape_cast %get3A_357 : vector<1x16xi32> to vector<16xi32>
      %swap3A_359 = arith.constant 0 : index
      %swap3A_360 = tpu.vector_load %arg17[%swap3A_359] {strides = array<i32>} : memref<56xi32, #tpu.memory_space<vmem>>, vector<16xi32>,
      %swap3A_361 = vector.shape_cast %swap3A_360 : vector<16xi32> to vector<16xi32>
      %swap3A_362 = vector.shape_cast %get3A_358 : vector<16xi32> to vector<16xi32>
      tpu.vector_store %arg17[%swap3A_359], %swap3A_362 {strides = array<i32>} : memref<56xi32, #tpu.memory_space<vmem>>, vector<16xi32>,
      %get3A_363 = arith.index_cast %sub3A_349 : i32 to index
      %get3A_364 = arith.constant 16 : index
      %get3A_365 = tpu.vector_load %arg14[%get3A_363, %get3A_364] {strides = array<i32>} : memref<40x50xi32, #tpu.memory_space<vmem>>, vector<1x16xi32>,
      %get3A_366 = vector.shape_cast %get3A_365 : vector<1x16xi32> to vector<16xi32>
      %swap3A_367 = arith.constant 16 : index
      %swap3A_368 = tpu.vector_load %arg17[%swap3A_367] {strides = array<i32>} : memref<56xi32, #tpu.memory_space<vmem>>, vector<16xi32>,
      %swap3A_369 = vector.shape_cast %swap3A_368 : vector<16xi32> to vector<16xi32>
      %swap3A_370 = vector.shape_cast %get3A_366 : vector<16xi32> to vector<16xi32>
      tpu.vector_store %arg17[%swap3A_367], %swap3A_370 {strides = array<i32>} : memref<56xi32, #tpu.memory_space<vmem>>, vector<16xi32>,
      %get3A_371 = arith.index_cast %sub3A_349 : i32 to index
      %get3A_372 = arith.constant 32 : index
      %get3A_373 = tpu.vector_load %arg14[%get3A_371, %get3A_372] {strides = array<i32>} : memref<40x50xi32, #tpu.memory_space<vmem>>, vector<1x16xi32>,
      %get3A_374 = vector.shape_cast %get3A_373 : vector<1x16xi32> to vector<16xi32>
      %swap3A_375 = arith.constant 32 : index
      %swap3A_376 = tpu.vector_load %arg17[%swap3A_375] {strides = array<i32>} : memref<56xi32, #tpu.memory_space<vmem>>, vector<16xi32>,
      %swap3A_377 = vector.shape_cast %swap3A_376 : vector<16xi32> to vector<16xi32>
      %swap3A_378 = vector.shape_cast %get3A_374 : vector<16xi32> to vector<16xi32>
      tpu.vector_store %arg17[%swap3A_375], %swap3A_378 {strides = array<i32>} : memref<56xi32, #tpu.memory_space<vmem>>, vector<16xi32>,
      %get3A_379 = arith.index_cast %sub3A_349 : i32 to index
      %get3A_380 = arith.constant 34 : index
      %get3A_381 = tpu.vector_load %arg14[%get3A_379, %get3A_380] {strides = array<i32>} : memref<40x50xi32, #tpu.memory_space<vmem>>, vector<1x16xi32>,
      %get3A_382 = vector.shape_cast %get3A_381 : vector<1x16xi32> to vector<16xi32>
      %swap3A_383 = arith.constant 34 : index
      %swap3A_384 = tpu.vector_load %arg17[%swap3A_383] {strides = array<i32>} : memref<56xi32, #tpu.memory_space<vmem>>, vector<16xi32>,
      %swap3A_385 = vector.shape_cast %swap3A_384 : vector<16xi32> to vector<16xi32>
      %swap3A_386 = vector.shape_cast %get3A_382 : vector<16xi32> to vector<16xi32>
      tpu.vector_store %arg17[%swap3A_383], %swap3A_386 {strides = array<i32>} : memref<56xi32, #tpu.memory_space<vmem>>, vector<16xi32>,
      %dma_start3A = arith.constant 0 : i32
      %dma_start3A_387 = arith.constant 0 : i32
      %dma_start3A_388 = tpu.memref_slice %arg2[%dma_start3A, %dma_start3A_387] : memref<50000x512xf32, #tpu.memory_space<hbm>> -> memref<50000x512xf32, #tpu.memory_space<hbm>>
      tpu.enqueue_indirect_dma source(%dma_start3A_388 : memref<50000x512xf32, #tpu.memory_space<hbm>>) target(%arg11 : memref<56x512xf32, #tpu.memory_space<vmem>>) offsets(%arg17 : memref<56xi32, #tpu.memory_space<vmem>>) semaphore(%arg23 : memref<!tpu.dma_semaphore, #tpu.memory_space<semaphore_mem>>)
      %dma_wait3A = arith.constant 0 : i32
      %dma_wait3A_389 = arith.constant 0 : i32
      %dma_wait3A_390 = tpu.memref_slice %arg2[%dma_wait3A, %dma_wait3A_389] : memref<50000x512xf32, #tpu.memory_space<hbm>> -> memref<50000x512xf32, #tpu.memory_space<hbm>>
      tpu.wait_indirect_dma semaphore(%arg23 : memref<!tpu.dma_semaphore, #tpu.memory_space<semaphore_mem>>) src(%dma_wait3A_390 : memref<50000x512xf32, #tpu.memory_space<hbm>>) dst(%arg11 : memref<56x512xf32, #tpu.memory_space<vmem>>)
      %scan3A = arith.constant 0 : i32
      %scan3A_391 = arith.constant 50 : i32
      %scan3A_392 = arith.addi %scan3A, %scan3A_391 : i32
      %scan3A_393 = arith.constant 1 : i32
      %scan3A_394:32 = scf.for %scan3A_607 = %scan3A to %scan3A_392 step %scan3A_393 iter_args(%scan3A_608 = %broadcast_in_dim3A_3, %scan3A_609 = %broadcast_in_dim3A_3, %scan3A_610 = %broadcast_in_dim3A_3, %scan3A_611 = %broadcast_in_dim3A_3, %scan3A_612 = %broadcast_in_dim3A_3, %scan3A_613 = %broadcast_in_dim3A_3, %scan3A_614 = %broadcast_in_dim3A_3, %scan3A_615 = %broadcast_in_dim3A_3, %scan3A_616 = %broadcast_in_dim3A_3, %scan3A_617 = %broadcast_in_dim3A_3, %scan3A_618 = %broadcast_in_dim3A_3, %scan3A_619 = %broadcast_in_dim3A_3, %scan3A_620 = %broadcast_in_dim3A_3, %scan3A_621 = %broadcast_in_dim3A_3, %scan3A_622 = %broadcast_in_dim3A_3, %scan3A_623 = %broadcast_in_dim3A_3, %scan3A_624 = %broadcast_in_dim3A_3, %scan3A_625 = %broadcast_in_dim3A_3, %scan3A_626 = %broadcast_in_dim3A_3, %scan3A_627 = %broadcast_in_dim3A_3, %scan3A_628 = %broadcast_in_dim3A_3, %scan3A_629 = %broadcast_in_dim3A_3, %scan3A_630 = %broadcast_in_dim3A_3, %scan3A_631 = %broadcast_in_dim3A_3, %scan3A_632 = %broadcast_in_dim3A_3, %scan3A_633 = %broadcast_in_dim3A_3, %scan3A_634 = %broadcast_in_dim3A_3, %scan3A_635 = %broadcast_in_dim3A_3, %scan3A_636 = %broadcast_in_dim3A_3, %scan3A_637 = %broadcast_in_dim3A_3, %scan3A_638 = %broadcast_in_dim3A_3, %scan3A_639 = %broadcast_in_dim3A_3) -> (vector<16xf32>, vector<16xf32>, vector<16xf32>, vector<16xf32>, vector<16xf32>, vector<16xf32>, vector<16xf32>, vector<16xf32>, vector<16xf32>, vector<16xf32>, vector<16xf32>, vector<16xf32>, vector<16xf32>, vector<16xf32>, vector<16xf32>, vector<16xf32>, vector<16xf32>, vector<16xf32>, vector<16xf32>, vector<16xf32>, vector<16xf32>, vector<16xf32>, vector<16xf32>, vector<16xf32>, vector<16xf32>, vector<16xf32>, vector<16xf32>, vector<16xf32>, vector<16xf32>, vector<16xf32>, vector<16xf32>, vector<16xf32>)  : i32 {
        %get3A_640 = arith.index_cast %scan3A_607 : i32 to index
        %get3A_641 = arith.constant 0 : index
        %get3A_642 = tpu.vector_load %arg11[%get3A_640, %get3A_641] {strides = array<i32>} : memref<56x512xf32, #tpu.memory_space<vmem>>, vector<1x16xf32>,
        %get3A_643 = vector.shape_cast %get3A_642 : vector<1x16xf32> to vector<16xf32>
        %add3A_644 = arith.addf %scan3A_608, %get3A_643 : vector<16xf32>
        %get3A_645 = arith.index_cast %scan3A_607 : i32 to index
        %get3A_646 = arith.constant 16 : index
        %get3A_647 = tpu.vector_load %arg11[%get3A_645, %get3A_646] {strides = array<i32>} : memref<56x512xf32, #tpu.memory_space<vmem>>, vector<1x16xf32>,
        %get3A_648 = vector.shape_cast %get3A_647 : vector<1x16xf32> to vector<16xf32>
        %add3A_649 = arith.addf %scan3A_609, %get3A_648 : vector<16xf32>
        %get3A_650 = arith.index_cast %scan3A_607 : i32 to index
        %get3A_651 = arith.constant 32 : index
        %get3A_652 = tpu.vector_load %arg11[%get3A_650, %get3A_651] {strides = array<i32>} : memref<56x512xf32, #tpu.memory_space<vmem>>, vector<1x16xf32>,
        %get3A_653 = vector.shape_cast %get3A_652 : vector<1x16xf32> to vector<16xf32>
        %add3A_654 = arith.addf %scan3A_610, %get3A_653 : vector<16xf32>
        %get3A_655 = arith.index_cast %scan3A_607 : i32 to index
        %get3A_656 = arith.constant 48 : index
        %get3A_657 = tpu.vector_load %arg11[%get3A_655, %get3A_656] {strides = array<i32>} : memref<56x512xf32, #tpu.memory_space<vmem>>, vector<1x16xf32>,
        %get3A_658 = vector.shape_cast %get3A_657 : vector<1x16xf32> to vector<16xf32>
        %add3A_659 = arith.addf %scan3A_611, %get3A_658 : vector<16xf32>
        %get3A_660 = arith.index_cast %scan3A_607 : i32 to index
        %get3A_661 = arith.constant 64 : index
        %get3A_662 = tpu.vector_load %arg11[%get3A_660, %get3A_661] {strides = array<i32>} : memref<56x512xf32, #tpu.memory_space<vmem>>, vector<1x16xf32>,
        %get3A_663 = vector.shape_cast %get3A_662 : vector<1x16xf32> to vector<16xf32>
        %add3A_664 = arith.addf %scan3A_612, %get3A_663 : vector<16xf32>
        %get3A_665 = arith.index_cast %scan3A_607 : i32 to index
        %get3A_666 = arith.constant 80 : index
        %get3A_667 = tpu.vector_load %arg11[%get3A_665, %get3A_666] {strides = array<i32>} : memref<56x512xf32, #tpu.memory_space<vmem>>, vector<1x16xf32>,
        %get3A_668 = vector.shape_cast %get3A_667 : vector<1x16xf32> to vector<16xf32>
        %add3A_669 = arith.addf %scan3A_613, %get3A_668 : vector<16xf32>
        %get3A_670 = arith.index_cast %scan3A_607 : i32 to index
        %get3A_671 = arith.constant 96 : index
        %get3A_672 = tpu.vector_load %arg11[%get3A_670, %get3A_671] {strides = array<i32>} : memref<56x512xf32, #tpu.memory_space<vmem>>, vector<1x16xf32>,
        %get3A_673 = vector.shape_cast %get3A_672 : vector<1x16xf32> to vector<16xf32>
        %add3A_674 = arith.addf %scan3A_614, %get3A_673 : vector<16xf32>
        %get3A_675 = arith.index_cast %scan3A_607 : i32 to index
        %get3A_676 = arith.constant 112 : index
        %get3A_677 = tpu.vector_load %arg11[%get3A_675, %get3A_676] {strides = array<i32>} : memref<56x512xf32, #tpu.memory_space<vmem>>, vector<1x16xf32>,
        %get3A_678 = vector.shape_cast %get3A_677 : vector<1x16xf32> to vector<16xf32>
        %add3A_679 = arith.addf %scan3A_615, %get3A_678 : vector<16xf32>
        %get3A_680 = arith.index_cast %scan3A_607 : i32 to index
        %get3A_681 = arith.constant 128 : index
        %get3A_682 = tpu.vector_load %arg11[%get3A_680, %get3A_681] {strides = array<i32>} : memref<56x512xf32, #tpu.memory_space<vmem>>, vector<1x16xf32>,
        %get3A_683 = vector.shape_cast %get3A_682 : vector<1x16xf32> to vector<16xf32>
        %add3A_684 = arith.addf %scan3A_616, %get3A_683 : vector<16xf32>
        %get3A_685 = arith.index_cast %scan3A_607 : i32 to index
        %get3A_686 = arith.constant 144 : index
        %get3A_687 = tpu.vector_load %arg11[%get3A_685, %get3A_686] {strides = array<i32>} : memref<56x512xf32, #tpu.memory_space<vmem>>, vector<1x16xf32>,
        %get3A_688 = vector.shape_cast %get3A_687 : vector<1x16xf32> to vector<16xf32>
        %add3A_689 = arith.addf %scan3A_617, %get3A_688 : vector<16xf32>
        %get3A_690 = arith.index_cast %scan3A_607 : i32 to index
        %get3A_691 = arith.constant 160 : index
        %get3A_692 = tpu.vector_load %arg11[%get3A_690, %get3A_691] {strides = array<i32>} : memref<56x512xf32, #tpu.memory_space<vmem>>, vector<1x16xf32>,
        %get3A_693 = vector.shape_cast %get3A_692 : vector<1x16xf32> to vector<16xf32>
        %add3A_694 = arith.addf %scan3A_618, %get3A_693 : vector<16xf32>
        %get3A_695 = arith.index_cast %scan3A_607 : i32 to index
        %get3A_696 = arith.constant 176 : index
        %get3A_697 = tpu.vector_load %arg11[%get3A_695, %get3A_696] {strides = array<i32>} : memref<56x512xf32, #tpu.memory_space<vmem>>, vector<1x16xf32>,
        %get3A_698 = vector.shape_cast %get3A_697 : vector<1x16xf32> to vector<16xf32>
        %add3A_699 = arith.addf %scan3A_619, %get3A_698 : vector<16xf32>
        %get3A_700 = arith.index_cast %scan3A_607 : i32 to index
        %get3A_701 = arith.constant 192 : index
        %get3A_702 = tpu.vector_load %arg11[%get3A_700, %get3A_701] {strides = array<i32>} : memref<56x512xf32, #tpu.memory_space<vmem>>, vector<1x16xf32>,
        %get3A_703 = vector.shape_cast %get3A_702 : vector<1x16xf32> to vector<16xf32>
        %add3A_704 = arith.addf %scan3A_620, %get3A_703 : vector<16xf32>
        %get3A_705 = arith.index_cast %scan3A_607 : i32 to index
        %get3A_706 = arith.constant 208 : index
        %get3A_707 = tpu.vector_load %arg11[%get3A_705, %get3A_706] {strides = array<i32>} : memref<56x512xf32, #tpu.memory_space<vmem>>, vector<1x16xf32>,
        %get3A_708 = vector.shape_cast %get3A_707 : vector<1x16xf32> to vector<16xf32>
        %add3A_709 = arith.addf %scan3A_621, %get3A_708 : vector<16xf32>
        %get3A_710 = arith.index_cast %scan3A_607 : i32 to index
        %get3A_711 = arith.constant 224 : index
        %get3A_712 = tpu.vector_load %arg11[%get3A_710, %get3A_711] {strides = array<i32>} : memref<56x512xf32, #tpu.memory_space<vmem>>, vector<1x16xf32>,
        %get3A_713 = vector.shape_cast %get3A_712 : vector<1x16xf32> to vector<16xf32>
        %add3A_714 = arith.addf %scan3A_622, %get3A_713 : vector<16xf32>
        %get3A_715 = arith.index_cast %scan3A_607 : i32 to index
        %get3A_716 = arith.constant 240 : index
        %get3A_717 = tpu.vector_load %arg11[%get3A_715, %get3A_716] {strides = array<i32>} : memref<56x512xf32, #tpu.memory_space<vmem>>, vector<1x16xf32>,
        %get3A_718 = vector.shape_cast %get3A_717 : vector<1x16xf32> to vector<16xf32>
        %add3A_719 = arith.addf %scan3A_623, %get3A_718 : vector<16xf32>
        %get3A_720 = arith.index_cast %scan3A_607 : i32 to index
        %get3A_721 = arith.constant 256 : index
        %get3A_722 = tpu.vector_load %arg11[%get3A_720, %get3A_721] {strides = array<i32>} : memref<56x512xf32, #tpu.memory_space<vmem>>, vector<1x16xf32>,
        %get3A_723 = vector.shape_cast %get3A_722 : vector<1x16xf32> to vector<16xf32>
        %add3A_724 = arith.addf %scan3A_624, %get3A_723 : vector<16xf32>
        %get3A_725 = arith.index_cast %scan3A_607 : i32 to index
        %get3A_726 = arith.constant 272 : index
        %get3A_727 = tpu.vector_load %arg11[%get3A_725, %get3A_726] {strides = array<i32>} : memref<56x512xf32, #tpu.memory_space<vmem>>, vector<1x16xf32>,
        %get3A_728 = vector.shape_cast %get3A_727 : vector<1x16xf32> to vector<16xf32>
        %add3A_729 = arith.addf %scan3A_625, %get3A_728 : vector<16xf32>
        %get3A_730 = arith.index_cast %scan3A_607 : i32 to index
        %get3A_731 = arith.constant 288 : index
        %get3A_732 = tpu.vector_load %arg11[%get3A_730, %get3A_731] {strides = array<i32>} : memref<56x512xf32, #tpu.memory_space<vmem>>, vector<1x16xf32>,
        %get3A_733 = vector.shape_cast %get3A_732 : vector<1x16xf32> to vector<16xf32>
        %add3A_734 = arith.addf %scan3A_626, %get3A_733 : vector<16xf32>
        %get3A_735 = arith.index_cast %scan3A_607 : i32 to index
        %get3A_736 = arith.constant 304 : index
        %get3A_737 = tpu.vector_load %arg11[%get3A_735, %get3A_736] {strides = array<i32>} : memref<56x512xf32, #tpu.memory_space<vmem>>, vector<1x16xf32>,
        %get3A_738 = vector.shape_cast %get3A_737 : vector<1x16xf32> to vector<16xf32>
        %add3A_739 = arith.addf %scan3A_627, %get3A_738 : vector<16xf32>
        %get3A_740 = arith.index_cast %scan3A_607 : i32 to index
        %get3A_741 = arith.constant 320 : index
        %get3A_742 = tpu.vector_load %arg11[%get3A_740, %get3A_741] {strides = array<i32>} : memref<56x512xf32, #tpu.memory_space<vmem>>, vector<1x16xf32>,
        %get3A_743 = vector.shape_cast %get3A_742 : vector<1x16xf32> to vector<16xf32>
        %add3A_744 = arith.addf %scan3A_628, %get3A_743 : vector<16xf32>
        %get3A_745 = arith.index_cast %scan3A_607 : i32 to index
        %get3A_746 = arith.constant 336 : index
        %get3A_747 = tpu.vector_load %arg11[%get3A_745, %get3A_746] {strides = array<i32>} : memref<56x512xf32, #tpu.memory_space<vmem>>, vector<1x16xf32>,
        %get3A_748 = vector.shape_cast %get3A_747 : vector<1x16xf32> to vector<16xf32>
        %add3A_749 = arith.addf %scan3A_629, %get3A_748 : vector<16xf32>
        %get3A_750 = arith.index_cast %scan3A_607 : i32 to index
        %get3A_751 = arith.constant 352 : index
        %get3A_752 = tpu.vector_load %arg11[%get3A_750, %get3A_751] {strides = array<i32>} : memref<56x512xf32, #tpu.memory_space<vmem>>, vector<1x16xf32>,
        %get3A_753 = vector.shape_cast %get3A_752 : vector<1x16xf32> to vector<16xf32>
        %add3A_754 = arith.addf %scan3A_630, %get3A_753 : vector<16xf32>
        %get3A_755 = arith.index_cast %scan3A_607 : i32 to index
        %get3A_756 = arith.constant 368 : index
        %get3A_757 = tpu.vector_load %arg11[%get3A_755, %get3A_756] {strides = array<i32>} : memref<56x512xf32, #tpu.memory_space<vmem>>, vector<1x16xf32>,
        %get3A_758 = vector.shape_cast %get3A_757 : vector<1x16xf32> to vector<16xf32>
        %add3A_759 = arith.addf %scan3A_631, %get3A_758 : vector<16xf32>
        %get3A_760 = arith.index_cast %scan3A_607 : i32 to index
        %get3A_761 = arith.constant 384 : index
        %get3A_762 = tpu.vector_load %arg11[%get3A_760, %get3A_761] {strides = array<i32>} : memref<56x512xf32, #tpu.memory_space<vmem>>, vector<1x16xf32>,
        %get3A_763 = vector.shape_cast %get3A_762 : vector<1x16xf32> to vector<16xf32>
        %add3A_764 = arith.addf %scan3A_632, %get3A_763 : vector<16xf32>
        %get3A_765 = arith.index_cast %scan3A_607 : i32 to index
        %get3A_766 = arith.constant 400 : index
        %get3A_767 = tpu.vector_load %arg11[%get3A_765, %get3A_766] {strides = array<i32>} : memref<56x512xf32, #tpu.memory_space<vmem>>, vector<1x16xf32>,
        %get3A_768 = vector.shape_cast %get3A_767 : vector<1x16xf32> to vector<16xf32>
        %add3A_769 = arith.addf %scan3A_633, %get3A_768 : vector<16xf32>
        %get3A_770 = arith.index_cast %scan3A_607 : i32 to index
        %get3A_771 = arith.constant 416 : index
        %get3A_772 = tpu.vector_load %arg11[%get3A_770, %get3A_771] {strides = array<i32>} : memref<56x512xf32, #tpu.memory_space<vmem>>, vector<1x16xf32>,
        %get3A_773 = vector.shape_cast %get3A_772 : vector<1x16xf32> to vector<16xf32>
        %add3A_774 = arith.addf %scan3A_634, %get3A_773 : vector<16xf32>
        %get3A_775 = arith.index_cast %scan3A_607 : i32 to index
        %get3A_776 = arith.constant 432 : index
        %get3A_777 = tpu.vector_load %arg11[%get3A_775, %get3A_776] {strides = array<i32>} : memref<56x512xf32, #tpu.memory_space<vmem>>, vector<1x16xf32>,
        %get3A_778 = vector.shape_cast %get3A_777 : vector<1x16xf32> to vector<16xf32>
        %add3A_779 = arith.addf %scan3A_635, %get3A_778 : vector<16xf32>
        %get3A_780 = arith.index_cast %scan3A_607 : i32 to index
        %get3A_781 = arith.constant 448 : index
        %get3A_782 = tpu.vector_load %arg11[%get3A_780, %get3A_781] {strides = array<i32>} : memref<56x512xf32, #tpu.memory_space<vmem>>, vector<1x16xf32>,
        %get3A_783 = vector.shape_cast %get3A_782 : vector<1x16xf32> to vector<16xf32>
        %add3A_784 = arith.addf %scan3A_636, %get3A_783 : vector<16xf32>
        %get3A_785 = arith.index_cast %scan3A_607 : i32 to index
        %get3A_786 = arith.constant 464 : index
        %get3A_787 = tpu.vector_load %arg11[%get3A_785, %get3A_786] {strides = array<i32>} : memref<56x512xf32, #tpu.memory_space<vmem>>, vector<1x16xf32>,
        %get3A_788 = vector.shape_cast %get3A_787 : vector<1x16xf32> to vector<16xf32>
        %add3A_789 = arith.addf %scan3A_637, %get3A_788 : vector<16xf32>
        %get3A_790 = arith.index_cast %scan3A_607 : i32 to index
        %get3A_791 = arith.constant 480 : index
        %get3A_792 = tpu.vector_load %arg11[%get3A_790, %get3A_791] {strides = array<i32>} : memref<56x512xf32, #tpu.memory_space<vmem>>, vector<1x16xf32>,
        %get3A_793 = vector.shape_cast %get3A_792 : vector<1x16xf32> to vector<16xf32>
        %add3A_794 = arith.addf %scan3A_638, %get3A_793 : vector<16xf32>
        %get3A_795 = arith.index_cast %scan3A_607 : i32 to index
        %get3A_796 = arith.constant 496 : index
        %get3A_797 = tpu.vector_load %arg11[%get3A_795, %get3A_796] {strides = array<i32>} : memref<56x512xf32, #tpu.memory_space<vmem>>, vector<1x16xf32>,
        %get3A_798 = vector.shape_cast %get3A_797 : vector<1x16xf32> to vector<16xf32>
        %add3A_799 = arith.addf %scan3A_639, %get3A_798 : vector<16xf32>
        scf.yield %add3A_644, %add3A_649, %add3A_654, %add3A_659, %add3A_664, %add3A_669, %add3A_674, %add3A_679, %add3A_684, %add3A_689, %add3A_694, %add3A_699, %add3A_704, %add3A_709, %add3A_714, %add3A_719, %add3A_724, %add3A_729, %add3A_734, %add3A_739, %add3A_744, %add3A_749, %add3A_754, %add3A_759, %add3A_764, %add3A_769, %add3A_774, %add3A_779, %add3A_784, %add3A_789, %add3A_794, %add3A_799 : vector<16xf32>, vector<16xf32>, vector<16xf32>, vector<16xf32>, vector<16xf32>, vector<16xf32>, vector<16xf32>, vector<16xf32>, vector<16xf32>, vector<16xf32>, vector<16xf32>, vector<16xf32>, vector<16xf32>, vector<16xf32>, vector<16xf32>, vector<16xf32>, vector<16xf32>, vector<16xf32>, vector<16xf32>, vector<16xf32>, vector<16xf32>, vector<16xf32>, vector<16xf32>, vector<16xf32>, vector<16xf32>, vector<16xf32>, vector<16xf32>, vector<16xf32>, vector<16xf32>, vector<16xf32>, vector<16xf32>, vector<16xf32>
      }
      %scan3A_395 = arith.constant 50 : i32
      %get3A_396 = arith.index_cast %sub3A_349 : i32 to index
      %get3A_397 = arith.constant 0 : index
      %get3A_398 = tpu.vector_load %arg20[%get3A_396, %get3A_397] {strides = array<i32>} : memref<40x64xf32, #tpu.memory_space<vmem>>, vector<1x16xf32>,
      %get3A_399 = vector.shape_cast %get3A_398 : vector<1x16xf32> to vector<16xf32>
      %get3A_400 = arith.index_cast %sub3A_349 : i32 to index
      %get3A_401 = arith.constant 16 : index
      %get3A_402 = tpu.vector_load %arg20[%get3A_400, %get3A_401] {strides = array<i32>} : memref<40x64xf32, #tpu.memory_space<vmem>>, vector<1x16xf32>,
      %get3A_403 = vector.shape_cast %get3A_402 : vector<1x16xf32> to vector<16xf32>
      %get3A_404 = arith.index_cast %sub3A_349 : i32 to index
      %get3A_405 = arith.constant 32 : index
      %get3A_406 = tpu.vector_load %arg20[%get3A_404, %get3A_405] {strides = array<i32>} : memref<40x64xf32, #tpu.memory_space<vmem>>, vector<1x16xf32>,
      %get3A_407 = vector.shape_cast %get3A_406 : vector<1x16xf32> to vector<16xf32>
      %get3A_408 = arith.index_cast %sub3A_349 : i32 to index
      %get3A_409 = arith.constant 48 : index
      %get3A_410 = tpu.vector_load %arg20[%get3A_408, %get3A_409] {strides = array<i32>} : memref<40x64xf32, #tpu.memory_space<vmem>>, vector<1x16xf32>,
      %get3A_411 = vector.shape_cast %get3A_410 : vector<1x16xf32> to vector<16xf32>
      %sub3A_412 = arith.subf %scan3A_394#0, %get3A_399 : vector<16xf32>
      %max3A = arith.constant 0.000000e+00 : f32
      %max3A_413 = vector.broadcast %max3A : f32 to vector<16xf32>
      %max3A_414 = arith.maximumf %sub3A_412, %max3A_413 : vector<16xf32>
      %sub3A_415 = arith.subf %scan3A_394#1, %get3A_403 : vector<16xf32>
      %max3A_416 = arith.constant 0.000000e+00 : f32
      %max3A_417 = vector.broadcast %max3A_416 : f32 to vector<16xf32>
      %max3A_418 = arith.maximumf %sub3A_415, %max3A_417 : vector<16xf32>
      %sub3A_419 = arith.subf %scan3A_394#2, %get3A_407 : vector<16xf32>
      %max3A_420 = arith.constant 0.000000e+00 : f32
      %max3A_421 = vector.broadcast %max3A_420 : f32 to vector<16xf32>
      %max3A_422 = arith.maximumf %sub3A_419, %max3A_421 : vector<16xf32>
      %sub3A_423 = arith.subf %scan3A_394#3, %get3A_411 : vector<16xf32>
      %jit3A_424 = arith.constant -1.000000e+00 : f32
      %broadcast_in_dim3A_425 = vector.broadcast %jit3A_424 : f32 to vector<16xf32>
      %select_n3A_426 = arith.select %lt3A_2, %sub3A_423, %broadcast_in_dim3A_425 : vector<16xi1>, vector<16xf32>
      %max3A_427 = arith.constant 0.000000e+00 : f32
      %max3A_428 = vector.broadcast %max3A_427 : f32 to vector<16xf32>
      %max3A_429 = arith.maximumf %select_n3A_426, %max3A_428 : vector<16xf32>
      %add3A_430 = arith.addf %max3A_414, %max3A_418 : vector<16xf32>
      %add3A_431 = arith.addf %add3A_430, %max3A_422 : vector<16xf32>
      %add3A_432 = arith.addf %add3A_431, %max3A_429 : vector<16xf32>
      %add3A_433 = arith.addf %broadcast_in_dim3A_3, %add3A_432 : vector<16xf32>
      %sub3A_434 = arith.subf %scan3A_394#4, %get3A_399 : vector<16xf32>
      %max3A_435 = arith.constant 0.000000e+00 : f32
      %max3A_436 = vector.broadcast %max3A_435 : f32 to vector<16xf32>
      %max3A_437 = arith.maximumf %sub3A_434, %max3A_436 : vector<16xf32>
      %sub3A_438 = arith.subf %scan3A_394#5, %get3A_403 : vector<16xf32>
      %max3A_439 = arith.constant 0.000000e+00 : f32
      %max3A_440 = vector.broadcast %max3A_439 : f32 to vector<16xf32>
      %max3A_441 = arith.maximumf %sub3A_438, %max3A_440 : vector<16xf32>
      %sub3A_442 = arith.subf %scan3A_394#6, %get3A_407 : vector<16xf32>
      %max3A_443 = arith.constant 0.000000e+00 : f32
      %max3A_444 = vector.broadcast %max3A_443 : f32 to vector<16xf32>
      %max3A_445 = arith.maximumf %sub3A_442, %max3A_444 : vector<16xf32>
      %sub3A_446 = arith.subf %scan3A_394#7, %get3A_411 : vector<16xf32>
      %jit3A_447 = arith.constant -1.000000e+00 : f32
      %broadcast_in_dim3A_448 = vector.broadcast %jit3A_447 : f32 to vector<16xf32>
      %select_n3A_449 = arith.select %lt3A_2, %sub3A_446, %broadcast_in_dim3A_448 : vector<16xi1>, vector<16xf32>
      %max3A_450 = arith.constant 0.000000e+00 : f32
      %max3A_451 = vector.broadcast %max3A_450 : f32 to vector<16xf32>
      %max3A_452 = arith.maximumf %select_n3A_449, %max3A_451 : vector<16xf32>
      %add3A_453 = arith.addf %max3A_437, %max3A_441 : vector<16xf32>
      %add3A_454 = arith.addf %add3A_453, %max3A_445 : vector<16xf32>
      %add3A_455 = arith.addf %add3A_454, %max3A_452 : vector<16xf32>
      %add3A_456 = arith.addf %add3A_433, %add3A_455 : vector<16xf32>
      %sub3A_457 = arith.subf %scan3A_394#8, %get3A_399 : vector<16xf32>
      %max3A_458 = arith.constant 0.000000e+00 : f32
      %max3A_459 = vector.broadcast %max3A_458 : f32 to vector<16xf32>
      %max3A_460 = arith.maximumf %sub3A_457, %max3A_459 : vector<16xf32>
      %sub3A_461 = arith.subf %scan3A_394#9, %get3A_403 : vector<16xf32>
      %max3A_462 = arith.constant 0.000000e+00 : f32
      %max3A_463 = vector.broadcast %max3A_462 : f32 to vector<16xf32>
      %max3A_464 = arith.maximumf %sub3A_461, %max3A_463 : vector<16xf32>
      %sub3A_465 = arith.subf %scan3A_394#10, %get3A_407 : vector<16xf32>
      %max3A_466 = arith.constant 0.000000e+00 : f32
      %max3A_467 = vector.broadcast %max3A_466 : f32 to vector<16xf32>
      %max3A_468 = arith.maximumf %sub3A_465, %max3A_467 : vector<16xf32>
      %sub3A_469 = arith.subf %scan3A_394#11, %get3A_411 : vector<16xf32>
      %jit3A_470 = arith.constant -1.000000e+00 : f32
      %broadcast_in_dim3A_471 = vector.broadcast %jit3A_470 : f32 to vector<16xf32>
      %select_n3A_472 = arith.select %lt3A_2, %sub3A_469, %broadcast_in_dim3A_471 : vector<16xi1>, vector<16xf32>
      %max3A_473 = arith.constant 0.000000e+00 : f32
      %max3A_474 = vector.broadcast %max3A_473 : f32 to vector<16xf32>
      %max3A_475 = arith.maximumf %select_n3A_472, %max3A_474 : vector<16xf32>
      %add3A_476 = arith.addf %max3A_460, %max3A_464 : vector<16xf32>
      %add3A_477 = arith.addf %add3A_476, %max3A_468 : vector<16xf32>
      %add3A_478 = arith.addf %add3A_477, %max3A_475 : vector<16xf32>
      %add3A_479 = arith.addf %add3A_456, %add3A_478 : vector<16xf32>
      %sub3A_480 = arith.subf %scan3A_394#12, %get3A_399 : vector<16xf32>
      %max3A_481 = arith.constant 0.000000e+00 : f32
      %max3A_482 = vector.broadcast %max3A_481 : f32 to vector<16xf32>
      %max3A_483 = arith.maximumf %sub3A_480, %max3A_482 : vector<16xf32>
      %sub3A_484 = arith.subf %scan3A_394#13, %get3A_403 : vector<16xf32>
      %max3A_485 = arith.constant 0.000000e+00 : f32
      %max3A_486 = vector.broadcast %max3A_485 : f32 to vector<16xf32>
      %max3A_487 = arith.maximumf %sub3A_484, %max3A_486 : vector<16xf32>
      %sub3A_488 = arith.subf %scan3A_394#14, %get3A_407 : vector<16xf32>
      %max3A_489 = arith.constant 0.000000e+00 : f32
      %max3A_490 = vector.broadcast %max3A_489 : f32 to vector<16xf32>
      %max3A_491 = arith.maximumf %sub3A_488, %max3A_490 : vector<16xf32>
      %sub3A_492 = arith.subf %scan3A_394#15, %get3A_411 : vector<16xf32>
      %jit3A_493 = arith.constant -1.000000e+00 : f32
      %broadcast_in_dim3A_494 = vector.broadcast %jit3A_493 : f32 to vector<16xf32>
      %select_n3A_495 = arith.select %lt3A_2, %sub3A_492, %broadcast_in_dim3A_494 : vector<16xi1>, vector<16xf32>
      %max3A_496 = arith.constant 0.000000e+00 : f32
      %max3A_497 = vector.broadcast %max3A_496 : f32 to vector<16xf32>
      %max3A_498 = arith.maximumf %select_n3A_495, %max3A_497 : vector<16xf32>
      %add3A_499 = arith.addf %max3A_483, %max3A_487 : vector<16xf32>
      %add3A_500 = arith.addf %add3A_499, %max3A_491 : vector<16xf32>
      %add3A_501 = arith.addf %add3A_500, %max3A_498 : vector<16xf32>
      %add3A_502 = arith.addf %add3A_479, %add3A_501 : vector<16xf32>
      %sub3A_503 = arith.subf %scan3A_394#16, %get3A_399 : vector<16xf32>
      %max3A_504 = arith.constant 0.000000e+00 : f32
      %max3A_505 = vector.broadcast %max3A_504 : f32 to vector<16xf32>
      %max3A_506 = arith.maximumf %sub3A_503, %max3A_505 : vector<16xf32>
      %sub3A_507 = arith.subf %scan3A_394#17, %get3A_403 : vector<16xf32>
      %max3A_508 = arith.constant 0.000000e+00 : f32
      %max3A_509 = vector.broadcast %max3A_508 : f32 to vector<16xf32>
      %max3A_510 = arith.maximumf %sub3A_507, %max3A_509 : vector<16xf32>
      %sub3A_511 = arith.subf %scan3A_394#18, %get3A_407 : vector<16xf32>
      %max3A_512 = arith.constant 0.000000e+00 : f32
      %max3A_513 = vector.broadcast %max3A_512 : f32 to vector<16xf32>
      %max3A_514 = arith.maximumf %sub3A_511, %max3A_513 : vector<16xf32>
      %sub3A_515 = arith.subf %scan3A_394#19, %get3A_411 : vector<16xf32>
      %jit3A_516 = arith.constant -1.000000e+00 : f32
      %broadcast_in_dim3A_517 = vector.broadcast %jit3A_516 : f32 to vector<16xf32>
      %select_n3A_518 = arith.select %lt3A_2, %sub3A_515, %broadcast_in_dim3A_517 : vector<16xi1>, vector<16xf32>
      %max3A_519 = arith.constant 0.000000e+00 : f32
      %max3A_520 = vector.broadcast %max3A_519 : f32 to vector<16xf32>
      %max3A_521 = arith.maximumf %select_n3A_518, %max3A_520 : vector<16xf32>
      %add3A_522 = arith.addf %max3A_506, %max3A_510 : vector<16xf32>
      %add3A_523 = arith.addf %add3A_522, %max3A_514 : vector<16xf32>
      %add3A_524 = arith.addf %add3A_523, %max3A_521 : vector<16xf32>
      %add3A_525 = arith.addf %add3A_502, %add3A_524 : vector<16xf32>
      %sub3A_526 = arith.subf %scan3A_394#20, %get3A_399 : vector<16xf32>
      %max3A_527 = arith.constant 0.000000e+00 : f32
      %max3A_528 = vector.broadcast %max3A_527 : f32 to vector<16xf32>
      %max3A_529 = arith.maximumf %sub3A_526, %max3A_528 : vector<16xf32>
      %sub3A_530 = arith.subf %scan3A_394#21, %get3A_403 : vector<16xf32>
      %max3A_531 = arith.constant 0.000000e+00 : f32
      %max3A_532 = vector.broadcast %max3A_531 : f32 to vector<16xf32>
      %max3A_533 = arith.maximumf %sub3A_530, %max3A_532 : vector<16xf32>
      %sub3A_534 = arith.subf %scan3A_394#22, %get3A_407 : vector<16xf32>
      %max3A_535 = arith.constant 0.000000e+00 : f32
      %max3A_536 = vector.broadcast %max3A_535 : f32 to vector<16xf32>
      %max3A_537 = arith.maximumf %sub3A_534, %max3A_536 : vector<16xf32>
      %sub3A_538 = arith.subf %scan3A_394#23, %get3A_411 : vector<16xf32>
      %jit3A_539 = arith.constant -1.000000e+00 : f32
      %broadcast_in_dim3A_540 = vector.broadcast %jit3A_539 : f32 to vector<16xf32>
      %select_n3A_541 = arith.select %lt3A_2, %sub3A_538, %broadcast_in_dim3A_540 : vector<16xi1>, vector<16xf32>
      %max3A_542 = arith.constant 0.000000e+00 : f32
      %max3A_543 = vector.broadcast %max3A_542 : f32 to vector<16xf32>
      %max3A_544 = arith.maximumf %select_n3A_541, %max3A_543 : vector<16xf32>
      %add3A_545 = arith.addf %max3A_529, %max3A_533 : vector<16xf32>
      %add3A_546 = arith.addf %add3A_545, %max3A_537 : vector<16xf32>
      %add3A_547 = arith.addf %add3A_546, %max3A_544 : vector<16xf32>
      %add3A_548 = arith.addf %add3A_525, %add3A_547 : vector<16xf32>
      %sub3A_549 = arith.subf %scan3A_394#24, %get3A_399 : vector<16xf32>
      %max3A_550 = arith.constant 0.000000e+00 : f32
      %max3A_551 = vector.broadcast %max3A_550 : f32 to vector<16xf32>
      %max3A_552 = arith.maximumf %sub3A_549, %max3A_551 : vector<16xf32>
      %sub3A_553 = arith.subf %scan3A_394#25, %get3A_403 : vector<16xf32>
      %max3A_554 = arith.constant 0.000000e+00 : f32
      %max3A_555 = vector.broadcast %max3A_554 : f32 to vector<16xf32>
      %max3A_556 = arith.maximumf %sub3A_553, %max3A_555 : vector<16xf32>
      %sub3A_557 = arith.subf %scan3A_394#26, %get3A_407 : vector<16xf32>
      %max3A_558 = arith.constant 0.000000e+00 : f32
      %max3A_559 = vector.broadcast %max3A_558 : f32 to vector<16xf32>
      %max3A_560 = arith.maximumf %sub3A_557, %max3A_559 : vector<16xf32>
      %sub3A_561 = arith.subf %scan3A_394#27, %get3A_411 : vector<16xf32>
      %jit3A_562 = arith.constant -1.000000e+00 : f32
      %broadcast_in_dim3A_563 = vector.broadcast %jit3A_562 : f32 to vector<16xf32>
      %select_n3A_564 = arith.select %lt3A_2, %sub3A_561, %broadcast_in_dim3A_563 : vector<16xi1>, vector<16xf32>
      %max3A_565 = arith.constant 0.000000e+00 : f32
      %max3A_566 = vector.broadcast %max3A_565 : f32 to vector<16xf32>
      %max3A_567 = arith.maximumf %select_n3A_564, %max3A_566 : vector<16xf32>
      %add3A_568 = arith.addf %max3A_552, %max3A_556 : vector<16xf32>
      %add3A_569 = arith.addf %add3A_568, %max3A_560 : vector<16xf32>
      %add3A_570 = arith.addf %add3A_569, %max3A_567 : vector<16xf32>
      %add3A_571 = arith.addf %add3A_548, %add3A_570 : vector<16xf32>
      %sub3A_572 = arith.subf %scan3A_394#28, %get3A_399 : vector<16xf32>
      %max3A_573 = arith.constant 0.000000e+00 : f32
      %max3A_574 = vector.broadcast %max3A_573 : f32 to vector<16xf32>
      %max3A_575 = arith.maximumf %sub3A_572, %max3A_574 : vector<16xf32>
      %sub3A_576 = arith.subf %scan3A_394#29, %get3A_403 : vector<16xf32>
      %max3A_577 = arith.constant 0.000000e+00 : f32
      %max3A_578 = vector.broadcast %max3A_577 : f32 to vector<16xf32>
      %max3A_579 = arith.maximumf %sub3A_576, %max3A_578 : vector<16xf32>
      %sub3A_580 = arith.subf %scan3A_394#30, %get3A_407 : vector<16xf32>
      %max3A_581 = arith.constant 0.000000e+00 : f32
      %max3A_582 = vector.broadcast %max3A_581 : f32 to vector<16xf32>
      %max3A_583 = arith.maximumf %sub3A_580, %max3A_582 : vector<16xf32>
      %sub3A_584 = arith.subf %scan3A_394#31, %get3A_411 : vector<16xf32>
      %jit3A_585 = arith.constant -1.000000e+00 : f32
      %broadcast_in_dim3A_586 = vector.broadcast %jit3A_585 : f32 to vector<16xf32>
      %select_n3A_587 = arith.select %lt3A_2, %sub3A_584, %broadcast_in_dim3A_586 : vector<16xi1>, vector<16xf32>
      %max3A_588 = arith.constant 0.000000e+00 : f32
      %max3A_589 = vector.broadcast %max3A_588 : f32 to vector<16xf32>
      %max3A_590 = arith.maximumf %select_n3A_587, %max3A_589 : vector<16xf32>
      %add3A_591 = arith.addf %max3A_575, %max3A_579 : vector<16xf32>
      %add3A_592 = arith.addf %add3A_591, %max3A_583 : vector<16xf32>
      %add3A_593 = arith.addf %add3A_592, %max3A_590 : vector<16xf32>
      %add3A_594 = arith.addf %add3A_571, %add3A_593 : vector<16xf32>
      %get3A_595 = arith.constant 0 : i32
      %get3A_596 = arith.index_cast %get3A_595 : i32 to index
      %get3A_597 = arith.constant 0 : index
      %get3A_598 = tpu.vector_load %arg22[%get3A_596, %get3A_597] {strides = array<i32>} : memref<8x16xf32, #tpu.memory_space<vmem>>, vector<1x16xf32>,
      %get3A_599 = vector.shape_cast %get3A_598 : vector<1x16xf32> to vector<16xf32>
      %add3A_600 = arith.addf %get3A_599, %add3A_594 : vector<16xf32>
      %swap3A_601 = arith.constant 0 : i32
      %swap3A_602 = arith.index_cast %swap3A_601 : i32 to index
      %swap3A_603 = arith.constant 0 : index
      %swap3A_604 = tpu.vector_load %arg22[%swap3A_602, %swap3A_603] {strides = array<i32>} : memref<8x16xf32, #tpu.memory_space<vmem>>, vector<1x16xf32>,
      %swap3A_605 = vector.shape_cast %swap3A_604 : vector<1x16xf32> to vector<16xf32>
      %swap3A_606 = vector.shape_cast %add3A_600 : vector<16xf32> to vector<1x16xf32>
      tpu.vector_store %arg22[%swap3A_602, %swap3A_603], %swap3A_606 {strides = array<i32>} : memref<8x16xf32, #tpu.memory_space<vmem>>, vector<1x16xf32>,
    }
    "tpu.region"() ({
      %run_scoped3A = tpu.sem_alloc : memref<!tpu.dma_semaphore, #tpu.memory_space<semaphore_mem>>
      %dma_start3A = arith.constant 0 : i32
      %dma_start3A_348 = arith.constant 0 : i32
      %dma_start3A_349 = tpu.memref_slice %arg8[%dma_start3A, %dma_start3A_348] : memref<16x64xf32, #tpu.memory_space<hbm>> -> memref<16x64xf32, #tpu.memory_space<hbm>>
      %dma_start3A_350 = arith.constant 0 : i32
      %dma_start3A_351 = arith.constant 0 : i32
      %dma_start3A_352 = tpu.memref_slice %arg8[%dma_start3A_350, %dma_start3A_351] : memref<16x64xf32, #tpu.memory_space<hbm>> -> memref<16x64xf32, #tpu.memory_space<hbm>>
      tpu.enqueue_dma source(%dma_start3A_352 : memref<16x64xf32, #tpu.memory_space<hbm>>) target(%arg21 : memref<16x64xf32, #tpu.memory_space<vmem>>) target_semaphore(%run_scoped3A : memref<!tpu.dma_semaphore, #tpu.memory_space<semaphore_mem>>)
      %dma_wait3A = arith.constant 0 : i32
      %dma_wait3A_353 = arith.constant 0 : i32
      %dma_wait3A_354 = tpu.memref_slice %arg8[%dma_wait3A, %dma_wait3A_353] : memref<16x64xf32, #tpu.memory_space<hbm>> -> memref<16x64xf32, #tpu.memory_space<hbm>>
      %dma_wait3A_355 = arith.constant 0 : i32
      %dma_wait3A_356 = arith.constant 0 : i32
      %dma_wait3A_357 = tpu.memref_slice %arg8[%dma_wait3A_355, %dma_wait3A_356] : memref<16x64xf32, #tpu.memory_space<hbm>> -> memref<16x64xf32, #tpu.memory_space<hbm>>
      tpu.wait_dma2 semaphore(%run_scoped3A : memref<!tpu.dma_semaphore, #tpu.memory_space<semaphore_mem>>) src(%dma_wait3A_357 : memref<16x64xf32, #tpu.memory_space<hbm>>) dst(%arg21 : memref<16x64xf32, #tpu.memory_space<vmem>>)
      tpu.yield
    }) : () -> ()
    %mul3A_283 = arith.constant 40 : i32
    %mul3A_284 = arith.muli %add3A, %mul3A_283 : i32
    %jit3A_285 = arith.constant 32 : i32
    %div3A_286 = arith.divsi %mul3A_284, %jit3A_285 : i32
    %sign3A_287 = arith.constant 0 : i32
    %sign3A_288 = arith.cmpi sgt, %mul3A_284, %sign3A_287 : i32
    %sign3A_289 = arith.extui %sign3A_288 : i1 to i32
    %sign3A_290 = arith.constant 0 : i32
    %sign3A_291 = arith.cmpi slt, %mul3A_284, %sign3A_290 : i32
    %sign3A_292 = arith.extui %sign3A_291 : i1 to i32
    %sign3A_293 = arith.subi %sign3A_289, %sign3A_292 : i32
    %sign3A_294 = arith.constant 0 : i32
    %sign3A_295 = arith.cmpi sgt, %jit3A_285, %sign3A_294 : i32
    %sign3A_296 = arith.extui %sign3A_295 : i1 to i32
    %sign3A_297 = arith.constant 0 : i32
    %sign3A_298 = arith.cmpi slt, %jit3A_285, %sign3A_297 : i32
    %sign3A_299 = arith.extui %sign3A_298 : i1 to i32
    %sign3A_300 = arith.subi %sign3A_296, %sign3A_299 : i32
    %ne3A_301 = arith.cmpi ne, %sign3A_293, %sign3A_300 : i32
    %rem3A_302 = arith.remsi %mul3A_284, %jit3A_285 : i32
    %ne3A_303 = arith.constant 0 : i32
    %ne3A_304 = arith.cmpi ne, %rem3A_302, %ne3A_303 : i32
    %and3A_305 = arith.andi %ne3A_301, %ne3A_304 : i1
    %sub3A_306 = arith.constant 1 : i32
    %sub3A_307 = arith.subi %div3A_286, %sub3A_306 : i32
    %select_n3A_308 = arith.select %and3A_305, %sub3A_307, %div3A_286 : i32
    %add3A_309 = arith.constant 1 : i32
    %add3A_310 = arith.addi %add3A, %add3A_309 : i32
    %mul3A_311 = arith.constant 40 : i32
    %mul3A_312 = arith.muli %add3A_310, %mul3A_311 : i32
    %jit3A_313 = arith.constant 32 : i32
    %div3A_314 = arith.divsi %mul3A_312, %jit3A_313 : i32
    %sign3A_315 = arith.constant 0 : i32
    %sign3A_316 = arith.cmpi sgt, %mul3A_312, %sign3A_315 : i32
    %sign3A_317 = arith.extui %sign3A_316 : i1 to i32
    %sign3A_318 = arith.constant 0 : i32
    %sign3A_319 = arith.cmpi slt, %mul3A_312, %sign3A_318 : i32
    %sign3A_320 = arith.extui %sign3A_319 : i1 to i32
    %sign3A_321 = arith.subi %sign3A_317, %sign3A_320 : i32
    %sign3A_322 = arith.constant 0 : i32
    %sign3A_323 = arith.cmpi sgt, %jit3A_313, %sign3A_322 : i32
    %sign3A_324 = arith.extui %sign3A_323 : i1 to i32
    %sign3A_325 = arith.constant 0 : i32
    %sign3A_326 = arith.cmpi slt, %jit3A_313, %sign3A_325 : i32
    %sign3A_327 = arith.extui %sign3A_326 : i1 to i32
    %sign3A_328 = arith.subi %sign3A_324, %sign3A_327 : i32
    %ne3A_329 = arith.cmpi ne, %sign3A_321, %sign3A_328 : i32
    %rem3A_330 = arith.remsi %mul3A_312, %jit3A_313 : i32
    %ne3A_331 = arith.constant 0 : i32
    %ne3A_332 = arith.cmpi ne, %rem3A_330, %ne3A_331 : i32
    %and3A_333 = arith.andi %ne3A_329, %ne3A_332 : i1
    %sub3A_334 = arith.constant 1 : i32
    %sub3A_335 = arith.subi %div3A_314, %sub3A_334 : i32
    %select_n3A_336 = arith.select %and3A_333, %sub3A_335, %div3A_314 : i32
    %while3A_337 = arith.constant 0 : i32
    %while3A_338 = arith.subi %select_n3A_336, %select_n3A_308 : i32
    %while3A_339 = arith.addi %select_n3A_308, %while3A_338 : i32
    %while3A_340 = arith.constant 1 : i32
    %while3A_341 = arith.divsi %while3A_338, %while3A_340 : i32
    %while3A_342 = arith.muli %while3A_341, %while3A_340 : i32
    %while3A_343 = arith.addi %select_n3A_308, %while3A_342 : i32
    %while3A_344 = arith.constant 1 : i32
    scf.for %while3A_348 = %select_n3A_308 to %while3A_343 step %while3A_344  : i32 {
      %jit3A_349 = arith.constant 4 : i32
      %div3A_350 = arith.divsi %while3A_348, %jit3A_349 : i32
      %sign3A_351 = arith.constant 0 : i32
      %sign3A_352 = arith.cmpi sgt, %while3A_348, %sign3A_351 : i32
      %sign3A_353 = arith.extui %sign3A_352 : i1 to i32
      %sign3A_354 = arith.constant 0 : i32
      %sign3A_355 = arith.cmpi slt, %while3A_348, %sign3A_354 : i32
      %sign3A_356 = arith.extui %sign3A_355 : i1 to i32
      %sign3A_357 = arith.subi %sign3A_353, %sign3A_356 : i32
      %sign3A_358 = arith.constant 0 : i32
      %sign3A_359 = arith.cmpi sgt, %jit3A_349, %sign3A_358 : i32
      %sign3A_360 = arith.extui %sign3A_359 : i1 to i32
      %sign3A_361 = arith.constant 0 : i32
      %sign3A_362 = arith.cmpi slt, %jit3A_349, %sign3A_361 : i32
      %sign3A_363 = arith.extui %sign3A_362 : i1 to i32
      %sign3A_364 = arith.subi %sign3A_360, %sign3A_363 : i32
      %ne3A_365 = arith.cmpi ne, %sign3A_357, %sign3A_364 : i32
      %rem3A_366 = arith.remsi %while3A_348, %jit3A_349 : i32
      %ne3A_367 = arith.constant 0 : i32
      %ne3A_368 = arith.cmpi ne, %rem3A_366, %ne3A_367 : i32
      %and3A_369 = arith.andi %ne3A_365, %ne3A_368 : i1
      %sub3A_370 = arith.constant 1 : i32
      %sub3A_371 = arith.subi %div3A_350, %sub3A_370 : i32
      %select_n3A_372 = arith.select %and3A_369, %sub3A_371, %div3A_350 : i32
      %mul3A_373 = arith.constant 4 : i32
      %mul3A_374 = arith.muli %select_n3A_372, %mul3A_373 : i32
      %sub3A_375 = arith.subi %while3A_348, %mul3A_374 : i32
      %mul3A_376 = arith.constant 50 : i32
      %mul3A_377 = arith.muli %select_n3A_372, %mul3A_376 : i32
      %jit3A_378 = arith.constant 8 : i32
      %div3A_379 = arith.divsi %mul3A_377, %jit3A_378 : i32
      %sign3A_380 = arith.constant 0 : i32
      %sign3A_381 = arith.cmpi sgt, %mul3A_377, %sign3A_380 : i32
      %sign3A_382 = arith.extui %sign3A_381 : i1 to i32
      %sign3A_383 = arith.constant 0 : i32
      %sign3A_384 = arith.cmpi slt, %mul3A_377, %sign3A_383 : i32
      %sign3A_385 = arith.extui %sign3A_384 : i1 to i32
      %sign3A_386 = arith.subi %sign3A_382, %sign3A_385 : i32
      %sign3A_387 = arith.constant 0 : i32
      %sign3A_388 = arith.cmpi sgt, %jit3A_378, %sign3A_387 : i32
      %sign3A_389 = arith.extui %sign3A_388 : i1 to i32
      %sign3A_390 = arith.constant 0 : i32
      %sign3A_391 = arith.cmpi slt, %jit3A_378, %sign3A_390 : i32
      %sign3A_392 = arith.extui %sign3A_391 : i1 to i32
      %sign3A_393 = arith.subi %sign3A_389, %sign3A_392 : i32
      %ne3A_394 = arith.cmpi ne, %sign3A_386, %sign3A_393 : i32
      %rem3A_395 = arith.remsi %mul3A_377, %jit3A_378 : i32
      %ne3A_396 = arith.constant 0 : i32
      %ne3A_397 = arith.cmpi ne, %rem3A_395, %ne3A_396 : i32
      %and3A_398 = arith.andi %ne3A_394, %ne3A_397 : i1
      %sub3A_399 = arith.constant 1 : i32
      %sub3A_400 = arith.subi %div3A_379, %sub3A_399 : i32
      %select_n3A_401 = arith.select %and3A_398, %sub3A_400, %div3A_379 : i32
      %mul3A_402 = arith.constant 8 : i32
      %mul3A_403 = arith.muli %mul3A_402, %select_n3A_401 : i32
      "tpu.region"() ({
        %run_scoped3A = tpu.sem_alloc : memref<!tpu.dma_semaphore, #tpu.memory_space<semaphore_mem>>
        %dma_start3A = arith.constant 0 : i32
        %dma_start3A_481 = tpu.memref_slice %arg5[%mul3A_403, %dma_start3A] : memref<512x100xi32, #tpu.memory_space<hbm>> -> memref<56x100xi32, #tpu.memory_space<hbm>>
        %dma_start3A_482 = arith.constant 0 : i32
        %dma_start3A_483 = tpu.memref_slice %arg5[%mul3A_403, %dma_start3A_482] : memref<512x100xi32, #tpu.memory_space<hbm>> -> memref<56x100xi32, #tpu.memory_space<hbm>>
        tpu.enqueue_dma source(%dma_start3A_483 : memref<56x100xi32, #tpu.memory_space<hbm>>) target(%arg15 : memref<56x100xi32, #tpu.memory_space<vmem>>) target_semaphore(%run_scoped3A : memref<!tpu.dma_semaphore, #tpu.memory_space<semaphore_mem>>)
        %dma_wait3A = arith.constant 0 : i32
        %dma_wait3A_484 = tpu.memref_slice %arg5[%mul3A_403, %dma_wait3A] : memref<512x100xi32, #tpu.memory_space<hbm>> -> memref<56x100xi32, #tpu.memory_space<hbm>>
        %dma_wait3A_485 = arith.constant 0 : i32
        %dma_wait3A_486 = tpu.memref_slice %arg5[%mul3A_403, %dma_wait3A_485] : memref<512x100xi32, #tpu.memory_space<hbm>> -> memref<56x100xi32, #tpu.memory_space<hbm>>
        tpu.wait_dma2 semaphore(%run_scoped3A : memref<!tpu.dma_semaphore, #tpu.memory_space<semaphore_mem>>) src(%dma_wait3A_486 : memref<56x100xi32, #tpu.memory_space<hbm>>) dst(%arg15 : memref<56x100xi32, #tpu.memory_space<vmem>>)
        tpu.yield
      }) : () -> ()
      %sub3A_404 = arith.subi %mul3A_377, %mul3A_403 : i32
      %scan3A = arith.constant 0 : i32
      %scan3A_405 = arith.constant 50 : i32
      %scan3A_406 = arith.addi %scan3A, %scan3A_405 : i32
      %scan3A_407 = arith.constant 1 : i32
      %scan3A_408:8 = scf.for %scan3A_481 = %scan3A to %scan3A_406 step %scan3A_407 iter_args(%scan3A_482 = %broadcast_in_dim3A_3, %scan3A_483 = %broadcast_in_dim3A_3, %scan3A_484 = %broadcast_in_dim3A_3, %scan3A_485 = %broadcast_in_dim3A_3, %scan3A_486 = %broadcast_in_dim3A_3, %scan3A_487 = %broadcast_in_dim3A_3, %scan3A_488 = %broadcast_in_dim3A_3, %scan3A_489 = %broadcast_in_dim3A_3) -> (vector<16xf32>, vector<16xf32>, vector<16xf32>, vector<16xf32>, vector<16xf32>, vector<16xf32>, vector<16xf32>, vector<16xf32>)  : i32 {
        %add3A_490 = arith.addi %sub3A_404, %scan3A_481 : i32
        %broadcast_in_dim3A_491 = arith.constant 0 : i32
        %broadcast_in_dim3A_492 = vector.broadcast %broadcast_in_dim3A_491 : i32 to vector<16xi32>
        %swap3A_493 = arith.constant 88 : index
        %swap3A_494 = tpu.vector_load %arg18[%swap3A_493] {strides = array<i32>} : memref<104xi32, #tpu.memory_space<vmem>>, vector<16xi32>,
        %swap3A_495 = vector.shape_cast %swap3A_494 : vector<16xi32> to vector<16xi32>
        %swap3A_496 = vector.shape_cast %broadcast_in_dim3A_492 : vector<16xi32> to vector<16xi32>
        tpu.vector_store %arg18[%swap3A_493], %swap3A_496 {strides = array<i32>} : memref<104xi32, #tpu.memory_space<vmem>>, vector<16xi32>,
        %get3A_497 = arith.index_cast %add3A_490 : i32 to index
        %get3A_498 = arith.constant 0 : index
        %get3A_499 = tpu.vector_load %arg15[%get3A_497, %get3A_498] {strides = array<i32>} : memref<56x100xi32, #tpu.memory_space<vmem>>, vector<1x16xi32>,
        %get3A_500 = vector.shape_cast %get3A_499 : vector<1x16xi32> to vector<16xi32>
        %swap3A_501 = arith.constant 0 : index
        %swap3A_502 = tpu.vector_load %arg18[%swap3A_501] {strides = array<i32>} : memref<104xi32, #tpu.memory_space<vmem>>, vector<16xi32>,
        %swap3A_503 = vector.shape_cast %swap3A_502 : vector<16xi32> to vector<16xi32>
        %swap3A_504 = vector.shape_cast %get3A_500 : vector<16xi32> to vector<16xi32>
        tpu.vector_store %arg18[%swap3A_501], %swap3A_504 {strides = array<i32>} : memref<104xi32, #tpu.memory_space<vmem>>, vector<16xi32>,
        %get3A_505 = arith.index_cast %add3A_490 : i32 to index
        %get3A_506 = arith.constant 16 : index
        %get3A_507 = tpu.vector_load %arg15[%get3A_505, %get3A_506] {strides = array<i32>} : memref<56x100xi32, #tpu.memory_space<vmem>>, vector<1x16xi32>,
        %get3A_508 = vector.shape_cast %get3A_507 : vector<1x16xi32> to vector<16xi32>
        %swap3A_509 = arith.constant 16 : index
        %swap3A_510 = tpu.vector_load %arg18[%swap3A_509] {strides = array<i32>} : memref<104xi32, #tpu.memory_space<vmem>>, vector<16xi32>,
        %swap3A_511 = vector.shape_cast %swap3A_510 : vector<16xi32> to vector<16xi32>
        %swap3A_512 = vector.shape_cast %get3A_508 : vector<16xi32> to vector<16xi32>
        tpu.vector_store %arg18[%swap3A_509], %swap3A_512 {strides = array<i32>} : memref<104xi32, #tpu.memory_space<vmem>>, vector<16xi32>,
        %get3A_513 = arith.index_cast %add3A_490 : i32 to index
        %get3A_514 = arith.constant 32 : index
        %get3A_515 = tpu.vector_load %arg15[%get3A_513, %get3A_514] {strides = array<i32>} : memref<56x100xi32, #tpu.memory_space<vmem>>, vector<1x16xi32>,
        %get3A_516 = vector.shape_cast %get3A_515 : vector<1x16xi32> to vector<16xi32>
        %swap3A_517 = arith.constant 32 : index
        %swap3A_518 = tpu.vector_load %arg18[%swap3A_517] {strides = array<i32>} : memref<104xi32, #tpu.memory_space<vmem>>, vector<16xi32>,
        %swap3A_519 = vector.shape_cast %swap3A_518 : vector<16xi32> to vector<16xi32>
        %swap3A_520 = vector.shape_cast %get3A_516 : vector<16xi32> to vector<16xi32>
        tpu.vector_store %arg18[%swap3A_517], %swap3A_520 {strides = array<i32>} : memref<104xi32, #tpu.memory_space<vmem>>, vector<16xi32>,
        %get3A_521 = arith.index_cast %add3A_490 : i32 to index
        %get3A_522 = arith.constant 48 : index
        %get3A_523 = tpu.vector_load %arg15[%get3A_521, %get3A_522] {strides = array<i32>} : memref<56x100xi32, #tpu.memory_space<vmem>>, vector<1x16xi32>,
        %get3A_524 = vector.shape_cast %get3A_523 : vector<1x16xi32> to vector<16xi32>
        %swap3A_525 = arith.constant 48 : index
        %swap3A_526 = tpu.vector_load %arg18[%swap3A_525] {strides = array<i32>} : memref<104xi32, #tpu.memory_space<vmem>>, vector<16xi32>,
        %swap3A_527 = vector.shape_cast %swap3A_526 : vector<16xi32> to vector<16xi32>
        %swap3A_528 = vector.shape_cast %get3A_524 : vector<16xi32> to vector<16xi32>
        tpu.vector_store %arg18[%swap3A_525], %swap3A_528 {strides = array<i32>} : memref<104xi32, #tpu.memory_space<vmem>>, vector<16xi32>,
        %get3A_529 = arith.index_cast %add3A_490 : i32 to index
        %get3A_530 = arith.constant 64 : index
        %get3A_531 = tpu.vector_load %arg15[%get3A_529, %get3A_530] {strides = array<i32>} : memref<56x100xi32, #tpu.memory_space<vmem>>, vector<1x16xi32>,
        %get3A_532 = vector.shape_cast %get3A_531 : vector<1x16xi32> to vector<16xi32>
        %swap3A_533 = arith.constant 64 : index
        %swap3A_534 = tpu.vector_load %arg18[%swap3A_533] {strides = array<i32>} : memref<104xi32, #tpu.memory_space<vmem>>, vector<16xi32>,
        %swap3A_535 = vector.shape_cast %swap3A_534 : vector<16xi32> to vector<16xi32>
        %swap3A_536 = vector.shape_cast %get3A_532 : vector<16xi32> to vector<16xi32>
        tpu.vector_store %arg18[%swap3A_533], %swap3A_536 {strides = array<i32>} : memref<104xi32, #tpu.memory_space<vmem>>, vector<16xi32>,
        %get3A_537 = arith.index_cast %add3A_490 : i32 to index
        %get3A_538 = arith.constant 80 : index
        %get3A_539 = tpu.vector_load %arg15[%get3A_537, %get3A_538] {strides = array<i32>} : memref<56x100xi32, #tpu.memory_space<vmem>>, vector<1x16xi32>,
        %get3A_540 = vector.shape_cast %get3A_539 : vector<1x16xi32> to vector<16xi32>
        %swap3A_541 = arith.constant 80 : index
        %swap3A_542 = tpu.vector_load %arg18[%swap3A_541] {strides = array<i32>} : memref<104xi32, #tpu.memory_space<vmem>>, vector<16xi32>,
        %swap3A_543 = vector.shape_cast %swap3A_542 : vector<16xi32> to vector<16xi32>
        %swap3A_544 = vector.shape_cast %get3A_540 : vector<16xi32> to vector<16xi32>
        tpu.vector_store %arg18[%swap3A_541], %swap3A_544 {strides = array<i32>} : memref<104xi32, #tpu.memory_space<vmem>>, vector<16xi32>,
        %get3A_545 = arith.index_cast %add3A_490 : i32 to index
        %get3A_546 = arith.constant 84 : index
        %get3A_547 = tpu.vector_load %arg15[%get3A_545, %get3A_546] {strides = array<i32>} : memref<56x100xi32, #tpu.memory_space<vmem>>, vector<1x16xi32>,
        %get3A_548 = vector.shape_cast %get3A_547 : vector<1x16xi32> to vector<16xi32>
        %swap3A_549 = arith.constant 84 : index
        %swap3A_550 = tpu.vector_load %arg18[%swap3A_549] {strides = array<i32>} : memref<104xi32, #tpu.memory_space<vmem>>, vector<16xi32>,
        %swap3A_551 = vector.shape_cast %swap3A_550 : vector<16xi32> to vector<16xi32>
        %swap3A_552 = vector.shape_cast %get3A_548 : vector<16xi32> to vector<16xi32>
        tpu.vector_store %arg18[%swap3A_549], %swap3A_552 {strides = array<i32>} : memref<104xi32, #tpu.memory_space<vmem>>, vector<16xi32>,
        %mul3A_553 = arith.constant 128 : i32
        %mul3A_554 = arith.muli %sub3A_375, %mul3A_553 : i32
        %dma_start3A = arith.constant 0 : i32
        %dma_start3A_555 = tpu.memref_slice %arg2[%dma_start3A, %mul3A_554] : memref<50000x512xf32, #tpu.memory_space<hbm>> -> memref<50000x128xf32, #tpu.memory_space<hbm>>
        tpu.enqueue_indirect_dma source(%dma_start3A_555 : memref<50000x128xf32, #tpu.memory_space<hbm>>) target(%arg12 : memref<104x128xf32, #tpu.memory_space<vmem>>) offsets(%arg18 : memref<104xi32, #tpu.memory_space<vmem>>) semaphore(%arg23 : memref<!tpu.dma_semaphore, #tpu.memory_space<semaphore_mem>>)
        %dma_wait3A = arith.constant 0 : i32
        %dma_wait3A_556 = tpu.memref_slice %arg2[%dma_wait3A, %mul3A_554] : memref<50000x512xf32, #tpu.memory_space<hbm>> -> memref<50000x128xf32, #tpu.memory_space<hbm>>
        tpu.wait_indirect_dma semaphore(%arg23 : memref<!tpu.dma_semaphore, #tpu.memory_space<semaphore_mem>>) src(%dma_wait3A_556 : memref<50000x128xf32, #tpu.memory_space<hbm>>) dst(%arg12 : memref<104x128xf32, #tpu.memory_space<vmem>>)
        %scan3A_557 = arith.constant 0 : i32
        %scan3A_558 = arith.constant 100 : i32
        %scan3A_559 = arith.addi %scan3A_557, %scan3A_558 : i32
        %scan3A_560 = arith.constant 1 : i32
        %scan3A_561:8 = scf.for %scan3A_563 = %scan3A_557 to %scan3A_559 step %scan3A_560 iter_args(%scan3A_564 = %scan3A_482, %scan3A_565 = %scan3A_483, %scan3A_566 = %scan3A_484, %scan3A_567 = %scan3A_485, %scan3A_568 = %scan3A_486, %scan3A_569 = %scan3A_487, %scan3A_570 = %scan3A_488, %scan3A_571 = %scan3A_489) -> (vector<16xf32>, vector<16xf32>, vector<16xf32>, vector<16xf32>, vector<16xf32>, vector<16xf32>, vector<16xf32>, vector<16xf32>)  : i32 {
          %get3A_572 = arith.index_cast %scan3A_563 : i32 to index
          %get3A_573 = arith.constant 0 : index
          %get3A_574 = tpu.vector_load %arg12[%get3A_572, %get3A_573] {strides = array<i32>} : memref<104x128xf32, #tpu.memory_space<vmem>>, vector<1x16xf32>,
          %get3A_575 = vector.shape_cast %get3A_574 : vector<1x16xf32> to vector<16xf32>
          %add3A_576 = arith.addf %scan3A_564, %get3A_575 : vector<16xf32>
          %get3A_577 = arith.index_cast %scan3A_563 : i32 to index
          %get3A_578 = arith.constant 16 : index
          %get3A_579 = tpu.vector_load %arg12[%get3A_577, %get3A_578] {strides = array<i32>} : memref<104x128xf32, #tpu.memory_space<vmem>>, vector<1x16xf32>,
          %get3A_580 = vector.shape_cast %get3A_579 : vector<1x16xf32> to vector<16xf32>
          %add3A_581 = arith.addf %scan3A_565, %get3A_580 : vector<16xf32>
          %get3A_582 = arith.index_cast %scan3A_563 : i32 to index
          %get3A_583 = arith.constant 32 : index
          %get3A_584 = tpu.vector_load %arg12[%get3A_582, %get3A_583] {strides = array<i32>} : memref<104x128xf32, #tpu.memory_space<vmem>>, vector<1x16xf32>,
          %get3A_585 = vector.shape_cast %get3A_584 : vector<1x16xf32> to vector<16xf32>
          %add3A_586 = arith.addf %scan3A_566, %get3A_585 : vector<16xf32>
          %get3A_587 = arith.index_cast %scan3A_563 : i32 to index
          %get3A_588 = arith.constant 48 : index
          %get3A_589 = tpu.vector_load %arg12[%get3A_587, %get3A_588] {strides = array<i32>} : memref<104x128xf32, #tpu.memory_space<vmem>>, vector<1x16xf32>,
          %get3A_590 = vector.shape_cast %get3A_589 : vector<1x16xf32> to vector<16xf32>
          %add3A_591 = arith.addf %scan3A_567, %get3A_590 : vector<16xf32>
          %get3A_592 = arith.index_cast %scan3A_563 : i32 to index
          %get3A_593 = arith.constant 64 : index
          %get3A_594 = tpu.vector_load %arg12[%get3A_592, %get3A_593] {strides = array<i32>} : memref<104x128xf32, #tpu.memory_space<vmem>>, vector<1x16xf32>,
          %get3A_595 = vector.shape_cast %get3A_594 : vector<1x16xf32> to vector<16xf32>
          %add3A_596 = arith.addf %scan3A_568, %get3A_595 : vector<16xf32>
          %get3A_597 = arith.index_cast %scan3A_563 : i32 to index
          %get3A_598 = arith.constant 80 : index
          %get3A_599 = tpu.vector_load %arg12[%get3A_597, %get3A_598] {strides = array<i32>} : memref<104x128xf32, #tpu.memory_space<vmem>>, vector<1x16xf32>,
          %get3A_600 = vector.shape_cast %get3A_599 : vector<1x16xf32> to vector<16xf32>
          %add3A_601 = arith.addf %scan3A_569, %get3A_600 : vector<16xf32>
          %get3A_602 = arith.index_cast %scan3A_563 : i32 to index
          %get3A_603 = arith.constant 96 : index
          %get3A_604 = tpu.vector_load %arg12[%get3A_602, %get3A_603] {strides = array<i32>} : memref<104x128xf32, #tpu.memory_space<vmem>>, vector<1x16xf32>,
          %get3A_605 = vector.shape_cast %get3A_604 : vector<1x16xf32> to vector<16xf32>
          %add3A_606 = arith.addf %scan3A_570, %get3A_605 : vector<16xf32>
          %get3A_607 = arith.index_cast %scan3A_563 : i32 to index
          %get3A_608 = arith.constant 112 : index
          %get3A_609 = tpu.vector_load %arg12[%get3A_607, %get3A_608] {strides = array<i32>} : memref<104x128xf32, #tpu.memory_space<vmem>>, vector<1x16xf32>,
          %get3A_610 = vector.shape_cast %get3A_609 : vector<1x16xf32> to vector<16xf32>
          %add3A_611 = arith.addf %scan3A_571, %get3A_610 : vector<16xf32>
          scf.yield %add3A_576, %add3A_581, %add3A_586, %add3A_591, %add3A_596, %add3A_601, %add3A_606, %add3A_611 : vector<16xf32>, vector<16xf32>, vector<16xf32>, vector<16xf32>, vector<16xf32>, vector<16xf32>, vector<16xf32>, vector<16xf32>
        }
        %scan3A_562 = arith.constant 100 : i32
        scf.yield %scan3A_561#0, %scan3A_561#1, %scan3A_561#2, %scan3A_561#3, %scan3A_561#4, %scan3A_561#5, %scan3A_561#6, %scan3A_561#7 : vector<16xf32>, vector<16xf32>, vector<16xf32>, vector<16xf32>, vector<16xf32>, vector<16xf32>, vector<16xf32>, vector<16xf32>
      }
      %scan3A_409 = arith.constant 50 : i32
      %get3A = arith.index_cast %select_n3A_372 : i32 to index
      %get3A_410 = arith.constant 0 : index
      %get3A_411 = tpu.vector_load %arg21[%get3A, %get3A_410] {strides = array<i32>} : memref<16x64xf32, #tpu.memory_space<vmem>>, vector<1x16xf32>,
      %get3A_412 = vector.shape_cast %get3A_411 : vector<1x16xf32> to vector<16xf32>
      %get3A_413 = arith.index_cast %select_n3A_372 : i32 to index
      %get3A_414 = arith.constant 16 : index
      %get3A_415 = tpu.vector_load %arg21[%get3A_413, %get3A_414] {strides = array<i32>} : memref<16x64xf32, #tpu.memory_space<vmem>>, vector<1x16xf32>,
      %get3A_416 = vector.shape_cast %get3A_415 : vector<1x16xf32> to vector<16xf32>
      %get3A_417 = arith.index_cast %select_n3A_372 : i32 to index
      %get3A_418 = arith.constant 32 : index
      %get3A_419 = tpu.vector_load %arg21[%get3A_417, %get3A_418] {strides = array<i32>} : memref<16x64xf32, #tpu.memory_space<vmem>>, vector<1x16xf32>,
      %get3A_420 = vector.shape_cast %get3A_419 : vector<1x16xf32> to vector<16xf32>
      %get3A_421 = arith.index_cast %select_n3A_372 : i32 to index
      %get3A_422 = arith.constant 48 : index
      %get3A_423 = tpu.vector_load %arg21[%get3A_421, %get3A_422] {strides = array<i32>} : memref<16x64xf32, #tpu.memory_space<vmem>>, vector<1x16xf32>,
      %get3A_424 = vector.shape_cast %get3A_423 : vector<1x16xf32> to vector<16xf32>
      %sub3A_425 = arith.subf %scan3A_408#0, %get3A_412 : vector<16xf32>
      %max3A = arith.constant 0.000000e+00 : f32
      %max3A_426 = vector.broadcast %max3A : f32 to vector<16xf32>
      %max3A_427 = arith.maximumf %sub3A_425, %max3A_426 : vector<16xf32>
      %sub3A_428 = arith.subf %scan3A_408#1, %get3A_416 : vector<16xf32>
      %max3A_429 = arith.constant 0.000000e+00 : f32
      %max3A_430 = vector.broadcast %max3A_429 : f32 to vector<16xf32>
      %max3A_431 = arith.maximumf %sub3A_428, %max3A_430 : vector<16xf32>
      %sub3A_432 = arith.subf %scan3A_408#2, %get3A_420 : vector<16xf32>
      %max3A_433 = arith.constant 0.000000e+00 : f32
      %max3A_434 = vector.broadcast %max3A_433 : f32 to vector<16xf32>
      %max3A_435 = arith.maximumf %sub3A_432, %max3A_434 : vector<16xf32>
      %sub3A_436 = arith.subf %scan3A_408#3, %get3A_424 : vector<16xf32>
      %jit3A_437 = arith.constant -1.000000e+00 : f32
      %broadcast_in_dim3A_438 = vector.broadcast %jit3A_437 : f32 to vector<16xf32>
      %select_n3A_439 = arith.select %lt3A_2, %sub3A_436, %broadcast_in_dim3A_438 : vector<16xi1>, vector<16xf32>
      %max3A_440 = arith.constant 0.000000e+00 : f32
      %max3A_441 = vector.broadcast %max3A_440 : f32 to vector<16xf32>
      %max3A_442 = arith.maximumf %select_n3A_439, %max3A_441 : vector<16xf32>
      %add3A_443 = arith.addf %max3A_427, %max3A_431 : vector<16xf32>
      %add3A_444 = arith.addf %add3A_443, %max3A_435 : vector<16xf32>
      %add3A_445 = arith.addf %add3A_444, %max3A_442 : vector<16xf32>
      %sub3A_446 = arith.subf %scan3A_408#4, %get3A_412 : vector<16xf32>
      %max3A_447 = arith.constant 0.000000e+00 : f32
      %max3A_448 = vector.broadcast %max3A_447 : f32 to vector<16xf32>
      %max3A_449 = arith.maximumf %sub3A_446, %max3A_448 : vector<16xf32>
      %sub3A_450 = arith.subf %scan3A_408#5, %get3A_416 : vector<16xf32>
      %max3A_451 = arith.constant 0.000000e+00 : f32
      %max3A_452 = vector.broadcast %max3A_451 : f32 to vector<16xf32>
      %max3A_453 = arith.maximumf %sub3A_450, %max3A_452 : vector<16xf32>
      %sub3A_454 = arith.subf %scan3A_408#6, %get3A_420 : vector<16xf32>
      %max3A_455 = arith.constant 0.000000e+00 : f32
      %max3A_456 = vector.broadcast %max3A_455 : f32 to vector<16xf32>
      %max3A_457 = arith.maximumf %sub3A_454, %max3A_456 : vector<16xf32>
      %sub3A_458 = arith.subf %scan3A_408#7, %get3A_424 : vector<16xf32>
      %jit3A_459 = arith.constant -1.000000e+00 : f32
      %broadcast_in_dim3A_460 = vector.broadcast %jit3A_459 : f32 to vector<16xf32>
      %select_n3A_461 = arith.select %lt3A_2, %sub3A_458, %broadcast_in_dim3A_460 : vector<16xi1>, vector<16xf32>
      %max3A_462 = arith.constant 0.000000e+00 : f32
      %max3A_463 = vector.broadcast %max3A_462 : f32 to vector<16xf32>
      %max3A_464 = arith.maximumf %select_n3A_461, %max3A_463 : vector<16xf32>
      %add3A_465 = arith.addf %max3A_449, %max3A_453 : vector<16xf32>
      %add3A_466 = arith.addf %add3A_465, %max3A_457 : vector<16xf32>
      %add3A_467 = arith.addf %add3A_466, %max3A_464 : vector<16xf32>
      %add3A_468 = arith.addf %add3A_445, %add3A_467 : vector<16xf32>
      %get3A_469 = arith.constant 0 : i32
      %get3A_470 = arith.index_cast %get3A_469 : i32 to index
      %get3A_471 = arith.constant 0 : index
      %get3A_472 = tpu.vector_load %arg22[%get3A_470, %get3A_471] {strides = array<i32>} : memref<8x16xf32, #tpu.memory_space<vmem>>, vector<1x16xf32>,
      %get3A_473 = vector.shape_cast %get3A_472 : vector<1x16xf32> to vector<16xf32>
      %add3A_474 = arith.addf %get3A_473, %add3A_468 : vector<16xf32>
      %swap3A_475 = arith.constant 0 : i32
      %swap3A_476 = arith.index_cast %swap3A_475 : i32 to index
      %swap3A_477 = arith.constant 0 : index
      %swap3A_478 = tpu.vector_load %arg22[%swap3A_476, %swap3A_477] {strides = array<i32>} : memref<8x16xf32, #tpu.memory_space<vmem>>, vector<1x16xf32>,
      %swap3A_479 = vector.shape_cast %swap3A_478 : vector<1x16xf32> to vector<16xf32>
      %swap3A_480 = vector.shape_cast %add3A_474 : vector<16xf32> to vector<1x16xf32>
      tpu.vector_store %arg22[%swap3A_476, %swap3A_477], %swap3A_480 {strides = array<i32>} : memref<8x16xf32, #tpu.memory_space<vmem>>, vector<1x16xf32>,
    }
    %while3A_345 = arith.constant 1 : i32
    scf.for %while3A_348 = %while3A_343 to %while3A_339 step %while3A_345  : i32 {
      %jit3A_349 = arith.constant 4 : i32
      %div3A_350 = arith.divsi %while3A_348, %jit3A_349 : i32
      %sign3A_351 = arith.constant 0 : i32
      %sign3A_352 = arith.cmpi sgt, %while3A_348, %sign3A_351 : i32
      %sign3A_353 = arith.extui %sign3A_352 : i1 to i32
      %sign3A_354 = arith.constant 0 : i32
      %sign3A_355 = arith.cmpi slt, %while3A_348, %sign3A_354 : i32
      %sign3A_356 = arith.extui %sign3A_355 : i1 to i32
      %sign3A_357 = arith.subi %sign3A_353, %sign3A_356 : i32
      %sign3A_358 = arith.constant 0 : i32
      %sign3A_359 = arith.cmpi sgt, %jit3A_349, %sign3A_358 : i32
      %sign3A_360 = arith.extui %sign3A_359 : i1 to i32
      %sign3A_361 = arith.constant 0 : i32
      %sign3A_362 = arith.cmpi slt, %jit3A_349, %sign3A_361 : i32
      %sign3A_363 = arith.extui %sign3A_362 : i1 to i32
      %sign3A_364 = arith.subi %sign3A_360, %sign3A_363 : i32
      %ne3A_365 = arith.cmpi ne, %sign3A_357, %sign3A_364 : i32
      %rem3A_366 = arith.remsi %while3A_348, %jit3A_349 : i32
      %ne3A_367 = arith.constant 0 : i32
      %ne3A_368 = arith.cmpi ne, %rem3A_366, %ne3A_367 : i32
      %and3A_369 = arith.andi %ne3A_365, %ne3A_368 : i1
      %sub3A_370 = arith.constant 1 : i32
      %sub3A_371 = arith.subi %div3A_350, %sub3A_370 : i32
      %select_n3A_372 = arith.select %and3A_369, %sub3A_371, %div3A_350 : i32
      %mul3A_373 = arith.constant 4 : i32
      %mul3A_374 = arith.muli %select_n3A_372, %mul3A_373 : i32
      %sub3A_375 = arith.subi %while3A_348, %mul3A_374 : i32
      %mul3A_376 = arith.constant 50 : i32
      %mul3A_377 = arith.muli %select_n3A_372, %mul3A_376 : i32
      %jit3A_378 = arith.constant 8 : i32
      %div3A_379 = arith.divsi %mul3A_377, %jit3A_378 : i32
      %sign3A_380 = arith.constant 0 : i32
      %sign3A_381 = arith.cmpi sgt, %mul3A_377, %sign3A_380 : i32
      %sign3A_382 = arith.extui %sign3A_381 : i1 to i32
      %sign3A_383 = arith.constant 0 : i32
      %sign3A_384 = arith.cmpi slt, %mul3A_377, %sign3A_383 : i32
      %sign3A_385 = arith.extui %sign3A_384 : i1 to i32
      %sign3A_386 = arith.subi %sign3A_382, %sign3A_385 : i32
      %sign3A_387 = arith.constant 0 : i32
      %sign3A_388 = arith.cmpi sgt, %jit3A_378, %sign3A_387 : i32
      %sign3A_389 = arith.extui %sign3A_388 : i1 to i32
      %sign3A_390 = arith.constant 0 : i32
      %sign3A_391 = arith.cmpi slt, %jit3A_378, %sign3A_390 : i32
      %sign3A_392 = arith.extui %sign3A_391 : i1 to i32
      %sign3A_393 = arith.subi %sign3A_389, %sign3A_392 : i32
      %ne3A_394 = arith.cmpi ne, %sign3A_386, %sign3A_393 : i32
      %rem3A_395 = arith.remsi %mul3A_377, %jit3A_378 : i32
      %ne3A_396 = arith.constant 0 : i32
      %ne3A_397 = arith.cmpi ne, %rem3A_395, %ne3A_396 : i32
      %and3A_398 = arith.andi %ne3A_394, %ne3A_397 : i1
      %sub3A_399 = arith.constant 1 : i32
      %sub3A_400 = arith.subi %div3A_379, %sub3A_399 : i32
      %select_n3A_401 = arith.select %and3A_398, %sub3A_400, %div3A_379 : i32
      %mul3A_402 = arith.constant 8 : i32
      %mul3A_403 = arith.muli %mul3A_402, %select_n3A_401 : i32
      "tpu.region"() ({
        %run_scoped3A = tpu.sem_alloc : memref<!tpu.dma_semaphore, #tpu.memory_space<semaphore_mem>>
        %dma_start3A = arith.constant 0 : i32
        %dma_start3A_481 = tpu.memref_slice %arg5[%mul3A_403, %dma_start3A] : memref<512x100xi32, #tpu.memory_space<hbm>> -> memref<56x100xi32, #tpu.memory_space<hbm>>
        %dma_start3A_482 = arith.constant 0 : i32
        %dma_start3A_483 = tpu.memref_slice %arg5[%mul3A_403, %dma_start3A_482] : memref<512x100xi32, #tpu.memory_space<hbm>> -> memref<56x100xi32, #tpu.memory_space<hbm>>
        tpu.enqueue_dma source(%dma_start3A_483 : memref<56x100xi32, #tpu.memory_space<hbm>>) target(%arg15 : memref<56x100xi32, #tpu.memory_space<vmem>>) target_semaphore(%run_scoped3A : memref<!tpu.dma_semaphore, #tpu.memory_space<semaphore_mem>>)
        %dma_wait3A = arith.constant 0 : i32
        %dma_wait3A_484 = tpu.memref_slice %arg5[%mul3A_403, %dma_wait3A] : memref<512x100xi32, #tpu.memory_space<hbm>> -> memref<56x100xi32, #tpu.memory_space<hbm>>
        %dma_wait3A_485 = arith.constant 0 : i32
        %dma_wait3A_486 = tpu.memref_slice %arg5[%mul3A_403, %dma_wait3A_485] : memref<512x100xi32, #tpu.memory_space<hbm>> -> memref<56x100xi32, #tpu.memory_space<hbm>>
        tpu.wait_dma2 semaphore(%run_scoped3A : memref<!tpu.dma_semaphore, #tpu.memory_space<semaphore_mem>>) src(%dma_wait3A_486 : memref<56x100xi32, #tpu.memory_space<hbm>>) dst(%arg15 : memref<56x100xi32, #tpu.memory_space<vmem>>)
        tpu.yield
      }) : () -> ()
      %sub3A_404 = arith.subi %mul3A_377, %mul3A_403 : i32
      %scan3A = arith.constant 0 : i32
      %scan3A_405 = arith.constant 50 : i32
      %scan3A_406 = arith.addi %scan3A, %scan3A_405 : i32
      %scan3A_407 = arith.constant 1 : i32
      %scan3A_408:8 = scf.for %scan3A_481 = %scan3A to %scan3A_406 step %scan3A_407 iter_args(%scan3A_482 = %broadcast_in_dim3A_3, %scan3A_483 = %broadcast_in_dim3A_3, %scan3A_484 = %broadcast_in_dim3A_3, %scan3A_485 = %broadcast_in_dim3A_3, %scan3A_486 = %broadcast_in_dim3A_3, %scan3A_487 = %broadcast_in_dim3A_3, %scan3A_488 = %broadcast_in_dim3A_3, %scan3A_489 = %broadcast_in_dim3A_3) -> (vector<16xf32>, vector<16xf32>, vector<16xf32>, vector<16xf32>, vector<16xf32>, vector<16xf32>, vector<16xf32>, vector<16xf32>)  : i32 {
        %add3A_490 = arith.addi %sub3A_404, %scan3A_481 : i32
        %broadcast_in_dim3A_491 = arith.constant 0 : i32
        %broadcast_in_dim3A_492 = vector.broadcast %broadcast_in_dim3A_491 : i32 to vector<16xi32>
        %swap3A_493 = arith.constant 88 : index
        %swap3A_494 = tpu.vector_load %arg18[%swap3A_493] {strides = array<i32>} : memref<104xi32, #tpu.memory_space<vmem>>, vector<16xi32>,
        %swap3A_495 = vector.shape_cast %swap3A_494 : vector<16xi32> to vector<16xi32>
        %swap3A_496 = vector.shape_cast %broadcast_in_dim3A_492 : vector<16xi32> to vector<16xi32>
        tpu.vector_store %arg18[%swap3A_493], %swap3A_496 {strides = array<i32>} : memref<104xi32, #tpu.memory_space<vmem>>, vector<16xi32>,
        %get3A_497 = arith.index_cast %add3A_490 : i32 to index
        %get3A_498 = arith.constant 0 : index
        %get3A_499 = tpu.vector_load %arg15[%get3A_497, %get3A_498] {strides = array<i32>} : memref<56x100xi32, #tpu.memory_space<vmem>>, vector<1x16xi32>,
        %get3A_500 = vector.shape_cast %get3A_499 : vector<1x16xi32> to vector<16xi32>
        %swap3A_501 = arith.constant 0 : index
        %swap3A_502 = tpu.vector_load %arg18[%swap3A_501] {strides = array<i32>} : memref<104xi32, #tpu.memory_space<vmem>>, vector<16xi32>,
        %swap3A_503 = vector.shape_cast %swap3A_502 : vector<16xi32> to vector<16xi32>
        %swap3A_504 = vector.shape_cast %get3A_500 : vector<16xi32> to vector<16xi32>
        tpu.vector_store %arg18[%swap3A_501], %swap3A_504 {strides = array<i32>} : memref<104xi32, #tpu.memory_space<vmem>>, vector<16xi32>,
        %get3A_505 = arith.index_cast %add3A_490 : i32 to index
        %get3A_506 = arith.constant 16 : index
        %get3A_507 = tpu.vector_load %arg15[%get3A_505, %get3A_506] {strides = array<i32>} : memref<56x100xi32, #tpu.memory_space<vmem>>, vector<1x16xi32>,
        %get3A_508 = vector.shape_cast %get3A_507 : vector<1x16xi32> to vector<16xi32>
        %swap3A_509 = arith.constant 16 : index
        %swap3A_510 = tpu.vector_load %arg18[%swap3A_509] {strides = array<i32>} : memref<104xi32, #tpu.memory_space<vmem>>, vector<16xi32>,
        %swap3A_511 = vector.shape_cast %swap3A_510 : vector<16xi32> to vector<16xi32>
        %swap3A_512 = vector.shape_cast %get3A_508 : vector<16xi32> to vector<16xi32>
        tpu.vector_store %arg18[%swap3A_509], %swap3A_512 {strides = array<i32>} : memref<104xi32, #tpu.memory_space<vmem>>, vector<16xi32>,
        %get3A_513 = arith.index_cast %add3A_490 : i32 to index
        %get3A_514 = arith.constant 32 : index
        %get3A_515 = tpu.vector_load %arg15[%get3A_513, %get3A_514] {strides = array<i32>} : memref<56x100xi32, #tpu.memory_space<vmem>>, vector<1x16xi32>,
        %get3A_516 = vector.shape_cast %get3A_515 : vector<1x16xi32> to vector<16xi32>
        %swap3A_517 = arith.constant 32 : index
        %swap3A_518 = tpu.vector_load %arg18[%swap3A_517] {strides = array<i32>} : memref<104xi32, #tpu.memory_space<vmem>>, vector<16xi32>,
        %swap3A_519 = vector.shape_cast %swap3A_518 : vector<16xi32> to vector<16xi32>
        %swap3A_520 = vector.shape_cast %get3A_516 : vector<16xi32> to vector<16xi32>
        tpu.vector_store %arg18[%swap3A_517], %swap3A_520 {strides = array<i32>} : memref<104xi32, #tpu.memory_space<vmem>>, vector<16xi32>,
        %get3A_521 = arith.index_cast %add3A_490 : i32 to index
        %get3A_522 = arith.constant 48 : index
        %get3A_523 = tpu.vector_load %arg15[%get3A_521, %get3A_522] {strides = array<i32>} : memref<56x100xi32, #tpu.memory_space<vmem>>, vector<1x16xi32>,
        %get3A_524 = vector.shape_cast %get3A_523 : vector<1x16xi32> to vector<16xi32>
        %swap3A_525 = arith.constant 48 : index
        %swap3A_526 = tpu.vector_load %arg18[%swap3A_525] {strides = array<i32>} : memref<104xi32, #tpu.memory_space<vmem>>, vector<16xi32>,
        %swap3A_527 = vector.shape_cast %swap3A_526 : vector<16xi32> to vector<16xi32>
        %swap3A_528 = vector.shape_cast %get3A_524 : vector<16xi32> to vector<16xi32>
        tpu.vector_store %arg18[%swap3A_525], %swap3A_528 {strides = array<i32>} : memref<104xi32, #tpu.memory_space<vmem>>, vector<16xi32>,
        %get3A_529 = arith.index_cast %add3A_490 : i32 to index
        %get3A_530 = arith.constant 64 : index
        %get3A_531 = tpu.vector_load %arg15[%get3A_529, %get3A_530] {strides = array<i32>} : memref<56x100xi32, #tpu.memory_space<vmem>>, vector<1x16xi32>,
        %get3A_532 = vector.shape_cast %get3A_531 : vector<1x16xi32> to vector<16xi32>
        %swap3A_533 = arith.constant 64 : index
        %swap3A_534 = tpu.vector_load %arg18[%swap3A_533] {strides = array<i32>} : memref<104xi32, #tpu.memory_space<vmem>>, vector<16xi32>,
        %swap3A_535 = vector.shape_cast %swap3A_534 : vector<16xi32> to vector<16xi32>
        %swap3A_536 = vector.shape_cast %get3A_532 : vector<16xi32> to vector<16xi32>
        tpu.vector_store %arg18[%swap3A_533], %swap3A_536 {strides = array<i32>} : memref<104xi32, #tpu.memory_space<vmem>>, vector<16xi32>,
        %get3A_537 = arith.index_cast %add3A_490 : i32 to index
        %get3A_538 = arith.constant 80 : index
        %get3A_539 = tpu.vector_load %arg15[%get3A_537, %get3A_538] {strides = array<i32>} : memref<56x100xi32, #tpu.memory_space<vmem>>, vector<1x16xi32>,
        %get3A_540 = vector.shape_cast %get3A_539 : vector<1x16xi32> to vector<16xi32>
        %swap3A_541 = arith.constant 80 : index
        %swap3A_542 = tpu.vector_load %arg18[%swap3A_541] {strides = array<i32>} : memref<104xi32, #tpu.memory_space<vmem>>, vector<16xi32>,
        %swap3A_543 = vector.shape_cast %swap3A_542 : vector<16xi32> to vector<16xi32>
        %swap3A_544 = vector.shape_cast %get3A_540 : vector<16xi32> to vector<16xi32>
        tpu.vector_store %arg18[%swap3A_541], %swap3A_544 {strides = array<i32>} : memref<104xi32, #tpu.memory_space<vmem>>, vector<16xi32>,
        %get3A_545 = arith.index_cast %add3A_490 : i32 to index
        %get3A_546 = arith.constant 84 : index
        %get3A_547 = tpu.vector_load %arg15[%get3A_545, %get3A_546] {strides = array<i32>} : memref<56x100xi32, #tpu.memory_space<vmem>>, vector<1x16xi32>,
        %get3A_548 = vector.shape_cast %get3A_547 : vector<1x16xi32> to vector<16xi32>
        %swap3A_549 = arith.constant 84 : index
        %swap3A_550 = tpu.vector_load %arg18[%swap3A_549] {strides = array<i32>} : memref<104xi32, #tpu.memory_space<vmem>>, vector<16xi32>,
        %swap3A_551 = vector.shape_cast %swap3A_550 : vector<16xi32> to vector<16xi32>
        %swap3A_552 = vector.shape_cast %get3A_548 : vector<16xi32> to vector<16xi32>
        tpu.vector_store %arg18[%swap3A_549], %swap3A_552 {strides = array<i32>} : memref<104xi32, #tpu.memory_space<vmem>>, vector<16xi32>,
        %mul3A_553 = arith.constant 128 : i32
        %mul3A_554 = arith.muli %sub3A_375, %mul3A_553 : i32
        %dma_start3A = arith.constant 0 : i32
        %dma_start3A_555 = tpu.memref_slice %arg2[%dma_start3A, %mul3A_554] : memref<50000x512xf32, #tpu.memory_space<hbm>> -> memref<50000x128xf32, #tpu.memory_space<hbm>>
        tpu.enqueue_indirect_dma source(%dma_start3A_555 : memref<50000x128xf32, #tpu.memory_space<hbm>>) target(%arg12 : memref<104x128xf32, #tpu.memory_space<vmem>>) offsets(%arg18 : memref<104xi32, #tpu.memory_space<vmem>>) semaphore(%arg23 : memref<!tpu.dma_semaphore, #tpu.memory_space<semaphore_mem>>)
        %dma_wait3A = arith.constant 0 : i32
        %dma_wait3A_556 = tpu.memref_slice %arg2[%dma_wait3A, %mul3A_554] : memref<50000x512xf32, #tpu.memory_space<hbm>> -> memref<50000x128xf32, #tpu.memory_space<hbm>>
        tpu.wait_indirect_dma semaphore(%arg23 : memref<!tpu.dma_semaphore, #tpu.memory_space<semaphore_mem>>) src(%dma_wait3A_556 : memref<50000x128xf32, #tpu.memory_space<hbm>>) dst(%arg12 : memref<104x128xf32, #tpu.memory_space<vmem>>)
        %scan3A_557 = arith.constant 0 : i32
        %scan3A_558 = arith.constant 100 : i32
        %scan3A_559 = arith.addi %scan3A_557, %scan3A_558 : i32
        %scan3A_560 = arith.constant 1 : i32
        %scan3A_561:8 = scf.for %scan3A_563 = %scan3A_557 to %scan3A_559 step %scan3A_560 iter_args(%scan3A_564 = %scan3A_482, %scan3A_565 = %scan3A_483, %scan3A_566 = %scan3A_484, %scan3A_567 = %scan3A_485, %scan3A_568 = %scan3A_486, %scan3A_569 = %scan3A_487, %scan3A_570 = %scan3A_488, %scan3A_571 = %scan3A_489) -> (vector<16xf32>, vector<16xf32>, vector<16xf32>, vector<16xf32>, vector<16xf32>, vector<16xf32>, vector<16xf32>, vector<16xf32>)  : i32 {
          %get3A_572 = arith.index_cast %scan3A_563 : i32 to index
          %get3A_573 = arith.constant 0 : index
          %get3A_574 = tpu.vector_load %arg12[%get3A_572, %get3A_573] {strides = array<i32>} : memref<104x128xf32, #tpu.memory_space<vmem>>, vector<1x16xf32>,
          %get3A_575 = vector.shape_cast %get3A_574 : vector<1x16xf32> to vector<16xf32>
          %add3A_576 = arith.addf %scan3A_564, %get3A_575 : vector<16xf32>
          %get3A_577 = arith.index_cast %scan3A_563 : i32 to index
          %get3A_578 = arith.constant 16 : index
          %get3A_579 = tpu.vector_load %arg12[%get3A_577, %get3A_578] {strides = array<i32>} : memref<104x128xf32, #tpu.memory_space<vmem>>, vector<1x16xf32>,
          %get3A_580 = vector.shape_cast %get3A_579 : vector<1x16xf32> to vector<16xf32>
          %add3A_581 = arith.addf %scan3A_565, %get3A_580 : vector<16xf32>
          %get3A_582 = arith.index_cast %scan3A_563 : i32 to index
          %get3A_583 = arith.constant 32 : index
          %get3A_584 = tpu.vector_load %arg12[%get3A_582, %get3A_583] {strides = array<i32>} : memref<104x128xf32, #tpu.memory_space<vmem>>, vector<1x16xf32>,
          %get3A_585 = vector.shape_cast %get3A_584 : vector<1x16xf32> to vector<16xf32>
          %add3A_586 = arith.addf %scan3A_566, %get3A_585 : vector<16xf32>
          %get3A_587 = arith.index_cast %scan3A_563 : i32 to index
          %get3A_588 = arith.constant 48 : index
          %get3A_589 = tpu.vector_load %arg12[%get3A_587, %get3A_588] {strides = array<i32>} : memref<104x128xf32, #tpu.memory_space<vmem>>, vector<1x16xf32>,
          %get3A_590 = vector.shape_cast %get3A_589 : vector<1x16xf32> to vector<16xf32>
          %add3A_591 = arith.addf %scan3A_567, %get3A_590 : vector<16xf32>
          %get3A_592 = arith.index_cast %scan3A_563 : i32 to index
          %get3A_593 = arith.constant 64 : index
          %get3A_594 = tpu.vector_load %arg12[%get3A_592, %get3A_593] {strides = array<i32>} : memref<104x128xf32, #tpu.memory_space<vmem>>, vector<1x16xf32>,
          %get3A_595 = vector.shape_cast %get3A_594 : vector<1x16xf32> to vector<16xf32>
          %add3A_596 = arith.addf %scan3A_568, %get3A_595 : vector<16xf32>
          %get3A_597 = arith.index_cast %scan3A_563 : i32 to index
          %get3A_598 = arith.constant 80 : index
          %get3A_599 = tpu.vector_load %arg12[%get3A_597, %get3A_598] {strides = array<i32>} : memref<104x128xf32, #tpu.memory_space<vmem>>, vector<1x16xf32>,
          %get3A_600 = vector.shape_cast %get3A_599 : vector<1x16xf32> to vector<16xf32>
          %add3A_601 = arith.addf %scan3A_569, %get3A_600 : vector<16xf32>
          %get3A_602 = arith.index_cast %scan3A_563 : i32 to index
          %get3A_603 = arith.constant 96 : index
          %get3A_604 = tpu.vector_load %arg12[%get3A_602, %get3A_603] {strides = array<i32>} : memref<104x128xf32, #tpu.memory_space<vmem>>, vector<1x16xf32>,
          %get3A_605 = vector.shape_cast %get3A_604 : vector<1x16xf32> to vector<16xf32>
          %add3A_606 = arith.addf %scan3A_570, %get3A_605 : vector<16xf32>
          %get3A_607 = arith.index_cast %scan3A_563 : i32 to index
          %get3A_608 = arith.constant 112 : index
          %get3A_609 = tpu.vector_load %arg12[%get3A_607, %get3A_608] {strides = array<i32>} : memref<104x128xf32, #tpu.memory_space<vmem>>, vector<1x16xf32>,
          %get3A_610 = vector.shape_cast %get3A_609 : vector<1x16xf32> to vector<16xf32>
          %add3A_611 = arith.addf %scan3A_571, %get3A_610 : vector<16xf32>
          scf.yield %add3A_576, %add3A_581, %add3A_586, %add3A_591, %add3A_596, %add3A_601, %add3A_606, %add3A_611 : vector<16xf32>, vector<16xf32>, vector<16xf32>, vector<16xf32>, vector<16xf32>, vector<16xf32>, vector<16xf32>, vector<16xf32>
        }
        %scan3A_562 = arith.constant 100 : i32
        scf.yield %scan3A_561#0, %scan3A_561#1, %scan3A_561#2, %scan3A_561#3, %scan3A_561#4, %scan3A_561#5, %scan3A_561#6, %scan3A_561#7 : vector<16xf32>, vector<16xf32>, vector<16xf32>, vector<16xf32>, vector<16xf32>, vector<16xf32>, vector<16xf32>, vector<16xf32>
      }
      %scan3A_409 = arith.constant 50 : i32
      %get3A = arith.index_cast %select_n3A_372 : i32 to index
      %get3A_410 = arith.constant 0 : index
      %get3A_411 = tpu.vector_load %arg21[%get3A, %get3A_410] {strides = array<i32>} : memref<16x64xf32, #tpu.memory_space<vmem>>, vector<1x16xf32>,
      %get3A_412 = vector.shape_cast %get3A_411 : vector<1x16xf32> to vector<16xf32>
      %get3A_413 = arith.index_cast %select_n3A_372 : i32 to index
      %get3A_414 = arith.constant 16 : index
      %get3A_415 = tpu.vector_load %arg21[%get3A_413, %get3A_414] {strides = array<i32>} : memref<16x64xf32, #tpu.memory_space<vmem>>, vector<1x16xf32>,
      %get3A_416 = vector.shape_cast %get3A_415 : vector<1x16xf32> to vector<16xf32>
      %get3A_417 = arith.index_cast %select_n3A_372 : i32 to index
      %get3A_418 = arith.constant 32 : index
      %get3A_419 = tpu.vector_load %arg21[%get3A_417, %get3A_418] {strides = array<i32>} : memref<16x64xf32, #tpu.memory_space<vmem>>, vector<1x16xf32>,
      %get3A_420 = vector.shape_cast %get3A_419 : vector<1x16xf32> to vector<16xf32>
      %get3A_421 = arith.index_cast %select_n3A_372 : i32 to index
      %get3A_422 = arith.constant 48 : index
      %get3A_423 = tpu.vector_load %arg21[%get3A_421, %get3A_422] {strides = array<i32>} : memref<16x64xf32, #tpu.memory_space<vmem>>, vector<1x16xf32>,
      %get3A_424 = vector.shape_cast %get3A_423 : vector<1x16xf32> to vector<16xf32>
      %sub3A_425 = arith.subf %scan3A_408#0, %get3A_412 : vector<16xf32>
      %max3A = arith.constant 0.000000e+00 : f32
      %max3A_426 = vector.broadcast %max3A : f32 to vector<16xf32>
      %max3A_427 = arith.maximumf %sub3A_425, %max3A_426 : vector<16xf32>
      %sub3A_428 = arith.subf %scan3A_408#1, %get3A_416 : vector<16xf32>
      %max3A_429 = arith.constant 0.000000e+00 : f32
      %max3A_430 = vector.broadcast %max3A_429 : f32 to vector<16xf32>
      %max3A_431 = arith.maximumf %sub3A_428, %max3A_430 : vector<16xf32>
      %sub3A_432 = arith.subf %scan3A_408#2, %get3A_420 : vector<16xf32>
      %max3A_433 = arith.constant 0.000000e+00 : f32
      %max3A_434 = vector.broadcast %max3A_433 : f32 to vector<16xf32>
      %max3A_435 = arith.maximumf %sub3A_432, %max3A_434 : vector<16xf32>
      %sub3A_436 = arith.subf %scan3A_408#3, %get3A_424 : vector<16xf32>
      %jit3A_437 = arith.constant -1.000000e+00 : f32
      %broadcast_in_dim3A_438 = vector.broadcast %jit3A_437 : f32 to vector<16xf32>
      %select_n3A_439 = arith.select %lt3A_2, %sub3A_436, %broadcast_in_dim3A_438 : vector<16xi1>, vector<16xf32>
      %max3A_440 = arith.constant 0.000000e+00 : f32
      %max3A_441 = vector.broadcast %max3A_440 : f32 to vector<16xf32>
      %max3A_442 = arith.maximumf %select_n3A_439, %max3A_441 : vector<16xf32>
      %add3A_443 = arith.addf %max3A_427, %max3A_431 : vector<16xf32>
      %add3A_444 = arith.addf %add3A_443, %max3A_435 : vector<16xf32>
      %add3A_445 = arith.addf %add3A_444, %max3A_442 : vector<16xf32>
      %sub3A_446 = arith.subf %scan3A_408#4, %get3A_412 : vector<16xf32>
      %max3A_447 = arith.constant 0.000000e+00 : f32
      %max3A_448 = vector.broadcast %max3A_447 : f32 to vector<16xf32>
      %max3A_449 = arith.maximumf %sub3A_446, %max3A_448 : vector<16xf32>
      %sub3A_450 = arith.subf %scan3A_408#5, %get3A_416 : vector<16xf32>
      %max3A_451 = arith.constant 0.000000e+00 : f32
      %max3A_452 = vector.broadcast %max3A_451 : f32 to vector<16xf32>
      %max3A_453 = arith.maximumf %sub3A_450, %max3A_452 : vector<16xf32>
      %sub3A_454 = arith.subf %scan3A_408#6, %get3A_420 : vector<16xf32>
      %max3A_455 = arith.constant 0.000000e+00 : f32
      %max3A_456 = vector.broadcast %max3A_455 : f32 to vector<16xf32>
      %max3A_457 = arith.maximumf %sub3A_454, %max3A_456 : vector<16xf32>
      %sub3A_458 = arith.subf %scan3A_408#7, %get3A_424 : vector<16xf32>
      %jit3A_459 = arith.constant -1.000000e+00 : f32
      %broadcast_in_dim3A_460 = vector.broadcast %jit3A_459 : f32 to vector<16xf32>
      %select_n3A_461 = arith.select %lt3A_2, %sub3A_458, %broadcast_in_dim3A_460 : vector<16xi1>, vector<16xf32>
      %max3A_462 = arith.constant 0.000000e+00 : f32
      %max3A_463 = vector.broadcast %max3A_462 : f32 to vector<16xf32>
      %max3A_464 = arith.maximumf %select_n3A_461, %max3A_463 : vector<16xf32>
      %add3A_465 = arith.addf %max3A_449, %max3A_453 : vector<16xf32>
      %add3A_466 = arith.addf %add3A_465, %max3A_457 : vector<16xf32>
      %add3A_467 = arith.addf %add3A_466, %max3A_464 : vector<16xf32>
      %add3A_468 = arith.addf %add3A_445, %add3A_467 : vector<16xf32>
      %get3A_469 = arith.constant 0 : i32
      %get3A_470 = arith.index_cast %get3A_469 : i32 to index
      %get3A_471 = arith.constant 0 : index
      %get3A_472 = tpu.vector_load %arg22[%get3A_470, %get3A_471] {strides = array<i32>} : memref<8x16xf32, #tpu.memory_space<vmem>>, vector<1x16xf32>,
      %get3A_473 = vector.shape_cast %get3A_472 : vector<1x16xf32> to vector<16xf32>
      %add3A_474 = arith.addf %get3A_473, %add3A_468 : vector<16xf32>
      %swap3A_475 = arith.constant 0 : i32
      %swap3A_476 = arith.index_cast %swap3A_475 : i32 to index
      %swap3A_477 = arith.constant 0 : index
      %swap3A_478 = tpu.vector_load %arg22[%swap3A_476, %swap3A_477] {strides = array<i32>} : memref<8x16xf32, #tpu.memory_space<vmem>>, vector<1x16xf32>,
      %swap3A_479 = vector.shape_cast %swap3A_478 : vector<1x16xf32> to vector<16xf32>
      %swap3A_480 = vector.shape_cast %add3A_474 : vector<16xf32> to vector<1x16xf32>
      tpu.vector_store %arg22[%swap3A_476, %swap3A_477], %swap3A_480 {strides = array<i32>} : memref<8x16xf32, #tpu.memory_space<vmem>>, vector<1x16xf32>,
    }
    %mul3A_346 = arith.constant 8 : i32
    %mul3A_347 = arith.muli %add3A, %mul3A_346 : i32
    "tpu.region"() ({
      %run_scoped3A = tpu.sem_alloc : memref<!tpu.dma_semaphore, #tpu.memory_space<semaphore_mem>>
      %dma_start3A = arith.constant 0 : i32
      %dma_start3A_348 = tpu.memref_slice %arg9[%mul3A_347, %dma_start3A] : memref<256x16xf32, #tpu.memory_space<hbm>> -> memref<8x16xf32, #tpu.memory_space<hbm>>
      %dma_start3A_349 = arith.constant 0 : i32
      %dma_start3A_350 = tpu.memref_slice %arg9[%mul3A_347, %dma_start3A_349] : memref<256x16xf32, #tpu.memory_space<hbm>> -> memref<8x16xf32, #tpu.memory_space<hbm>>
      tpu.enqueue_dma source(%arg22 : memref<8x16xf32, #tpu.memory_space<vmem>>) target(%dma_start3A_350 : memref<8x16xf32, #tpu.memory_space<hbm>>) target_semaphore(%run_scoped3A : memref<!tpu.dma_semaphore, #tpu.memory_space<semaphore_mem>>)
      %dma_wait3A = arith.constant 0 : i32
      %dma_wait3A_351 = tpu.memref_slice %arg9[%mul3A_347, %dma_wait3A] : memref<256x16xf32, #tpu.memory_space<hbm>> -> memref<8x16xf32, #tpu.memory_space<hbm>>
      %dma_wait3A_352 = arith.constant 0 : i32
      %dma_wait3A_353 = tpu.memref_slice %arg9[%mul3A_347, %dma_wait3A_352] : memref<256x16xf32, #tpu.memory_space<hbm>> -> memref<8x16xf32, #tpu.memory_space<hbm>>
      tpu.wait_dma2 semaphore(%run_scoped3A : memref<!tpu.dma_semaphore, #tpu.memory_space<semaphore_mem>>) src(%arg22 : memref<8x16xf32, #tpu.memory_space<vmem>>) dst(%dma_wait3A_353 : memref<8x16xf32, #tpu.memory_space<hbm>>)
      tpu.yield
    }) : () -> ()
    return
  }
}

module attributes {stable_mosaic.version = 14 : i64} {
  func.func @_tc_sums_body(%arg0: i32, %arg1: memref<2xf32, #tpu.memory_space<smem>>, %arg2: memref<2x8x50000xf32, #tpu.memory_space<vmem>>, %arg3: memref<2x8x50000xf32, #tpu.memory_space<vmem>>, %arg4: memref<2x8x50000xf32, #tpu.memory_space<vmem>>, %arg5: memref<2x8x50000xf32, #tpu.memory_space<vmem>>, %arg6: memref<8x128xf32, #tpu.memory_space<vmem>>) attributes {dimension_semantics = [#tpu.dimension_semantics<arbitrary>], iteration_bounds = array<i64: 26>, scalar_prefetch = 0 : i64, scratch_operands = 0 : i64, tpu.core_type = #tpu.core_type<tc>, window_params = [{transform_indices = @transform_0, window_bounds = array<i64: 2>}, {transform_indices = @transform_1, window_bounds = array<i64: 2, 8, 50000>}, {transform_indices = @transform_2, window_bounds = array<i64: 2, 8, 50000>}, {transform_indices = @transform_3, window_bounds = array<i64: 2, 8, 50000>}, {transform_indices = @transform_4, window_bounds = array<i64: 2, 8, 50000>}, {pipeline_mode = #tpu.pipeline_mode<synchronous>, transform_indices = @transform_5, window_bounds = array<i64: 8, 128>}]} {
    %eq3A = arith.constant 0 : i32
    %eq3A_0 = arith.cmpi eq, %arg0, %eq3A : i32
    %convert_element_type3A = arith.extui %eq3A_0 : i1 to i32
    %cond3A = arith.constant 0 : i32
    %cond3A_1 = arith.cmpi ne, %convert_element_type3A, %cond3A : i32
    scf.if %cond3A_1 {
      %broadcast_in_dim3A = arith.constant 0.000000e+00 : f32
      %broadcast_in_dim3A_113 = vector.broadcast %broadcast_in_dim3A : f32 to vector<8x128xf32>
      %swap3A_114 = arith.constant 0 : index
      %swap3A_115 = arith.constant 0 : index
      %swap3A_116 = vector.load %arg6[%swap3A_114, %swap3A_115] : memref<8x128xf32, #tpu.memory_space<vmem>>, vector<8x128xf32>
      tpu.vector_store %arg6[%swap3A_114, %swap3A_115], %broadcast_in_dim3A_113 {strides = array<i32>} : memref<8x128xf32, #tpu.memory_space<vmem>>, vector<8x128xf32>,
    } else {
    }
    %get3A = arith.constant 0 : index
    %get3A_2 = arith.constant 0 : index
    %get3A_3 = arith.constant 0 : index
    %get3A_4 = vector.load %arg2[%get3A, %get3A_2, %get3A_3] : memref<2x8x50000xf32, #tpu.memory_space<vmem>>, vector<2x8x50000xf32>
    %reduce_sum3A = vector.shape_cast %get3A_4 : vector<2x8x50000xf32> to vector<1x2x8x50000xf32>
    %reduce_sum3A_5 = arith.constant dense<0.000000e+00> : vector<1xf32>
    %reduce_sum3A_6 = vector.multi_reduction <add>, %reduce_sum3A, %reduce_sum3A_5 [1, 2, 3] : vector<1x2x8x50000xf32> to vector<1xf32>
    %reduce_sum3A_7 = vector.shape_cast %reduce_sum3A_6 : vector<1xf32> to vector<1x1x1x1xf32>
    %reduce_sum3A_8 = vector.extract %reduce_sum3A_7[0, 0, 0, 0] : f32 from vector<1x1x1x1xf32>
    %neg3A = arith.constant 0.000000e+00 : f32
    %neg3A_9 = vector.broadcast %neg3A : f32 to vector<2x8x50000xf32>
    %neg3A_10 = arith.subf %neg3A_9, %get3A_4 : vector<2x8x50000xf32>
    %max3A = arith.constant 0.000000e+00 : f32
    %max3A_11 = vector.broadcast %max3A : f32 to vector<2x8x50000xf32>
    %max3A_12 = arith.maximumf %neg3A_10, %max3A_11 : vector<2x8x50000xf32>
    %reduce_sum3A_13 = vector.shape_cast %max3A_12 : vector<2x8x50000xf32> to vector<1x2x8x50000xf32>
    %reduce_sum3A_14 = arith.constant dense<0.000000e+00> : vector<1xf32>
    %reduce_sum3A_15 = vector.multi_reduction <add>, %reduce_sum3A_13, %reduce_sum3A_14 [1, 2, 3] : vector<1x2x8x50000xf32> to vector<1xf32>
    %reduce_sum3A_16 = vector.shape_cast %reduce_sum3A_15 : vector<1xf32> to vector<1x1x1x1xf32>
    %reduce_sum3A_17 = vector.extract %reduce_sum3A_16[0, 0, 0, 0] : f32 from vector<1x1x1x1xf32>
    %get3A_18 = arith.constant 0 : index
    %get3A_19 = arith.constant 0 : index
    %get3A_20 = arith.constant 0 : index
    %get3A_21 = vector.load %arg3[%get3A_18, %get3A_19, %get3A_20] : memref<2x8x50000xf32, #tpu.memory_space<vmem>>, vector<2x8x50000xf32>
    %reduce_sum3A_22 = vector.shape_cast %get3A_21 : vector<2x8x50000xf32> to vector<1x2x8x50000xf32>
    %reduce_sum3A_23 = arith.constant dense<0.000000e+00> : vector<1xf32>
    %reduce_sum3A_24 = vector.multi_reduction <add>, %reduce_sum3A_22, %reduce_sum3A_23 [1, 2, 3] : vector<1x2x8x50000xf32> to vector<1xf32>
    %reduce_sum3A_25 = vector.shape_cast %reduce_sum3A_24 : vector<1xf32> to vector<1x1x1x1xf32>
    %reduce_sum3A_26 = vector.extract %reduce_sum3A_25[0, 0, 0, 0] : f32 from vector<1x1x1x1xf32>
    %get3A_27 = arith.constant 0 : index
    %get3A_28 = arith.constant 0 : index
    %get3A_29 = arith.constant 0 : index
    %get3A_30 = vector.load %arg4[%get3A_27, %get3A_28, %get3A_29] : memref<2x8x50000xf32, #tpu.memory_space<vmem>>, vector<2x8x50000xf32>
    %reduce_sum3A_31 = vector.shape_cast %get3A_30 : vector<2x8x50000xf32> to vector<1x2x8x50000xf32>
    %reduce_sum3A_32 = arith.constant dense<0.000000e+00> : vector<1xf32>
    %reduce_sum3A_33 = vector.multi_reduction <add>, %reduce_sum3A_31, %reduce_sum3A_32 [1, 2, 3] : vector<1x2x8x50000xf32> to vector<1xf32>
    %reduce_sum3A_34 = vector.shape_cast %reduce_sum3A_33 : vector<1xf32> to vector<1x1x1x1xf32>
    %reduce_sum3A_35 = vector.extract %reduce_sum3A_34[0, 0, 0, 0] : f32 from vector<1x1x1x1xf32>
    %get3A_36 = arith.constant 0 : index
    %get3A_37 = arith.constant 0 : index
    %get3A_38 = arith.constant 0 : index
    %get3A_39 = vector.load %arg5[%get3A_36, %get3A_37, %get3A_38] : memref<2x8x50000xf32, #tpu.memory_space<vmem>>, vector<2x8x50000xf32>
    %get3A_40 = arith.constant 0 : index
    %get3A_41 = memref.load %arg1[%get3A_40] : memref<2xf32, #tpu.memory_space<smem>>
    %get3A_42 = arith.constant 1 : index
    %get3A_43 = memref.load %arg1[%get3A_42] : memref<2xf32, #tpu.memory_space<smem>>
    %mul3A = vector.broadcast %get3A_43 : f32 to vector<2x8x50000xf32>
    %mul3A_44 = arith.mulf %get3A_39, %mul3A : vector<2x8x50000xf32>
    %sub3A = arith.subf %get3A_39, %mul3A_44 : vector<2x8x50000xf32>
    %max3A_45 = arith.constant 0.000000e+00 : f32
    %max3A_46 = vector.broadcast %max3A_45 : f32 to vector<2x8x50000xf32>
    %max3A_47 = arith.maximumf %sub3A, %max3A_46 : vector<2x8x50000xf32>
    %mul3A_48 = vector.broadcast %get3A_41 : f32 to vector<2x8x50000xf32>
    %mul3A_49 = arith.mulf %get3A_39, %mul3A_48 : vector<2x8x50000xf32>
    %sub3A_50 = arith.subf %mul3A_49, %get3A_39 : vector<2x8x50000xf32>
    %max3A_51 = arith.constant 0.000000e+00 : f32
    %max3A_52 = vector.broadcast %max3A_51 : f32 to vector<2x8x50000xf32>
    %max3A_53 = arith.maximumf %sub3A_50, %max3A_52 : vector<2x8x50000xf32>
    %add3A = arith.addf %max3A_47, %max3A_53 : vector<2x8x50000xf32>
    %reduce_sum3A_54 = vector.shape_cast %add3A : vector<2x8x50000xf32> to vector<1x2x8x50000xf32>
    %reduce_sum3A_55 = arith.constant dense<0.000000e+00> : vector<1xf32>
    %reduce_sum3A_56 = vector.multi_reduction <add>, %reduce_sum3A_54, %reduce_sum3A_55 [1, 2, 3] : vector<1x2x8x50000xf32> to vector<1xf32>
    %reduce_sum3A_57 = vector.shape_cast %reduce_sum3A_56 : vector<1xf32> to vector<1x1x1x1xf32>
    %reduce_sum3A_58 = vector.extract %reduce_sum3A_57[0, 0, 0, 0] : f32 from vector<1x1x1x1xf32>
    %get3A_59 = arith.constant 0 : index
    %get3A_60 = arith.constant 0 : index
    %get3A_61 = vector.load %arg6[%get3A_59, %get3A_60] : memref<8x128xf32, #tpu.memory_space<vmem>>, vector<1x128xf32>
    %get3A_62 = vector.shape_cast %get3A_61 : vector<1x128xf32> to vector<128xf32>
    %add3A_63 = vector.broadcast %reduce_sum3A_8 : f32 to vector<128xf32>
    %add3A_64 = arith.addf %get3A_62, %add3A_63 : vector<128xf32>
    %swap3A = arith.constant 0 : index
    %swap3A_65 = arith.constant 0 : index
    %swap3A_66 = vector.load %arg6[%swap3A, %swap3A_65] : memref<8x128xf32, #tpu.memory_space<vmem>>, vector<1x128xf32>
    %swap3A_67 = vector.shape_cast %swap3A_66 : vector<1x128xf32> to vector<128xf32>
    %swap3A_68 = vector.shape_cast %add3A_64 : vector<128xf32> to vector<1x128xf32>
    tpu.vector_store %arg6[%swap3A, %swap3A_65], %swap3A_68 {strides = array<i32>} : memref<8x128xf32, #tpu.memory_space<vmem>>, vector<1x128xf32>,
    %get3A_69 = arith.constant 1 : index
    %get3A_70 = arith.constant 0 : index
    %get3A_71 = vector.load %arg6[%get3A_69, %get3A_70] : memref<8x128xf32, #tpu.memory_space<vmem>>, vector<1x128xf32>
    %get3A_72 = vector.shape_cast %get3A_71 : vector<1x128xf32> to vector<128xf32>
    %add3A_73 = vector.broadcast %reduce_sum3A_17 : f32 to vector<128xf32>
    %add3A_74 = arith.addf %get3A_72, %add3A_73 : vector<128xf32>
    %swap3A_75 = arith.constant 1 : index
    %swap3A_76 = arith.constant 0 : index
    %swap3A_77 = vector.load %arg6[%swap3A_75, %swap3A_76] : memref<8x128xf32, #tpu.memory_space<vmem>>, vector<1x128xf32>
    %swap3A_78 = vector.shape_cast %swap3A_77 : vector<1x128xf32> to vector<128xf32>
    %swap3A_79 = vector.shape_cast %add3A_74 : vector<128xf32> to vector<1x128xf32>
    tpu.vector_store %arg6[%swap3A_75, %swap3A_76], %swap3A_79 {strides = array<i32>} : memref<8x128xf32, #tpu.memory_space<vmem>>, vector<1x128xf32>,
    %get3A_80 = arith.constant 2 : index
    %get3A_81 = arith.constant 0 : index
    %get3A_82 = vector.load %arg6[%get3A_80, %get3A_81] : memref<8x128xf32, #tpu.memory_space<vmem>>, vector<1x128xf32>
    %get3A_83 = vector.shape_cast %get3A_82 : vector<1x128xf32> to vector<128xf32>
    %add3A_84 = vector.broadcast %reduce_sum3A_26 : f32 to vector<128xf32>
    %add3A_85 = arith.addf %get3A_83, %add3A_84 : vector<128xf32>
    %swap3A_86 = arith.constant 2 : index
    %swap3A_87 = arith.constant 0 : index
    %swap3A_88 = vector.load %arg6[%swap3A_86, %swap3A_87] : memref<8x128xf32, #tpu.memory_space<vmem>>, vector<1x128xf32>
    %swap3A_89 = vector.shape_cast %swap3A_88 : vector<1x128xf32> to vector<128xf32>
    %swap3A_90 = vector.shape_cast %add3A_85 : vector<128xf32> to vector<1x128xf32>
    tpu.vector_store %arg6[%swap3A_86, %swap3A_87], %swap3A_90 {strides = array<i32>} : memref<8x128xf32, #tpu.memory_space<vmem>>, vector<1x128xf32>,
    %get3A_91 = arith.constant 3 : index
    %get3A_92 = arith.constant 0 : index
    %get3A_93 = vector.load %arg6[%get3A_91, %get3A_92] : memref<8x128xf32, #tpu.memory_space<vmem>>, vector<1x128xf32>
    %get3A_94 = vector.shape_cast %get3A_93 : vector<1x128xf32> to vector<128xf32>
    %add3A_95 = vector.broadcast %reduce_sum3A_35 : f32 to vector<128xf32>
    %add3A_96 = arith.addf %get3A_94, %add3A_95 : vector<128xf32>
    %swap3A_97 = arith.constant 3 : index
    %swap3A_98 = arith.constant 0 : index
    %swap3A_99 = vector.load %arg6[%swap3A_97, %swap3A_98] : memref<8x128xf32, #tpu.memory_space<vmem>>, vector<1x128xf32>
    %swap3A_100 = vector.shape_cast %swap3A_99 : vector<1x128xf32> to vector<128xf32>
    %swap3A_101 = vector.shape_cast %add3A_96 : vector<128xf32> to vector<1x128xf32>
    tpu.vector_store %arg6[%swap3A_97, %swap3A_98], %swap3A_101 {strides = array<i32>} : memref<8x128xf32, #tpu.memory_space<vmem>>, vector<1x128xf32>,
    %get3A_102 = arith.constant 4 : index
    %get3A_103 = arith.constant 0 : index
    %get3A_104 = vector.load %arg6[%get3A_102, %get3A_103] : memref<8x128xf32, #tpu.memory_space<vmem>>, vector<1x128xf32>
    %get3A_105 = vector.shape_cast %get3A_104 : vector<1x128xf32> to vector<128xf32>
    %add3A_106 = vector.broadcast %reduce_sum3A_58 : f32 to vector<128xf32>
    %add3A_107 = arith.addf %get3A_105, %add3A_106 : vector<128xf32>
    %swap3A_108 = arith.constant 4 : index
    %swap3A_109 = arith.constant 0 : index
    %swap3A_110 = vector.load %arg6[%swap3A_108, %swap3A_109] : memref<8x128xf32, #tpu.memory_space<vmem>>, vector<1x128xf32>
    %swap3A_111 = vector.shape_cast %swap3A_110 : vector<1x128xf32> to vector<128xf32>
    %swap3A_112 = vector.shape_cast %add3A_107 : vector<128xf32> to vector<1x128xf32>
    tpu.vector_store %arg6[%swap3A_108, %swap3A_109], %swap3A_112 {strides = array<i32>} : memref<8x128xf32, #tpu.memory_space<vmem>>, vector<1x128xf32>,
    return
  }
  func.func @transform_0(%arg0: i32) -> i32 {
    %c0_i32 = arith.constant 0 : i32
    %c0_i32_0 = arith.constant 0 : i32
    return %c0_i32 : i32
  }
  func.func @transform_1(%arg0: i32) -> (i32, i32, i32) {
    %c0_i32 = arith.constant 0 : i32
    %c0_i32_0 = arith.constant 0 : i32
    %c0_i32_1 = arith.constant 0 : i32
    return %arg0, %c0_i32, %c0_i32_0 : i32, i32, i32
  }
  func.func @transform_2(%arg0: i32) -> (i32, i32, i32) {
    %c0_i32 = arith.constant 0 : i32
    %c0_i32_0 = arith.constant 0 : i32
    %c0_i32_1 = arith.constant 0 : i32
    return %arg0, %c0_i32, %c0_i32_0 : i32, i32, i32
  }
  func.func @transform_3(%arg0: i32) -> (i32, i32, i32) {
    %c0_i32 = arith.constant 0 : i32
    %c0_i32_0 = arith.constant 0 : i32
    %c0_i32_1 = arith.constant 0 : i32
    return %arg0, %c0_i32, %c0_i32_0 : i32, i32, i32
  }
  func.func @transform_4(%arg0: i32) -> (i32, i32, i32) {
    %c0_i32 = arith.constant 0 : i32
    %c0_i32_0 = arith.constant 0 : i32
    %c0_i32_1 = arith.constant 0 : i32
    return %arg0, %c0_i32, %c0_i32_0 : i32, i32, i32
  }
  func.func @transform_5(%arg0: i32) -> (i32, i32) {
    %c0_i32 = arith.constant 0 : i32
    %c0_i32_0 = arith.constant 0 : i32
    %c0_i32_1 = arith.constant 0 : i32
    return %c0_i32, %c0_i32_0 : i32, i32
  }
}

</mosaic_0001>

<sc_bundles>
// kernel: kernel.4.cloned.1.call-start
scs
__scs_entry_jumppad:
0x0: {  	(pc) =	sbr.rel $0x88, $3  }
0x1: {  	(tag) =	ssettag $0x0;
	lr =	simm.s32 $0x1  }
0x2: {  	[smem:$0x3F96] =	sst lr;
	_ =	strace $0xD0000000  }
0x3: {  	_ = 	snop  }
0x4: {  	_ = 	snop  }
0x5: {  	_ = 	snop  }
0x6: {  	_ = 	snop  }
0x7: {  	_ = 	snop  }
__scs_overlays_trampoline_lowered:
0x8: {  	[smem:$0x3FA5] =	sst s0  }
0x9: {  	[smem:$0x3FA6] =	sst s1  }
0xa: {  	[smem:$0x3FA7] =	sst s2  }
0xb: {  	[smem:$0x3FA8] =	sst s3  }
0xc: {  	[smem:$0x3FA9] =	sst s4  }
0xd: {  	[smem:$0x3FAA] =	sst s5  }
0xe: {  	[smem:$0x3FAB] =	sst s6  }
0xf: {  	[smem:$0x3FAC] =	sst s7  }
0x10: {  	[smem:$0x3FAD] =	sst s8  }
0x11: {  	[smem:$0x3FAE] =	sst s9;
	s0 =	simm.s32 @!p0 $0x0  }
0x12: {  	s1 =	sld [smem:$0x3F94];
	s0 =	simm.s32 @p0 $0x1  }
0x13: {  	[smem:$0x3FAF] =	sst s0;
	s0 =	simm.s32 @!p1 $0x0  }
0x14: {  	s2 =	sld [smem:$0x3F93];
	s0 =	simm.s32 @p1 $0x1  }
0x15: {  	[smem:$0x3FB0] =	sst s0;
	s0 =	simm.s32 @!p2 $0x0  }
0x16: {  	s3 =	sld [smem:$0x3FDB];
	s0 =	simm.s32 @p2 $0x1  }
0x17: {  	s4 =	simm.s32 $0x1BF5;
	[smem:$0x3FB2] =	sst s0  }
0x18: {  	s0 =	sld [smem:$0x3F95];
	_ =	swait.ge [sflag:s4], $0x0  }
0x19: {  	s7 =	sld [smem:$0x3F96]  }
0x1a: {  	s8 =	sadd.s32 $0xFFFFE003, lr  }
0x1b: {  	s9 =	sadd.s32 $0xFFFFFEF7, lr;
	s5 =	simm.s32 $0xFFFFFFFF;
	p2 =	slt.u32 s8, $0xFFFFF086  }
0x1c: {  	p1 =	slt.u32 s9, $0xF7A;
	s5 =	simm.s32 @!p2 $0x0  }
0x1d: {  	s5 =	simm.s32 @p1 $0x1;
	p0 =	seq.s32 s7, s2  }
0x1e: {  	s7 =	smul.u32 @!p0 $0xF7A, s2;
	p2 =	seq.s32 @!p0 s5, $0x0  }
0x1f: {  	s9 =	smul.u32 $0xF7A, s1;
	s8 =	simm.s32 @!p0 $0x1BF5;
	p2 =	por !p2, p0  }
0x20: {  	[sflag:s8] =	ssyncset.s32 @!p0 $0xFFFFF086;
	s6 =	sadd.s32 @!p0 s3, s7;
	s7 =	simm.s32 @!p0 $0x108  }
0x21: {  	s3 =	sadd.s32 s3, s9;
	s6 =	sadd.s32 @!p0 $0x88, s6;
	s7 =	simm.s32 @p2 $0x1082  }
0x22: {  	[simem:s7], [sflag:s8] =	dma.local @!p0 [hbm:s6], $0xF7A  }
0x23: {  	s9 =	sor.u32 $0xD0000000, s2;
	s6 =	simm.s32 $0x108;
	_ =	swait.ge @!p0 [sflag:s8], $0x0  }
0x24: {  	s3 =	sadd.s32 $0x88, s3;
	s6 =	simm.s32 @!p1 $0x1082;
	[sflag:s4] =	ssyncset.s32 $0xFFFFF086  }
0x25: {  	[simem:s6], [sflag:s4] =	dma.local [hbm:s3], $0xF7A  }
0x26: {  	[smem:$0x3F96] =	sst s1;
	(tag) =	ssettag s2;
	_ =	strace s9  }
0x27: {  	s1 =	sld [smem:$0x3FA6]  }
0x28: {  	s2 =	sld [smem:$0x3FA7]  }
0x29: {  	s4 =	sld [smem:$0x3FA9]  }
0x2a: {  	p0 =	seq.s32 s5, $0x0;
	s5 =	sld [smem:$0x3FAA]  }
0x2b: {  	s6 =	sld [smem:$0x3FAB]  }
0x2c: {  	s7 =	sld [smem:$0x3FAC]  }
0x2d: {  	s3 =	simm.s32 $0x108;
	s8 =	sld [smem:$0x3FAD]  }
0x2e: {  	s3 =	simm.s32 @!p0 $0x1082;
	s9 =	sld [smem:$0x3FAE]  }
0x2f: {  	lr =	sadd.s32 s0, s3;
	s0 =	sld [smem:$0x3FA5]  }
0x30: {  	s3 =	sld [smem:$0x3FA8]  }
0x31: {  	[smem:$0x3FB1] =	sst s10  }
0x32: {  	s10 =	sld [smem:$0x3FAF];
	_ =	sdelay $0x3  }
0x33: {  	p0 =	seq.s32 s10, $0x1;
	s10 =	sld [smem:$0x3FB1];
	_ =	sdelay $0x3  }
0x34: {  	[smem:$0x3FB1] =	sst s10  }
0x35: {  	s10 =	sld [smem:$0x3FB0];
	_ =	sdelay $0x3  }
0x36: {  	p1 =	seq.s32 s10, $0x1;
	s10 =	sld [smem:$0x3FB1];
	_ =	sdelay $0x3  }
0x37: {  	[smem:$0x3FB1] =	sst s10  }
0x38: {  	s10 =	sld [smem:$0x3FB2]  }
0x39: {  	_ = 	snop;
	(pc) =	sbr.ind lr, $3  }
0x3a: {  	_ = 	snop  }
0x3b: {  	_ = 	snop  }
0x3c: {  	p2 =	seq.s32 s10, $0x1;
	s10 =	sld [smem:$0x3FB1]  }
0x3d: {  	_ =	shalt  }
0x3e: {  	_ =	shalt  }
0x3f: {  	_ =	shalt  }
0x40: {  	_ =	shalt  }
0x41: {  	_ =	shalt  }
0x42: {  	_ =	shalt  }
0x43: {  	_ =	shalt  }
0x44: {  	_ =	shalt  }
0x45: {  	_ =	shalt  }
0x46: {  	_ =	shalt  }
0x47: {  	_ =	shalt  }
0x48: {  	_ =	shalt  }
0x49: {  	_ =	shalt  }
0x4a: {  	_ =	shalt  }
0x4b: {  	_ =	shalt  }
0x4c: {  	_ =	shalt  }
0x4d: {  	_ =	shalt  }
0x4e: {  	_ =	shalt  }
0x4f: {  	_ =	shalt  }
0x50: {  	_ =	shalt  }
0x51: {  	_ =	shalt  }
0x52: {  	_ =	shalt  }
0x53: {  	_ =	shalt  }
0x54: {  	_ =	shalt  }
0x55: {  	_ =	shalt  }
0x56: {  	_ =	shalt  }
0x57: {  	_ =	shalt  }
0x58: {  	_ =	shalt  }
0x59: {  	_ =	shalt  }
0x5a: {  	_ =	shalt  }
0x5b: {  	_ =	shalt  }
0x5c: {  	_ =	shalt  }
0x5d: {  	_ =	shalt  }
0x5e: {  	_ =	shalt  }
0x5f: {  	_ =	shalt  }
0x60: {  	_ =	shalt  }
0x61: {  	_ =	shalt  }
0x62: {  	_ =	shalt  }
0x63: {  	_ =	shalt  }
0x64: {  	_ =	shalt  }
0x65: {  	_ =	shalt  }
0x66: {  	_ =	shalt  }
0x67: {  	_ =	shalt  }
0x68: {  	_ =	shalt  }
0x69: {  	_ =	shalt  }
0x6a: {  	_ =	shalt  }
0x6b: {  	_ =	shalt  }
0x6c: {  	_ =	shalt  }
0x6d: {  	_ =	shalt  }
0x6e: {  	_ =	shalt  }
0x6f: {  	_ =	shalt  }
0x70: {  	_ =	shalt  }
0x71: {  	_ =	shalt  }
0x72: {  	_ =	shalt  }
0x73: {  	_ =	shalt  }
0x74: {  	_ =	shalt  }
0x75: {  	_ =	shalt  }
0x76: {  	_ =	shalt  }
0x77: {  	_ =	shalt  }
0x78: {  	_ =	shalt  }
0x79: {  	_ =	shalt  }
0x7a: {  	_ =	shalt  }
0x7b: {  	_ =	shalt  }
0x7c: {  	_ =	shalt  }
0x7d: {  	_ =	shalt  }
0x7e: {  	_ =	shalt  }
0x7f: {  	_ =	shalt  }
0x80: {  	_ =	shalt  }
0x81: {  	_ =	shalt  }
0x82: {  	_ =	shalt  }
0x83: {  	_ =	shalt  }
0x84: {  	_ =	shalt  }
0x85: {  	_ =	shalt  }
0x86: {  	_ =	shalt  }
0x87: {  	_ =	shalt  }
.Lfunc_end0:
.L_simem_size_0:
called_computation.1_lowered:
.L_overlay_start_0:
0x88: {  	s2 =	sld [smem:$0x3FD9]  }
0x89: {  	s3 =	sld [smem:$0x3FFE];
	_ =	sdelay $0x1  }
0x8a: {  	s1 =	srdreg.scid  }
0x8b: {  	s0 =	sand.u32 $0x1, s1  }
0x8c: {  	s16 =	sshll.u32 s0, $0xA;
	s2 =	sadd.s32 s3, s2  }
0x8d: {  	s2 =	sadd.s32 s2, s16  }
0x8e: {  	[smem:$0x3FBD] =	sst s2  }
0x8f: {  	_ = 	snop  }
0x90: {  	(tm) =	ssettm $0x1  }
0x91: {  	s17 =	sld [smem:$0x3FFB];
	_ =	sdelay $0x3  }
0x92: {  	_ =	strace s17  }
0x93: {  	s2 =	sld [smem:$0x3FFC];
	_ =	sdelay $0x3  }
0x94: {  	_ =	strace s2  }
0x95: {  	s2 =	sld [smem:$0x3FFD];
	_ =	sdelay $0x3  }
0x96: {  	_ =	strace s2  }
0x97: {  	_ =	strace $0x8FFFFFFF  }
0x98: {  	s18 =	sld [smem:$0x3FDB];
	_ =	sdelay $0x1  }
0x99: {  	s19 =	simm.s32 $_scs_section_size  }
0x9a: {  	s4 =	simm.s32 $_size__tile_overlayer_lowered;
	s5 =	simm.s32 $_tile_overlayer_lowered  }
0x9b: {  	s22 =	simm.s32 $0x1BFF;
	s21 =	sshll.u32 s5, $0x1;
	s2 =	sadd.s32 s19, s18  }
0x9c: {  	s6 =	simm.s32 $0x0;
	s20 =	sshll.u32 s4, $0x1;
	s4 =	sadd.s32 s21, s2  }
0x9d: {  	[timem:s6], [sflag:s22] =	dma.local [hbm:s4], s20  }
0x9e: {  	_ =	swait.ge [sflag:s22], s20  }
0x9f: {  	s3 =	ssub.s32 $0x0, s20;
	[sflag:s22] =	ssyncset.done $0x0  }
0xa0: {  	[sflag:s22] =	ssyncadd.s32 s3;
	_ =	sdelay $0x1  }
0xa1: {  	s23 =	simm.s32 $0x1B8B  }
0xa2: {  	_ =	swait.ge [sflag:s23], $0x1  }
0xa3: {  	[sflag:s23] =	ssyncset.done $0x0  }
0xa4: {  	s25 =	simm.s32 $0x1B8E;
	s24 =	sld [smem:$0x3FFE];
	[sflag:s23] =	ssyncadd.s32 $0xFFFFFFFF  }
0xa5: {  	s26 =	simm.s32 $execute0_lowered;
	[smem:$0x3FD2] =	sst s25  }
0xa6: {  	s4 =	sshll.u32 s26, $0x1;
	_ =	strace $0x80000049;
	[dreg:$0x1] =	wrdreg $0xFFFFFFFF  }
0xa7: {  	s28 =	simm.s32 $_size_execute0_lowered;
	s2 =	sadd.s32 s2, s4;
	[dreg:$0x0] =	wrdreg $0x0  }
0xa8: {  	s4 =	sshll.u32 s28, $0x1;
	[dreg:$0x2] =	wrdreg s2  }
0xa9: {  	[dreg:$0x3] =	wrdreg s4  }
0xaa: {  	[dreg:$0x4] =	wrdreg $0xC0  }
0xab: {  	_ =	task [dreg:s6], $0x5FFFF  }
0xac: {  	[dreg:$0x1] =	wrdreg $0xFFFFFFFF  }
0xad: {  	[dreg:$0x0] =	wrdreg $0x60  }
0xae: {  	[dreg:$0x2] =	wrdreg s24  }
0xaf: {  	[dreg:$0x3] =	wrdreg $0x9  }
0xb0: {  	_ =	task.clear_ibuf [dreg:s6], $0x4FFFF;
	_ =	strace $0x90000049  }
0xb1: {  	s29 =	simm.s32 $0x9;
	_ =	strace $0x8000004B  }
0xb2: {  	_ =	swait.ge [sflag:s29], $0x1  }
0xb3: {  	[sflag:s29] =	ssyncadd.s32 $0xFFFFFFFF  }
0xb4: {  	_ =	strace $0x9000004B  }
0xb5: {  	_ =	sfence  }
0xb6: {  	s30 =	sld [smem:$0x0];
	_ =	sdelay $0x2  }
0xb7: {  	s31 =	sshll.u32 s1, $0xD;
	s1 =	sshrl.u32 s1, $0x2  }
0xb8: {  	s3 =	sand.u32 $0x4000, s31;
	s1 =	sadd.s32 s1, s30  }
0xb9: {  	s0 =	sor.u32 s3, s0;
	s1 =	sshll.u32 s1, $0x11  }
0xba: {  	s0 =	sor.u32 s1, s0  }
0xbb: {  	s0 =	sadd.s32 $0x8F2B, s0  }
0xbc: {  	[sflag:s0] =	ssyncadd.remote.s32 $0x1  }
0xbd: {  	_ =	sfence.sel $0xFFFF  }
0xbe: {  	[dreg:$0x0] =	wrdreg $0xFFFFFFFF;
	(pc) =	sbr.abs _section_cstart, $3  }
0xbf: {  	[dreg:$0x1] =	wrdreg $0xFFFFFFFF  }
0xc0: {  	_ =	task.clear_ibuf [dreg:s6], $0x2FFFF;
	_ =	strace $0x9FFFFFFF  }
0xc1: {  	(tm) =	ssettm $0x7FFFFFFF  }
tec
execute0_lowered:
.L_overlay_start_1:
0x0: {  	(tag) =	ssettag $0x1  }
0x1: {  	s0 =	srdreg.scid  }
0x2: {  	s1 =	stileid.u32;
	s2 =	rddreg [dreg:$0x0];
	s16 =	simm.s32 $0x0  }
0x3: {  	s7 =	simm.s32 $0x1;
	s8 =	simm.s32 $0x1;
	s28 =	simm.s32 $0x16C00  }
0x4: {  	s29 =	simm.s32 $0x16C80;
	s30 =	simm.s32 $0x16D00;
	s31 =	simm.s32 $0x16D80  }
0x5: {  	s0 =	sand.u32 $0x1, s0;
	s1 =	sshll.u32 s1, $0x1;
	[smem:$0x7FF] =	sst s16  }
0x6: {  	s17 =	sadd.s32 $0x623400, s2;
	s11 =	sadd.s32 $0x62B400, s2;
	s1 =	sor.u32 s0, s1  }
0x7: {  	_ =	strace $0x8000004A;
	[dreg:$0x4] =	wrdreg s17;
	s0 =	ssub.s32 $0x2, s0  }
0x8: {  	[dreg:$0x5] =	wrdreg s11;
	s17 =	simm.s32 $0x2;
	s3 =	smul.u32 $0x1F4, s1  }
0x9: {  	s4 =	smul.u32 $0x3E8, s1;
	s19 =	sshll.u32 s1, $0x7;
	s12 =	sshrl.u32 s0, $0x1  }
0xa: {  	s1 =	smul.u32 $0x28, s1;
	s11 =	sadd.s32 s19, s2;
	s0 =	ssub.s32 s0, s12  }
0xb: {  	s13 =	sshrl.u32 s3, $0x5;
	s5 =	sand.u32 $0xE0, s3;
	s15 =	sshrl.u32 s4, $0x5  }
0xc: {  	s14 =	sand.u32 $0xE0, s4;
	s6 =	sshrl.u32 s3, $0x8;
	s9 =	sshrl.u32 s4, $0x8  }
0xd: {  	s3 =	sadd.s32 $0x1F4, s3;
	s23 =	sadd.s32 $0x3E8, s4;
	s25 =	sadd.s32 $0x28, s1  }
0xe: {  	s1 =	sshrl.u32 s1, $0x5;
	s26 =	sadd.s32 $0x30E800, s11;
	s0 =	smax.u32 s0, $0x1  }
0xf: {  	s11 =	simm.s32 $0x0;
	p0 =	seq.s32 s13, $0x0;
	[dreg:$0x10] =	wrdreg s26  }
0x10: {  	p1 =	sne.s32 s5, $0x0;
	p6 =	seq.s32 s15, $0x0;
	[dreg:$0x11] =	wrdreg s0  }
0x11: {  	p2 =	sne.s32 s14, $0x0;
	s5 =	sadd.s32 $0x1400, s2;
	[dreg:$0x2] =	wrdreg s13  }
0x12: {  	s3 =	sshrl.u32 s3, $0x5;
	s14 =	sadd.s32 $0x1500, s2;
	[dreg:$0x3] =	wrdreg s15  }
0x13: {  	s4 =	sshrl.u32 s23, $0x5;
	[dreg:$0xe] =	wrdreg s1;
	s23 =	simm.s32 $0x16980  }
0x14: {  	s26 =	simm.s32 $0x16B80;
	s0 =	simm.s32 $0x16E80;
	p0 =	por !p0, !p1  }
0x15: {  	p1 =	por !p6, !p2;
	[dreg:$0x8] =	wrdreg s3;
	p0 =	por !p0, !p0  }
0x16: {  	[dreg:$0xc] =	wrdreg s4;
	p1 =	por !p1, !p1;
	s7 =	simm.s32 @!p0 $0x0  }
0x17: {  	s8 =	simm.s32 @!p1 $0x0;
	p0 =	sge.u32 s13, s3;
	p1 =	sge.u32 s15, s4  }
0x18: {  	s4 =	simm.s32 $0x16A00;
	s13 =	simm.s32 $0x17180;
	s15 =	simm.s32 $0x17200  }
0x19: {  	s3 =	simm.s32 $0x17380;
	s6 =	ssub.s32 s6, s7;
	s8 =	ssub.s32 s9, s8  }
0x1a: {  	s7 =	simm.s32 $0x1;
	s18 =	sshll.u32 s6, $0x7;
	s10 =	sshll.u32 s8, $0x7  }
0x1b: {  	s6 =	sshll.u32 s6, $0xA;
	s24 =	sshll.u32 s8, $0xA;
	s8 =	simm.s32 $0x17000  }
0x1c: {  	s9 =	sand.u32 $0x1FFFFF80, s18;
	s10 =	sand.u32 $0x1FFFFF80, s10;
	[dreg:$0x9] =	wrdreg s6  }
0x1d: {  	v0 =	vlaneseq.u32;
	v2 =	vimm.s32 $0x0;
	vm0 =	vmmov $0xffff;
	[dreg:$0xd] =	wrdreg s24;
	s24 =	simm.s32 $0x16F80;
	s9 =	sadd.s32 s9, s2  }
0x1e: {  	vm1 =	vmmov $0xf;
	v6 =	vimm.s32 $0x7;
	v7 =	vimm.s32 $0x2;
	s10 =	sadd.s32 s10, s2;
	s2 =	sshrl.u32 s25, $0x5;
	s25 =	simm.s32 $0x16B00  }
0x1f: {  	v8 =	vimm.s32 $0x1;
	v9 =	vimm.s32 $0x3;
	v10 =	vimm.s32 $0x4;
	s20 =	sadd.s32 $0x621400, s9;
	s9 =	sadd.s32 $0x629400, s9;
	[dreg:$0xf] =	wrdreg s2  }
.Ltmp0:
0x20: {  	v11 =	vimm.s32 $0x5;
	v12 =	vimm.s32 $0x6;
	v13 =	vimm.s32 $0x8;
	s21 =	sadd.s32 $0x61D400, s10;
	[dreg:$0x6] =	wrdreg s20;
	(pc) =	sbr.rel .LBB2_1-.Ltmp0, $4  }
0x21: {  	v14 =	vimm.s32 $0x9;
	v4 =	vshrl.u32 v0, $0x3;
	v1 =	vand.u32 $0x7, v0;
	s22 =	sadd.s32 $0x625400, s10;
	p2 =	sge.u32 s1, s2;
	[dreg:$0x7] =	wrdreg s9  }
0x22: {  	v15 =	vimm.s32 $0xA;
	v0 =	vor.u32 $0x8, v0;
	[tilespmem:$0x1FFD0] =	vst v1;
	v1 =	vmul.u32 $0x8, v4;
	s2 =	simm.s32 $0x16A80;
	s1 =	simm.s32 $0x16E00;
	[dreg:$0xa] =	wrdreg s21  }
0x23: {  	v16 =	vimm.s32 $0xB;
	v17 =	vimm.s32 $0xC;
	v18 =	vimm.s32 $0xD;
	[tilespmem:$0x1FFF0] =	vst v0;
	s10 =	simm.s32 $0x17100;
	[dreg:$0xb] =	wrdreg s22;
	s22 =	simm.s32 $0x16F00  }
0x24: {  	v19 =	vimm.s32 $0xE;
	v20 =	vimm.s32 $0xF;
	vm2 =	vmmov $0x1;
	[tilespmem:$0x1FFE0] =	vst v1;
	s9 =	simm.s32 $0x17080;
	s20 =	simm.s32 $0x17280;
	s21 =	simm.s32 $0x17300  }
.LBB2_15:
0x25: {  	s16 =	simm.s32 $0x0;
	s6 =	rddreg [dreg:$0x10];
	s11 =	simm.s32 $0x1D980  }
0x26: {  	[hbm4b:s6+s16] =	stream.linear.scatter [tilespmem:s11], [sflag:$0x2], $0x400, $0x38;
	[tilespmem:$0x1DD80] =	vst v63  }
0x27: {  	_ =	swait.ge [sflag:s17], $0x400  }
0x28: {  	s18 =	rddreg [dreg:$0x12]  }
0x29: {  	s19 =	rddreg [dreg:$0x11];
	s11 =	sadd.s32 $0x1, s18  }
0x2a: {  	p3 =	sne.s32 s11, s19  }
.Ltmp1:
0x2b: {  	_ = 	snop;
	(pc) =	sbr.rel @!p3 .LBB2_16-.Ltmp1, $3  }
0x2c: {  	_ =	sdelay $0x1  }
0x2d: {  	[sflag:s17] =	ssyncset.done $0x0  }
0x2e: {  	[sflag:s17] =	ssyncadd.s32 $0xFFFFFC00  }
.LBB2_1:
0x2f: {  	v0 =	vimm.f32 $0.0e+00  }
0x30: {  	[tilespmem:$0x1D980] =	vst v0  }
0x31: {  	[tilespmem:$0x1DA00] =	vst v0  }
0x32: {  	[tilespmem:$0x1DA80] =	vst v0  }
0x33: {  	[tilespmem:$0x1DB00] =	vst v0  }
0x34: {  	[tilespmem:$0x1DB80] =	vst v0  }
0x35: {  	[tilespmem:$0x1DC00] =	vst v0  }
0x36: {  	[dreg:$0x12] =	wrdreg s11;
	[tilespmem:$0x1DC80] =	vst v0  }
0x37: {  	s6 =	rddreg [dreg:$0x6];
	s12 =	simm.s32 $0x17400;
	[tilespmem:$0x1DD00] =	vst v0  }
0x38: {  	[tilespmem:s12], [sflag:$0x2] =	stream.linear.gather [hbm4b:s6+s16], $0xC00, $0x38;
	[tilespmem:$0x1DD80] =	vst v63  }
0x39: {  	_ =	swait.ge [sflag:s17], $0xC00  }
0x3a: {  	s19 =	simm.s32 $0x1B180;
	[sflag:s17] =	ssyncset.done $0x0  }
.Ltmp2:
0x3b: {  	s18 =	rddreg [dreg:$0x7];
	[sflag:s17] =	ssyncadd.s32 $0xFFFFF400;
	(pc) =	sbr.rel @p0 .LBB2_5-.Ltmp2, $4  }
0x3c: {  	[tilespmem:s19], [sflag:$0x2] =	stream.linear.gather [hbm4b:s18+s16], $0xC00, $0x38;
	[tilespmem:$0x1DD80] =	vst v63  }
0x3d: {  	_ =	swait.ge [sflag:s17], $0xC00  }
0x3e: {  	[sflag:s17] =	ssyncset.done $0x0  }
0x3f: {  	s18 =	rddreg [dreg:$0x2];
	[sflag:s17] =	ssyncadd.s32 $0xFFFFF400  }
.LBB2_2:
0x40: {  	s6 =	sshll.u32 s18, $0x7;
	s11 =	rddreg [dreg:$0x9]  }
0x41: {  	[tilespmem:$0x1B058] =	vst v2;
	s6 =	ssub.s32 s6, s11  }
0x42: {  	v21 =	vld [tilespmem:s6+$0x17400];
	_ =	sdelay $0x4  }
0x43: {  	[tilespmem:$0x1B000] =	vst v21  }
0x44: {  	v22 =	vld [tilespmem:s6+$0x17410];
	_ =	sdelay $0x4  }
0x45: {  	[tilespmem:$0x1B010] =	vst v22  }
0x46: {  	v22 =	vld [tilespmem:s6+$0x17420];
	_ =	sdelay $0x4  }
0x47: {  	[tilespmem:$0x1B020] =	vst v22  }
0x48: {  	v22 =	vld [tilespmem:s6+$0x17430];
	_ =	sdelay $0x4  }
0x49: {  	[tilespmem:$0x1B030] =	vst v22  }
0x4a: {  	v22 =	vld [tilespmem:s6+$0x17440];
	_ =	sdelay $0x4  }
0x4b: {  	v0 =	vld [tilespmem:$0x1FFD0];
	[tilespmem:$0x1B040] =	vst v22  }
0x4c: {  	v22 =	vld [tilespmem:s6+$0x17450];
	_ =	sdelay $0x1  }
0x4d: {  	v1 =	vld [tilespmem:$0x1FFE0];
	v23 =	vshll.u32 v21, $0x2  }
0x4e: {  	v21 =	vand.u32 $0x7, v21;
	v23 =	vand.u32 $0xFFFFFFE0, v23  }
0x4f: {  	v3 =	vld [tilespmem:$0x1FFF0];
	v21 =	vor.u32 v21, v23  }
0x50: {  	[tilespmem:$0x1B050] =	vst v22;
	v22 =	vperm.xlane v21, v0  }
0x51: {  	v23 =	vld [tilespmem:s6+$0x17454]  }
0x52: {  	v22 =	vadd.s32 v1, v22;
	_ =	sdelay $0x1  }
0x53: {  	v21 =	vperm.xlane v21, v3;
	_ =	sdelay $0x1  }
0x54: {  	s11 =	simm.s32 $0x0;
	v21 =	vadd.s32 v1, v21;
	[tilespmem:$0x1B054] =	vst v23  }
0x55: {  	[tilespmem:s11], [sflag:$0x1] =	stream.indirect_vreg.gather [hbm4b:s5+s11], $0x80, v22, vm0, $0xb8;
	[tilespmem:$0x1DD80] =	vst v63  }
0x56: {  	s12 =	simm.s32 $0x800  }
0x57: {  	[tilespmem:s12], [sflag:$0x1] =	stream.indirect_vreg.gather [hbm4b:s14+s11], $0x80, v22, vm0, $0xb8;
	[tilespmem:$0x1DD80] =	vst v63  }
0x58: {  	s19 =	simm.s32 $0x1000  }
0x59: {  	[tilespmem:s19], [sflag:$0x1] =	stream.indirect_vreg.gather [hbm4b:s5+s11], $0x80, v21, vm0, $0xb8;
	[tilespmem:$0x1DD80] =	vst v63  }
0x5a: {  	s16 =	simm.s32 $0x1800  }
0x5b: {  	[tilespmem:s16], [sflag:$0x1] =	stream.indirect_vreg.gather [hbm4b:s14+s11], $0x80, v21, vm0, $0xb8;
	[tilespmem:$0x1DD80] =	vst v63  }
0x5c: {  	v21 =	vld [tilespmem:$0x1B010];
	_ =	sdelay $0x4  }
0x5d: {  	v22 =	vshll.u32 v21, $0x2  }
0x5e: {  	v21 =	vand.u32 $0x7, v21;
	v22 =	vand.u32 $0xFFFFFFE0, v22  }
0x5f: {  	v21 =	vor.u32 v21, v22  }
0x60: {  	v22 =	vperm.xlane v21, v0;
	_ =	sdelay $0x1  }
0x61: {  	v22 =	vadd.s32 v1, v22;
	_ =	sdelay $0x1  }
0x62: {  	v21 =	vperm.xlane v21, v3;
	_ =	sdelay $0x1  }
0x63: {  	s17 =	simm.s32 $0x2000;
	v21 =	vadd.s32 v1, v21  }
0x64: {  	[tilespmem:s17], [sflag:$0x1] =	stream.indirect_vreg.gather [hbm4b:s5+s11], $0x80, v22, vm0, $0xb8;
	[tilespmem:$0x1DD80] =	vst v63  }
0x65: {  	s19 =	simm.s32 $0x2800  }
0x66: {  	[tilespmem:s19], [sflag:$0x1] =	stream.indirect_vreg.gather [hbm4b:s14+s11], $0x80, v22, vm0, $0xb8;
	[tilespmem:$0x1DD80] =	vst v63  }
0x67: {  	s16 =	simm.s32 $0x3000  }
0x68: {  	[tilespmem:s16], [sflag:$0x1] =	stream.indirect_vreg.gather [hbm4b:s5+s11], $0x80, v21, vm0, $0xb8;
	[tilespmem:$0x1DD80] =	vst v63  }
0x69: {  	s17 =	simm.s32 $0x3800  }
0x6a: {  	[tilespmem:s17], [sflag:$0x1] =	stream.indirect_vreg.gather [hbm4b:s14+s11], $0x80, v21, vm0, $0xb8;
	[tilespmem:$0x1DD80] =	vst v63  }
0x6b: {  	v21 =	vld [tilespmem:$0x1B020];
	_ =	sdelay $0x4  }
0x6c: {  	v22 =	vshll.u32 v21, $0x2  }
0x6d: {  	v21 =	vand.u32 $0x7, v21;
	v22 =	vand.u32 $0xFFFFFFE0, v22  }
0x6e: {  	v21 =	vor.u32 v21, v22  }
0x6f: {  	v22 =	vperm.xlane v21, v0;
	_ =	sdelay $0x1  }
0x70: {  	v22 =	vadd.s32 v1, v22;
	_ =	sdelay $0x1  }
0x71: {  	v21 =	vperm.xlane v21, v3;
	_ =	sdelay $0x1  }
0x72: {  	s19 =	simm.s32 $0x4000;
	v21 =	vadd.s32 v1, v21  }
0x73: {  	[tilespmem:s19], [sflag:$0x1] =	stream.indirect_vreg.gather [hbm4b:s5+s11], $0x80, v22, vm0, $0xb8;
	[tilespmem:$0x1DD80] =	vst v63  }
0x74: {  	s16 =	simm.s32 $0x4800  }
0x75: {  	[tilespmem:s16], [sflag:$0x1] =	stream.indirect_vreg.gather [hbm4b:s14+s11], $0x80, v22, vm0, $0xb8;
	[tilespmem:$0x1DD80] =	vst v63  }
0x76: {  	s17 =	simm.s32 $0x5000  }
0x77: {  	[tilespmem:s17], [sflag:$0x1] =	stream.indirect_vreg.gather [hbm4b:s5+s11], $0x80, v21, vm0, $0xb8;
	[tilespmem:$0x1DD80] =	vst v63  }
0x78: {  	s19 =	simm.s32 $0x5800  }
0x79: {  	[tilespmem:s19], [sflag:$0x1] =	stream.indirect_vreg.gather [hbm4b:s14+s11], $0x80, v21, vm0, $0xb8;
	[tilespmem:$0x1DD80] =	vst v63  }
0x7a: {  	v21 =	vld [tilespmem:$0x1B030];
	_ =	sdelay $0x4  }
0x7b: {  	v22 =	vshll.u32 v21, $0x2  }
0x7c: {  	v21 =	vand.u32 $0x7, v21;
	v22 =	vand.u32 $0xFFFFFFE0, v22  }
0x7d: {  	v21 =	vor.u32 v21, v22  }
0x7e: {  	v22 =	vperm.xlane v21, v0;
	_ =	sdelay $0x1  }
0x7f: {  	v22 =	vadd.s32 v1, v22;
	_ =	sdelay $0x1  }
0x80: {  	v21 =	vperm.xlane v21, v3;
	_ =	sdelay $0x1  }
0x81: {  	s16 =	simm.s32 $0x6000;
	v21 =	vadd.s32 v1, v21  }
0x82: {  	[tilespmem:s16], [sflag:$0x1] =	stream.indirect_vreg.gather [hbm4b:s5+s11], $0x80, v22, vm0, $0xb8;
	[tilespmem:$0x1DD80] =	vst v63  }
0x83: {  	s17 =	simm.s32 $0x6800  }
0x84: {  	[tilespmem:s17], [sflag:$0x1] =	stream.indirect_vreg.gather [hbm4b:s14+s11], $0x80, v22, vm0, $0xb8;
	[tilespmem:$0x1DD80] =	vst v63  }
0x85: {  	s19 =	simm.s32 $0x7000  }
0x86: {  	[tilespmem:s19], [sflag:$0x1] =	stream.indirect_vreg.gather [hbm4b:s5+s11], $0x80, v21, vm0, $0xb8;
	[tilespmem:$0x1DD80] =	vst v63  }
0x87: {  	s16 =	simm.s32 $0x7800  }
0x88: {  	[tilespmem:s16], [sflag:$0x1] =	stream.indirect_vreg.gather [hbm4b:s14+s11], $0x80, v21, vm0, $0xb8;
	[tilespmem:$0x1DD80] =	vst v63  }
0x89: {  	v21 =	vld [tilespmem:$0x1B040];
	_ =	sdelay $0x4  }
0x8a: {  	v22 =	vshll.u32 v21, $0x2  }
0x8b: {  	v21 =	vand.u32 $0x7, v21;
	v22 =	vand.u32 $0xFFFFFFE0, v22  }
0x8c: {  	v21 =	vor.u32 v21, v22  }
0x8d: {  	v22 =	vperm.xlane v21, v0;
	_ =	sdelay $0x1  }
0x8e: {  	v22 =	vadd.s32 v1, v22;
	_ =	sdelay $0x1  }
0x8f: {  	v21 =	vperm.xlane v21, v3;
	_ =	sdelay $0x1  }
0x90: {  	s17 =	simm.s32 $0x8000;
	v21 =	vadd.s32 v1, v21  }
0x91: {  	[tilespmem:s17], [sflag:$0x1] =	stream.indirect_vreg.gather [hbm4b:s5+s11], $0x80, v22, vm0, $0xb8;
	[tilespmem:$0x1DD80] =	vst v63  }
0x92: {  	s19 =	simm.s32 $0x8800  }
0x93: {  	[tilespmem:s19], [sflag:$0x1] =	stream.indirect_vreg.gather [hbm4b:s14+s11], $0x80, v22, vm0, $0xb8;
	[tilespmem:$0x1DD80] =	vst v63  }
0x94: {  	s16 =	simm.s32 $0x9000  }
0x95: {  	[tilespmem:s16], [sflag:$0x1] =	stream.indirect_vreg.gather [hbm4b:s5+s11], $0x80, v21, vm0, $0xb8;
	[tilespmem:$0x1DD80] =	vst v63  }
0x96: {  	s17 =	simm.s32 $0x9800  }
0x97: {  	[tilespmem:s17], [sflag:$0x1] =	stream.indirect_vreg.gather [hbm4b:s14+s11], $0x80, v21, vm0, $0xb8;
	[tilespmem:$0x1DD80] =	vst v63  }
0x98: {  	v21 =	vld [tilespmem:$0x1B050];
	_ =	sdelay $0x4  }
0x99: {  	v22 =	vshll.u32 v21, $0x2  }
0x9a: {  	v21 =	vand.u32 $0x7, v21;
	v22 =	vand.u32 $0xFFFFFFE0, v22  }
0x9b: {  	v21 =	vor.u32 v21, v22  }
0x9c: {  	v22 =	vperm.xlane v21, v0;
	_ =	sdelay $0x1  }
0x9d: {  	v22 =	vadd.s32 v1, v22;
	_ =	sdelay $0x1  }
0x9e: {  	v21 =	vperm.xlane v21, v3;
	_ =	sdelay $0x1  }
0x9f: {  	s19 =	simm.s32 $0xA000;
	v21 =	vadd.s32 v1, v21  }
0xa0: {  	[tilespmem:s19], [sflag:$0x1] =	stream.indirect_vreg.gather [hbm4b:s5+s11], $0x80, v22, vm0, $0xb8;
	[tilespmem:$0x1DD80] =	vst v63  }
0xa1: {  	s16 =	simm.s32 $0xA800  }
0xa2: {  	[tilespmem:s16], [sflag:$0x1] =	stream.indirect_vreg.gather [hbm4b:s14+s11], $0x80, v22, vm0, $0xb8;
	[tilespmem:$0x1DD80] =	vst v63  }
0xa3: {  	s17 =	simm.s32 $0xB000  }
0xa4: {  	[tilespmem:s17], [sflag:$0x1] =	stream.indirect_vreg.gather [hbm4b:s5+s11], $0x80, v21, vm0, $0xb8;
	[tilespmem:$0x1DD80] =	vst v63  }
0xa5: {  	s19 =	simm.s32 $0xB800  }
0xa6: {  	[tilespmem:s19], [sflag:$0x1] =	stream.indirect_vreg.gather [hbm4b:s14+s11], $0x80, v21, vm0, $0xb8;
	[tilespmem:$0x1DD80] =	vst v63  }
0xa7: {  	v21 =	vld.msk [tilespmem:$0x1B060], $0xff;
	_ =	sdelay $0x4  }
0xa8: {  	v22 =	vshll.u32 v21, $0x2  }
0xa9: {  	v21 =	vand.u32 $0x7, v21;
	v22 =	vand.u32 $0xFFFFFFE0, v22  }
0xaa: {  	v21 =	vor.u32 v21, v22  }
0xab: {  	v21 =	vperm.xlane v21, v0;
	_ =	sdelay $0x1  }
0xac: {  	v21 =	vadd.s32 v1, v21;
	_ =	sdelay $0x3  }
0xad: {  	s16 =	simm.s32 $0xC000  }
0xae: {  	[tilespmem:s16], [sflag:$0x1] =	stream.indirect_vreg.gather [hbm4b:s5+s11], $0x80, v21, vm0, $0xb8;
	[tilespmem:$0x1DD80] =	vst v63  }
0xaf: {  	s17 =	simm.s32 $0xC800  }
0xb0: {  	[tilespmem:s17], [sflag:$0x1] =	stream.indirect_vreg.gather [hbm4b:s14+s11], $0x80, v21, vm0, $0xb8;
	[tilespmem:$0x1DD80] =	vst v63  }
0xb1: {  	_ =	swait.ge [sflag:s7], $0xD000  }
0xb2: {  	s19 =	sand.u32 $0xF000, s11;
	s11 =	sand.u32 $0x380, s11;
	[sflag:s7] =	ssyncset.done $0x0  }
0xb3: {  	s11 =	sor.u32 s11, s19;
	[sflag:s7] =	ssyncadd.s32 $0xFFFF3000  }
0xb4: {  	v21 =	vld [tilespmem:s11+$0xC70]  }
0xb5: {  	v22 =	vld [tilespmem:s11+$0x0]  }
0xb6: {  	v23 =	vld [tilespmem:s11+$0x10]  }
0xb7: {  	v24 =	vld [tilespmem:s11+$0x20]  }
0xb8: {  	v29 =	vld [tilespmem:s11+$0x30]  }
0xb9: {  	v30 =	vld [tilespmem:s11+$0x40]  }
0xba: {  	v31 =	vld [tilespmem:s11+$0x50]  }
0xbb: {  	v32 =	vld [tilespmem:s11+$0x60]  }
0xbc: {  	v33 =	vld [tilespmem:s11+$0x70]  }
0xbd: {  	v34 =	vld [tilespmem:s11+$0x400]  }
0xbe: {  	v35 =	vld [tilespmem:s11+$0x410]  }
0xbf: {  	v36 =	vld [tilespmem:s11+$0x420]  }
0xc0: {  	v37 =	vld [tilespmem:s11+$0x430]  }
0xc1: {  	v38 =	vld [tilespmem:s11+$0x440]  }
0xc2: {  	v39 =	vld [tilespmem:s11+$0x450]  }
0xc3: {  	v40 =	vld [tilespmem:s11+$0x460]  }
0xc4: {  	v47 =	vimm.f32 $0.0e+00;
	v41 =	vld [tilespmem:s11+$0x470]  }
0xc5: {  	v44 =	vld [tilespmem:s11+$0x840];
	v25 =	vadd.f32 v21, v47  }
0xc6: {  	v45 =	vld [tilespmem:s11+$0x850];
	v26 =	vadd.f32 v22, v47;
	v27 =	vadd.f32 v23, v47  }
0xc7: {  	v21 =	vld [tilespmem:s11+$0x800];
	v28 =	vadd.f32 v24, v47;
	v29 =	vadd.f32 v29, v47  }
0xc8: {  	v22 =	vld [tilespmem:s11+$0x810];
	v30 =	vadd.f32 v30, v47;
	v31 =	vadd.f32 v31, v47  }
0xc9: {  	v23 =	vld [tilespmem:s11+$0x820];
	v32 =	vadd.f32 v32, v47;
	v33 =	vadd.f32 v33, v47  }
0xca: {  	v24 =	vld [tilespmem:s11+$0x830];
	v34 =	vadd.f32 v34, v47;
	v35 =	vadd.f32 v35, v47  }
0xcb: {  	v46 =	vld [tilespmem:s11+$0x860];
	v36 =	vadd.f32 v36, v47;
	v37 =	vadd.f32 v37, v47  }
0xcc: {  	v48 =	vld [tilespmem:s11+$0x870];
	v38 =	vadd.f32 v38, v47;
	v39 =	vadd.f32 v39, v47  }
0xcd: {  	v49 =	vld [tilespmem:s11+$0xC00];
	v40 =	vadd.f32 v40, v47;
	v41 =	vadd.f32 v41, v47  }
0xce: {  	s16 =	sor.u32 $0x10, s6;
	v54 =	vld [tilespmem:s11+$0xC10];
	v42 =	vadd.f32 v21, v47;
	v43 =	vadd.f32 v22, v47  }
0xcf: {  	v51 =	vimm.f32 $0.0e+00;
	s17 =	sor.u32 $0x20, s6;
	[dreg:$0x16] =	wrdreg s16;
	v53 =	vld [tilespmem:s11+$0xC20];
	v21 =	vadd.f32 v23, v47;
	v22 =	vadd.f32 v24, v47  }
0xd0: {  	v52 =	vimm.f32 $0.0e+00;
	s12 =	simm.s32 $0x80;
	[dreg:$0x14] =	wrdreg s17;
	v55 =	vld [tilespmem:s11+$0xC30];
	v23 =	vadd.f32 v44, v47;
	v24 =	vadd.f32 v45, v47  }
0xd1: {  	v50 =	vimm.f32 $0.0e+00;
	s19 =	sor.u32 $0x30, s6;
	s16 =	simm.s32 $0x200;
	s17 =	simm.s32 $0x400;
	v56 =	vld [tilespmem:s11+$0xC40];
	v44 =	vadd.f32 v46, v47;
	v45 =	vadd.f32 v48, v47  }
0xd2: {  	[dreg:$0x15] =	wrdreg s19;
	s16 =	sand.u32 $0xF000, s16;
	s19 =	sand.u32 $0x380, s12;
	v57 =	vld [tilespmem:s11+$0xC50];
	v46 =	vadd.f32 v49, v47;
	v48 =	vimm.f32 $0.0e+00;
	v49 =	vimm.f32 $0.0e+00  }
.LBB2_3:
0xd3: {  	p3 =	sne.s32 s17, $0xC600;
	v47 =	vadd.f32 v54, v47;
	v54 =	vld [tilespmem:s11+$0xC60];
	s11 =	sor.u32 s19, s16  }
0xd4: {  	v58 =	vld [tilespmem:s11+$0xC70];
	v48 =	vadd.f32 v53, v48  }
0xd5: {  	v53 =	vld [tilespmem:s11+$0x0];
	v49 =	vadd.f32 v55, v49  }
0xd6: {  	v55 =	vld [tilespmem:s11+$0x10];
	v51 =	vadd.f32 v56, v51  }
0xd7: {  	v56 =	vld [tilespmem:s11+$0x20];
	v52 =	vadd.f32 v57, v52  }
0xd8: {  	v57 =	vld [tilespmem:s11+$0x30];
	v50 =	vadd.f32 v54, v50  }
0xd9: {  	v54 =	vld [tilespmem:s11+$0x40];
	v25 =	vadd.f32 v58, v25  }
0xda: {  	v26 =	vadd.f32 v53, v26;
	v53 =	vld [tilespmem:s11+$0x50]  }
0xdb: {  	v27 =	vadd.f32 v55, v27;
	v55 =	vld [tilespmem:s11+$0x60]  }
0xdc: {  	v28 =	vadd.f32 v56, v28;
	v56 =	vld [tilespmem:s11+$0x70]  }
0xdd: {  	v29 =	vadd.f32 v57, v29;
	v57 =	vld [tilespmem:s11+$0x400]  }
0xde: {  	v30 =	vadd.f32 v54, v30;
	v54 =	vld [tilespmem:s11+$0x410]  }
0xdf: {  	v31 =	vadd.f32 v53, v31;
	v53 =	vld [tilespmem:s11+$0x420]  }
0xe0: {  	v32 =	vadd.f32 v55, v32;
	v55 =	vld [tilespmem:s11+$0x430]  }
0xe1: {  	v33 =	vadd.f32 v56, v33;
	v56 =	vld [tilespmem:s11+$0x440]  }
0xe2: {  	v34 =	vadd.f32 v57, v34;
	v57 =	vld [tilespmem:s11+$0x450]  }
0xe3: {  	v35 =	vadd.f32 v54, v35;
	v54 =	vld [tilespmem:s11+$0x460]  }
0xe4: {  	v36 =	vadd.f32 v53, v36;
	v53 =	vld [tilespmem:s11+$0x470]  }
0xe5: {  	v37 =	vadd.f32 v55, v37;
	v55 =	vld [tilespmem:s11+$0x800]  }
0xe6: {  	v38 =	vadd.f32 v56, v38;
	v56 =	vld [tilespmem:s11+$0x810]  }
0xe7: {  	v39 =	vadd.f32 v57, v39;
	v57 =	vld [tilespmem:s11+$0x820]  }
0xe8: {  	v40 =	vadd.f32 v54, v40;
	v54 =	vld [tilespmem:s11+$0x830]  }
0xe9: {  	v41 =	vadd.f32 v53, v41;
	v53 =	vld [tilespmem:s11+$0x840]  }
0xea: {  	v42 =	vadd.f32 v55, v42;
	v55 =	vld [tilespmem:s11+$0x850]  }
0xeb: {  	v43 =	vadd.f32 v56, v43;
	v56 =	vld [tilespmem:s11+$0x860]  }
0xec: {  	v21 =	vadd.f32 v57, v21;
	v57 =	vld [tilespmem:s11+$0x870]  }
0xed: {  	v22 =	vadd.f32 v54, v22;
	v58 =	vld [tilespmem:s11+$0xC00]  }
.Ltmp3:
0xee: {  	v23 =	vadd.f32 v53, v23;
	v54 =	vld [tilespmem:s11+$0xC10];
	(pc) =	sbr.rel @p3 .LBB2_3-.Ltmp3, $4  }
0xef: {  	v24 =	vadd.f32 v55, v24;
	v53 =	vld [tilespmem:s11+$0xC20]  }
0xf0: {  	v44 =	vadd.f32 v56, v44;
	v55 =	vld [tilespmem:s11+$0xC30]  }
0xf1: {  	s12 =	sadd.s32 $0x80, s12;
	v45 =	vadd.f32 v57, v45;
	v56 =	vld [tilespmem:s11+$0xC40]  }
0xf2: {  	s16 =	sand.u32 $0xF000, s17;
	s17 =	sadd.s32 $0x200, s17;
	s19 =	sand.u32 $0x380, s12;
	v46 =	vadd.f32 v58, v46;
	v57 =	vld [tilespmem:s11+$0xC50]  }
0xf3: {  	s12 =	sor.u32 s19, s16  }
0xf4: {  	v4 =	vld [tilespmem:s12+$0x400];
	_ =	sdelay $0x2  }
0xf5: {  	v58 =	vld [tilespmem:s11+$0xC60]  }
0xf6: {  	v59 =	vld [tilespmem:s12+$0xC70]  }
0xf7: {  	[tilespmem:$0x1FF50] =	vst v4;
	v4 =	vld [tilespmem:s12+$0x410]  }
0xf8: {  	v60 =	vld [tilespmem:s12+$0x0]  }
0xf9: {  	v61 =	vld [tilespmem:s12+$0x10]  }
0xfa: {  	v62 =	vld [tilespmem:s12+$0x20]  }
0xfb: {  	v63 =	vld [tilespmem:s12+$0x30]  }
0xfc: {  	[tilespmem:$0x1FF60] =	vst v4;
	v4 =	vld [tilespmem:s12+$0x420]  }
0xfd: {  	v1 =	vld [tilespmem:s12+$0x40]  }
0xfe: {  	v5 =	vld [tilespmem:s12+$0x50]  }
0xff: {  	v3 =	vld [tilespmem:s12+$0x60]  }
0x100: {  	v0 =	vld [tilespmem:s12+$0x70]  }
0x101: {  	[tilespmem:$0x1FF70] =	vst v4;
	v4 =	vld [tilespmem:s12+$0x430]  }
0x102: {  	v47 =	vadd.f32 v54, v47;
	v54 =	vld [tilespmem:s12+$0x800]  }
0x103: {  	v48 =	vadd.f32 v53, v48;
	v53 =	vld [tilespmem:s12+$0x810]  }
0x104: {  	v49 =	vadd.f32 v55, v49;
	v55 =	vld [tilespmem:s12+$0x820]  }
0x105: {  	v51 =	vadd.f32 v56, v51;
	v56 =	vld [tilespmem:s12+$0x830]  }
0x106: {  	[tilespmem:$0x1FF80] =	vst v4;
	v4 =	vld [tilespmem:s12+$0x440]  }
0x107: {  	v52 =	vadd.f32 v57, v52;
	v57 =	vld [tilespmem:s12+$0x840]  }
0x108: {  	v50 =	vadd.f32 v58, v50;
	v58 =	vld [tilespmem:s12+$0x850]  }
0x109: {  	v1 =	vadd.f32 v1, v30;
	v30 =	vld [tilespmem:s12+$0x860]  }
0x10a: {  	v5 =	vadd.f32 v5, v31;
	v31 =	vld [tilespmem:s12+$0x870]  }
0x10b: {  	[tilespmem:$0x1FF90] =	vst v4;
	v4 =	vld [tilespmem:s12+$0x450]  }
0x10c: {  	v0 =	vadd.f32 v0, v33;
	v33 =	vld [tilespmem:s12+$0xC00]  }
0x10d: {  	v26 =	vadd.f32 v60, v26;
	v60 =	vld [tilespmem:$0x1FF60]  }
0x10e: {  	v28 =	vadd.f32 v62, v28;
	v62 =	vld [tilespmem:$0x1FF80]  }
0x10f: {  	v25 =	vadd.f32 v59, v25;
	v29 =	vadd.f32 v63, v29;
	v63 =	vld [tilespmem:$0x1FF90]  }
0x110: {  	v27 =	vadd.f32 v61, v27;
	v3 =	vadd.f32 v3, v32;
	[tilespmem:$0x1FFA0] =	vst v4;
	v4 =	vld [tilespmem:s12+$0x460]  }
0x111: {  	s11 =	rddreg [dreg:$0x16];
	v42 =	vadd.f32 v54, v42;
	v43 =	vadd.f32 v53, v43;
	v59 =	vld [tilespmem:$0x1FFA0]  }
0x112: {  	s16 =	rddreg [dreg:$0x14];
	v53 =	vld [tilespmem:s11+$0x1B180];
	v21 =	vadd.f32 v55, v21;
	v22 =	vadd.f32 v56, v22  }
0x113: {  	s17 =	rddreg [dreg:$0x15];
	v54 =	vld [tilespmem:s16+$0x1B180];
	v23 =	vadd.f32 v57, v23;
	v24 =	vadd.f32 v58, v24  }
0x114: {  	v55 =	vld [tilespmem:s17+$0x1B180];
	v30 =	vadd.f32 v30, v44;
	v31 =	vadd.f32 v31, v45  }
0x115: {  	v32 =	vadd.f32 v60, v35;
	v35 =	vadd.f32 v62, v37;
	[tilespmem:$0x1FFB0] =	vst v4;
	v4 =	vld [tilespmem:s12+$0x470]  }
0x116: {  	v37 =	vadd.f32 v63, v38;
	v38 =	vadd.f32 v59, v39;
	v59 =	vld [tilespmem:s6+$0x1B180]  }
0x117: {  	v33 =	vadd.f32 v33, v46;
	v27 =	vsub.f32 v27, v53;
	v60 =	vld [tilespmem:$0x1FFB0]  }
0x118: {  	v28 =	vsub.f32 v28, v54;
	v5 =	vsub.f32 v5, v53;
	v39 =	vld [tilespmem:s12+$0xC20]  }
0x119: {  	v3 =	vsub.f32 v3, v54;
	v29 =	vsub.f32 v29, v55;
	v61 =	vld [tilespmem:$0x1FF70]  }
0x11a: {  	v0 =	vsub.f32 v0, v55;
	v22 =	vsub.f32 v22, v55;
	[tilespmem:$0x1FFC0] =	vst v4;
	v4 =	vld [tilespmem:$0x1FF50]  }
0x11b: {  	v27 =	vmax.f32 v27, $0.0e+00;
	v26 =	vsub.f32 v26, v59;
	v1 =	vsub.f32 v1, v59  }
0x11c: {  	v28 =	vmax.f32 v28, $0.0e+00;
	v5 =	vmax.f32 v5, $0.0e+00;
	v40 =	vadd.f32 v60, v40  }
0x11d: {  	v39 =	vadd.f32 v39, v48;
	v26 =	vmax.f32 v26, $0.0e+00;
	v1 =	vmax.f32 v1, $0.0e+00  }
0x11e: {  	v3 =	vmax.f32 v3, $0.0e+00;
	v26 =	vadd.f32 v27, v26;
	v1 =	vadd.f32 v5, v1  }
0x11f: {  	v46 =	vnsel vm1, $0xBF800000, v29;
	v4 =	vadd.f32 v4, v34;
	v34 =	vadd.f32 v61, v36;
	v36 =	vld [tilespmem:s12+$0xC10]  }
0x120: {  	v0 =	vnsel vm1, $0xBF800000, v0;
	v63 =	vld [tilespmem:s12+$0xC40];
	v48 =	vsub.f32 v35, v55;
	v26 =	vadd.f32 v28, v26  }
0x121: {  	v0 =	vmax.f32 v0, $0.0e+00;
	v1 =	vadd.f32 v3, v1;
	v4 =	vsub.f32 v4, v59  }
0x122: {  	v56 =	vsub.f32 v40, v54;
	v27 =	vmax.f32 v46, $0.0e+00;
	v5 =	vsub.f32 v32, v53  }
0x123: {  	v61 =	vld [tilespmem:$0x1FFC0];
	v26 =	vadd.f32 v27, v26;
	v0 =	vadd.f32 v0, v1;
	v3 =	vmax.f32 v4, $0.0e+00  }
0x124: {  	v4 =	vmax.f32 v5, $0.0e+00;
	v5 =	vsub.f32 v34, v54;
	v36 =	vadd.f32 v36, v47  }
0x125: {  	v47 =	vadd.f32 v63, v51;
	v3 =	vadd.f32 v4, v3  }
0x126: {  	v62 =	vld [tilespmem:s12+$0xC30];
	v26 =	vadd.f32 $0.0e+00, v26;
	v51 =	vsub.f32 v38, v53;
	v5 =	vmax.f32 v5, $0.0e+00  }
0x127: {  	v1 =	vnsel vm1, $0xBF800000, v48;
	v3 =	vadd.f32 v5, v3;
	v5 =	vsub.f32 v37, v59  }
0x128: {  	v1 =	vmax.f32 v1, $0.0e+00;
	v41 =	vadd.f32 v61, v41;
	v0 =	vadd.f32 v26, v0  }
0x129: {  	v1 =	vadd.f32 v1, v3;
	v3 =	vmax.f32 v5, $0.0e+00;
	v5 =	vmax.f32 v51, $0.0e+00  }
0x12a: {  	v57 =	vsub.f32 v41, v55;
	v3 =	vadd.f32 v5, v3  }
0x12b: {  	v44 =	vadd.f32 v62, v49;
	v62 =	vsub.f32 v31, v55;
	v26 =	vmax.f32 v56, $0.0e+00  }
0x12c: {  	v0 =	vadd.f32 v0, v1;
	v1 =	vnsel vm1, $0xBF800000, v57;
	v3 =	vadd.f32 v26, v3  }
0x12d: {  	v58 =	vsub.f32 v42, v59;
	v60 =	vsub.f32 v43, v53;
	v4 =	vld [tilespmem:s12+$0xC50];
	v1 =	vmax.f32 v1, $0.0e+00  }
0x12e: {  	v1 =	vadd.f32 v1, v3;
	v3 =	vsub.f32 v21, v54  }
0x12f: {  	v61 =	vmax.f32 v60, $0.0e+00;
	v63 =	vsub.f32 v36, v53;
	v21 =	vmax.f32 v58, $0.0e+00  }
0x130: {  	v49 =	vld [tilespmem:s12+$0xC60];
	v0 =	vadd.f32 v0, v1;
	v1 =	vmax.f32 v3, $0.0e+00;
	v3 =	vadd.f32 v61, v21  }
0x131: {  	v21 =	vnsel vm1, $0xBF800000, v22;
	v22 =	vsub.f32 v23, v59;
	v23 =	vsub.f32 v24, v53  }
0x132: {  	v4 =	vadd.f32 v4, v52;
	v21 =	vmax.f32 v21, $0.0e+00;
	v1 =	vadd.f32 v1, v3  }
0x133: {  	v3 =	vsub.f32 v30, v54;
	v22 =	vmax.f32 v22, $0.0e+00;
	v23 =	vmax.f32 v23, $0.0e+00  }
0x134: {  	v1 =	vadd.f32 v21, v1;
	v21 =	vadd.f32 v23, v22  }
0x135: {  	v5 =	vadd.f32 v49, v50;
	v3 =	vmax.f32 v3, $0.0e+00;
	v23 =	vsub.f32 v33, v59  }
0x136: {  	v4 =	vsub.f32 v4, v53;
	v22 =	vnsel vm1, $0xBF800000, v62;
	v3 =	vadd.f32 v3, v21  }
0x137: {  	v0 =	vadd.f32 v0, v1;
	v1 =	vmax.f32 v22, $0.0e+00;
	v21 =	vmax.f32 v23, $0.0e+00  }
0x138: {  	v22 =	vmax.f32 v63, $0.0e+00;
	v23 =	vsub.f32 v39, v54;
	v1 =	vadd.f32 v1, v3  }
0x139: {  	v3 =	vadd.f32 v22, v21;
	v22 =	vsub.f32 v47, v59  }
0x13a: {  	v5 =	vsub.f32 v5, v54;
	v21 =	vmax.f32 v23, $0.0e+00;
	v23 =	vsub.f32 v44, v55  }
0x13b: {  	v4 =	vmax.f32 v4, $0.0e+00;
	v3 =	vadd.f32 v21, v3;
	v21 =	vmax.f32 v22, $0.0e+00  }
0x13c: {  	v22 =	vnsel vm1, $0xBF800000, v23;
	v23 =	vsub.f32 v25, v55;
	v4 =	vadd.f32 v4, v21  }
0x13d: {  	v5 =	vmax.f32 v5, $0.0e+00;
	v0 =	vadd.f32 v0, v1;
	v1 =	vmax.f32 v22, $0.0e+00  }
0x13e: {  	v1 =	vadd.f32 v1, v3;
	v3 =	vnsel vm1, $0xBF800000, v23;
	v4 =	vadd.f32 v5, v4  }
0x13f: {  	v3 =	vmax.f32 v3, $0.0e+00;
	v5 =	vld [tilespmem:$0x1D980]  }
0x140: {  	s18 =	sadd.s32 $0x1, s18;
	s19 =	rddreg [dreg:$0x8];
	v0 =	vadd.f32 v0, v1;
	v1 =	vadd.f32 v3, v4  }
0x141: {  	p3 =	slt.u32 s18, s19  }
.Ltmp4:
0x142: {  	v0 =	vadd.f32 v0, v1;
	(pc) =	sbr.rel @p3 .LBB2_2-.Ltmp4, $3  }
0x143: {  	_ = 	snop  }
0x144: {  	v0 =	vadd.f32 v0, v5;
	_ =	sdelay $0x1  }
0x145: {  	[tilespmem:$0x1D980] =	vst v0  }
.LBB2_5:
0x146: {  	s6 =	simm.s32 $0x0  }
0x147: {  	s11 =	rddreg [dreg:$0xa];
	s12 =	simm.s32 $0x18000;
	s18 =	simm.s32 $0x2  }
0x148: {  	[tilespmem:s12], [sflag:$0x2] =	stream.linear.gather [hbm4b:s11+s6], $0x1400, $0x38;
	[tilespmem:$0x1DD80] =	vst v63  }
0x149: {  	_ =	swait.ge [sflag:s18], $0x1400  }
0x14a: {  	s16 =	simm.s32 $0x1BD80;
	[sflag:s18] =	ssyncset.done $0x0  }
.Ltmp5:
0x14b: {  	s19 =	rddreg [dreg:$0xb];
	[sflag:s18] =	ssyncadd.s32 $0xFFFFEC00;
	(pc) =	sbr.rel @p1 .LBB2_9-.Ltmp5, $4  }
0x14c: {  	[tilespmem:s16], [sflag:$0x2] =	stream.linear.gather [hbm4b:s19+s6], $0x1400, $0x38;
	[tilespmem:$0x1DD80] =	vst v63  }
0x14d: {  	_ =	swait.ge [sflag:s18], $0x1400  }
0x14e: {  	[sflag:s18] =	ssyncset.done $0x0  }
0x14f: {  	s6 =	rddreg [dreg:$0x3];
	[sflag:s18] =	ssyncadd.s32 $0xFFFFEC00  }
.LBB2_6:
0x150: {  	s11 =	sshll.u32 s6, $0x7;
	s12 =	rddreg [dreg:$0xd]  }
0x151: {  	[tilespmem:$0x1B0A8] =	vst v2;
	s11 =	ssub.s32 s11, s12  }
0x152: {  	v0 =	vld [tilespmem:s11+$0x18000];
	_ =	sdelay $0x4  }
0x153: {  	[tilespmem:$0x1B080] =	vst v0  }
0x154: {  	v1 =	vld [tilespmem:s11+$0x18010];
	_ =	sdelay $0x4  }
0x155: {  	v4 =	vld [tilespmem:$0x1FFD0];
	[tilespmem:$0x1B090] =	vst v1  }
0x156: {  	v1 =	vld [tilespmem:s11+$0x18020];
	_ =	sdelay $0x1  }
0x157: {  	v5 =	vld [tilespmem:$0x1FFE0];
	v3 =	vshll.u32 v0, $0x2  }
0x158: {  	v0 =	vand.u32 $0x7, v0;
	v3 =	vand.u32 $0xFFFFFFE0, v3  }
0x159: {  	v21 =	vld [tilespmem:$0x1FFF0];
	v0 =	vor.u32 v0, v3  }
0x15a: {  	[tilespmem:$0x1B0A0] =	vst v1;
	v1 =	vperm.xlane v0, v4  }
0x15b: {  	v3 =	vld [tilespmem:s11+$0x18022]  }
0x15c: {  	v1 =	vadd.s32 v5, v1;
	_ =	sdelay $0x1  }
0x15d: {  	v0 =	vperm.xlane v0, v21;
	_ =	sdelay $0x1  }
0x15e: {  	s16 =	simm.s32 $0xD000;
	s12 =	simm.s32 $0x0;
	v0 =	vadd.s32 v5, v0;
	[tilespmem:$0x1B0A2] =	vst v3  }
0x15f: {  	[tilespmem:s16], [sflag:$0x1] =	stream.indirect_vreg.gather [hbm4b:s5+s12], $0x80, v1, vm0, $0xb8;
	[tilespmem:$0x1DD80] =	vst v63  }
0x160: {  	s18 =	simm.s32 $0xD800  }
0x161: {  	[tilespmem:s18], [sflag:$0x1] =	stream.indirect_vreg.gather [hbm4b:s14+s12], $0x80, v1, vm0, $0xb8;
	[tilespmem:$0x1DD80] =	vst v63  }
0x162: {  	s19 =	simm.s32 $0xE000  }
0x163: {  	[tilespmem:s19], [sflag:$0x1] =	stream.indirect_vreg.gather [hbm4b:s5+s12], $0x80, v0, vm0, $0xb8;
	[tilespmem:$0x1DD80] =	vst v63  }
0x164: {  	s17 =	simm.s32 $0xE800  }
0x165: {  	[tilespmem:s17], [sflag:$0x1] =	stream.indirect_vreg.gather [hbm4b:s14+s12], $0x80, v0, vm0, $0xb8;
	[tilespmem:$0x1DD80] =	vst v63  }
0x166: {  	v0 =	vld [tilespmem:$0x1B090];
	_ =	sdelay $0x4  }
0x167: {  	v1 =	vshll.u32 v0, $0x2  }
0x168: {  	v0 =	vand.u32 $0x7, v0;
	v1 =	vand.u32 $0xFFFFFFE0, v1  }
0x169: {  	v0 =	vor.u32 v0, v1  }
0x16a: {  	v1 =	vperm.xlane v0, v4;
	_ =	sdelay $0x1  }
0x16b: {  	v1 =	vadd.s32 v5, v1;
	_ =	sdelay $0x1  }
0x16c: {  	v0 =	vperm.xlane v0, v21;
	_ =	sdelay $0x1  }
0x16d: {  	s18 =	simm.s32 $0xF000;
	v0 =	vadd.s32 v5, v0  }
0x16e: {  	[tilespmem:s18], [sflag:$0x1] =	stream.indirect_vreg.gather [hbm4b:s5+s12], $0x80, v1, vm0, $0xb8;
	[tilespmem:$0x1DD80] =	vst v63  }
0x16f: {  	s19 =	simm.s32 $0xF800  }
0x170: {  	[tilespmem:s19], [sflag:$0x1] =	stream.indirect_vreg.gather [hbm4b:s14+s12], $0x80, v1, vm0, $0xb8;
	[tilespmem:$0x1DD80] =	vst v63  }
0x171: {  	s17 =	simm.s32 $0x10000  }
0x172: {  	[tilespmem:s17], [sflag:$0x1] =	stream.indirect_vreg.gather [hbm4b:s5+s12], $0x80, v0, vm0, $0xb8;
	[tilespmem:$0x1DD80] =	vst v63  }
0x173: {  	s18 =	simm.s32 $0x10800  }
0x174: {  	[tilespmem:s18], [sflag:$0x1] =	stream.indirect_vreg.gather [hbm4b:s14+s12], $0x80, v0, vm0, $0xb8;
	[tilespmem:$0x1DD80] =	vst v63  }
0x175: {  	v0 =	vld [tilespmem:$0x1B0A0];
	_ =	sdelay $0x4  }
0x176: {  	v1 =	vshll.u32 v0, $0x2  }
0x177: {  	v0 =	vand.u32 $0x7, v0;
	v1 =	vand.u32 $0xFFFFFFE0, v1  }
0x178: {  	v0 =	vor.u32 v0, v1  }
0x179: {  	v1 =	vperm.xlane v0, v4;
	_ =	sdelay $0x1  }
0x17a: {  	v1 =	vadd.s32 v5, v1;
	_ =	sdelay $0x1  }
0x17b: {  	v0 =	vperm.xlane v0, v21;
	_ =	sdelay $0x1  }
0x17c: {  	s19 =	simm.s32 $0x11000;
	v0 =	vadd.s32 v5, v0  }
0x17d: {  	[tilespmem:s19], [sflag:$0x1] =	stream.indirect_vreg.gather [hbm4b:s5+s12], $0x80, v1, vm0, $0xb8;
	[tilespmem:$0x1DD80] =	vst v63  }
0x17e: {  	s17 =	simm.s32 $0x11800  }
0x17f: {  	[tilespmem:s17], [sflag:$0x1] =	stream.indirect_vreg.gather [hbm4b:s14+s12], $0x80, v1, vm0, $0xb8;
	[tilespmem:$0x1DD80] =	vst v63  }
0x180: {  	s18 =	simm.s32 $0x12000  }
0x181: {  	[tilespmem:s18], [sflag:$0x1] =	stream.indirect_vreg.gather [hbm4b:s5+s12], $0x80, v0, vm0, $0xb8;
	[tilespmem:$0x1DD80] =	vst v63  }
0x182: {  	s19 =	simm.s32 $0x12800  }
0x183: {  	[tilespmem:s19], [sflag:$0x1] =	stream.indirect_vreg.gather [hbm4b:s14+s12], $0x80, v0, vm0, $0xb8;
	[tilespmem:$0x1DD80] =	vst v63  }
0x184: {  	v0 =	vld.msk [tilespmem:$0x1B0B0], $0xff;
	_ =	sdelay $0x4  }
0x185: {  	v1 =	vshll.u32 v0, $0x2  }
0x186: {  	v0 =	vand.u32 $0x7, v0;
	v1 =	vand.u32 $0xFFFFFFE0, v1  }
0x187: {  	v0 =	vor.u32 v0, v1  }
0x188: {  	v0 =	vperm.xlane v0, v4;
	_ =	sdelay $0x1  }
0x189: {  	v0 =	vadd.s32 v5, v0;
	_ =	sdelay $0x3  }
0x18a: {  	s17 =	simm.s32 $0x13000  }
0x18b: {  	[tilespmem:s17], [sflag:$0x1] =	stream.indirect_vreg.gather [hbm4b:s5+s12], $0x80, v0, vm0, $0xb8;
	[tilespmem:$0x1DD80] =	vst v63  }
0x18c: {  	s18 =	simm.s32 $0x13800  }
0x18d: {  	[tilespmem:s18], [sflag:$0x1] =	stream.indirect_vreg.gather [hbm4b:s14+s12], $0x80, v0, vm0, $0xb8;
	[tilespmem:$0x1DD80] =	vst v63  }
0x18e: {  	_ =	swait.ge [sflag:s7], $0x7000  }
0x18f: {  	s19 =	sand.u32 $0x7000, s12;
	s12 =	sand.u32 $0x380, s12;
	[sflag:s7] =	ssyncset.done $0x0  }
0x190: {  	s18 =	sor.u32 s12, s19;
	[sflag:s7] =	ssyncadd.s32 $0xFFFF9000  }
0x191: {  	v0 =	vld [tilespmem:s18+$0xDC70]  }
0x192: {  	v1 =	vld [tilespmem:s18+$0xD000]  }
0x193: {  	v3 =	vld [tilespmem:s18+$0xD010]  }
0x194: {  	v4 =	vld [tilespmem:s18+$0xD020]  }
0x195: {  	v5 =	vld [tilespmem:s18+$0xD030]  }
0x196: {  	v21 =	vld [tilespmem:s18+$0xD040]  }
0x197: {  	v22 =	vld [tilespmem:s18+$0xD050]  }
0x198: {  	v23 =	vld [tilespmem:s18+$0xD060]  }
0x199: {  	v24 =	vld [tilespmem:s18+$0xD070]  }
0x19a: {  	v34 =	vld [tilespmem:s18+$0xD400]  }
0x19b: {  	v35 =	vld [tilespmem:s18+$0xD410]  }
0x19c: {  	v36 =	vld [tilespmem:s18+$0xD420]  }
0x19d: {  	v37 =	vld [tilespmem:s18+$0xD430]  }
0x19e: {  	v38 =	vld [tilespmem:s18+$0xD440]  }
0x19f: {  	v39 =	vld [tilespmem:s18+$0xD450]  }
0x1a0: {  	v40 =	vld [tilespmem:s18+$0xD460]  }
0x1a1: {  	v41 =	vld [tilespmem:s18+$0xD470]  }
0x1a2: {  	v47 =	vimm.f32 $0.0e+00;
	v44 =	vld [tilespmem:s18+$0xD860]  }
0x1a3: {  	v45 =	vld [tilespmem:s18+$0xD870];
	v25 =	vadd.f32 v0, v47;
	v26 =	vadd.f32 v1, v47  }
0x1a4: {  	v46 =	vld [tilespmem:s18+$0xDC00];
	v27 =	vadd.f32 v3, v47;
	v28 =	vadd.f32 v4, v47  }
0x1a5: {  	v0 =	vld [tilespmem:s18+$0xD800];
	v29 =	vadd.f32 v5, v47;
	v30 =	vadd.f32 v21, v47  }
0x1a6: {  	v1 =	vld [tilespmem:s18+$0xD810];
	v31 =	vadd.f32 v22, v47;
	v32 =	vadd.f32 v23, v47  }
0x1a7: {  	v3 =	vld [tilespmem:s18+$0xD820];
	v33 =	vadd.f32 v24, v47;
	v34 =	vadd.f32 v34, v47  }
0x1a8: {  	v4 =	vld [tilespmem:s18+$0xD830];
	v35 =	vadd.f32 v35, v47;
	v36 =	vadd.f32 v36, v47  }
0x1a9: {  	v5 =	vld [tilespmem:s18+$0xD840];
	v37 =	vadd.f32 v37, v47;
	v38 =	vadd.f32 v38, v47  }
0x1aa: {  	v24 =	vld [tilespmem:s18+$0xD850];
	v39 =	vadd.f32 v39, v47;
	v40 =	vadd.f32 v40, v47  }
0x1ab: {  	v48 =	vimm.f32 $0.0e+00;
	v54 =	vld [tilespmem:s18+$0xDC10];
	v41 =	vadd.f32 v41, v47;
	v44 =	vadd.f32 v44, v47  }
0x1ac: {  	v49 =	vimm.f32 $0.0e+00;
	s16 =	sor.u32 $0x10, s11;
	v53 =	vld [tilespmem:s18+$0xDC20];
	v45 =	vadd.f32 v45, v47;
	v46 =	vadd.f32 v46, v47  }
0x1ad: {  	v51 =	vimm.f32 $0.0e+00;
	s17 =	sor.u32 $0x20, s11;
	[dreg:$0x17] =	wrdreg s16;
	v55 =	vld [tilespmem:s18+$0xDC30];
	v42 =	vadd.f32 v0, v47;
	v43 =	vadd.f32 v1, v47  }
0x1ae: {  	v52 =	vimm.f32 $0.0e+00;
	[dreg:$0x18] =	wrdreg s17;
	s19 =	simm.s32 $0x200;
	s12 =	simm.s32 $0x80;
	v56 =	vld [tilespmem:s18+$0xDC40];
	v21 =	vadd.f32 v3, v47;
	v22 =	vadd.f32 v4, v47  }
0x1af: {  	v50 =	vimm.f32 $0.0e+00;
	s17 =	simm.s32 $0x400;
	s16 =	sand.u32 $0x7000, s19;
	s19 =	sand.u32 $0x380, s12;
	v57 =	vld [tilespmem:s18+$0xDC50];
	v23 =	vadd.f32 v5, v47;
	v24 =	vadd.f32 v24, v47  }
.LBB2_7:
0x1b0: {  	p3 =	sne.s32 s17, $0x6200;
	v47 =	vadd.f32 v54, v47;
	v0 =	vld [tilespmem:s18+$0xDC60];
	s18 =	sor.u32 s19, s16  }
0x1b1: {  	v1 =	vld [tilespmem:s18+$0xDC70];
	v48 =	vadd.f32 v53, v48  }
0x1b2: {  	v3 =	vld [tilespmem:s18+$0xD000];
	v49 =	vadd.f32 v55, v49  }
0x1b3: {  	v4 =	vld [tilespmem:s18+$0xD010];
	v51 =	vadd.f32 v56, v51  }
0x1b4: {  	v5 =	vld [tilespmem:s18+$0xD020];
	v52 =	vadd.f32 v57, v52  }
0x1b5: {  	v53 =	vld [tilespmem:s18+$0xD030];
	v50 =	vadd.f32 v0, v50  }
0x1b6: {  	v0 =	vld [tilespmem:s18+$0xD040];
	v25 =	vadd.f32 v1, v25  }
0x1b7: {  	v26 =	vadd.f32 v3, v26;
	v1 =	vld [tilespmem:s18+$0xD050]  }
0x1b8: {  	v27 =	vadd.f32 v4, v27;
	v3 =	vld [tilespmem:s18+$0xD060]  }
0x1b9: {  	v28 =	vadd.f32 v5, v28;
	v4 =	vld [tilespmem:s18+$0xD070]  }
0x1ba: {  	v29 =	vadd.f32 v53, v29;
	v5 =	vld [tilespmem:s18+$0xD400]  }
0x1bb: {  	v30 =	vadd.f32 v0, v30;
	v0 =	vld [tilespmem:s18+$0xD410]  }
0x1bc: {  	v31 =	vadd.f32 v1, v31;
	v1 =	vld [tilespmem:s18+$0xD420]  }
0x1bd: {  	v32 =	vadd.f32 v3, v32;
	v3 =	vld [tilespmem:s18+$0xD430]  }
0x1be: {  	v33 =	vadd.f32 v4, v33;
	v4 =	vld [tilespmem:s18+$0xD440]  }
0x1bf: {  	v34 =	vadd.f32 v5, v34;
	v5 =	vld [tilespmem:s18+$0xD450]  }
0x1c0: {  	v35 =	vadd.f32 v0, v35;
	v0 =	vld [tilespmem:s18+$0xD460]  }
0x1c1: {  	v36 =	vadd.f32 v1, v36;
	v1 =	vld [tilespmem:s18+$0xD470]  }
0x1c2: {  	v37 =	vadd.f32 v3, v37;
	v3 =	vld [tilespmem:s18+$0xD800]  }
0x1c3: {  	v38 =	vadd.f32 v4, v38;
	v4 =	vld [tilespmem:s18+$0xD810]  }
0x1c4: {  	v39 =	vadd.f32 v5, v39;
	v5 =	vld [tilespmem:s18+$0xD820]  }
0x1c5: {  	v40 =	vadd.f32 v0, v40;
	v0 =	vld [tilespmem:s18+$0xD830]  }
0x1c6: {  	v41 =	vadd.f32 v1, v41;
	v1 =	vld [tilespmem:s18+$0xD840]  }
0x1c7: {  	v42 =	vadd.f32 v3, v42;
	v3 =	vld [tilespmem:s18+$0xD850]  }
0x1c8: {  	v43 =	vadd.f32 v4, v43;
	v4 =	vld [tilespmem:s18+$0xD860]  }
0x1c9: {  	v21 =	vadd.f32 v5, v21;
	v5 =	vld [tilespmem:s18+$0xD870]  }
0x1ca: {  	v22 =	vadd.f32 v0, v22;
	v0 =	vld [tilespmem:s18+$0xDC00]  }
.Ltmp6:
0x1cb: {  	v23 =	vadd.f32 v1, v23;
	v54 =	vld [tilespmem:s18+$0xDC10];
	(pc) =	sbr.rel @p3 .LBB2_7-.Ltmp6, $4  }
0x1cc: {  	v24 =	vadd.f32 v3, v24;
	v53 =	vld [tilespmem:s18+$0xDC20]  }
0x1cd: {  	v44 =	vadd.f32 v4, v44;
	v55 =	vld [tilespmem:s18+$0xDC30]  }
0x1ce: {  	s12 =	sadd.s32 $0x80, s12;
	v45 =	vadd.f32 v5, v45;
	v56 =	vld [tilespmem:s18+$0xDC40]  }
0x1cf: {  	s16 =	sand.u32 $0x7000, s17;
	s17 =	sadd.s32 $0x200, s17;
	s19 =	sand.u32 $0x380, s12;
	v46 =	vadd.f32 v0, v46;
	v57 =	vld [tilespmem:s18+$0xDC50]  }
0x1d0: {  	s12 =	sor.u32 s19, s16;
	v0 =	vld [tilespmem:s18+$0xDC60]  }
0x1d1: {  	v63 =	vld [tilespmem:s12+$0xD400]  }
0x1d2: {  	v1 =	vld [tilespmem:s12+$0xDC70]  }
0x1d3: {  	v3 =	vld [tilespmem:s12+$0xD000]  }
0x1d4: {  	v4 =	vld [tilespmem:s12+$0xD010]  }
0x1d5: {  	v5 =	vld [tilespmem:s12+$0xD020]  }
0x1d6: {  	[tilespmem:$0x1FEE0] =	vst v63;
	v63 =	vld [tilespmem:s12+$0xD410]  }
0x1d7: {  	v58 =	vld [tilespmem:s12+$0xD030]  }
0x1d8: {  	v59 =	vld [tilespmem:s12+$0xD040]  }
0x1d9: {  	v60 =	vld [tilespmem:s12+$0xD050]  }
0x1da: {  	v61 =	vld [tilespmem:s12+$0xD060]  }
0x1db: {  	[tilespmem:$0x1FEF0] =	vst v63;
	v63 =	vld [tilespmem:s12+$0xD420]  }
0x1dc: {  	v62 =	vld [tilespmem:s12+$0xD070]  }
0x1dd: {  	v47 =	vadd.f32 v54, v47;
	v54 =	vld [tilespmem:s12+$0xD800]  }
0x1de: {  	v48 =	vadd.f32 v53, v48;
	v53 =	vld [tilespmem:s12+$0xD810]  }
0x1df: {  	v49 =	vadd.f32 v55, v49;
	v55 =	vld [tilespmem:s12+$0xD820]  }
0x1e0: {  	[tilespmem:$0x1FF00] =	vst v63;
	v63 =	vld [tilespmem:s12+$0xD430]  }
0x1e1: {  	v51 =	vadd.f32 v56, v51;
	v56 =	vld [tilespmem:s12+$0xDC00]  }
0x1e2: {  	v0 =	vadd.f32 v0, v50;
	v50 =	vld [tilespmem:s12+$0xD870]  }
0x1e3: {  	v25 =	vadd.f32 v1, v25;
	v1 =	vld [tilespmem:s12+$0xD830]  }
0x1e4: {  	v3 =	vadd.f32 v3, v26;
	v26 =	vld [tilespmem:s12+$0xD840]  }
0x1e5: {  	v4 =	vadd.f32 v4, v27;
	[tilespmem:$0x1FF10] =	vst v63;
	v63 =	vld [tilespmem:s12+$0xD440]  }
0x1e6: {  	v5 =	vadd.f32 v5, v28;
	v27 =	vadd.f32 v58, v29;
	v28 =	vld [tilespmem:s12+$0xD850]  }
0x1e7: {  	v29 =	vadd.f32 v59, v30;
	v30 =	vadd.f32 v60, v31;
	v31 =	vld [tilespmem:s12+$0xD860]  }
0x1e8: {  	s17 =	rddreg [dreg:$0x17];
	v59 =	vld [tilespmem:s11+$0x1BD80]  }
0x1e9: {  	v43 =	vadd.f32 v53, v43;
	v53 =	vld [tilespmem:s17+$0x1BD80]  }
0x1ea: {  	[tilespmem:$0x1FF20] =	vst v63;
	v63 =	vld [tilespmem:s12+$0xD450]  }
0x1eb: {  	v33 =	vadd.f32 v62, v33;
	v62 =	vld [tilespmem:$0x1FF00]  }
0x1ec: {  	s18 =	rddreg [dreg:$0x18];
	v52 =	vadd.f32 v57, v52;
	v32 =	vadd.f32 v61, v32;
	v60 =	vld [tilespmem:$0x1FEE0]  }
0x1ed: {  	v42 =	vadd.f32 v54, v42;
	v1 =	vadd.f32 v1, v22;
	v22 =	vld [tilespmem:s18+$0x1BD80]  }
0x1ee: {  	v21 =	vadd.f32 v55, v21;
	v23 =	vadd.f32 v26, v23;
	v26 =	vld [tilespmem:s11+$0x1BDB0]  }
0x1ef: {  	v24 =	vadd.f32 v28, v24;
	v3 =	vsub.f32 v3, v59;
	v61 =	vld [tilespmem:$0x1FEF0];
	[tilespmem:$0x1FF30] =	vst v63  }
0x1f0: {  	v4 =	vsub.f32 v4, v53;
	v36 =	vadd.f32 v62, v36;
	v62 =	vld [tilespmem:$0x1FF30]  }
0x1f1: {  	v57 =	vld [tilespmem:s12+$0xDC10];
	v28 =	vadd.f32 v31, v44;
	v31 =	vadd.f32 v50, v45  }
0x1f2: {  	v34 =	vadd.f32 v60, v34;
	v3 =	vmax.f32 v3, $0.0e+00;
	v4 =	vmax.f32 v4, $0.0e+00;
	v60 =	vld [tilespmem:$0x1FF10]  }
0x1f3: {  	v45 =	vadd.f32 v56, v46;
	v3 =	vadd.f32 v4, v3;
	v63 =	vld [tilespmem:s12+$0xD460]  }
0x1f4: {  	v5 =	vsub.f32 v5, v22;
	v35 =	vadd.f32 v61, v35;
	v61 =	vld [tilespmem:$0x1FF20]  }
0x1f5: {  	v27 =	vsub.f32 v27, v26;
	v39 =	vadd.f32 v62, v39;
	v62 =	vld [tilespmem:s12+$0xDC30]  }
0x1f6: {  	v46 =	vadd.f32 v57, v47;
	v50 =	vsub.f32 v30, v53;
	v5 =	vmax.f32 v5, $0.0e+00  }
0x1f7: {  	v4 =	vnsel vm1, $0xBF800000, v27;
	v3 =	vadd.f32 v5, v3;
	v37 =	vadd.f32 v60, v37;
	v60 =	vld [tilespmem:s12+$0xDC20]  }
0x1f8: {  	v56 =	vsub.f32 v34, v59;
	v58 =	vsub.f32 v33, v26;
	v4 =	vmax.f32 v4, $0.0e+00;
	[tilespmem:$0x1FF40] =	vst v63;
	v63 =	vld [tilespmem:s12+$0xD470]  }
0x1f9: {  	v3 =	vadd.f32 v4, v3;
	v38 =	vadd.f32 v61, v38;
	v61 =	vld [tilespmem:$0x1FF40]  }
0x1fa: {  	v54 =	vmax.f32 v50, $0.0e+00;
	v44 =	vadd.f32 v62, v49;
	v49 =	vsub.f32 v29, v59  }
0x1fb: {  	v55 =	vsub.f32 v32, v22;
	v32 =	vnsel vm1, $0xBF800000, v58;
	v57 =	vsub.f32 v35, v53  }
0x1fc: {  	v3 =	vadd.f32 $0.0e+00, v3;
	v48 =	vadd.f32 v60, v48;
	v5 =	vmax.f32 v49, $0.0e+00  }
0x1fd: {  	v60 =	vmax.f32 v57, $0.0e+00;
	v41 =	vadd.f32 v63, v41;
	v4 =	vadd.f32 v54, v5  }
0x1fe: {  	v63 =	vld [tilespmem:s12+$0xDC40];
	v40 =	vadd.f32 v61, v40;
	v61 =	vsub.f32 v36, v22;
	v5 =	vmax.f32 v55, $0.0e+00  }
0x1ff: {  	v62 =	vsub.f32 v37, v26;
	v4 =	vadd.f32 v5, v4;
	v5 =	vmax.f32 v56, $0.0e+00  }
0x200: {  	v32 =	vmax.f32 v32, $0.0e+00;
	v50 =	vsub.f32 v39, v53;
	v5 =	vadd.f32 v60, v5  }
0x201: {  	v29 =	vmax.f32 v61, $0.0e+00;
	v37 =	vnsel vm1, $0xBF800000, v62;
	v49 =	vsub.f32 v38, v59  }
0x202: {  	v47 =	vmax.f32 v37, $0.0e+00;
	v4 =	vadd.f32 v32, v4;
	v5 =	vadd.f32 v29, v5  }
0x203: {  	v54 =	vsub.f32 v40, v22;
	v30 =	vadd.f32 v63, v51;
	v51 =	vmax.f32 v50, $0.0e+00  }
0x204: {  	v3 =	vadd.f32 v3, v4;
	v4 =	vadd.f32 v47, v5;
	v5 =	vmax.f32 v49, $0.0e+00  }
0x205: {  	v55 =	vsub.f32 v41, v26;
	v5 =	vadd.f32 v51, v5  }
0x206: {  	v1 =	vsub.f32 v1, v26;
	v58 =	vsub.f32 v43, v53;
	v56 =	vmax.f32 v54, $0.0e+00  }
0x207: {  	v3 =	vadd.f32 v3, v4;
	v4 =	vnsel vm1, $0xBF800000, v55;
	v5 =	vadd.f32 v56, v5  }
0x208: {  	v57 =	vsub.f32 v42, v59;
	v61 =	vsub.f32 v31, v26;
	v4 =	vmax.f32 v4, $0.0e+00  }
0x209: {  	v36 =	vld [tilespmem:s12+$0xDC60];
	v4 =	vadd.f32 v4, v5;
	v5 =	vsub.f32 v21, v22  }
0x20a: {  	v62 =	vsub.f32 v46, v53;
	v60 =	vmax.f32 v58, $0.0e+00;
	v21 =	vmax.f32 v57, $0.0e+00  }
0x20b: {  	v63 =	vld [tilespmem:s12+$0xDC50];
	v3 =	vadd.f32 v3, v4;
	v4 =	vmax.f32 v5, $0.0e+00;
	v5 =	vadd.f32 v60, v21  }
0x20c: {  	v1 =	vnsel vm1, $0xBF800000, v1;
	v21 =	vsub.f32 v23, v59;
	v23 =	vsub.f32 v24, v53  }
0x20d: {  	v1 =	vmax.f32 v1, $0.0e+00;
	v4 =	vadd.f32 v4, v5;
	v5 =	vsub.f32 v28, v22  }
0x20e: {  	v0 =	vadd.f32 v36, v0;
	v21 =	vmax.f32 v21, $0.0e+00;
	v23 =	vmax.f32 v23, $0.0e+00  }
0x20f: {  	v1 =	vadd.f32 v1, v4;
	v4 =	vmax.f32 v5, $0.0e+00;
	v5 =	vadd.f32 v23, v21  }
0x210: {  	v27 =	vadd.f32 v63, v52;
	v21 =	vnsel vm1, $0xBF800000, v61;
	v23 =	vsub.f32 v45, v59  }
0x211: {  	v1 =	vadd.f32 v3, v1;
	v3 =	vmax.f32 v21, $0.0e+00;
	v4 =	vadd.f32 v4, v5  }
0x212: {  	v5 =	vmax.f32 v23, $0.0e+00;
	v21 =	vmax.f32 v62, $0.0e+00;
	v23 =	vsub.f32 v48, v22  }
0x213: {  	v3 =	vadd.f32 v3, v4;
	v4 =	vadd.f32 v21, v5  }
0x214: {  	v5 =	vmax.f32 v23, $0.0e+00;
	v21 =	vsub.f32 v30, v59;
	v23 =	vsub.f32 v27, v53  }
0x215: {  	v0 =	vsub.f32 v0, v22;
	v63 =	vsub.f32 v44, v26  }
0x216: {  	v4 =	vadd.f32 v5, v4;
	v5 =	vmax.f32 v21, $0.0e+00;
	v21 =	vmax.f32 v23, $0.0e+00  }
0x217: {  	v22 =	vnsel vm1, $0xBF800000, v63;
	v23 =	vsub.f32 v25, v26;
	v5 =	vadd.f32 v21, v5  }
0x218: {  	v0 =	vmax.f32 v0, $0.0e+00;
	v1 =	vadd.f32 v1, v3;
	v3 =	vmax.f32 v22, $0.0e+00  }
0x219: {  	v3 =	vadd.f32 v3, v4;
	v4 =	vnsel vm1, $0xBF800000, v23;
	v0 =	vadd.f32 v0, v5  }
0x21a: {  	v4 =	vmax.f32 v4, $0.0e+00;
	v5 =	vld [tilespmem:$0x1D980]  }
0x21b: {  	s6 =	sadd.s32 $0x1, s6;
	s19 =	rddreg [dreg:$0xc];
	v1 =	vadd.f32 v1, v3;
	v0 =	vadd.f32 v4, v0  }
0x21c: {  	p3 =	slt.u32 s6, s19  }
.Ltmp7:
0x21d: {  	v0 =	vadd.f32 v1, v0;
	(pc) =	sbr.rel @p3 .LBB2_6-.Ltmp7, $3  }
0x21e: {  	_ = 	snop  }
0x21f: {  	v0 =	vadd.f32 v0, v5;
	_ =	sdelay $0x1  }
0x220: {  	[tilespmem:$0x1D980] =	vst v0  }
.LBB2_9:
0x221: {  	s6 =	simm.s32 $0x0;
	s11 =	rddreg [dreg:$0x5]  }
.Ltmp8:
0x222: {  	s12 =	simm.s32 $0x1D180;
	s17 =	simm.s32 $0x2;
	(pc) =	sbr.rel @p2 .LBB2_15-.Ltmp8, $4  }
0x223: {  	[tilespmem:s12], [sflag:$0x2] =	stream.linear.gather [hbm4b:s11+s6], $0x800, $0x38;
	[tilespmem:$0x1DD80] =	vst v63  }
0x224: {  	_ =	swait.ge [sflag:s17], $0x800  }
0x225: {  	[sflag:s17] =	ssyncset.done $0x0  }
0x226: {  	v35 =	vlaneseq.u32;
	s18 =	rddreg [dreg:$0xe];
	[sflag:s17] =	ssyncadd.s32 $0xFFFFF800  }
.LBB2_10:
0x227: {  	s16 =	sshrl.u32 s18, $0x2  }
0x228: {  	s6 =	smul.u32 $0x320, s16;
	_ =	sdelay $0x1  }
0x229: {  	s11 =	rddreg [dreg:$0x4];
	s6 =	sand.u32 $0x1FFFFF80, s6  }
0x22a: {  	s12 =	simm.s32 $0x19400;
	s11 =	sadd.s32 s11, s6;
	s6 =	simm.s32 $0x0  }
0x22b: {  	[tilespmem:s12], [sflag:$0x2] =	stream.linear.gather [hbm4b:s11+s6], $0x1C00, $0x38;
	[tilespmem:$0x1DD80] =	vst v63  }
0x22c: {  	s12 =	sshll.u32 s18, $0xA  }
0x22d: {  	_ =	swait.ge [sflag:s17], $0x1C00;
	[dreg:$0x13] =	wrdreg s16;
	s16 =	sshll.u32 s16, $0xC  }
0x22e: {  	v26 =	vimm.f32 $0.0e+00;
	v21 =	vimm.f32 $0.0e+00;
	s19 =	sshrl.u32 s18, $0x1;
	s11 =	ssub.s32 s12, s16  }
0x22f: {  	v22 =	vimm.f32 $0.0e+00;
	v24 =	vimm.f32 $0.0e+00;
	v23 =	vimm.f32 $0.0e+00;
	[sflag:s17] =	ssyncset.done $0x0;
	s12 =	sand.u32 $0x6, s19;
	s11 =	sshrl.u32 s11, $0x3  }
0x230: {  	v25 =	vimm.f32 $0.0e+00;
	v27 =	vimm.f32 $0.0e+00;
	v28 =	vimm.f32 $0.0e+00;
	[sflag:s17] =	ssyncadd.s32 $0xFFFFE400;
	s17 =	simm.s32 $0x0;
	s11 =	sadd.s32 s5, s11  }
.LBB2_11:
0x231: {  	s16 =	sadd.s32 s12, s17  }
0x232: {  	s16 =	sshll.u32 s16, $0x7  }
0x233: {  	[tilespmem:$0x1B158] =	vst v2;
	s16 =	sand.u32 $0x3FFFFF80, s16  }
0x234: {  	v0 =	vld [tilespmem:s16+$0x19400];
	_ =	sdelay $0x4  }
0x235: {  	[tilespmem:$0x1B100] =	vst v0  }
0x236: {  	v1 =	vld [tilespmem:s16+$0x19410];
	_ =	sdelay $0x4  }
0x237: {  	[tilespmem:$0x1B110] =	vst v1  }
0x238: {  	v1 =	vld [tilespmem:s16+$0x19420];
	_ =	sdelay $0x4  }
0x239: {  	[tilespmem:$0x1B120] =	vst v1  }
0x23a: {  	v1 =	vld [tilespmem:s16+$0x19430];
	_ =	sdelay $0x4  }
0x23b: {  	[tilespmem:$0x1B130] =	vst v1  }
0x23c: {  	v1 =	vld [tilespmem:s16+$0x19440];
	_ =	sdelay $0x4  }
0x23d: {  	[tilespmem:$0x1B140] =	vst v1  }
0x23e: {  	v1 =	vld [tilespmem:s16+$0x19450];
	_ =	sdelay $0x1  }
0x23f: {  	v3 =	vshll.u32 v0, $0x2  }
0x240: {  	v0 =	vand.u32 $0x7, v0;
	v3 =	vand.u32 $0xFFFFFFE0, v3  }
0x241: {  	v0 =	vor.u32 v0, v3  }
0x242: {  	v29 =	vmul.u32 $0x8, v35;
	[tilespmem:$0x1B150] =	vst v1;
	v1 =	vperm.xlane v0, v2  }
0x243: {  	v3 =	vld [tilespmem:s16+$0x19454]  }
0x244: {  	v4 =	vperm.xlane v0, v8;
	v1 =	vadd.s32 v29, v1;
	_ =	sdelay $0x1  }
0x245: {  	v5 =	vperm.xlane v0, v7;
	v4 =	vadd.s32 v29, v4;
	_ =	sdelay $0x1  }
0x246: {  	s19 =	simm.s32 $0x14000;
	[tilespmem:$0x1B154] =	vst v3;
	v3 =	vadd.s32 v29, v5;
	v5 =	vperm.xlane v0, v9  }
0x247: {  	[tilespmem:s19], [sflag:$0x1] =	stream.indirect_vreg.gather [hbm4b:s11+s6], $0x80, v1, vm2, $0xb8;
	[tilespmem:$0x1DD80] =	vst v63  }
0x248: {  	s19 =	simm.s32 $0x14080;
	v1 =	vadd.s32 v29, v5;
	v5 =	vperm.xlane v0, v10  }
0x249: {  	[tilespmem:s19], [sflag:$0x1] =	stream.indirect_vreg.gather [hbm4b:s11+s6], $0x80, v4, vm2, $0xb8;
	[tilespmem:$0x1DD80] =	vst v63  }
0x24a: {  	s19 =	simm.s32 $0x14100;
	v4 =	vadd.s32 v29, v5;
	v5 =	vperm.xlane v0, v11  }
0x24b: {  	[tilespmem:s19], [sflag:$0x1] =	stream.indirect_vreg.gather [hbm4b:s11+s6], $0x80, v3, vm2, $0xb8;
	[tilespmem:$0x1DD80] =	vst v63  }
0x24c: {  	s19 =	simm.s32 $0x14180;
	v3 =	vadd.s32 v29, v5;
	v5 =	vperm.xlane v0, v12  }
0x24d: {  	[tilespmem:s19], [sflag:$0x1] =	stream.indirect_vreg.gather [hbm4b:s11+s6], $0x80, v1, vm2, $0xb8;
	[tilespmem:$0x1DD80] =	vst v63  }
0x24e: {  	s19 =	simm.s32 $0x14200;
	v1 =	vadd.s32 v29, v5;
	v5 =	vperm.xlane v0, v6  }
0x24f: {  	[tilespmem:s19], [sflag:$0x1] =	stream.indirect_vreg.gather [hbm4b:s11+s6], $0x80, v4, vm2, $0xb8;
	[tilespmem:$0x1DD80] =	vst v63  }
0x250: {  	s19 =	simm.s32 $0x14280;
	v4 =	vadd.s32 v29, v5;
	v5 =	vperm.xlane v0, v13  }
0x251: {  	[tilespmem:s19], [sflag:$0x1] =	stream.indirect_vreg.gather [hbm4b:s11+s6], $0x80, v3, vm2, $0xb8;
	[tilespmem:$0x1DD80] =	vst v63  }
0x252: {  	s19 =	simm.s32 $0x14300;
	v3 =	vadd.s32 v29, v5;
	v5 =	vperm.xlane v0, v14  }
0x253: {  	[tilespmem:s19], [sflag:$0x1] =	stream.indirect_vreg.gather [hbm4b:s11+s6], $0x80, v1, vm2, $0xb8;
	[tilespmem:$0x1DD80] =	vst v63  }
0x254: {  	s19 =	simm.s32 $0x14380;
	v1 =	vadd.s32 v29, v5;
	v5 =	vperm.xlane v0, v15  }
0x255: {  	[tilespmem:s19], [sflag:$0x1] =	stream.indirect_vreg.gather [hbm4b:s11+s6], $0x80, v4, vm2, $0xb8;
	[tilespmem:$0x1DD80] =	vst v63  }
0x256: {  	s19 =	simm.s32 $0x14400;
	v4 =	vadd.s32 v29, v5;
	v5 =	vperm.xlane v0, v16  }
0x257: {  	[tilespmem:s19], [sflag:$0x1] =	stream.indirect_vreg.gather [hbm4b:s11+s6], $0x80, v3, vm2, $0xb8;
	[tilespmem:$0x1DD80] =	vst v63  }
0x258: {  	s19 =	simm.s32 $0x14480;
	v3 =	vadd.s32 v29, v5;
	v5 =	vperm.xlane v0, v17  }
0x259: {  	[tilespmem:s19], [sflag:$0x1] =	stream.indirect_vreg.gather [hbm4b:s11+s6], $0x80, v1, vm2, $0xb8;
	[tilespmem:$0x1DD80] =	vst v63  }
0x25a: {  	s19 =	simm.s32 $0x14500;
	v1 =	vadd.s32 v29, v5;
	v5 =	vperm.xlane v0, v18  }
0x25b: {  	[tilespmem:s19], [sflag:$0x1] =	stream.indirect_vreg.gather [hbm4b:s11+s6], $0x80, v4, vm2, $0xb8;
	[tilespmem:$0x1DD80] =	vst v63  }
0x25c: {  	s19 =	simm.s32 $0x14580;
	v4 =	vadd.s32 v29, v5;
	v5 =	vperm.xlane v0, v19  }
0x25d: {  	[tilespmem:s19], [sflag:$0x1] =	stream.indirect_vreg.gather [hbm4b:s11+s6], $0x80, v3, vm2, $0xb8;
	[tilespmem:$0x1DD80] =	vst v63  }
0x25e: {  	v0 =	vperm.xlane v0, v20;
	s19 =	simm.s32 $0x14600;
	v3 =	vadd.s32 v29, v5  }
0x25f: {  	[tilespmem:s19], [sflag:$0x1] =	stream.indirect_vreg.gather [hbm4b:s11+s6], $0x80, v1, vm2, $0xb8;
	[tilespmem:$0x1DD80] =	vst v63  }
0x260: {  	v0 =	vadd.s32 v29, v0;
	s19 =	simm.s32 $0x14680  }
0x261: {  	[tilespmem:s19], [sflag:$0x1] =	stream.indirect_vreg.gather [hbm4b:s11+s6], $0x80, v4, vm2, $0xb8;
	[tilespmem:$0x1DD80] =	vst v63  }
0x262: {  	s19 =	simm.s32 $0x14700  }
0x263: {  	[tilespmem:s19], [sflag:$0x1] =	stream.indirect_vreg.gather [hbm4b:s11+s6], $0x80, v3, vm2, $0xb8;
	[tilespmem:$0x1DD80] =	vst v63  }
0x264: {  	s19 =	simm.s32 $0x14780  }
0x265: {  	[tilespmem:s19], [sflag:$0x1] =	stream.indirect_vreg.gather [hbm4b:s11+s6], $0x80, v0, vm2, $0xb8;
	[tilespmem:$0x1DD80] =	vst v63  }
0x266: {  	v0 =	vld [tilespmem:$0x1B110];
	_ =	sdelay $0x4  }
0x267: {  	v1 =	vshll.u32 v0, $0x2  }
0x268: {  	v0 =	vand.u32 $0x7, v0;
	v1 =	vand.u32 $0xFFFFFFE0, v1  }
0x269: {  	v0 =	vor.u32 v0, v1  }
0x26a: {  	v1 =	vperm.xlane v0, v2;
	_ =	sdelay $0x1  }
0x26b: {  	v3 =	vperm.xlane v0, v8;
	v1 =	vadd.s32 v29, v1;
	_ =	sdelay $0x1  }
0x26c: {  	v4 =	vperm.xlane v0, v7;
	v3 =	vadd.s32 v29, v3;
	_ =	sdelay $0x1  }
0x26d: {  	s19 =	simm.s32 $0x14800;
	v5 =	vperm.xlane v0, v9;
	v4 =	vadd.s32 v29, v4  }
0x26e: {  	[tilespmem:s19], [sflag:$0x1] =	stream.indirect_vreg.gather [hbm4b:s11+s6], $0x80, v1, vm2, $0xb8;
	[tilespmem:$0x1DD80] =	vst v63  }
0x26f: {  	v1 =	vadd.s32 v29, v5;
	v5 =	vperm.xlane v0, v10;
	s19 =	simm.s32 $0x14880  }
0x270: {  	[tilespmem:s19], [sflag:$0x1] =	stream.indirect_vreg.gather [hbm4b:s11+s6], $0x80, v3, vm2, $0xb8;
	[tilespmem:$0x1DD80] =	vst v63  }
0x271: {  	v3 =	vadd.s32 v29, v5;
	v5 =	vperm.xlane v0, v11;
	s19 =	simm.s32 $0x14900  }
0x272: {  	[tilespmem:s19], [sflag:$0x1] =	stream.indirect_vreg.gather [hbm4b:s11+s6], $0x80, v4, vm2, $0xb8;
	[tilespmem:$0x1DD80] =	vst v63  }
0x273: {  	v4 =	vadd.s32 v29, v5;
	v5 =	vperm.xlane v0, v12;
	s19 =	simm.s32 $0x14980  }
0x274: {  	[tilespmem:s19], [sflag:$0x1] =	stream.indirect_vreg.gather [hbm4b:s11+s6], $0x80, v1, vm2, $0xb8;
	[tilespmem:$0x1DD80] =	vst v63  }
0x275: {  	v1 =	vadd.s32 v29, v5;
	v5 =	vperm.xlane v0, v6;
	s19 =	simm.s32 $0x14A00  }
0x276: {  	[tilespmem:s19], [sflag:$0x1] =	stream.indirect_vreg.gather [hbm4b:s11+s6], $0x80, v3, vm2, $0xb8;
	[tilespmem:$0x1DD80] =	vst v63  }
0x277: {  	v3 =	vadd.s32 v29, v5;
	v5 =	vperm.xlane v0, v13;
	s19 =	simm.s32 $0x14A80  }
0x278: {  	[tilespmem:s19], [sflag:$0x1] =	stream.indirect_vreg.gather [hbm4b:s11+s6], $0x80, v4, vm2, $0xb8;
	[tilespmem:$0x1DD80] =	vst v63  }
0x279: {  	v4 =	vadd.s32 v29, v5;
	v5 =	vperm.xlane v0, v14;
	s19 =	simm.s32 $0x14B00  }
0x27a: {  	[tilespmem:s19], [sflag:$0x1] =	stream.indirect_vreg.gather [hbm4b:s11+s6], $0x80, v1, vm2, $0xb8;
	[tilespmem:$0x1DD80] =	vst v63  }
0x27b: {  	v1 =	vadd.s32 v29, v5;
	v5 =	vperm.xlane v0, v15;
	s19 =	simm.s32 $0x14B80  }
0x27c: {  	[tilespmem:s19], [sflag:$0x1] =	stream.indirect_vreg.gather [hbm4b:s11+s6], $0x80, v3, vm2, $0xb8;
	[tilespmem:$0x1DD80] =	vst v63  }
0x27d: {  	v3 =	vadd.s32 v29, v5;
	v5 =	vperm.xlane v0, v16;
	s19 =	simm.s32 $0x14C00  }
0x27e: {  	[tilespmem:s19], [sflag:$0x1] =	stream.indirect_vreg.gather [hbm4b:s11+s6], $0x80, v4, vm2, $0xb8;
	[tilespmem:$0x1DD80] =	vst v63  }
0x27f: {  	v4 =	vadd.s32 v29, v5;
	v5 =	vperm.xlane v0, v17;
	s19 =	simm.s32 $0x14C80  }
0x280: {  	[tilespmem:s19], [sflag:$0x1] =	stream.indirect_vreg.gather [hbm4b:s11+s6], $0x80, v1, vm2, $0xb8;
	[tilespmem:$0x1DD80] =	vst v63  }
0x281: {  	v1 =	vadd.s32 v29, v5;
	v5 =	vperm.xlane v0, v18;
	s19 =	simm.s32 $0x14D00  }
0x282: {  	[tilespmem:s19], [sflag:$0x1] =	stream.indirect_vreg.gather [hbm4b:s11+s6], $0x80, v3, vm2, $0xb8;
	[tilespmem:$0x1DD80] =	vst v63  }
0x283: {  	v3 =	vadd.s32 v29, v5;
	v5 =	vperm.xlane v0, v19;
	s19 =	simm.s32 $0x14D80  }
0x284: {  	[tilespmem:s19], [sflag:$0x1] =	stream.indirect_vreg.gather [hbm4b:s11+s6], $0x80, v4, vm2, $0xb8;
	[tilespmem:$0x1DD80] =	vst v63  }
0x285: {  	v0 =	vperm.xlane v0, v20;
	v4 =	vadd.s32 v29, v5;
	s19 =	simm.s32 $0x14E00  }
0x286: {  	[tilespmem:s19], [sflag:$0x1] =	stream.indirect_vreg.gather [hbm4b:s11+s6], $0x80, v1, vm2, $0xb8;
	[tilespmem:$0x1DD80] =	vst v63  }
0x287: {  	v0 =	vadd.s32 v29, v0;
	s19 =	simm.s32 $0x14E80  }
0x288: {  	[tilespmem:s19], [sflag:$0x1] =	stream.indirect_vreg.gather [hbm4b:s11+s6], $0x80, v3, vm2, $0xb8;
	[tilespmem:$0x1DD80] =	vst v63  }
0x289: {  	s19 =	simm.s32 $0x14F00  }
0x28a: {  	[tilespmem:s19], [sflag:$0x1] =	stream.indirect_vreg.gather [hbm4b:s11+s6], $0x80, v4, vm2, $0xb8;
	[tilespmem:$0x1DD80] =	vst v63  }
0x28b: {  	s19 =	simm.s32 $0x14F80  }
0x28c: {  	[tilespmem:s19], [sflag:$0x1] =	stream.indirect_vreg.gather [hbm4b:s11+s6], $0x80, v0, vm2, $0xb8;
	[tilespmem:$0x1DD80] =	vst v63  }
0x28d: {  	v0 =	vld [tilespmem:$0x1B120];
	_ =	sdelay $0x4  }
0x28e: {  	v1 =	vshll.u32 v0, $0x2  }
0x28f: {  	v0 =	vand.u32 $0x7, v0;
	v1 =	vand.u32 $0xFFFFFFE0, v1  }
0x290: {  	v0 =	vor.u32 v0, v1  }
0x291: {  	v1 =	vperm.xlane v0, v2;
	_ =	sdelay $0x1  }
0x292: {  	v3 =	vperm.xlane v0, v8;
	v1 =	vadd.s32 v29, v1;
	_ =	sdelay $0x1  }
0x293: {  	v4 =	vperm.xlane v0, v7;
	v3 =	vadd.s32 v29, v3;
	_ =	sdelay $0x1  }
0x294: {  	s19 =	simm.s32 $0x15000;
	v5 =	vperm.xlane v0, v9;
	v4 =	vadd.s32 v29, v4  }
0x295: {  	[tilespmem:s19], [sflag:$0x1] =	stream.indirect_vreg.gather [hbm4b:s11+s6], $0x80, v1, vm2, $0xb8;
	[tilespmem:$0x1DD80] =	vst v63  }
0x296: {  	v1 =	vadd.s32 v29, v5;
	v5 =	vperm.xlane v0, v10;
	s19 =	simm.s32 $0x15080  }
0x297: {  	[tilespmem:s19], [sflag:$0x1] =	stream.indirect_vreg.gather [hbm4b:s11+s6], $0x80, v3, vm2, $0xb8;
	[tilespmem:$0x1DD80] =	vst v63  }
0x298: {  	v3 =	vadd.s32 v29, v5;
	v5 =	vperm.xlane v0, v11;
	s19 =	simm.s32 $0x15100  }
0x299: {  	[tilespmem:s19], [sflag:$0x1] =	stream.indirect_vreg.gather [hbm4b:s11+s6], $0x80, v4, vm2, $0xb8;
	[tilespmem:$0x1DD80] =	vst v63  }
0x29a: {  	v4 =	vadd.s32 v29, v5;
	v5 =	vperm.xlane v0, v12;
	s19 =	simm.s32 $0x15180  }
0x29b: {  	[tilespmem:s19], [sflag:$0x1] =	stream.indirect_vreg.gather [hbm4b:s11+s6], $0x80, v1, vm2, $0xb8;
	[tilespmem:$0x1DD80] =	vst v63  }
0x29c: {  	v1 =	vadd.s32 v29, v5;
	v5 =	vperm.xlane v0, v6;
	s19 =	simm.s32 $0x15200  }
0x29d: {  	[tilespmem:s19], [sflag:$0x1] =	stream.indirect_vreg.gather [hbm4b:s11+s6], $0x80, v3, vm2, $0xb8;
	[tilespmem:$0x1DD80] =	vst v63  }
0x29e: {  	v3 =	vadd.s32 v29, v5;
	v5 =	vperm.xlane v0, v13;
	s19 =	simm.s32 $0x15280  }
0x29f: {  	[tilespmem:s19], [sflag:$0x1] =	stream.indirect_vreg.gather [hbm4b:s11+s6], $0x80, v4, vm2, $0xb8;
	[tilespmem:$0x1DD80] =	vst v63  }
0x2a0: {  	v4 =	vadd.s32 v29, v5;
	v5 =	vperm.xlane v0, v14;
	s19 =	simm.s32 $0x15300  }
0x2a1: {  	[tilespmem:s19], [sflag:$0x1] =	stream.indirect_vreg.gather [hbm4b:s11+s6], $0x80, v1, vm2, $0xb8;
	[tilespmem:$0x1DD80] =	vst v63  }
0x2a2: {  	v1 =	vadd.s32 v29, v5;
	v5 =	vperm.xlane v0, v15;
	s19 =	simm.s32 $0x15380  }
0x2a3: {  	[tilespmem:s19], [sflag:$0x1] =	stream.indirect_vreg.gather [hbm4b:s11+s6], $0x80, v3, vm2, $0xb8;
	[tilespmem:$0x1DD80] =	vst v63  }
0x2a4: {  	v3 =	vadd.s32 v29, v5;
	v5 =	vperm.xlane v0, v16;
	s19 =	simm.s32 $0x15400  }
0x2a5: {  	[tilespmem:s19], [sflag:$0x1] =	stream.indirect_vreg.gather [hbm4b:s11+s6], $0x80, v4, vm2, $0xb8;
	[tilespmem:$0x1DD80] =	vst v63  }
0x2a6: {  	v4 =	vadd.s32 v29, v5;
	v5 =	vperm.xlane v0, v17;
	s19 =	simm.s32 $0x15480  }
0x2a7: {  	[tilespmem:s19], [sflag:$0x1] =	stream.indirect_vreg.gather [hbm4b:s11+s6], $0x80, v1, vm2, $0xb8;
	[tilespmem:$0x1DD80] =	vst v63  }
0x2a8: {  	v1 =	vadd.s32 v29, v5;
	v5 =	vperm.xlane v0, v18;
	s19 =	simm.s32 $0x15500  }
0x2a9: {  	[tilespmem:s19], [sflag:$0x1] =	stream.indirect_vreg.gather [hbm4b:s11+s6], $0x80, v3, vm2, $0xb8;
	[tilespmem:$0x1DD80] =	vst v63  }
0x2aa: {  	v3 =	vadd.s32 v29, v5;
	v5 =	vperm.xlane v0, v19;
	s19 =	simm.s32 $0x15580  }
0x2ab: {  	[tilespmem:s19], [sflag:$0x1] =	stream.indirect_vreg.gather [hbm4b:s11+s6], $0x80, v4, vm2, $0xb8;
	[tilespmem:$0x1DD80] =	vst v63  }
0x2ac: {  	v0 =	vperm.xlane v0, v20;
	v4 =	vadd.s32 v29, v5;
	s19 =	simm.s32 $0x15600  }
0x2ad: {  	[tilespmem:s19], [sflag:$0x1] =	stream.indirect_vreg.gather [hbm4b:s11+s6], $0x80, v1, vm2, $0xb8;
	[tilespmem:$0x1DD80] =	vst v63  }
0x2ae: {  	v0 =	vadd.s32 v29, v0;
	s19 =	simm.s32 $0x15680  }
0x2af: {  	[tilespmem:s19], [sflag:$0x1] =	stream.indirect_vreg.gather [hbm4b:s11+s6], $0x80, v3, vm2, $0xb8;
	[tilespmem:$0x1DD80] =	vst v63  }
0x2b0: {  	s19 =	simm.s32 $0x15700  }
0x2b1: {  	[tilespmem:s19], [sflag:$0x1] =	stream.indirect_vreg.gather [hbm4b:s11+s6], $0x80, v4, vm2, $0xb8;
	[tilespmem:$0x1DD80] =	vst v63  }
0x2b2: {  	s19 =	simm.s32 $0x15780  }
0x2b3: {  	[tilespmem:s19], [sflag:$0x1] =	stream.indirect_vreg.gather [hbm4b:s11+s6], $0x80, v0, vm2, $0xb8;
	[tilespmem:$0x1DD80] =	vst v63  }
0x2b4: {  	v0 =	vld [tilespmem:$0x1B130];
	_ =	sdelay $0x4  }
0x2b5: {  	v1 =	vshll.u32 v0, $0x2  }
0x2b6: {  	v0 =	vand.u32 $0x7, v0;
	v1 =	vand.u32 $0xFFFFFFE0, v1  }
0x2b7: {  	v0 =	vor.u32 v0, v1  }
0x2b8: {  	v1 =	vperm.xlane v0, v2;
	_ =	sdelay $0x1  }
0x2b9: {  	v3 =	vperm.xlane v0, v8;
	v1 =	vadd.s32 v29, v1;
	_ =	sdelay $0x1  }
0x2ba: {  	v4 =	vperm.xlane v0, v7;
	v3 =	vadd.s32 v29, v3;
	_ =	sdelay $0x1  }
0x2bb: {  	s19 =	simm.s32 $0x15800;
	v5 =	vperm.xlane v0, v9;
	v4 =	vadd.s32 v29, v4  }
0x2bc: {  	[tilespmem:s19], [sflag:$0x1] =	stream.indirect_vreg.gather [hbm4b:s11+s6], $0x80, v1, vm2, $0xb8;
	[tilespmem:$0x1DD80] =	vst v63  }
0x2bd: {  	v1 =	vadd.s32 v29, v5;
	v5 =	vperm.xlane v0, v10;
	s19 =	simm.s32 $0x15880  }
0x2be: {  	[tilespmem:s19], [sflag:$0x1] =	stream.indirect_vreg.gather [hbm4b:s11+s6], $0x80, v3, vm2, $0xb8;
	[tilespmem:$0x1DD80] =	vst v63  }
0x2bf: {  	v3 =	vadd.s32 v29, v5;
	v5 =	vperm.xlane v0, v11;
	s19 =	simm.s32 $0x15900  }
0x2c0: {  	[tilespmem:s19], [sflag:$0x1] =	stream.indirect_vreg.gather [hbm4b:s11+s6], $0x80, v4, vm2, $0xb8;
	[tilespmem:$0x1DD80] =	vst v63  }
0x2c1: {  	v4 =	vadd.s32 v29, v5;
	v5 =	vperm.xlane v0, v12;
	s19 =	simm.s32 $0x15980  }
0x2c2: {  	[tilespmem:s19], [sflag:$0x1] =	stream.indirect_vreg.gather [hbm4b:s11+s6], $0x80, v1, vm2, $0xb8;
	[tilespmem:$0x1DD80] =	vst v63  }
0x2c3: {  	v1 =	vadd.s32 v29, v5;
	v5 =	vperm.xlane v0, v6;
	s19 =	simm.s32 $0x15A00  }
0x2c4: {  	[tilespmem:s19], [sflag:$0x1] =	stream.indirect_vreg.gather [hbm4b:s11+s6], $0x80, v3, vm2, $0xb8;
	[tilespmem:$0x1DD80] =	vst v63  }
0x2c5: {  	v3 =	vadd.s32 v29, v5;
	v5 =	vperm.xlane v0, v13;
	s19 =	simm.s32 $0x15A80  }
0x2c6: {  	[tilespmem:s19], [sflag:$0x1] =	stream.indirect_vreg.gather [hbm4b:s11+s6], $0x80, v4, vm2, $0xb8;
	[tilespmem:$0x1DD80] =	vst v63  }
0x2c7: {  	v4 =	vadd.s32 v29, v5;
	v5 =	vperm.xlane v0, v14;
	s19 =	simm.s32 $0x15B00  }
0x2c8: {  	[tilespmem:s19], [sflag:$0x1] =	stream.indirect_vreg.gather [hbm4b:s11+s6], $0x80, v1, vm2, $0xb8;
	[tilespmem:$0x1DD80] =	vst v63  }
0x2c9: {  	v1 =	vadd.s32 v29, v5;
	v5 =	vperm.xlane v0, v15;
	s19 =	simm.s32 $0x15B80  }
0x2ca: {  	[tilespmem:s19], [sflag:$0x1] =	stream.indirect_vreg.gather [hbm4b:s11+s6], $0x80, v3, vm2, $0xb8;
	[tilespmem:$0x1DD80] =	vst v63  }
0x2cb: {  	v3 =	vadd.s32 v29, v5;
	v5 =	vperm.xlane v0, v16;
	s19 =	simm.s32 $0x15C00  }
0x2cc: {  	[tilespmem:s19], [sflag:$0x1] =	stream.indirect_vreg.gather [hbm4b:s11+s6], $0x80, v4, vm2, $0xb8;
	[tilespmem:$0x1DD80] =	vst v63  }
0x2cd: {  	v4 =	vadd.s32 v29, v5;
	v5 =	vperm.xlane v0, v17;
	s19 =	simm.s32 $0x15C80  }
0x2ce: {  	[tilespmem:s19], [sflag:$0x1] =	stream.indirect_vreg.gather [hbm4b:s11+s6], $0x80, v1, vm2, $0xb8;
	[tilespmem:$0x1DD80] =	vst v63  }
0x2cf: {  	v1 =	vadd.s32 v29, v5;
	v5 =	vperm.xlane v0, v18;
	s19 =	simm.s32 $0x15D00  }
0x2d0: {  	[tilespmem:s19], [sflag:$0x1] =	stream.indirect_vreg.gather [hbm4b:s11+s6], $0x80, v3, vm2, $0xb8;
	[tilespmem:$0x1DD80] =	vst v63  }
0x2d1: {  	v3 =	vadd.s32 v29, v5;
	v5 =	vperm.xlane v0, v19;
	s19 =	simm.s32 $0x15D80  }
0x2d2: {  	[tilespmem:s19], [sflag:$0x1] =	stream.indirect_vreg.gather [hbm4b:s11+s6], $0x80, v4, vm2, $0xb8;
	[tilespmem:$0x1DD80] =	vst v63  }
0x2d3: {  	v0 =	vperm.xlane v0, v20;
	v4 =	vadd.s32 v29, v5;
	s19 =	simm.s32 $0x15E00  }
0x2d4: {  	[tilespmem:s19], [sflag:$0x1] =	stream.indirect_vreg.gather [hbm4b:s11+s6], $0x80, v1, vm2, $0xb8;
	[tilespmem:$0x1DD80] =	vst v63  }
0x2d5: {  	v0 =	vadd.s32 v29, v0;
	s19 =	simm.s32 $0x15E80  }
0x2d6: {  	[tilespmem:s19], [sflag:$0x1] =	stream.indirect_vreg.gather [hbm4b:s11+s6], $0x80, v3, vm2, $0xb8;
	[tilespmem:$0x1DD80] =	vst v63  }
0x2d7: {  	s19 =	simm.s32 $0x15F00  }
0x2d8: {  	[tilespmem:s19], [sflag:$0x1] =	stream.indirect_vreg.gather [hbm4b:s11+s6], $0x80, v4, vm2, $0xb8;
	[tilespmem:$0x1DD80] =	vst v63  }
0x2d9: {  	s19 =	simm.s32 $0x15F80  }
0x2da: {  	[tilespmem:s19], [sflag:$0x1] =	stream.indirect_vreg.gather [hbm4b:s11+s6], $0x80, v0, vm2, $0xb8;
	[tilespmem:$0x1DD80] =	vst v63  }
0x2db: {  	v0 =	vld [tilespmem:$0x1B140];
	_ =	sdelay $0x4  }
0x2dc: {  	v1 =	vshll.u32 v0, $0x2  }
0x2dd: {  	v0 =	vand.u32 $0x7, v0;
	v1 =	vand.u32 $0xFFFFFFE0, v1  }
0x2de: {  	v0 =	vor.u32 v0, v1  }
0x2df: {  	v1 =	vperm.xlane v0, v2;
	_ =	sdelay $0x1  }
0x2e0: {  	v3 =	vperm.xlane v0, v8;
	v1 =	vadd.s32 v29, v1;
	_ =	sdelay $0x1  }
0x2e1: {  	v4 =	vperm.xlane v0, v7;
	v3 =	vadd.s32 v29, v3;
	_ =	sdelay $0x1  }
0x2e2: {  	s19 =	simm.s32 $0x16000;
	v5 =	vperm.xlane v0, v9;
	v4 =	vadd.s32 v29, v4  }
0x2e3: {  	[tilespmem:s19], [sflag:$0x1] =	stream.indirect_vreg.gather [hbm4b:s11+s6], $0x80, v1, vm2, $0xb8;
	[tilespmem:$0x1DD80] =	vst v63  }
0x2e4: {  	v1 =	vadd.s32 v29, v5;
	v5 =	vperm.xlane v0, v10;
	s19 =	simm.s32 $0x16080  }
0x2e5: {  	[tilespmem:s19], [sflag:$0x1] =	stream.indirect_vreg.gather [hbm4b:s11+s6], $0x80, v3, vm2, $0xb8;
	[tilespmem:$0x1DD80] =	vst v63  }
0x2e6: {  	v3 =	vadd.s32 v29, v5;
	v5 =	vperm.xlane v0, v11;
	s19 =	simm.s32 $0x16100  }
0x2e7: {  	[tilespmem:s19], [sflag:$0x1] =	stream.indirect_vreg.gather [hbm4b:s11+s6], $0x80, v4, vm2, $0xb8;
	[tilespmem:$0x1DD80] =	vst v63  }
0x2e8: {  	v4 =	vadd.s32 v29, v5;
	v5 =	vperm.xlane v0, v12;
	s19 =	simm.s32 $0x16180  }
0x2e9: {  	[tilespmem:s19], [sflag:$0x1] =	stream.indirect_vreg.gather [hbm4b:s11+s6], $0x80, v1, vm2, $0xb8;
	[tilespmem:$0x1DD80] =	vst v63  }
0x2ea: {  	v1 =	vadd.s32 v29, v5;
	v5 =	vperm.xlane v0, v6;
	s19 =	simm.s32 $0x16200  }
0x2eb: {  	[tilespmem:s19], [sflag:$0x1] =	stream.indirect_vreg.gather [hbm4b:s11+s6], $0x80, v3, vm2, $0xb8;
	[tilespmem:$0x1DD80] =	vst v63  }
0x2ec: {  	v3 =	vadd.s32 v29, v5;
	v5 =	vperm.xlane v0, v13;
	s19 =	simm.s32 $0x16280  }
0x2ed: {  	[tilespmem:s19], [sflag:$0x1] =	stream.indirect_vreg.gather [hbm4b:s11+s6], $0x80, v4, vm2, $0xb8;
	[tilespmem:$0x1DD80] =	vst v63  }
0x2ee: {  	v4 =	vadd.s32 v29, v5;
	v5 =	vperm.xlane v0, v14;
	s19 =	simm.s32 $0x16300  }
0x2ef: {  	[tilespmem:s19], [sflag:$0x1] =	stream.indirect_vreg.gather [hbm4b:s11+s6], $0x80, v1, vm2, $0xb8;
	[tilespmem:$0x1DD80] =	vst v63  }
0x2f0: {  	v1 =	vadd.s32 v29, v5;
	v5 =	vperm.xlane v0, v15;
	s19 =	simm.s32 $0x16380  }
0x2f1: {  	[tilespmem:s19], [sflag:$0x1] =	stream.indirect_vreg.gather [hbm4b:s11+s6], $0x80, v3, vm2, $0xb8;
	[tilespmem:$0x1DD80] =	vst v63  }
0x2f2: {  	v3 =	vadd.s32 v29, v5;
	v5 =	vperm.xlane v0, v16;
	s19 =	simm.s32 $0x16400  }
0x2f3: {  	[tilespmem:s19], [sflag:$0x1] =	stream.indirect_vreg.gather [hbm4b:s11+s6], $0x80, v4, vm2, $0xb8;
	[tilespmem:$0x1DD80] =	vst v63  }
0x2f4: {  	v4 =	vadd.s32 v29, v5;
	v5 =	vperm.xlane v0, v17;
	s19 =	simm.s32 $0x16480  }
0x2f5: {  	[tilespmem:s19], [sflag:$0x1] =	stream.indirect_vreg.gather [hbm4b:s11+s6], $0x80, v1, vm2, $0xb8;
	[tilespmem:$0x1DD80] =	vst v63  }
0x2f6: {  	v1 =	vadd.s32 v29, v5;
	v5 =	vperm.xlane v0, v18;
	s19 =	simm.s32 $0x16500  }
0x2f7: {  	[tilespmem:s19], [sflag:$0x1] =	stream.indirect_vreg.gather [hbm4b:s11+s6], $0x80, v3, vm2, $0xb8;
	[tilespmem:$0x1DD80] =	vst v63  }
0x2f8: {  	v3 =	vadd.s32 v29, v5;
	v5 =	vperm.xlane v0, v19;
	s19 =	simm.s32 $0x16580  }
0x2f9: {  	[tilespmem:s19], [sflag:$0x1] =	stream.indirect_vreg.gather [hbm4b:s11+s6], $0x80, v4, vm2, $0xb8;
	[tilespmem:$0x1DD80] =	vst v63  }
0x2fa: {  	v0 =	vperm.xlane v0, v20;
	v4 =	vadd.s32 v29, v5;
	s19 =	simm.s32 $0x16600  }
0x2fb: {  	[tilespmem:s19], [sflag:$0x1] =	stream.indirect_vreg.gather [hbm4b:s11+s6], $0x80, v1, vm2, $0xb8;
	[tilespmem:$0x1DD80] =	vst v63  }
0x2fc: {  	v0 =	vadd.s32 v29, v0;
	s19 =	simm.s32 $0x16680  }
0x2fd: {  	[tilespmem:s19], [sflag:$0x1] =	stream.indirect_vreg.gather [hbm4b:s11+s6], $0x80, v3, vm2, $0xb8;
	[tilespmem:$0x1DD80] =	vst v63  }
0x2fe: {  	s19 =	simm.s32 $0x16700  }
0x2ff: {  	[tilespmem:s19], [sflag:$0x1] =	stream.indirect_vreg.gather [hbm4b:s11+s6], $0x80, v4, vm2, $0xb8;
	[tilespmem:$0x1DD80] =	vst v63  }
0x300: {  	s19 =	simm.s32 $0x16780  }
0x301: {  	[tilespmem:s19], [sflag:$0x1] =	stream.indirect_vreg.gather [hbm4b:s11+s6], $0x80, v0, vm2, $0xb8;
	[tilespmem:$0x1DD80] =	vst v63  }
0x302: {  	v0 =	vld [tilespmem:$0x1B150];
	_ =	sdelay $0x4  }
0x303: {  	v1 =	vshll.u32 v0, $0x2  }
0x304: {  	v0 =	vand.u32 $0x7, v0;
	v1 =	vand.u32 $0xFFFFFFE0, v1  }
0x305: {  	v0 =	vor.u32 v0, v1  }
0x306: {  	v1 =	vperm.xlane v0, v2;
	_ =	sdelay $0x1  }
0x307: {  	v3 =	vperm.xlane v0, v8;
	v1 =	vadd.s32 v29, v1;
	_ =	sdelay $0x1  }
0x308: {  	v4 =	vperm.xlane v0, v7;
	v3 =	vadd.s32 v29, v3;
	_ =	sdelay $0x1  }
0x309: {  	s19 =	simm.s32 $0x16800;
	v5 =	vperm.xlane v0, v9;
	v4 =	vadd.s32 v29, v4  }
0x30a: {  	[tilespmem:s19], [sflag:$0x1] =	stream.indirect_vreg.gather [hbm4b:s11+s6], $0x80, v1, vm2, $0xb8;
	[tilespmem:$0x1DD80] =	vst v63  }
0x30b: {  	v1 =	vadd.s32 v29, v5;
	v5 =	vperm.xlane v0, v10;
	s19 =	simm.s32 $0x16880  }
0x30c: {  	[tilespmem:s19], [sflag:$0x1] =	stream.indirect_vreg.gather [hbm4b:s11+s6], $0x80, v3, vm2, $0xb8;
	[tilespmem:$0x1DD80] =	vst v63  }
0x30d: {  	v3 =	vadd.s32 v29, v5;
	v5 =	vperm.xlane v0, v11;
	s19 =	simm.s32 $0x16900  }
0x30e: {  	[tilespmem:s19], [sflag:$0x1] =	stream.indirect_vreg.gather [hbm4b:s11+s6], $0x80, v4, vm2, $0xb8;
	[tilespmem:$0x1DD80] =	vst v63  }
0x30f: {  	v4 =	vadd.s32 v29, v5;
	v5 =	vperm.xlane v0, v12  }
0x310: {  	[tilespmem:s23], [sflag:$0x1] =	stream.indirect_vreg.gather [hbm4b:s11+s6], $0x80, v1, vm2, $0xb8;
	[tilespmem:$0x1DD80] =	vst v63  }
0x311: {  	v1 =	vadd.s32 v29, v5;
	v5 =	vperm.xlane v0, v6  }
0x312: {  	[tilespmem:s4], [sflag:$0x1] =	stream.indirect_vreg.gather [hbm4b:s11+s6], $0x80, v3, vm2, $0xb8;
	[tilespmem:$0x1DD80] =	vst v63  }
0x313: {  	v3 =	vadd.s32 v29, v5;
	v5 =	vperm.xlane v0, v13  }
0x314: {  	[tilespmem:s2], [sflag:$0x1] =	stream.indirect_vreg.gather [hbm4b:s11+s6], $0x80, v4, vm2, $0xb8;
	[tilespmem:$0x1DD80] =	vst v63  }
0x315: {  	v4 =	vadd.s32 v29, v5;
	v5 =	vperm.xlane v0, v14  }
0x316: {  	[tilespmem:s25], [sflag:$0x1] =	stream.indirect_vreg.gather [hbm4b:s11+s6], $0x80, v1, vm2, $0xb8;
	[tilespmem:$0x1DD80] =	vst v63  }
0x317: {  	v1 =	vadd.s32 v29, v5;
	v5 =	vperm.xlane v0, v15  }
0x318: {  	[tilespmem:s26], [sflag:$0x1] =	stream.indirect_vreg.gather [hbm4b:s11+s6], $0x80, v3, vm2, $0xb8;
	[tilespmem:$0x1DD80] =	vst v63  }
0x319: {  	v3 =	vadd.s32 v29, v5;
	v5 =	vperm.xlane v0, v16  }
0x31a: {  	[tilespmem:s28], [sflag:$0x1] =	stream.indirect_vreg.gather [hbm4b:s11+s6], $0x80, v4, vm2, $0xb8;
	[tilespmem:$0x1DD80] =	vst v63  }
0x31b: {  	v4 =	vadd.s32 v29, v5;
	v5 =	vperm.xlane v0, v17  }
0x31c: {  	[tilespmem:s29], [sflag:$0x1] =	stream.indirect_vreg.gather [hbm4b:s11+s6], $0x80, v1, vm2, $0xb8;
	[tilespmem:$0x1DD80] =	vst v63  }
0x31d: {  	v1 =	vadd.s32 v29, v5;
	v5 =	vperm.xlane v0, v18  }
0x31e: {  	[tilespmem:s30], [sflag:$0x1] =	stream.indirect_vreg.gather [hbm4b:s11+s6], $0x80, v3, vm2, $0xb8;
	[tilespmem:$0x1DD80] =	vst v63  }
0x31f: {  	v3 =	vadd.s32 v29, v5;
	v5 =	vperm.xlane v0, v19  }
0x320: {  	[tilespmem:s31], [sflag:$0x1] =	stream.indirect_vreg.gather [hbm4b:s11+s6], $0x80, v4, vm2, $0xb8;
	[tilespmem:$0x1DD80] =	vst v63  }
0x321: {  	v0 =	vperm.xlane v0, v20;
	v4 =	vadd.s32 v29, v5  }
0x322: {  	[tilespmem:s1], [sflag:$0x1] =	stream.indirect_vreg.gather [hbm4b:s11+s6], $0x80, v1, vm2, $0xb8;
	[tilespmem:$0x1DD80] =	vst v63  }
0x323: {  	v0 =	vadd.s32 v29, v0  }
0x324: {  	[tilespmem:s0], [sflag:$0x1] =	stream.indirect_vreg.gather [hbm4b:s11+s6], $0x80, v3, vm2, $0xb8;
	[tilespmem:$0x1DD80] =	vst v63  }
0x325: {  	_ = 	snop  }
0x326: {  	[tilespmem:s22], [sflag:$0x1] =	stream.indirect_vreg.gather [hbm4b:s11+s6], $0x80, v4, vm2, $0xb8;
	[tilespmem:$0x1DD80] =	vst v63  }
0x327: {  	_ = 	snop  }
0x328: {  	[tilespmem:s24], [sflag:$0x1] =	stream.indirect_vreg.gather [hbm4b:s11+s6], $0x80, v0, vm2, $0xb8;
	[tilespmem:$0x1DD80] =	vst v63  }
0x329: {  	v0 =	vld.msk [tilespmem:$0x1B160], $0xff;
	_ =	sdelay $0x4  }
0x32a: {  	v1 =	vshll.u32 v0, $0x2  }
0x32b: {  	v0 =	vand.u32 $0x7, v0;
	v1 =	vand.u32 $0xFFFFFFE0, v1  }
0x32c: {  	v0 =	vor.u32 v0, v1  }
0x32d: {  	v1 =	vperm.xlane v0, v2;
	_ =	sdelay $0x1  }
0x32e: {  	v3 =	vperm.xlane v0, v8;
	v1 =	vadd.s32 v29, v1;
	_ =	sdelay $0x1  }
0x32f: {  	v4 =	vperm.xlane v0, v7;
	v3 =	vadd.s32 v29, v3;
	_ =	sdelay $0x1  }
0x330: {  	v5 =	vperm.xlane v0, v9;
	v4 =	vadd.s32 v29, v4  }
0x331: {  	[tilespmem:s8], [sflag:$0x1] =	stream.indirect_vreg.gather [hbm4b:s11+s6], $0x80, v1, vm2, $0xb8;
	[tilespmem:$0x1DD80] =	vst v63  }
0x332: {  	v1 =	vadd.s32 v29, v5;
	v5 =	vperm.xlane v0, v10  }
0x333: {  	[tilespmem:s9], [sflag:$0x1] =	stream.indirect_vreg.gather [hbm4b:s11+s6], $0x80, v3, vm2, $0xb8;
	[tilespmem:$0x1DD80] =	vst v63  }
0x334: {  	v3 =	vadd.s32 v29, v5;
	v5 =	vperm.xlane v0, v11  }
0x335: {  	[tilespmem:s10], [sflag:$0x1] =	stream.indirect_vreg.gather [hbm4b:s11+s6], $0x80, v4, vm2, $0xb8;
	[tilespmem:$0x1DD80] =	vst v63  }
0x336: {  	v4 =	vadd.s32 v29, v5;
	v5 =	vperm.xlane v0, v12  }
0x337: {  	[tilespmem:s13], [sflag:$0x1] =	stream.indirect_vreg.gather [hbm4b:s11+s6], $0x80, v1, vm2, $0xb8;
	[tilespmem:$0x1DD80] =	vst v63  }
0x338: {  	v0 =	vperm.xlane v0, v6;
	v1 =	vadd.s32 v29, v5  }
0x339: {  	[tilespmem:s15], [sflag:$0x1] =	stream.indirect_vreg.gather [hbm4b:s11+s6], $0x80, v3, vm2, $0xb8;
	[tilespmem:$0x1DD80] =	vst v63  }
0x33a: {  	v0 =	vadd.s32 v29, v0  }
0x33b: {  	[tilespmem:s20], [sflag:$0x1] =	stream.indirect_vreg.gather [hbm4b:s11+s6], $0x80, v4, vm2, $0xb8;
	[tilespmem:$0x1DD80] =	vst v63  }
0x33c: {  	_ = 	snop  }
0x33d: {  	[tilespmem:s21], [sflag:$0x1] =	stream.indirect_vreg.gather [hbm4b:s11+s6], $0x80, v1, vm2, $0xb8;
	[tilespmem:$0x1DD80] =	vst v63  }
0x33e: {  	_ = 	snop  }
0x33f: {  	[tilespmem:s3], [sflag:$0x1] =	stream.indirect_vreg.gather [hbm4b:s11+s6], $0x80, v0, vm2, $0xb8;
	[tilespmem:$0x1DD80] =	vst v63  }
0x340: {  	_ =	swait.ge [sflag:s7], $0x3400  }
0x341: {  	[sflag:s7] =	ssyncset.done $0x0  }
0x342: {  	s19 =	simm.s32 $0x0;
	[sflag:s7] =	ssyncadd.s32 $0xFFFFCC00  }
0x343: {  	v0 =	vld [tilespmem:s19+$0x14070]  }
0x344: {  	v1 =	vld [tilespmem:s19+$0x14000]  }
0x345: {  	v3 =	vld [tilespmem:s19+$0x14010]  }
0x346: {  	v31 =	vld [tilespmem:s19+$0x14020]  }
0x347: {  	v29 =	vld [tilespmem:s19+$0x14030]  }
0x348: {  	v30 =	vld [tilespmem:s19+$0x14040]  }
0x349: {  	v32 =	vld [tilespmem:s19+$0x14050];
	v26 =	vadd.f32 v0, v26  }
0x34a: {  	s16 =	simm.s32 $0x80;
	v33 =	vld [tilespmem:s19+$0x14060];
	s19 =	simm.s32 $0x400;
	v28 =	vadd.f32 v1, v28;
	v27 =	vadd.f32 v3, v27  }
.LBB2_12:
0x34b: {  	p3 =	sne.s32 s19, $0xC600;
	v0 =	vld [tilespmem:s16+$0x14070];
	v25 =	vadd.f32 v31, v25  }
0x34c: {  	v1 =	vld [tilespmem:s16+$0x14000];
	v23 =	vadd.f32 v29, v23  }
0x34d: {  	v3 =	vld [tilespmem:s16+$0x14010];
	v24 =	vadd.f32 v30, v24  }
.Ltmp9:
0x34e: {  	v31 =	vld [tilespmem:s16+$0x14020];
	v22 =	vadd.f32 v32, v22;
	(pc) =	sbr.rel @p3 .LBB2_12-.Ltmp9, $4  }
0x34f: {  	v29 =	vld [tilespmem:s16+$0x14030];
	v21 =	vadd.f32 v33, v21  }
0x350: {  	v30 =	vld [tilespmem:s16+$0x14040];
	v26 =	vadd.f32 v0, v26  }
0x351: {  	v28 =	vadd.f32 v1, v28;
	v32 =	vld [tilespmem:s16+$0x14050]  }
0x352: {  	v27 =	vadd.f32 v3, v27;
	v33 =	vld [tilespmem:s16+$0x14060];
	s16 =	sshra.s32 s19, $0x2;
	s19 =	sadd.s32 $0x200, s19  }
0x353: {  	v0 =	vld [tilespmem:s16+$0x14070]  }
0x354: {  	v1 =	vld [tilespmem:s16+$0x14000]  }
0x355: {  	v3 =	vld [tilespmem:s16+$0x14010]  }
0x356: {  	v4 =	vld [tilespmem:s16+$0x14020]  }
0x357: {  	v5 =	vld [tilespmem:s16+$0x14030]  }
0x358: {  	v34 =	vld [tilespmem:s16+$0x14040]  }
0x359: {  	v25 =	vadd.f32 v31, v25;
	v31 =	vld [tilespmem:s16+$0x14050];
	s17 =	sadd.s32 $0x1, s17  }
0x35a: {  	v23 =	vadd.f32 v29, v23;
	v29 =	vld [tilespmem:s16+$0x14060];
	p3 =	sne.s32 s17, $0x32;
	v24 =	vadd.f32 v30, v24  }
.Ltmp10:
0x35b: {  	v22 =	vadd.f32 v32, v22;
	v21 =	vadd.f32 v33, v21;
	(pc) =	sbr.rel @p3 .LBB2_11-.Ltmp10, $4  }
0x35c: {  	v26 =	vadd.f32 v0, v26;
	v28 =	vadd.f32 v1, v28  }
0x35d: {  	v27 =	vadd.f32 v3, v27;
	v25 =	vadd.f32 v4, v25  }
0x35e: {  	v23 =	vadd.f32 v5, v23;
	v24 =	vadd.f32 v34, v24  }
0x35f: {  	v22 =	vadd.f32 v31, v22;
	v21 =	vadd.f32 v29, v21  }
0x360: {  	s6 =	rddreg [dreg:$0x13]  }
0x361: {  	s6 =	sshll.u32 s6, $0x7  }
0x362: {  	s6 =	sand.u32 $0x3FFFFF80, s6  }
0x363: {  	v0 =	vld [tilespmem:s6+$0x1D180]  }
0x364: {  	v1 =	vld [tilespmem:s6+$0x1D190]  }
0x365: {  	v3 =	vld [tilespmem:s6+$0x1D1A0]  }
0x366: {  	v4 =	vld [tilespmem:s6+$0x1D1B0];
	_ =	sdelay $0x2  }
0x367: {  	v5 =	vsub.f32 v28, v0;
	v27 =	vsub.f32 v27, v1  }
0x368: {  	v25 =	vsub.f32 v25, v3;
	v0 =	vsub.f32 v24, v0  }
0x369: {  	v1 =	vsub.f32 v22, v1;
	v22 =	vsub.f32 v23, v4  }
0x36a: {  	v3 =	vsub.f32 v21, v3;
	v4 =	vsub.f32 v26, v4;
	v5 =	vmax.f32 v5, $0.0e+00  }
0x36b: {  	v27 =	vmax.f32 v27, $0.0e+00;
	v0 =	vmax.f32 v0, $0.0e+00;
	v1 =	vmax.f32 v1, $0.0e+00  }
0x36c: {  	v5 =	vadd.f32 v27, v5;
	v0 =	vadd.f32 v1, v0  }
0x36d: {  	v21 =	vnsel vm1, $0xBF800000, v22;
	v3 =	vmax.f32 v3, $0.0e+00;
	v1 =	vmax.f32 v25, $0.0e+00  }
0x36e: {  	v4 =	vnsel vm1, $0xBF800000, v4;
	v1 =	vadd.f32 v1, v5;
	v0 =	vadd.f32 v3, v0  }
0x36f: {  	v4 =	vmax.f32 v4, $0.0e+00;
	v3 =	vmax.f32 v21, $0.0e+00;
	v5 =	vld [tilespmem:$0x1D980]  }
0x370: {  	s18 =	sadd.s32 $0x1, s18;
	s19 =	rddreg [dreg:$0xf];
	v1 =	vadd.f32 v3, v1;
	v0 =	vadd.f32 v4, v0  }
0x371: {  	p3 =	slt.u32 s18, s19  }
.Ltmp11:
0x372: {  	v0 =	vadd.f32 v0, v1;
	(pc) =	sbr.rel @p3 .LBB2_10-.Ltmp11, $4  }
.Ltmp12:
0x373: {  	_ = 	snop;
	(pc) =	sbr.rel @!p3 .LBB2_15-.Ltmp12, $4  }
0x374: {  	v0 =	vadd.f32 v0, v5  }
0x375: {  	_ = 	snop  }
0x376: {  	s17 =	simm.s32 $0x2;
	[tilespmem:$0x1D980] =	vst v0  }
0x377: {  	_ = 	snop  }
.LBB2_16:
0x378: {  	_ =	sfence.sel $0x180000  }
0x379: {  	[bflag:$0x0] =	sbarrier.arrive $0xFFFF  }
0x37a: {  	_ =	strace $0x9000004A  }
0x37b: {  	s0 =	stileid.u32;
	[bflag:$0x2] =	sbarrier.arrive $0xFFFF  }
0x37c: {  	p0 =	sne.s32 s0, $0x0;
	s0 =	rddreg [dreg:$0x1]  }
0x37d: {  	s0 =	sadd.s32 @!p0 $0x100000, s0  }
0x37e: {  	[sflag:s0] =	ssyncadd.tile.s32 @!p0 $0x1;
	_ =	shalt  }
.Lfunc_end2:
_tile_overlayer_lowered:
.L_overlay_start_2:
0x37f: {  	(tag) =	ssettag $0x2  }
0x380: {  	s0 =	rddreg [dreg:$0x0];
	s2 =	stileid.u32  }
0x381: {  	s1 =	rddreg [dreg:$0x1];
	p0 =	sne.s32 s2, $0x0  }
0x382: {  	s3 =	rddreg [dreg:$0x2];
	[bflag:$0x3] =	sbarrier.arrive $0xFFFF;
	s2 =	simm.s32 @!p0 $0x1C02  }
0x383: {  	[timem:s3], [sflag:s2] =	dma.local @!p0 [hbm:s0], s1  }
0x384: {  	s0 =	simm.s32 @!p0 $0x2  }
0x385: {  	_ =	swait.ge @!p0 [sflag:s0], s1  }
0x386: {  	s1 =	ssub.s32 @!p0 $0x0, s1;
	[sflag:s0] =	ssyncset.done @!p0 $0x0  }
0x387: {  	[sflag:s0] =	ssyncadd.s32 @!p0 s1  }
0x388: {  	[bflag:$0x3] =	sbarrier.arrive $0xFFFF  }
0x389: {  	_ =	shalt  }

// kernel: sparse-core-data-format-call.cloned.1.call-start
scs
called_computation_lowered:
.L_overlay_start_0:
0x0: {  	s1 =	sld [smem:$0x3FD9]  }
0x1: {  	s2 =	sld [smem:$0x3FFE];
	_ =	sdelay $0x1  }
0x2: {  	s3 =	srdreg.scid  }
0x3: {  	s0 =	sand.u32 $0x1, s3  }
0x4: {  	s17 =	sshll.u32 s0, $0xA;
	s1 =	sadd.s32 s2, s1  }
0x5: {  	s1 =	sadd.s32 s1, s17  }
0x6: {  	[smem:$0x3FBD] =	sst s1  }
0x7: {  	_ = 	snop  }
0x8: {  	(tm) =	ssettm $0x1  }
0x9: {  	s18 =	sld [smem:$0x3FFB];
	_ =	sdelay $0x3  }
0xa: {  	_ =	strace s18  }
0xb: {  	s1 =	sld [smem:$0x3FFC];
	_ =	sdelay $0x3  }
0xc: {  	_ =	strace s1  }
0xd: {  	s1 =	sld [smem:$0x3FFD];
	_ =	sdelay $0x3  }
0xe: {  	_ =	strace s1  }
0xf: {  	_ =	strace $0x8FFFFFFF  }
0x10: {  	s19 =	sld [smem:$0x3FDB];
	_ =	sdelay $0x1  }
0x11: {  	s20 =	simm.s32 $_scs_section_size  }
0x12: {  	s4 =	simm.s32 $_size__tile_overlayer_lowered;
	s5 =	simm.s32 $_tile_overlayer_lowered  }
0x13: {  	s23 =	simm.s32 $0x1BFF;
	s22 =	sshll.u32 s5, $0x1;
	s1 =	sadd.s32 s20, s19  }
0x14: {  	s6 =	simm.s32 $0x0;
	s21 =	sshll.u32 s4, $0x1;
	s4 =	sadd.s32 s22, s1  }
0x15: {  	[timem:s6], [sflag:s23] =	dma.local [hbm:s4], s21  }
0x16: {  	_ =	swait.ge [sflag:s23], s21  }
0x17: {  	s2 =	ssub.s32 $0x0, s21;
	[sflag:s23] =	ssyncset.done $0x0  }
0x18: {  	[sflag:s23] =	ssyncadd.s32 s2;
	_ =	sdelay $0x1  }
0x19: {  	s24 =	simm.s32 $0x1B8B  }
0x1a: {  	_ =	swait.ge [sflag:s24], $0x1  }
0x1b: {  	[sflag:s24] =	ssyncset.done $0x0  }
0x1c: {  	s26 =	simm.s32 $0x1B8E;
	s25 =	sld [smem:$0x3FFE];
	[sflag:s24] =	ssyncadd.s32 $0xFFFFFFFF  }
0x1d: {  	s27 =	simm.s32 $execute0_lowered;
	[smem:$0x3FD2] =	sst s26  }
0x1e: {  	s4 =	sshll.u32 s27, $0x1;
	_ =	strace $0x80000046;
	[dreg:$0x1] =	wrdreg $0xFFFFFFFF  }
0x1f: {  	s28 =	simm.s32 $_size_execute0_lowered;
	s1 =	sadd.s32 s1, s4;
	[dreg:$0x0] =	wrdreg $0x0  }
0x20: {  	s4 =	sshll.u32 s28, $0x1;
	[dreg:$0x2] =	wrdreg s1  }
0x21: {  	[dreg:$0x3] =	wrdreg s4  }
0x22: {  	[dreg:$0x4] =	wrdreg $0xC0  }
0x23: {  	_ =	task [dreg:s6], $0x5FFFF  }
0x24: {  	[dreg:$0x1] =	wrdreg $0xFFFFFFFF  }
0x25: {  	[dreg:$0x0] =	wrdreg $0x60  }
0x26: {  	[dreg:$0x2] =	wrdreg s25  }
0x27: {  	[dreg:$0x3] =	wrdreg $0x9  }
0x28: {  	_ =	task.clear_ibuf [dreg:s6], $0x4FFFF;
	_ =	strace $0x90000046  }
0x29: {  	s29 =	simm.s32 $0x9;
	_ =	strace $0x80000048  }
0x2a: {  	_ =	swait.ge [sflag:s29], $0x1  }
0x2b: {  	[sflag:s29] =	ssyncadd.s32 $0xFFFFFFFF  }
0x2c: {  	_ =	strace $0x90000048  }
0x2d: {  	_ =	sfence  }
0x2e: {  	s30 =	sld [smem:$0x0];
	_ =	sdelay $0x2  }
0x2f: {  	s31 =	sshll.u32 s3, $0xD;
	s3 =	sshrl.u32 s3, $0x2  }
0x30: {  	s2 =	sand.u32 $0x4000, s31;
	s1 =	sadd.s32 s3, s30  }
0x31: {  	s0 =	sor.u32 s2, s0;
	s1 =	sshll.u32 s1, $0x11  }
0x32: {  	s0 =	sor.u32 s1, s0  }
0x33: {  	s0 =	sadd.s32 $0x8F2B, s0  }
0x34: {  	[sflag:s0] =	ssyncadd.remote.s32 $0x1  }
0x35: {  	_ =	sfence.sel $0xFFFF  }
0x36: {  	[dreg:$0x0] =	wrdreg $0xFFFFFFFF;
	(pc) =	sbr.abs _section_cstart, $3  }
0x37: {  	[dreg:$0x1] =	wrdreg $0xFFFFFFFF  }
0x38: {  	_ =	task.clear_ibuf [dreg:s6], $0x2FFFF;
	_ =	strace $0x9FFFFFFF  }
0x39: {  	(tm) =	ssettm $0x7FFFFFFF  }
tec
execute0_lowered:
.L_overlay_start_1:
0x0: {  	(tag) =	ssettag $0x1  }
0x1: {  	s0 =	stileid.u32;
	s2 =	srdreg.scid  }
0x2: {  	s7 =	rddreg [dreg:$0x0];
	s5 =	simm.s32 $0x1;
	s8 =	simm.s32 $0x2  }
0x3: {  	s15 =	simm.s32 $0x0;
	s9 =	simm.s32 $0x61C00;
	s14 =	simm.s32 $0x0  }
0x4: {  	s16 =	simm.s32 $0x0;
	s12 =	simm.s32 $0x0;
	s1 =	sshll.u32 s0, $0x1  }
0x5: {  	s3 =	sshll.u32 s0, $0x5;
	s2 =	sshll.u32 s2, $0x9;
	s1 =	sand.u32 $0x6, s1  }
0x6: {  	s13 =	simm.s32 $0x0;
	s2 =	sor.u32 s3, s2;
	s4 =	ssub.s32 $0x8, s1  }
0x7: {  	s3 =	sand.u32 $0x380, s2;
	s2 =	rddreg [dreg:$0x1];
	s30 =	sand.u32 $0x6, s4  }
0x8: {  	s31 =	ssub.s32 $0xC300, s3;
	s4 =	sshrl.u32 s4, $0x3;
	p0 =	sne.s32 s30, $0x0  }
.Ltmp0:
0x9: {  	s6 =	sshrl.u32 s31, $0xA;
	s5 =	simm.s32 @!p0 $0x0;
	(pc) =	sbr.rel .LBB1_1-.Ltmp0, $4  }
0xa: {  	_ =	strace $0x80000047;
	s6 =	sadd.s32 $0x1, s6;
	s5 =	sadd.s32 s5, s4  }
0xb: {  	s11 =	smov.u32 s1;
	s4 =	simm.s32 $0x1;
	s5 =	smul.u32 s5, s6  }
0xc: {  	s10 =	smov.u32 s3;
	s6 =	sadd.s32 $0x1400, s7;
	[sflag:s4] =	ssyncpa.u1 $0x0  }
0xd: {  	s7 =	sadd.s32 $0x30F400, s7;
	[sflag:s8] =	ssyncpa.u1 $0x0;
	s8 =	sadd.s32 $0x1, s5  }
.LBB1_7:
0xe: {  	s17 =	sadd.s32 $0x400, s10  }
0xf: {  	s14 =	sadd.s32 $0x8, s11;
	s18 =	smov.u32 s11;
	p1 =	sgt.s32 s17, $0xC34F  }
0x10: {  	s18 =	smov.u32 @p1 s14  }
0x11: {  	s20 =	smov.u32 s12;
	s14 =	sadd.s32 $0x40, s12;
	p2 =	sgt.s32 s18, $0x7  }
0x12: {  	s20 =	smov.u32 @p2 s14  }
0x13: {  	s17 =	smov.u32 @p1 s3;
	p1 =	sgt.s32 s20, $0x3F  }
0x14: {  	p0 =	slt.u32 s13, $0x2;
	s20 =	simm.s32 @p1 $0x0;
	p1 =	sne.s32 s13, s8  }
.Ltmp1:
0x15: {  	s19 =	simm.s32 @!p0 $0x2;
	(pc) =	sbr.rel @!p1 .LBB1_8-.Ltmp1, $4  }
0x16: {  	s15 =	smov.u32 s10;
	_ =	swait.ge @!p0 [sflag:s19], $0x4000  }
0x17: {  	s16 =	smov.u32 s12;
	[sflag:s19] =	ssyncset.done @!p0 $0x0;
	s10 =	smov.u32 s17  }
0x18: {  	s18 =	smov.u32 @p2 s1;
	s14 =	smov.u32 s11;
	[sflag:s19] =	ssyncadd.s32 @!p0 $0xFFFFC000  }
0x19: {  	s11 =	smov.u32 s18;
	s13 =	sadd.s32 $0x1, s13;
	s12 =	smov.u32 s20  }
.LBB1_1:
0x1a: {  	p0 =	sge.u32 s13, s5  }
0x1b: {  	s17 =	sshrl.u32 @!p0 s11, $0x3  }
0x1c: {  	s18 =	sshll.u32 @!p0 s10, $0x3;
	s17 =	smul.u32 @!p0 $0x61C00, s17  }
0x1d: {  	s19 =	sshll.u32 @!p0 s11, $0x7;
	s18 =	sand.u32 @!p0 $0xFFFFFC00, s18  }
0x1e: {  	s17 =	sadd.s32 @!p0 s17, s18;
	s18 =	sand.u32 @!p0 $0x380, s19  }
0x1f: {  	s19 =	sand.u32 @!p0 $0x7F, s10;
	s17 =	sor.u32 @!p0 s18, s17  }
0x20: {  	s18 =	sor.u32 @!p0 s19, s17  }
0x21: {  	s19 =	smulhi.u32 @!p0 $0xA79C7B17, s18  }
0x22: {  	s17 =	smulhi.u32 @!p0 $0xA79C7B17, s17  }
0x23: {  	s19 =	sshrl.u32 @!p0 s19, $0xF  }
0x24: {  	s31 =	sadd.s32 $0xFFFFFFFF, s13;
	s17 =	sshrl.u32 @!p0 s17, $0xF;
	s19 =	smul.u32 @!p0 $0xC380, s19  }
0x25: {  	s20 =	sxor.u32 @!p0 $0xFFFFFFFF, s13;
	s21 =	smul.u32 @!p0 $0xC380, s12;
	s17 =	sand.u32 @!p0 $0x7, s17  }
0x26: {  	s20 =	sshll.u32 @!p0 s20, $0xE;
	s17 =	smul.u32 @!p0 $0x1870, s17;
	s18 =	ssub.s32 @!p0 s18, s19  }
0x27: {  	s19 =	sand.u32 @!p0 $0x4000, s20;
	s20 =	sadd.s32 @!p0 s6, s21;
	s21 =	sand.u32 @!p0 $0x7, s18  }
0x28: {  	s18 =	sshrl.u32 @!p0 s18, $0x3;
	s17 =	sadd.s32 @!p0 s17, s20;
	s20 =	sshll.u32 @!p0 s21, $0x12  }
0x29: {  	s17 =	sadd.s32 @!p0 s18, s17;
	s18 =	sor.u32 @!p0 $0x100, s20;
	s20 =	simm.s32 @!p0 $0x61C00  }
0x2a: {  	[tilespmem:s19], [sflag:$0x1] =	stream.strided.gather @!p0 [hbm4b:s17+s18], $0x4000, s20, s18, $0x38;
	[tilespmem:$0x10000] =	vst v63  }
0x2b: {  	p0 =	sge.u32 s31, s5  }
.Ltmp2:
0x2c: {  	_ = 	snop;
	(pc) =	sbr.rel @p0 .LBB1_7-.Ltmp2, $1  }
0x2d: {  	_ =	sdelay $0x3  }
0x2e: {  	_ =	swait.ge [sflag:s4], $0x4000;
	s17 =	sshll.u32 s13, $0xE  }
0x2f: {  	[sflag:s4] =	ssyncset.done $0x0;
	s18 =	sand.u32 $0x4000, s17  }
0x30: {  	s19 =	simm.s32 $0x0;
	[sflag:s4] =	ssyncadd.s32 $0xFFFFC000;
	s17 =	sor.u32 $0x8000, s18  }
.LBB1_3:
0x31: {  	s20 =	sshll.u32 s19, $0x8  }
0x32: {  	s20 =	sand.u32 $0x3FFFFF00, s20  }
0x33: {  	s21 =	sshll.u32 s19, $0x7;
	s20 =	sadd.s32 s20, s18  }
0x34: {  	s21 =	sand.u32 $0x3FFFFF80, s21;
	v0 =	vmov s20  }
0x35: {  	s21 =	sadd.s32 s21, s17  }
0x36: {  	p0 =	por $0x1, $0x1;
	v1 =	vmov s21;
	s20 =	simm.s32 $0x0  }
.LBB1_4:
0x37: {  	s21 =	sshll.u32 s20, $0x7  }
0x38: {  	s21 =	sand.u32 $0x3FFFFF80, s21  }
0x39: {  	v2 =	vld.idx.msk [tilespmem:v0+s21+$0x0 ss:$0x1], $0xffff  }
0x3a: {  	v3 =	vld.idx.msk [tilespmem:v0+s21+$0x10 ss:$0x1], $0xffff  }
0x3b: {  	v4 =	vld.idx.msk [tilespmem:v0+s21+$0x20 ss:$0x1], $0xffff  }
0x3c: {  	s31 =	sshll.u32 s20, $0xD;
	v5 =	vld.idx.msk [tilespmem:v0+s21+$0x30 ss:$0x1], $0xffff  }
0x3d: {  	s20 =	sand.u32 $0x3FFFE000, s31;
	v6 =	vld.idx.msk [tilespmem:v0+s21+$0x40 ss:$0x1], $0xffff  }
0x3e: {  	v63 =	vld.idx.msk [tilespmem:v0+s21+$0x70 ss:$0x1], $0xffff;
	[tilespmem:v1+s20+$0x0 ss:$0x1] =	vst.idx.msk $0xffff, v2  }
0x3f: {  	v2 =	vld.idx.msk [tilespmem:v0+s21+$0x50 ss:$0x1], $0xffff;
	[tilespmem:v1+s20+$0x10 ss:$0x1] =	vst.idx.msk $0xffff, v3  }
0x40: {  	p1 =	por p0, p0;
	v3 =	vld.idx.msk [tilespmem:v0+s21+$0x60 ss:$0x1], $0xffff;
	[tilespmem:v1+s20+$0x20 ss:$0x1] =	vst.idx.msk $0xffff, v4  }
.Ltmp3:
0x41: {  	[tilespmem:v1+s20+$0x30 ss:$0x1] =	vst.idx.msk $0xffff, v5;
	(pc) =	sbr.rel @p1 .LBB1_4-.Ltmp3, $4  }
0x42: {  	[tilespmem:v1+s20+$0x40 ss:$0x1] =	vst.idx.msk $0xffff, v6  }
0x43: {  	[tilespmem:v1+s20+$0x70 ss:$0x1] =	vst.idx.msk $0xffff, v63  }
0x44: {  	[tilespmem:v1+s20+$0x50 ss:$0x1] =	vst.idx.msk $0xffff, v2  }
0x45: {  	p0 =	por $0x0, $0x0;
	[tilespmem:v1+s20+$0x60 ss:$0x1] =	vst.idx.msk $0xffff, v3;
	s20 =	simm.s32 $0x1  }
0x46: {  	s19 =	sadd.s32 $0x1, s19  }
0x47: {  	p0 =	sne.s32 s19, $0x40  }
.Ltmp4:
0x48: {  	_ = 	snop;
	(pc) =	sbr.rel @p0 .LBB1_3-.Ltmp4, $1  }
0x49: {  	_ =	sdelay $0x3  }
0x4a: {  	s18 =	sshrl.u32 s16, $0x3  }
0x4b: {  	s19 =	sshll.u32 s15, $0x3;
	s18 =	smul.u32 $0x61C00, s18  }
0x4c: {  	s27 =	sshll.u32 s16, $0x7;
	s19 =	sand.u32 $0xFFFFFC00, s19  }
0x4d: {  	s16 =	sand.u32 $0x380, s27;
	s18 =	sadd.s32 s18, s19  }
0x4e: {  	s28 =	sand.u32 $0x7F, s15;
	s16 =	sor.u32 s16, s18  }
0x4f: {  	s15 =	sor.u32 s28, s16;
	s16 =	smulhi.u32 $0xA79C7B17, s16  }
0x50: {  	s29 =	smulhi.u32 $0xA79C7B17, s15;
	_ =	sdelay $0x1  }
0x51: {  	s14 =	smul.u32 $0x61C00, s14;
	s16 =	sshrl.u32 s16, $0xF;
	s18 =	sshrl.u32 s29, $0xF  }
0x52: {  	s16 =	sand.u32 $0x3F, s16;
	s18 =	smul.u32 $0xC380, s18  }
0x53: {  	s16 =	smul.u32 $0x1870, s16  }
.Ltmp5:
0x54: {  	s15 =	ssub.s32 s15, s18;
	(pc) =	sbr.rel .LBB1_7-.Ltmp5, $4  }
0x55: {  	s14 =	sadd.s32 s7, s14;
	s18 =	sand.u32 $0x7, s15  }
0x56: {  	s14 =	sadd.s32 s16, s14;
	s15 =	sshrl.u32 s15, $0x3;
	s30 =	sshll.u32 s18, $0x12  }
0x57: {  	s14 =	sadd.s32 s15, s14;
	s31 =	sor.u32 $0x400, s30  }
0x58: {  	[hbm4b:s14+s31] =	stream.strided.scatter [tilespmem:s17], [sflag:$0x2], $0x4000, s9, s31, $0x38;
	[tilespmem:$0x10000] =	vst v63  }
.LBB1_8:
0x59: {  	_ =	sfence.sel $0x180000  }
0x5a: {  	s1 =	simm.s32 $0x1;
	[bflag:$0x0] =	sbarrier.arrive $0xFFFF  }
0x5b: {  	s31 =	simm.s32 $0x2;
	[sflag:s1] =	ssyncpa.u1 $0x1  }
0x5c: {  	[sflag:s31] =	ssyncpa.u1 $0x1  }
0x5d: {  	p0 =	sne.s32 s0, $0x0;
	_ =	strace $0x90000047  }
0x5e: {  	s0 =	sadd.s32 @!p0 $0x100000, s2;
	[bflag:$0x2] =	sbarrier.arrive $0xFFFF  }
0x5f: {  	[sflag:s0] =	ssyncadd.tile.s32 @!p0 $0x1;
	_ =	shalt  }
.Lfunc_end1:
_tile_overlayer_lowered:
.L_overlay_start_2:
0x60: {  	(tag) =	ssettag $0x2  }
0x61: {  	s0 =	rddreg [dreg:$0x0];
	s2 =	stileid.u32  }
0x62: {  	s1 =	rddreg [dreg:$0x1];
	p0 =	sne.s32 s2, $0x0  }
0x63: {  	s3 =	rddreg [dreg:$0x2];
	[bflag:$0x3] =	sbarrier.arrive $0xFFFF;
	s2 =	simm.s32 @!p0 $0x1C01  }
0x64: {  	[timem:s3], [sflag:s2] =	dma.local @!p0 [hbm:s0], s1  }
0x65: {  	s0 =	simm.s32 @!p0 $0x1  }
0x66: {  	_ =	swait.ge @!p0 [sflag:s0], s1  }
0x67: {  	s1 =	ssub.s32 @!p0 $0x0, s1;
	[sflag:s0] =	ssyncset.done @!p0 $0x0  }
0x68: {  	[sflag:s0] =	ssyncadd.s32 @!p0 s1  }
0x69: {  	[bflag:$0x3] =	sbarrier.arrive $0xFFFF  }
0x6a: {  	_ =	shalt  }

</sc_bundles>
